<compile_context>
chip_gen: v7x
topology: tpu7x:2x2x1
jax: 0.10.2.dev20260603
libtpu: 0.0.44.dev20260713+nightly
codegen_flags: <defaults>
</compile_context>

<pallas_src>
import functools

import jax
import jax.numpy as jnp
from jax import lax
from jax.experimental import pallas as pl
from jax.experimental.pallas import tpu as pltpu
from jax.experimental.pallas import tpu_sc as plsc

_NC = 2
_NS = 16
_NW = _NC * _NS
_CHUNK = 128
_D = 16
_TSUB = 8
_TLANE = 128


def _sc_gather_t(table_flat, fidx):
    NW, D, K, C = fidx.shape
    cols_per_w = K * C
    B = (NW // 2) * cols_per_w
    mesh = plsc.VectorSubcoreMesh(core_axis_name="c", subcore_axis_name="s")

    @functools.partial(
        pl.kernel,
        mesh=mesh,
        out_type=jax.ShapeDtypeStruct((2 * D, B), jnp.float32),
        scratch_types=[
            pltpu.VMEM((D, K, C), jnp.int32),
            pltpu.VMEM((D, cols_per_w), jnp.float32),
            pltpu.SemaphoreType.DMA,
        ],
    )
    def gather_k(tab_hbm, fidx_hbm, out_hbm, idx_v, rows_v, gsem):
        wid = lax.axis_index("s") * _NC + lax.axis_index("c")
        row0 = (wid // 16) * D
        col0 = (wid % 16) * cols_per_w
        pltpu.sync_copy(fidx_hbm.at[wid], idx_v)
        cps = []
        for j in range(K):
            for d in range(D):
                cps.append(pltpu.async_copy(
                    tab_hbm.at[idx_v.at[d, j]],
                    rows_v.at[d, pl.ds(j * C, C)], gsem))
        for cp in cps:
            cp.wait()
        pltpu.sync_copy(rows_v,
                        out_hbm.at[pl.ds(row0, D), pl.ds(col0, cols_per_w)])

    return gather_k(table_flat, fidx)


def _mlp_t_body(hT_ref, W1_ref, b1_ref, g1_ref, be1_ref, W2_ref, b2_ref,
                g2_ref, be2_ref, Wfc_ref, bfc_ref, out_ref):
    hT = hT_ref[:]
    H1 = lax.dot_general(W1_ref[:], hT, (((0,), (0,)), ((), ())),
                         preferred_element_type=jnp.float32)
    H1 = H1 + b1_ref[:][:, None]
    m1 = jnp.mean(H1, axis=1, keepdims=True)
    q1 = jnp.mean(H1 * H1, axis=1, keepdims=True)
    s1 = g1_ref[:][:, None] * lax.rsqrt(q1 - m1 * m1 + 1e-5)
    X1 = jnp.maximum(H1 * s1 + (be1_ref[:][:, None] - s1 * m1), 0.0)
    H2 = lax.dot_general(W2_ref[:], X1, (((0,), (0,)), ((), ())),
                         preferred_element_type=jnp.float32)
    H2 = H2 + b2_ref[:][:, None]
    m2 = jnp.mean(H2, axis=1, keepdims=True)
    q2 = jnp.mean(H2 * H2, axis=1, keepdims=True)
    s2 = g2_ref[:][:, None] * lax.rsqrt(q2 - m2 * m2 + 1e-5)
    X2 = jnp.maximum(H2 * s2 + (be2_ref[:][:, None] - s2 * m2), 0.0)
    gmf = hT[0:_D, :] * hT[_D:2 * _D, :]
    w = Wfc_ref[:]
    acc = lax.dot_general(w[:_D, :], gmf, (((0,), (0,)), ((), ())),
                          preferred_element_type=jnp.float32)
    acc = acc + lax.dot_general(w[_D:, :], X2, (((0,), (0,)), ((), ())),
                                preferred_element_type=jnp.float32)
    out_ref[:] = acc + bfc_ref[:][:, None]


def _tc_mlp_t(hT, W1, b1, g1, be1, W2, b2, g2, be2, Wfc, bfc):
    B = hT.shape[1]
    return pl.pallas_call(
        _mlp_t_body,
        out_shape=jax.ShapeDtypeStruct((1, B), jnp.float32),
    )(hT, W1, b1, g1, be1, W2, b2, g2, be2, Wfc, bfc)


def kernel(x, emb_table, W1, b1, g1, be1, W2, b2, g2, be2, Wfc, bfc):
    B = x.shape[0]
    V = emb_table.shape[0]
    ntile = V // _TLANE
    offsets = jnp.array([0, V // 2], dtype=x.dtype)
    idx = x + offsets[None, :]
    idx_col = jnp.concatenate([idx[:, 0], idx[:, 1]])
    ir = idx_col.reshape(_NW, 1, (2 * B) // (_NW * _CHUNK), _CHUNK)
    d = jnp.arange(_D, dtype=jnp.int32).reshape(1, _D, 1, 1)
    fidx = (((d // _TSUB) * ntile + (ir >> 7)) * (_TSUB * _TLANE)
            + (d % _TSUB) * _TLANE + (ir & (_TLANE - 1)))
    table_flat = (emb_table.T.reshape(_D // _TSUB, _TSUB, ntile, _TLANE)
                  .transpose(0, 2, 1, 3).reshape(-1))
    hT = _sc_gather_t(table_flat, fidx)
    out = _tc_mlp_t(hT, W1, b1, g1, be1, W2, b2, g2, be2, Wfc, bfc)
    return out.reshape(B)

# --- scband reference (transcript-rebuilt; emitter-appended) ---
"""Pipeline reference for scband-neural-collaborative-filtering-36112085025119 (READ-ONLY COPY).

The authoritative reference and input builder live on the scoring server;
editing this copy changes nothing except your own understanding.
"""

import jax, jax.numpy as jnp
import numpy as np

B = 16384
FIELD_DIMS = (1000000, 1000000)
V_TOTAL = sum(FIELD_DIMS)
D = 16

def _xavier(key, shape):
    fan_in, fan_out = shape[0], shape[1]
    bound = float(np.sqrt(6.0 / (fan_in + fan_out)))
    return jax.random.uniform(key, shape, jnp.float32, -bound, bound)

def setup_inputs(seed: int = 0) -> dict:
    key = jax.random.key(seed)
    ks = jax.random.split(key, 8)
    x = jax.random.randint(ks[0], (B, 2), 0, 1000000, dtype=jnp.int32)
    emb_table = _xavier(ks[1], (V_TOTAL, D))
    W1 = _xavier(ks[2], (2 * D, 64)); b1 = jnp.zeros((64,), jnp.float32)
    g1 = jnp.ones((64,), jnp.float32); be1 = jnp.zeros((64,), jnp.float32)
    W2 = _xavier(ks[3], (64, 32)); b2 = jnp.zeros((32,), jnp.float32)
    g2 = jnp.ones((32,), jnp.float32); be2 = jnp.zeros((32,), jnp.float32)
    Wfc = _xavier(ks[4], (32 + D, 1)); bfc = jnp.zeros((1,), jnp.float32)
    return {"x": x, "emb_table": emb_table, "W1": W1, "b1": b1, "g1": g1, "be1": be1,
            "W2": W2, "b2": b2, "g2": g2, "be2": be2, "Wfc": Wfc, "bfc": bfc}

def _bn(h, g, b):
    m = jnp.mean(h, axis=0)
    v = jnp.var(h, axis=0)
    return g * (h - m) / jnp.sqrt(v + 1e-5) + b

def reference(x, emb_table, W1, b1, g1, be1, W2, b2, g2, be2, Wfc, bfc):
    offsets = jnp.array([0, FIELD_DIMS[0]], dtype=x.dtype)
    idx = x + offsets[None, :]
    e = jnp.take(emb_table, idx, axis=0)  # [B, 2, D]
    gmf = e[:, 0] * e[:, 1]               # GMF: user_emb * item_emb
    h = e.reshape(e.shape[0], -1)         # [B, 2*D]
    h = jnp.maximum(_bn(h @ W1 + b1, g1, be1), 0.0)
    h = jnp.maximum(_bn(h @ W2 + b2, g2, be2), 0.0)
    out = jnp.concatenate([gmf, h], axis=1) @ Wfc + bfc
    return out.squeeze(1)

if __name__ == "__main__":
    import jax
    _d = setup_inputs()
    print(jax.jit(kernel)(*tuple(_d.values())))

</pallas_src>

<mosaic_0001>
#map = affine_map<(d0, d1) -> (0)>
#map1 = affine_map<(d0, d1) -> (0, 0, 0, 0)>
#map2 = affine_map<(d0, d1) -> (0, 0)>
module attributes {stable_mosaic.version = 14 : i64} {
  func.func @gather_k(%arg0: i32, %arg1: i32, %arg2: memref<32000000xf32, #tpu.memory_space<hbm>>, %arg3: memref<32x16x8x128xi32, #tpu.memory_space<hbm>>, %arg4: memref<32x16384xf32, #tpu.memory_space<hbm>>, %arg5: memref<16x8x128xi32, #tpu.memory_space<vmem>>, %arg6: memref<16x1024xf32, #tpu.memory_space<vmem>>, %arg7: memref<!tpu.dma_semaphore, #tpu.memory_space<semaphore_mem>>) attributes {dimension_semantics = [#tpu.dimension_semantics<core_parallel>, #tpu.dimension_semantics<subcore_parallel>], iteration_bounds = array<i64: 2, 16>, scalar_prefetch = 0 : i64, scratch_operands = 3 : i64, tpu.core_type = #tpu.core_type<sc_vector_subcore>, window_params = [{transform_indices = #map}, {transform_indices = #map1}, {transform_indices = #map2}]} {
    %mul3A = arith.constant 2 : i32
    %mul3A_0 = arith.muli %arg1, %mul3A : i32
    %add3A = arith.addi %mul3A_0, %arg0 : i32
    %jit3A = arith.constant 16 : i32
    %div3A = arith.divsi %add3A, %jit3A : i32
    %sign3A = arith.constant 0 : i32
    %sign3A_1 = arith.cmpi sgt, %add3A, %sign3A : i32
    %sign3A_2 = arith.extui %sign3A_1 : i1 to i32
    %sign3A_3 = arith.constant 0 : i32
    %sign3A_4 = arith.cmpi slt, %add3A, %sign3A_3 : i32
    %sign3A_5 = arith.extui %sign3A_4 : i1 to i32
    %sign3A_6 = arith.subi %sign3A_2, %sign3A_5 : i32
    %sign3A_7 = arith.constant 0 : i32
    %sign3A_8 = arith.cmpi sgt, %jit3A, %sign3A_7 : i32
    %sign3A_9 = arith.extui %sign3A_8 : i1 to i32
    %sign3A_10 = arith.constant 0 : i32
    %sign3A_11 = arith.cmpi slt, %jit3A, %sign3A_10 : i32
    %sign3A_12 = arith.extui %sign3A_11 : i1 to i32
    %sign3A_13 = arith.subi %sign3A_9, %sign3A_12 : i32
    %ne3A = arith.cmpi ne, %sign3A_6, %sign3A_13 : i32
    %rem3A = arith.remsi %add3A, %jit3A : i32
    %ne3A_14 = arith.constant 0 : i32
    %ne3A_15 = arith.cmpi ne, %rem3A, %ne3A_14 : i32
    %and3A = arith.andi %ne3A, %ne3A_15 : i1
    %sub3A = arith.constant 1 : i32
    %sub3A_16 = arith.subi %div3A, %sub3A : i32
    %select_n3A = arith.select %and3A, %sub3A_16, %div3A : i32
    %mul3A_17 = arith.constant 16 : i32
    %mul3A_18 = arith.muli %select_n3A, %mul3A_17 : i32
    %jit3A_19 = arith.constant 16 : i32
    %eq3A = arith.constant 0 : i32
    %eq3A_20 = arith.cmpi eq, %jit3A_19, %eq3A : i32
    %jit3A_21 = arith.constant 1 : i32
    %select_n3A_22 = arith.select %eq3A_20, %jit3A_21, %jit3A_19 : i32
    %rem3A_23 = arith.remsi %add3A, %select_n3A_22 : i32
    %ne3A_24 = arith.constant 0 : i32
    %ne3A_25 = arith.cmpi ne, %rem3A_23, %ne3A_24 : i32
    %lt3A = arith.constant 0 : i32
    %lt3A_26 = arith.cmpi slt, %rem3A_23, %lt3A : i32
    %lt3A_27 = arith.constant 0 : i32
    %lt3A_28 = arith.cmpi slt, %select_n3A_22, %lt3A_27 : i32
    %ne3A_29 = arith.xori %lt3A_26, %lt3A_28 : i1
    %and3A_30 = arith.andi %ne3A_29, %ne3A_25 : i1
    %add3A_31 = arith.addi %rem3A_23, %select_n3A_22 : i32
    %select_n3A_32 = arith.select %and3A_30, %add3A_31, %rem3A_23 : i32
    %mul3A_33 = arith.constant 1024 : i32
    %mul3A_34 = arith.muli %select_n3A_32, %mul3A_33 : i32
    "tpu.region"() ({
      %run_scoped3A = tpu.sem_alloc : memref<!tpu.dma_semaphore, #tpu.memory_space<semaphore_mem>>
      %dma_start3A_2849 = arith.constant 0 : i32
      %dma_start3A_2850 = arith.constant 0 : i32
      %dma_start3A_2851 = arith.constant 0 : i32
      %dma_start3A_2852 = tpu.memref_slice %arg3[%add3A, %dma_start3A_2849, %dma_start3A_2850, %dma_start3A_2851] : memref<32x16x8x128xi32, #tpu.memory_space<hbm>> -> memref<1x16x8x128xi32, #tpu.memory_space<hbm>>
      %dma_start3A_2853 = tpu.memref_squeeze %dma_start3A_2852 : memref<1x16x8x128xi32, #tpu.memory_space<hbm>> -> memref<16x8x128xi32, #tpu.memory_space<hbm>>
      %dma_start3A_2854 = arith.constant 0 : i32
      %dma_start3A_2855 = arith.constant 0 : i32
      %dma_start3A_2856 = arith.constant 0 : i32
      %dma_start3A_2857 = tpu.memref_slice %arg3[%add3A, %dma_start3A_2854, %dma_start3A_2855, %dma_start3A_2856] : memref<32x16x8x128xi32, #tpu.memory_space<hbm>> -> memref<1x16x8x128xi32, #tpu.memory_space<hbm>>
      %dma_start3A_2858 = tpu.memref_squeeze %dma_start3A_2857 : memref<1x16x8x128xi32, #tpu.memory_space<hbm>> -> memref<16x8x128xi32, #tpu.memory_space<hbm>>
      tpu.enqueue_dma source(%dma_start3A_2858 : memref<16x8x128xi32, #tpu.memory_space<hbm>>) target(%arg5 : memref<16x8x128xi32, #tpu.memory_space<vmem>>) target_semaphore(%run_scoped3A : memref<!tpu.dma_semaphore, #tpu.memory_space<semaphore_mem>>)
      %dma_wait3A_2859 = arith.constant 0 : i32
      %dma_wait3A_2860 = arith.constant 0 : i32
      %dma_wait3A_2861 = arith.constant 0 : i32
      %dma_wait3A_2862 = tpu.memref_slice %arg3[%add3A, %dma_wait3A_2859, %dma_wait3A_2860, %dma_wait3A_2861] : memref<32x16x8x128xi32, #tpu.memory_space<hbm>> -> memref<1x16x8x128xi32, #tpu.memory_space<hbm>>
      %dma_wait3A_2863 = tpu.memref_squeeze %dma_wait3A_2862 : memref<1x16x8x128xi32, #tpu.memory_space<hbm>> -> memref<16x8x128xi32, #tpu.memory_space<hbm>>
      %dma_wait3A_2864 = arith.constant 0 : i32
      %dma_wait3A_2865 = arith.constant 0 : i32
      %dma_wait3A_2866 = arith.constant 0 : i32
      %dma_wait3A_2867 = tpu.memref_slice %arg3[%add3A, %dma_wait3A_2864, %dma_wait3A_2865, %dma_wait3A_2866] : memref<32x16x8x128xi32, #tpu.memory_space<hbm>> -> memref<1x16x8x128xi32, #tpu.memory_space<hbm>>
      %dma_wait3A_2868 = tpu.memref_squeeze %dma_wait3A_2867 : memref<1x16x8x128xi32, #tpu.memory_space<hbm>> -> memref<16x8x128xi32, #tpu.memory_space<hbm>>
      tpu.wait_dma2 semaphore(%run_scoped3A : memref<!tpu.dma_semaphore, #tpu.memory_space<semaphore_mem>>) src(%dma_wait3A_2868 : memref<16x8x128xi32, #tpu.memory_space<hbm>>) dst(%arg5 : memref<16x8x128xi32, #tpu.memory_space<vmem>>)
      tpu.yield
    }) : () -> ()
    %dma_start3A = arith.constant 0 : i32
    %dma_start3A_35 = arith.constant 0 : i32
    %dma_start3A_36 = arith.constant 0 : i32
    %dma_start3A_37 = arith.constant 0 : i32
    %dma_start3A_38 = tpu.memref_slice %arg6[%dma_start3A_36, %dma_start3A_37] : memref<16x1024xf32, #tpu.memory_space<vmem>> -> memref<1x128xf32, #tpu.memory_space<vmem>>
    %dma_start3A_39 = tpu.memref_squeeze %dma_start3A_38 : memref<1x128xf32, #tpu.memory_space<vmem>> -> memref<128xf32, #tpu.memory_space<vmem>>
    %dma_start3A_40 = arith.constant 0 : i32
    %dma_start3A_41 = tpu.memref_slice %arg5[%dma_start3A, %dma_start3A_35, %dma_start3A_40] : memref<16x8x128xi32, #tpu.memory_space<vmem>> -> memref<1x1x128xi32, #tpu.memory_space<vmem>>
    %dma_start3A_42 = tpu.memref_squeeze %dma_start3A_41 : memref<1x1x128xi32, #tpu.memory_space<vmem>> -> memref<128xi32, #tpu.memory_space<vmem>>
    %dma_start3A_43 = arith.constant 0 : i32
    %dma_start3A_44 = tpu.memref_slice %arg2[%dma_start3A_43] : memref<32000000xf32, #tpu.memory_space<hbm>> -> memref<32000000xf32, #tpu.memory_space<hbm>>
    tpu.enqueue_indirect_dma source(%dma_start3A_44 : memref<32000000xf32, #tpu.memory_space<hbm>>) target(%dma_start3A_39 : memref<128xf32, #tpu.memory_space<vmem>>) offsets(%dma_start3A_42 : memref<128xi32, #tpu.memory_space<vmem>>) semaphore(%arg7 : memref<!tpu.dma_semaphore, #tpu.memory_space<semaphore_mem>>)
    %dma_start3A_45 = arith.constant 1 : i32
    %dma_start3A_46 = arith.constant 0 : i32
    %dma_start3A_47 = arith.constant 1 : i32
    %dma_start3A_48 = arith.constant 0 : i32
    %dma_start3A_49 = tpu.memref_slice %arg6[%dma_start3A_47, %dma_start3A_48] : memref<16x1024xf32, #tpu.memory_space<vmem>> -> memref<1x128xf32, #tpu.memory_space<vmem>>
    %dma_start3A_50 = tpu.memref_squeeze %dma_start3A_49 : memref<1x128xf32, #tpu.memory_space<vmem>> -> memref<128xf32, #tpu.memory_space<vmem>>
    %dma_start3A_51 = arith.constant 0 : i32
    %dma_start3A_52 = tpu.memref_slice %arg5[%dma_start3A_45, %dma_start3A_46, %dma_start3A_51] : memref<16x8x128xi32, #tpu.memory_space<vmem>> -> memref<1x1x128xi32, #tpu.memory_space<vmem>>
    %dma_start3A_53 = tpu.memref_squeeze %dma_start3A_52 : memref<1x1x128xi32, #tpu.memory_space<vmem>> -> memref<128xi32, #tpu.memory_space<vmem>>
    %dma_start3A_54 = arith.constant 0 : i32
    %dma_start3A_55 = tpu.memref_slice %arg2[%dma_start3A_54] : memref<32000000xf32, #tpu.memory_space<hbm>> -> memref<32000000xf32, #tpu.memory_space<hbm>>
    tpu.enqueue_indirect_dma source(%dma_start3A_55 : memref<32000000xf32, #tpu.memory_space<hbm>>) target(%dma_start3A_50 : memref<128xf32, #tpu.memory_space<vmem>>) offsets(%dma_start3A_53 : memref<128xi32, #tpu.memory_space<vmem>>) semaphore(%arg7 : memref<!tpu.dma_semaphore, #tpu.memory_space<semaphore_mem>>)
    %dma_start3A_56 = arith.constant 2 : i32
    %dma_start3A_57 = arith.constant 0 : i32
    %dma_start3A_58 = arith.constant 2 : i32
    %dma_start3A_59 = arith.constant 0 : i32
    %dma_start3A_60 = tpu.memref_slice %arg6[%dma_start3A_58, %dma_start3A_59] : memref<16x1024xf32, #tpu.memory_space<vmem>> -> memref<1x128xf32, #tpu.memory_space<vmem>>
    %dma_start3A_61 = tpu.memref_squeeze %dma_start3A_60 : memref<1x128xf32, #tpu.memory_space<vmem>> -> memref<128xf32, #tpu.memory_space<vmem>>
    %dma_start3A_62 = arith.constant 0 : i32
    %dma_start3A_63 = tpu.memref_slice %arg5[%dma_start3A_56, %dma_start3A_57, %dma_start3A_62] : memref<16x8x128xi32, #tpu.memory_space<vmem>> -> memref<1x1x128xi32, #tpu.memory_space<vmem>>
    %dma_start3A_64 = tpu.memref_squeeze %dma_start3A_63 : memref<1x1x128xi32, #tpu.memory_space<vmem>> -> memref<128xi32, #tpu.memory_space<vmem>>
    %dma_start3A_65 = arith.constant 0 : i32
    %dma_start3A_66 = tpu.memref_slice %arg2[%dma_start3A_65] : memref<32000000xf32, #tpu.memory_space<hbm>> -> memref<32000000xf32, #tpu.memory_space<hbm>>
    tpu.enqueue_indirect_dma source(%dma_start3A_66 : memref<32000000xf32, #tpu.memory_space<hbm>>) target(%dma_start3A_61 : memref<128xf32, #tpu.memory_space<vmem>>) offsets(%dma_start3A_64 : memref<128xi32, #tpu.memory_space<vmem>>) semaphore(%arg7 : memref<!tpu.dma_semaphore, #tpu.memory_space<semaphore_mem>>)
    %dma_start3A_67 = arith.constant 3 : i32
    %dma_start3A_68 = arith.constant 0 : i32
    %dma_start3A_69 = arith.constant 3 : i32
    %dma_start3A_70 = arith.constant 0 : i32
    %dma_start3A_71 = tpu.memref_slice %arg6[%dma_start3A_69, %dma_start3A_70] : memref<16x1024xf32, #tpu.memory_space<vmem>> -> memref<1x128xf32, #tpu.memory_space<vmem>>
    %dma_start3A_72 = tpu.memref_squeeze %dma_start3A_71 : memref<1x128xf32, #tpu.memory_space<vmem>> -> memref<128xf32, #tpu.memory_space<vmem>>
    %dma_start3A_73 = arith.constant 0 : i32
    %dma_start3A_74 = tpu.memref_slice %arg5[%dma_start3A_67, %dma_start3A_68, %dma_start3A_73] : memref<16x8x128xi32, #tpu.memory_space<vmem>> -> memref<1x1x128xi32, #tpu.memory_space<vmem>>
    %dma_start3A_75 = tpu.memref_squeeze %dma_start3A_74 : memref<1x1x128xi32, #tpu.memory_space<vmem>> -> memref<128xi32, #tpu.memory_space<vmem>>
    %dma_start3A_76 = arith.constant 0 : i32
    %dma_start3A_77 = tpu.memref_slice %arg2[%dma_start3A_76] : memref<32000000xf32, #tpu.memory_space<hbm>> -> memref<32000000xf32, #tpu.memory_space<hbm>>
    tpu.enqueue_indirect_dma source(%dma_start3A_77 : memref<32000000xf32, #tpu.memory_space<hbm>>) target(%dma_start3A_72 : memref<128xf32, #tpu.memory_space<vmem>>) offsets(%dma_start3A_75 : memref<128xi32, #tpu.memory_space<vmem>>) semaphore(%arg7 : memref<!tpu.dma_semaphore, #tpu.memory_space<semaphore_mem>>)
    %dma_start3A_78 = arith.constant 4 : i32
    %dma_start3A_79 = arith.constant 0 : i32
    %dma_start3A_80 = arith.constant 4 : i32
    %dma_start3A_81 = arith.constant 0 : i32
    %dma_start3A_82 = tpu.memref_slice %arg6[%dma_start3A_80, %dma_start3A_81] : memref<16x1024xf32, #tpu.memory_space<vmem>> -> memref<1x128xf32, #tpu.memory_space<vmem>>
    %dma_start3A_83 = tpu.memref_squeeze %dma_start3A_82 : memref<1x128xf32, #tpu.memory_space<vmem>> -> memref<128xf32, #tpu.memory_space<vmem>>
    %dma_start3A_84 = arith.constant 0 : i32
    %dma_start3A_85 = tpu.memref_slice %arg5[%dma_start3A_78, %dma_start3A_79, %dma_start3A_84] : memref<16x8x128xi32, #tpu.memory_space<vmem>> -> memref<1x1x128xi32, #tpu.memory_space<vmem>>
    %dma_start3A_86 = tpu.memref_squeeze %dma_start3A_85 : memref<1x1x128xi32, #tpu.memory_space<vmem>> -> memref<128xi32, #tpu.memory_space<vmem>>
    %dma_start3A_87 = arith.constant 0 : i32
    %dma_start3A_88 = tpu.memref_slice %arg2[%dma_start3A_87] : memref<32000000xf32, #tpu.memory_space<hbm>> -> memref<32000000xf32, #tpu.memory_space<hbm>>
    tpu.enqueue_indirect_dma source(%dma_start3A_88 : memref<32000000xf32, #tpu.memory_space<hbm>>) target(%dma_start3A_83 : memref<128xf32, #tpu.memory_space<vmem>>) offsets(%dma_start3A_86 : memref<128xi32, #tpu.memory_space<vmem>>) semaphore(%arg7 : memref<!tpu.dma_semaphore, #tpu.memory_space<semaphore_mem>>)
    %dma_start3A_89 = arith.constant 5 : i32
    %dma_start3A_90 = arith.constant 0 : i32
    %dma_start3A_91 = arith.constant 5 : i32
    %dma_start3A_92 = arith.constant 0 : i32
    %dma_start3A_93 = tpu.memref_slice %arg6[%dma_start3A_91, %dma_start3A_92] : memref<16x1024xf32, #tpu.memory_space<vmem>> -> memref<1x128xf32, #tpu.memory_space<vmem>>
    %dma_start3A_94 = tpu.memref_squeeze %dma_start3A_93 : memref<1x128xf32, #tpu.memory_space<vmem>> -> memref<128xf32, #tpu.memory_space<vmem>>
    %dma_start3A_95 = arith.constant 0 : i32
    %dma_start3A_96 = tpu.memref_slice %arg5[%dma_start3A_89, %dma_start3A_90, %dma_start3A_95] : memref<16x8x128xi32, #tpu.memory_space<vmem>> -> memref<1x1x128xi32, #tpu.memory_space<vmem>>
    %dma_start3A_97 = tpu.memref_squeeze %dma_start3A_96 : memref<1x1x128xi32, #tpu.memory_space<vmem>> -> memref<128xi32, #tpu.memory_space<vmem>>
    %dma_start3A_98 = arith.constant 0 : i32
    %dma_start3A_99 = tpu.memref_slice %arg2[%dma_start3A_98] : memref<32000000xf32, #tpu.memory_space<hbm>> -> memref<32000000xf32, #tpu.memory_space<hbm>>
    tpu.enqueue_indirect_dma source(%dma_start3A_99 : memref<32000000xf32, #tpu.memory_space<hbm>>) target(%dma_start3A_94 : memref<128xf32, #tpu.memory_space<vmem>>) offsets(%dma_start3A_97 : memref<128xi32, #tpu.memory_space<vmem>>) semaphore(%arg7 : memref<!tpu.dma_semaphore, #tpu.memory_space<semaphore_mem>>)
    %dma_start3A_100 = arith.constant 6 : i32
    %dma_start3A_101 = arith.constant 0 : i32
    %dma_start3A_102 = arith.constant 6 : i32
    %dma_start3A_103 = arith.constant 0 : i32
    %dma_start3A_104 = tpu.memref_slice %arg6[%dma_start3A_102, %dma_start3A_103] : memref<16x1024xf32, #tpu.memory_space<vmem>> -> memref<1x128xf32, #tpu.memory_space<vmem>>
    %dma_start3A_105 = tpu.memref_squeeze %dma_start3A_104 : memref<1x128xf32, #tpu.memory_space<vmem>> -> memref<128xf32, #tpu.memory_space<vmem>>
    %dma_start3A_106 = arith.constant 0 : i32
    %dma_start3A_107 = tpu.memref_slice %arg5[%dma_start3A_100, %dma_start3A_101, %dma_start3A_106] : memref<16x8x128xi32, #tpu.memory_space<vmem>> -> memref<1x1x128xi32, #tpu.memory_space<vmem>>
    %dma_start3A_108 = tpu.memref_squeeze %dma_start3A_107 : memref<1x1x128xi32, #tpu.memory_space<vmem>> -> memref<128xi32, #tpu.memory_space<vmem>>
    %dma_start3A_109 = arith.constant 0 : i32
    %dma_start3A_110 = tpu.memref_slice %arg2[%dma_start3A_109] : memref<32000000xf32, #tpu.memory_space<hbm>> -> memref<32000000xf32, #tpu.memory_space<hbm>>
    tpu.enqueue_indirect_dma source(%dma_start3A_110 : memref<32000000xf32, #tpu.memory_space<hbm>>) target(%dma_start3A_105 : memref<128xf32, #tpu.memory_space<vmem>>) offsets(%dma_start3A_108 : memref<128xi32, #tpu.memory_space<vmem>>) semaphore(%arg7 : memref<!tpu.dma_semaphore, #tpu.memory_space<semaphore_mem>>)
    %dma_start3A_111 = arith.constant 7 : i32
    %dma_start3A_112 = arith.constant 0 : i32
    %dma_start3A_113 = arith.constant 7 : i32
    %dma_start3A_114 = arith.constant 0 : i32
    %dma_start3A_115 = tpu.memref_slice %arg6[%dma_start3A_113, %dma_start3A_114] : memref<16x1024xf32, #tpu.memory_space<vmem>> -> memref<1x128xf32, #tpu.memory_space<vmem>>
    %dma_start3A_116 = tpu.memref_squeeze %dma_start3A_115 : memref<1x128xf32, #tpu.memory_space<vmem>> -> memref<128xf32, #tpu.memory_space<vmem>>
    %dma_start3A_117 = arith.constant 0 : i32
    %dma_start3A_118 = tpu.memref_slice %arg5[%dma_start3A_111, %dma_start3A_112, %dma_start3A_117] : memref<16x8x128xi32, #tpu.memory_space<vmem>> -> memref<1x1x128xi32, #tpu.memory_space<vmem>>
    %dma_start3A_119 = tpu.memref_squeeze %dma_start3A_118 : memref<1x1x128xi32, #tpu.memory_space<vmem>> -> memref<128xi32, #tpu.memory_space<vmem>>
    %dma_start3A_120 = arith.constant 0 : i32
    %dma_start3A_121 = tpu.memref_slice %arg2[%dma_start3A_120] : memref<32000000xf32, #tpu.memory_space<hbm>> -> memref<32000000xf32, #tpu.memory_space<hbm>>
    tpu.enqueue_indirect_dma source(%dma_start3A_121 : memref<32000000xf32, #tpu.memory_space<hbm>>) target(%dma_start3A_116 : memref<128xf32, #tpu.memory_space<vmem>>) offsets(%dma_start3A_119 : memref<128xi32, #tpu.memory_space<vmem>>) semaphore(%arg7 : memref<!tpu.dma_semaphore, #tpu.memory_space<semaphore_mem>>)
    %dma_start3A_122 = arith.constant 8 : i32
    %dma_start3A_123 = arith.constant 0 : i32
    %dma_start3A_124 = arith.constant 8 : i32
    %dma_start3A_125 = arith.constant 0 : i32
    %dma_start3A_126 = tpu.memref_slice %arg6[%dma_start3A_124, %dma_start3A_125] : memref<16x1024xf32, #tpu.memory_space<vmem>> -> memref<1x128xf32, #tpu.memory_space<vmem>>
    %dma_start3A_127 = tpu.memref_squeeze %dma_start3A_126 : memref<1x128xf32, #tpu.memory_space<vmem>> -> memref<128xf32, #tpu.memory_space<vmem>>
    %dma_start3A_128 = arith.constant 0 : i32
    %dma_start3A_129 = tpu.memref_slice %arg5[%dma_start3A_122, %dma_start3A_123, %dma_start3A_128] : memref<16x8x128xi32, #tpu.memory_space<vmem>> -> memref<1x1x128xi32, #tpu.memory_space<vmem>>
    %dma_start3A_130 = tpu.memref_squeeze %dma_start3A_129 : memref<1x1x128xi32, #tpu.memory_space<vmem>> -> memref<128xi32, #tpu.memory_space<vmem>>
    %dma_start3A_131 = arith.constant 0 : i32
    %dma_start3A_132 = tpu.memref_slice %arg2[%dma_start3A_131] : memref<32000000xf32, #tpu.memory_space<hbm>> -> memref<32000000xf32, #tpu.memory_space<hbm>>
    tpu.enqueue_indirect_dma source(%dma_start3A_132 : memref<32000000xf32, #tpu.memory_space<hbm>>) target(%dma_start3A_127 : memref<128xf32, #tpu.memory_space<vmem>>) offsets(%dma_start3A_130 : memref<128xi32, #tpu.memory_space<vmem>>) semaphore(%arg7 : memref<!tpu.dma_semaphore, #tpu.memory_space<semaphore_mem>>)
    %dma_start3A_133 = arith.constant 9 : i32
    %dma_start3A_134 = arith.constant 0 : i32
    %dma_start3A_135 = arith.constant 9 : i32
    %dma_start3A_136 = arith.constant 0 : i32
    %dma_start3A_137 = tpu.memref_slice %arg6[%dma_start3A_135, %dma_start3A_136] : memref<16x1024xf32, #tpu.memory_space<vmem>> -> memref<1x128xf32, #tpu.memory_space<vmem>>
    %dma_start3A_138 = tpu.memref_squeeze %dma_start3A_137 : memref<1x128xf32, #tpu.memory_space<vmem>> -> memref<128xf32, #tpu.memory_space<vmem>>
    %dma_start3A_139 = arith.constant 0 : i32
    %dma_start3A_140 = tpu.memref_slice %arg5[%dma_start3A_133, %dma_start3A_134, %dma_start3A_139] : memref<16x8x128xi32, #tpu.memory_space<vmem>> -> memref<1x1x128xi32, #tpu.memory_space<vmem>>
    %dma_start3A_141 = tpu.memref_squeeze %dma_start3A_140 : memref<1x1x128xi32, #tpu.memory_space<vmem>> -> memref<128xi32, #tpu.memory_space<vmem>>
    %dma_start3A_142 = arith.constant 0 : i32
    %dma_start3A_143 = tpu.memref_slice %arg2[%dma_start3A_142] : memref<32000000xf32, #tpu.memory_space<hbm>> -> memref<32000000xf32, #tpu.memory_space<hbm>>
    tpu.enqueue_indirect_dma source(%dma_start3A_143 : memref<32000000xf32, #tpu.memory_space<hbm>>) target(%dma_start3A_138 : memref<128xf32, #tpu.memory_space<vmem>>) offsets(%dma_start3A_141 : memref<128xi32, #tpu.memory_space<vmem>>) semaphore(%arg7 : memref<!tpu.dma_semaphore, #tpu.memory_space<semaphore_mem>>)
    %dma_start3A_144 = arith.constant 10 : i32
    %dma_start3A_145 = arith.constant 0 : i32
    %dma_start3A_146 = arith.constant 10 : i32
    %dma_start3A_147 = arith.constant 0 : i32
    %dma_start3A_148 = tpu.memref_slice %arg6[%dma_start3A_146, %dma_start3A_147] : memref<16x1024xf32, #tpu.memory_space<vmem>> -> memref<1x128xf32, #tpu.memory_space<vmem>>
    %dma_start3A_149 = tpu.memref_squeeze %dma_start3A_148 : memref<1x128xf32, #tpu.memory_space<vmem>> -> memref<128xf32, #tpu.memory_space<vmem>>
    %dma_start3A_150 = arith.constant 0 : i32
    %dma_start3A_151 = tpu.memref_slice %arg5[%dma_start3A_144, %dma_start3A_145, %dma_start3A_150] : memref<16x8x128xi32, #tpu.memory_space<vmem>> -> memref<1x1x128xi32, #tpu.memory_space<vmem>>
    %dma_start3A_152 = tpu.memref_squeeze %dma_start3A_151 : memref<1x1x128xi32, #tpu.memory_space<vmem>> -> memref<128xi32, #tpu.memory_space<vmem>>
    %dma_start3A_153 = arith.constant 0 : i32
    %dma_start3A_154 = tpu.memref_slice %arg2[%dma_start3A_153] : memref<32000000xf32, #tpu.memory_space<hbm>> -> memref<32000000xf32, #tpu.memory_space<hbm>>
    tpu.enqueue_indirect_dma source(%dma_start3A_154 : memref<32000000xf32, #tpu.memory_space<hbm>>) target(%dma_start3A_149 : memref<128xf32, #tpu.memory_space<vmem>>) offsets(%dma_start3A_152 : memref<128xi32, #tpu.memory_space<vmem>>) semaphore(%arg7 : memref<!tpu.dma_semaphore, #tpu.memory_space<semaphore_mem>>)
    %dma_start3A_155 = arith.constant 11 : i32
    %dma_start3A_156 = arith.constant 0 : i32
    %dma_start3A_157 = arith.constant 11 : i32
    %dma_start3A_158 = arith.constant 0 : i32
    %dma_start3A_159 = tpu.memref_slice %arg6[%dma_start3A_157, %dma_start3A_158] : memref<16x1024xf32, #tpu.memory_space<vmem>> -> memref<1x128xf32, #tpu.memory_space<vmem>>
    %dma_start3A_160 = tpu.memref_squeeze %dma_start3A_159 : memref<1x128xf32, #tpu.memory_space<vmem>> -> memref<128xf32, #tpu.memory_space<vmem>>
    %dma_start3A_161 = arith.constant 0 : i32
    %dma_start3A_162 = tpu.memref_slice %arg5[%dma_start3A_155, %dma_start3A_156, %dma_start3A_161] : memref<16x8x128xi32, #tpu.memory_space<vmem>> -> memref<1x1x128xi32, #tpu.memory_space<vmem>>
    %dma_start3A_163 = tpu.memref_squeeze %dma_start3A_162 : memref<1x1x128xi32, #tpu.memory_space<vmem>> -> memref<128xi32, #tpu.memory_space<vmem>>
    %dma_start3A_164 = arith.constant 0 : i32
    %dma_start3A_165 = tpu.memref_slice %arg2[%dma_start3A_164] : memref<32000000xf32, #tpu.memory_space<hbm>> -> memref<32000000xf32, #tpu.memory_space<hbm>>
    tpu.enqueue_indirect_dma source(%dma_start3A_165 : memref<32000000xf32, #tpu.memory_space<hbm>>) target(%dma_start3A_160 : memref<128xf32, #tpu.memory_space<vmem>>) offsets(%dma_start3A_163 : memref<128xi32, #tpu.memory_space<vmem>>) semaphore(%arg7 : memref<!tpu.dma_semaphore, #tpu.memory_space<semaphore_mem>>)
    %dma_start3A_166 = arith.constant 12 : i32
    %dma_start3A_167 = arith.constant 0 : i32
    %dma_start3A_168 = arith.constant 12 : i32
    %dma_start3A_169 = arith.constant 0 : i32
    %dma_start3A_170 = tpu.memref_slice %arg6[%dma_start3A_168, %dma_start3A_169] : memref<16x1024xf32, #tpu.memory_space<vmem>> -> memref<1x128xf32, #tpu.memory_space<vmem>>
    %dma_start3A_171 = tpu.memref_squeeze %dma_start3A_170 : memref<1x128xf32, #tpu.memory_space<vmem>> -> memref<128xf32, #tpu.memory_space<vmem>>
    %dma_start3A_172 = arith.constant 0 : i32
    %dma_start3A_173 = tpu.memref_slice %arg5[%dma_start3A_166, %dma_start3A_167, %dma_start3A_172] : memref<16x8x128xi32, #tpu.memory_space<vmem>> -> memref<1x1x128xi32, #tpu.memory_space<vmem>>
    %dma_start3A_174 = tpu.memref_squeeze %dma_start3A_173 : memref<1x1x128xi32, #tpu.memory_space<vmem>> -> memref<128xi32, #tpu.memory_space<vmem>>
    %dma_start3A_175 = arith.constant 0 : i32
    %dma_start3A_176 = tpu.memref_slice %arg2[%dma_start3A_175] : memref<32000000xf32, #tpu.memory_space<hbm>> -> memref<32000000xf32, #tpu.memory_space<hbm>>
    tpu.enqueue_indirect_dma source(%dma_start3A_176 : memref<32000000xf32, #tpu.memory_space<hbm>>) target(%dma_start3A_171 : memref<128xf32, #tpu.memory_space<vmem>>) offsets(%dma_start3A_174 : memref<128xi32, #tpu.memory_space<vmem>>) semaphore(%arg7 : memref<!tpu.dma_semaphore, #tpu.memory_space<semaphore_mem>>)
    %dma_start3A_177 = arith.constant 13 : i32
    %dma_start3A_178 = arith.constant 0 : i32
    %dma_start3A_179 = arith.constant 13 : i32
    %dma_start3A_180 = arith.constant 0 : i32
    %dma_start3A_181 = tpu.memref_slice %arg6[%dma_start3A_179, %dma_start3A_180] : memref<16x1024xf32, #tpu.memory_space<vmem>> -> memref<1x128xf32, #tpu.memory_space<vmem>>
    %dma_start3A_182 = tpu.memref_squeeze %dma_start3A_181 : memref<1x128xf32, #tpu.memory_space<vmem>> -> memref<128xf32, #tpu.memory_space<vmem>>
    %dma_start3A_183 = arith.constant 0 : i32
    %dma_start3A_184 = tpu.memref_slice %arg5[%dma_start3A_177, %dma_start3A_178, %dma_start3A_183] : memref<16x8x128xi32, #tpu.memory_space<vmem>> -> memref<1x1x128xi32, #tpu.memory_space<vmem>>
    %dma_start3A_185 = tpu.memref_squeeze %dma_start3A_184 : memref<1x1x128xi32, #tpu.memory_space<vmem>> -> memref<128xi32, #tpu.memory_space<vmem>>
    %dma_start3A_186 = arith.constant 0 : i32
    %dma_start3A_187 = tpu.memref_slice %arg2[%dma_start3A_186] : memref<32000000xf32, #tpu.memory_space<hbm>> -> memref<32000000xf32, #tpu.memory_space<hbm>>
    tpu.enqueue_indirect_dma source(%dma_start3A_187 : memref<32000000xf32, #tpu.memory_space<hbm>>) target(%dma_start3A_182 : memref<128xf32, #tpu.memory_space<vmem>>) offsets(%dma_start3A_185 : memref<128xi32, #tpu.memory_space<vmem>>) semaphore(%arg7 : memref<!tpu.dma_semaphore, #tpu.memory_space<semaphore_mem>>)
    %dma_start3A_188 = arith.constant 14 : i32
    %dma_start3A_189 = arith.constant 0 : i32
    %dma_start3A_190 = arith.constant 14 : i32
    %dma_start3A_191 = arith.constant 0 : i32
    %dma_start3A_192 = tpu.memref_slice %arg6[%dma_start3A_190, %dma_start3A_191] : memref<16x1024xf32, #tpu.memory_space<vmem>> -> memref<1x128xf32, #tpu.memory_space<vmem>>
    %dma_start3A_193 = tpu.memref_squeeze %dma_start3A_192 : memref<1x128xf32, #tpu.memory_space<vmem>> -> memref<128xf32, #tpu.memory_space<vmem>>
    %dma_start3A_194 = arith.constant 0 : i32
    %dma_start3A_195 = tpu.memref_slice %arg5[%dma_start3A_188, %dma_start3A_189, %dma_start3A_194] : memref<16x8x128xi32, #tpu.memory_space<vmem>> -> memref<1x1x128xi32, #tpu.memory_space<vmem>>
    %dma_start3A_196 = tpu.memref_squeeze %dma_start3A_195 : memref<1x1x128xi32, #tpu.memory_space<vmem>> -> memref<128xi32, #tpu.memory_space<vmem>>
    %dma_start3A_197 = arith.constant 0 : i32
    %dma_start3A_198 = tpu.memref_slice %arg2[%dma_start3A_197] : memref<32000000xf32, #tpu.memory_space<hbm>> -> memref<32000000xf32, #tpu.memory_space<hbm>>
    tpu.enqueue_indirect_dma source(%dma_start3A_198 : memref<32000000xf32, #tpu.memory_space<hbm>>) target(%dma_start3A_193 : memref<128xf32, #tpu.memory_space<vmem>>) offsets(%dma_start3A_196 : memref<128xi32, #tpu.memory_space<vmem>>) semaphore(%arg7 : memref<!tpu.dma_semaphore, #tpu.memory_space<semaphore_mem>>)
    %dma_start3A_199 = arith.constant 15 : i32
    %dma_start3A_200 = arith.constant 0 : i32
    %dma_start3A_201 = arith.constant 15 : i32
    %dma_start3A_202 = arith.constant 0 : i32
    %dma_start3A_203 = tpu.memref_slice %arg6[%dma_start3A_201, %dma_start3A_202] : memref<16x1024xf32, #tpu.memory_space<vmem>> -> memref<1x128xf32, #tpu.memory_space<vmem>>
    %dma_start3A_204 = tpu.memref_squeeze %dma_start3A_203 : memref<1x128xf32, #tpu.memory_space<vmem>> -> memref<128xf32, #tpu.memory_space<vmem>>
    %dma_start3A_205 = arith.constant 0 : i32
    %dma_start3A_206 = tpu.memref_slice %arg5[%dma_start3A_199, %dma_start3A_200, %dma_start3A_205] : memref<16x8x128xi32, #tpu.memory_space<vmem>> -> memref<1x1x128xi32, #tpu.memory_space<vmem>>
    %dma_start3A_207 = tpu.memref_squeeze %dma_start3A_206 : memref<1x1x128xi32, #tpu.memory_space<vmem>> -> memref<128xi32, #tpu.memory_space<vmem>>
    %dma_start3A_208 = arith.constant 0 : i32
    %dma_start3A_209 = tpu.memref_slice %arg2[%dma_start3A_208] : memref<32000000xf32, #tpu.memory_space<hbm>> -> memref<32000000xf32, #tpu.memory_space<hbm>>
    tpu.enqueue_indirect_dma source(%dma_start3A_209 : memref<32000000xf32, #tpu.memory_space<hbm>>) target(%dma_start3A_204 : memref<128xf32, #tpu.memory_space<vmem>>) offsets(%dma_start3A_207 : memref<128xi32, #tpu.memory_space<vmem>>) semaphore(%arg7 : memref<!tpu.dma_semaphore, #tpu.memory_space<semaphore_mem>>)
    %dma_start3A_210 = arith.constant 0 : i32
    %dma_start3A_211 = arith.constant 1 : i32
    %dma_start3A_212 = arith.constant 0 : i32
    %dma_start3A_213 = arith.constant 128 : i32
    %dma_start3A_214 = tpu.memref_slice %arg6[%dma_start3A_212, %dma_start3A_213] : memref<16x1024xf32, #tpu.memory_space<vmem>> -> memref<1x128xf32, #tpu.memory_space<vmem>>
    %dma_start3A_215 = tpu.memref_squeeze %dma_start3A_214 : memref<1x128xf32, #tpu.memory_space<vmem>> -> memref<128xf32, #tpu.memory_space<vmem>>
    %dma_start3A_216 = arith.constant 0 : i32
    %dma_start3A_217 = tpu.memref_slice %arg5[%dma_start3A_210, %dma_start3A_211, %dma_start3A_216] : memref<16x8x128xi32, #tpu.memory_space<vmem>> -> memref<1x1x128xi32, #tpu.memory_space<vmem>>
    %dma_start3A_218 = tpu.memref_squeeze %dma_start3A_217 : memref<1x1x128xi32, #tpu.memory_space<vmem>> -> memref<128xi32, #tpu.memory_space<vmem>>
    %dma_start3A_219 = arith.constant 0 : i32
    %dma_start3A_220 = tpu.memref_slice %arg2[%dma_start3A_219] : memref<32000000xf32, #tpu.memory_space<hbm>> -> memref<32000000xf32, #tpu.memory_space<hbm>>
    tpu.enqueue_indirect_dma source(%dma_start3A_220 : memref<32000000xf32, #tpu.memory_space<hbm>>) target(%dma_start3A_215 : memref<128xf32, #tpu.memory_space<vmem>>) offsets(%dma_start3A_218 : memref<128xi32, #tpu.memory_space<vmem>>) semaphore(%arg7 : memref<!tpu.dma_semaphore, #tpu.memory_space<semaphore_mem>>)
    %dma_start3A_221 = arith.constant 1 : i32
    %dma_start3A_222 = arith.constant 1 : i32
    %dma_start3A_223 = arith.constant 1 : i32
    %dma_start3A_224 = arith.constant 128 : i32
    %dma_start3A_225 = tpu.memref_slice %arg6[%dma_start3A_223, %dma_start3A_224] : memref<16x1024xf32, #tpu.memory_space<vmem>> -> memref<1x128xf32, #tpu.memory_space<vmem>>
    %dma_start3A_226 = tpu.memref_squeeze %dma_start3A_225 : memref<1x128xf32, #tpu.memory_space<vmem>> -> memref<128xf32, #tpu.memory_space<vmem>>
    %dma_start3A_227 = arith.constant 0 : i32
    %dma_start3A_228 = tpu.memref_slice %arg5[%dma_start3A_221, %dma_start3A_222, %dma_start3A_227] : memref<16x8x128xi32, #tpu.memory_space<vmem>> -> memref<1x1x128xi32, #tpu.memory_space<vmem>>
    %dma_start3A_229 = tpu.memref_squeeze %dma_start3A_228 : memref<1x1x128xi32, #tpu.memory_space<vmem>> -> memref<128xi32, #tpu.memory_space<vmem>>
    %dma_start3A_230 = arith.constant 0 : i32
    %dma_start3A_231 = tpu.memref_slice %arg2[%dma_start3A_230] : memref<32000000xf32, #tpu.memory_space<hbm>> -> memref<32000000xf32, #tpu.memory_space<hbm>>
    tpu.enqueue_indirect_dma source(%dma_start3A_231 : memref<32000000xf32, #tpu.memory_space<hbm>>) target(%dma_start3A_226 : memref<128xf32, #tpu.memory_space<vmem>>) offsets(%dma_start3A_229 : memref<128xi32, #tpu.memory_space<vmem>>) semaphore(%arg7 : memref<!tpu.dma_semaphore, #tpu.memory_space<semaphore_mem>>)
    %dma_start3A_232 = arith.constant 2 : i32
    %dma_start3A_233 = arith.constant 1 : i32
    %dma_start3A_234 = arith.constant 2 : i32
    %dma_start3A_235 = arith.constant 128 : i32
    %dma_start3A_236 = tpu.memref_slice %arg6[%dma_start3A_234, %dma_start3A_235] : memref<16x1024xf32, #tpu.memory_space<vmem>> -> memref<1x128xf32, #tpu.memory_space<vmem>>
    %dma_start3A_237 = tpu.memref_squeeze %dma_start3A_236 : memref<1x128xf32, #tpu.memory_space<vmem>> -> memref<128xf32, #tpu.memory_space<vmem>>
    %dma_start3A_238 = arith.constant 0 : i32
    %dma_start3A_239 = tpu.memref_slice %arg5[%dma_start3A_232, %dma_start3A_233, %dma_start3A_238] : memref<16x8x128xi32, #tpu.memory_space<vmem>> -> memref<1x1x128xi32, #tpu.memory_space<vmem>>
    %dma_start3A_240 = tpu.memref_squeeze %dma_start3A_239 : memref<1x1x128xi32, #tpu.memory_space<vmem>> -> memref<128xi32, #tpu.memory_space<vmem>>
    %dma_start3A_241 = arith.constant 0 : i32
    %dma_start3A_242 = tpu.memref_slice %arg2[%dma_start3A_241] : memref<32000000xf32, #tpu.memory_space<hbm>> -> memref<32000000xf32, #tpu.memory_space<hbm>>
    tpu.enqueue_indirect_dma source(%dma_start3A_242 : memref<32000000xf32, #tpu.memory_space<hbm>>) target(%dma_start3A_237 : memref<128xf32, #tpu.memory_space<vmem>>) offsets(%dma_start3A_240 : memref<128xi32, #tpu.memory_space<vmem>>) semaphore(%arg7 : memref<!tpu.dma_semaphore, #tpu.memory_space<semaphore_mem>>)
    %dma_start3A_243 = arith.constant 3 : i32
    %dma_start3A_244 = arith.constant 1 : i32
    %dma_start3A_245 = arith.constant 3 : i32
    %dma_start3A_246 = arith.constant 128 : i32
    %dma_start3A_247 = tpu.memref_slice %arg6[%dma_start3A_245, %dma_start3A_246] : memref<16x1024xf32, #tpu.memory_space<vmem>> -> memref<1x128xf32, #tpu.memory_space<vmem>>
    %dma_start3A_248 = tpu.memref_squeeze %dma_start3A_247 : memref<1x128xf32, #tpu.memory_space<vmem>> -> memref<128xf32, #tpu.memory_space<vmem>>
    %dma_start3A_249 = arith.constant 0 : i32
    %dma_start3A_250 = tpu.memref_slice %arg5[%dma_start3A_243, %dma_start3A_244, %dma_start3A_249] : memref<16x8x128xi32, #tpu.memory_space<vmem>> -> memref<1x1x128xi32, #tpu.memory_space<vmem>>
    %dma_start3A_251 = tpu.memref_squeeze %dma_start3A_250 : memref<1x1x128xi32, #tpu.memory_space<vmem>> -> memref<128xi32, #tpu.memory_space<vmem>>
    %dma_start3A_252 = arith.constant 0 : i32
    %dma_start3A_253 = tpu.memref_slice %arg2[%dma_start3A_252] : memref<32000000xf32, #tpu.memory_space<hbm>> -> memref<32000000xf32, #tpu.memory_space<hbm>>
    tpu.enqueue_indirect_dma source(%dma_start3A_253 : memref<32000000xf32, #tpu.memory_space<hbm>>) target(%dma_start3A_248 : memref<128xf32, #tpu.memory_space<vmem>>) offsets(%dma_start3A_251 : memref<128xi32, #tpu.memory_space<vmem>>) semaphore(%arg7 : memref<!tpu.dma_semaphore, #tpu.memory_space<semaphore_mem>>)
    %dma_start3A_254 = arith.constant 4 : i32
    %dma_start3A_255 = arith.constant 1 : i32
    %dma_start3A_256 = arith.constant 4 : i32
    %dma_start3A_257 = arith.constant 128 : i32
    %dma_start3A_258 = tpu.memref_slice %arg6[%dma_start3A_256, %dma_start3A_257] : memref<16x1024xf32, #tpu.memory_space<vmem>> -> memref<1x128xf32, #tpu.memory_space<vmem>>
    %dma_start3A_259 = tpu.memref_squeeze %dma_start3A_258 : memref<1x128xf32, #tpu.memory_space<vmem>> -> memref<128xf32, #tpu.memory_space<vmem>>
    %dma_start3A_260 = arith.constant 0 : i32
    %dma_start3A_261 = tpu.memref_slice %arg5[%dma_start3A_254, %dma_start3A_255, %dma_start3A_260] : memref<16x8x128xi32, #tpu.memory_space<vmem>> -> memref<1x1x128xi32, #tpu.memory_space<vmem>>
    %dma_start3A_262 = tpu.memref_squeeze %dma_start3A_261 : memref<1x1x128xi32, #tpu.memory_space<vmem>> -> memref<128xi32, #tpu.memory_space<vmem>>
    %dma_start3A_263 = arith.constant 0 : i32
    %dma_start3A_264 = tpu.memref_slice %arg2[%dma_start3A_263] : memref<32000000xf32, #tpu.memory_space<hbm>> -> memref<32000000xf32, #tpu.memory_space<hbm>>
    tpu.enqueue_indirect_dma source(%dma_start3A_264 : memref<32000000xf32, #tpu.memory_space<hbm>>) target(%dma_start3A_259 : memref<128xf32, #tpu.memory_space<vmem>>) offsets(%dma_start3A_262 : memref<128xi32, #tpu.memory_space<vmem>>) semaphore(%arg7 : memref<!tpu.dma_semaphore, #tpu.memory_space<semaphore_mem>>)
    %dma_start3A_265 = arith.constant 5 : i32
    %dma_start3A_266 = arith.constant 1 : i32
    %dma_start3A_267 = arith.constant 5 : i32
    %dma_start3A_268 = arith.constant 128 : i32
    %dma_start3A_269 = tpu.memref_slice %arg6[%dma_start3A_267, %dma_start3A_268] : memref<16x1024xf32, #tpu.memory_space<vmem>> -> memref<1x128xf32, #tpu.memory_space<vmem>>
    %dma_start3A_270 = tpu.memref_squeeze %dma_start3A_269 : memref<1x128xf32, #tpu.memory_space<vmem>> -> memref<128xf32, #tpu.memory_space<vmem>>
    %dma_start3A_271 = arith.constant 0 : i32
    %dma_start3A_272 = tpu.memref_slice %arg5[%dma_start3A_265, %dma_start3A_266, %dma_start3A_271] : memref<16x8x128xi32, #tpu.memory_space<vmem>> -> memref<1x1x128xi32, #tpu.memory_space<vmem>>
    %dma_start3A_273 = tpu.memref_squeeze %dma_start3A_272 : memref<1x1x128xi32, #tpu.memory_space<vmem>> -> memref<128xi32, #tpu.memory_space<vmem>>
    %dma_start3A_274 = arith.constant 0 : i32
    %dma_start3A_275 = tpu.memref_slice %arg2[%dma_start3A_274] : memref<32000000xf32, #tpu.memory_space<hbm>> -> memref<32000000xf32, #tpu.memory_space<hbm>>
    tpu.enqueue_indirect_dma source(%dma_start3A_275 : memref<32000000xf32, #tpu.memory_space<hbm>>) target(%dma_start3A_270 : memref<128xf32, #tpu.memory_space<vmem>>) offsets(%dma_start3A_273 : memref<128xi32, #tpu.memory_space<vmem>>) semaphore(%arg7 : memref<!tpu.dma_semaphore, #tpu.memory_space<semaphore_mem>>)
    %dma_start3A_276 = arith.constant 6 : i32
    %dma_start3A_277 = arith.constant 1 : i32
    %dma_start3A_278 = arith.constant 6 : i32
    %dma_start3A_279 = arith.constant 128 : i32
    %dma_start3A_280 = tpu.memref_slice %arg6[%dma_start3A_278, %dma_start3A_279] : memref<16x1024xf32, #tpu.memory_space<vmem>> -> memref<1x128xf32, #tpu.memory_space<vmem>>
    %dma_start3A_281 = tpu.memref_squeeze %dma_start3A_280 : memref<1x128xf32, #tpu.memory_space<vmem>> -> memref<128xf32, #tpu.memory_space<vmem>>
    %dma_start3A_282 = arith.constant 0 : i32
    %dma_start3A_283 = tpu.memref_slice %arg5[%dma_start3A_276, %dma_start3A_277, %dma_start3A_282] : memref<16x8x128xi32, #tpu.memory_space<vmem>> -> memref<1x1x128xi32, #tpu.memory_space<vmem>>
    %dma_start3A_284 = tpu.memref_squeeze %dma_start3A_283 : memref<1x1x128xi32, #tpu.memory_space<vmem>> -> memref<128xi32, #tpu.memory_space<vmem>>
    %dma_start3A_285 = arith.constant 0 : i32
    %dma_start3A_286 = tpu.memref_slice %arg2[%dma_start3A_285] : memref<32000000xf32, #tpu.memory_space<hbm>> -> memref<32000000xf32, #tpu.memory_space<hbm>>
    tpu.enqueue_indirect_dma source(%dma_start3A_286 : memref<32000000xf32, #tpu.memory_space<hbm>>) target(%dma_start3A_281 : memref<128xf32, #tpu.memory_space<vmem>>) offsets(%dma_start3A_284 : memref<128xi32, #tpu.memory_space<vmem>>) semaphore(%arg7 : memref<!tpu.dma_semaphore, #tpu.memory_space<semaphore_mem>>)
    %dma_start3A_287 = arith.constant 7 : i32
    %dma_start3A_288 = arith.constant 1 : i32
    %dma_start3A_289 = arith.constant 7 : i32
    %dma_start3A_290 = arith.constant 128 : i32
    %dma_start3A_291 = tpu.memref_slice %arg6[%dma_start3A_289, %dma_start3A_290] : memref<16x1024xf32, #tpu.memory_space<vmem>> -> memref<1x128xf32, #tpu.memory_space<vmem>>
    %dma_start3A_292 = tpu.memref_squeeze %dma_start3A_291 : memref<1x128xf32, #tpu.memory_space<vmem>> -> memref<128xf32, #tpu.memory_space<vmem>>
    %dma_start3A_293 = arith.constant 0 : i32
    %dma_start3A_294 = tpu.memref_slice %arg5[%dma_start3A_287, %dma_start3A_288, %dma_start3A_293] : memref<16x8x128xi32, #tpu.memory_space<vmem>> -> memref<1x1x128xi32, #tpu.memory_space<vmem>>
    %dma_start3A_295 = tpu.memref_squeeze %dma_start3A_294 : memref<1x1x128xi32, #tpu.memory_space<vmem>> -> memref<128xi32, #tpu.memory_space<vmem>>
    %dma_start3A_296 = arith.constant 0 : i32
    %dma_start3A_297 = tpu.memref_slice %arg2[%dma_start3A_296] : memref<32000000xf32, #tpu.memory_space<hbm>> -> memref<32000000xf32, #tpu.memory_space<hbm>>
    tpu.enqueue_indirect_dma source(%dma_start3A_297 : memref<32000000xf32, #tpu.memory_space<hbm>>) target(%dma_start3A_292 : memref<128xf32, #tpu.memory_space<vmem>>) offsets(%dma_start3A_295 : memref<128xi32, #tpu.memory_space<vmem>>) semaphore(%arg7 : memref<!tpu.dma_semaphore, #tpu.memory_space<semaphore_mem>>)
    %dma_start3A_298 = arith.constant 8 : i32
    %dma_start3A_299 = arith.constant 1 : i32
    %dma_start3A_300 = arith.constant 8 : i32
    %dma_start3A_301 = arith.constant 128 : i32
    %dma_start3A_302 = tpu.memref_slice %arg6[%dma_start3A_300, %dma_start3A_301] : memref<16x1024xf32, #tpu.memory_space<vmem>> -> memref<1x128xf32, #tpu.memory_space<vmem>>
    %dma_start3A_303 = tpu.memref_squeeze %dma_start3A_302 : memref<1x128xf32, #tpu.memory_space<vmem>> -> memref<128xf32, #tpu.memory_space<vmem>>
    %dma_start3A_304 = arith.constant 0 : i32
    %dma_start3A_305 = tpu.memref_slice %arg5[%dma_start3A_298, %dma_start3A_299, %dma_start3A_304] : memref<16x8x128xi32, #tpu.memory_space<vmem>> -> memref<1x1x128xi32, #tpu.memory_space<vmem>>
    %dma_start3A_306 = tpu.memref_squeeze %dma_start3A_305 : memref<1x1x128xi32, #tpu.memory_space<vmem>> -> memref<128xi32, #tpu.memory_space<vmem>>
    %dma_start3A_307 = arith.constant 0 : i32
    %dma_start3A_308 = tpu.memref_slice %arg2[%dma_start3A_307] : memref<32000000xf32, #tpu.memory_space<hbm>> -> memref<32000000xf32, #tpu.memory_space<hbm>>
    tpu.enqueue_indirect_dma source(%dma_start3A_308 : memref<32000000xf32, #tpu.memory_space<hbm>>) target(%dma_start3A_303 : memref<128xf32, #tpu.memory_space<vmem>>) offsets(%dma_start3A_306 : memref<128xi32, #tpu.memory_space<vmem>>) semaphore(%arg7 : memref<!tpu.dma_semaphore, #tpu.memory_space<semaphore_mem>>)
    %dma_start3A_309 = arith.constant 9 : i32
    %dma_start3A_310 = arith.constant 1 : i32
    %dma_start3A_311 = arith.constant 9 : i32
    %dma_start3A_312 = arith.constant 128 : i32
    %dma_start3A_313 = tpu.memref_slice %arg6[%dma_start3A_311, %dma_start3A_312] : memref<16x1024xf32, #tpu.memory_space<vmem>> -> memref<1x128xf32, #tpu.memory_space<vmem>>
    %dma_start3A_314 = tpu.memref_squeeze %dma_start3A_313 : memref<1x128xf32, #tpu.memory_space<vmem>> -> memref<128xf32, #tpu.memory_space<vmem>>
    %dma_start3A_315 = arith.constant 0 : i32
    %dma_start3A_316 = tpu.memref_slice %arg5[%dma_start3A_309, %dma_start3A_310, %dma_start3A_315] : memref<16x8x128xi32, #tpu.memory_space<vmem>> -> memref<1x1x128xi32, #tpu.memory_space<vmem>>
    %dma_start3A_317 = tpu.memref_squeeze %dma_start3A_316 : memref<1x1x128xi32, #tpu.memory_space<vmem>> -> memref<128xi32, #tpu.memory_space<vmem>>
    %dma_start3A_318 = arith.constant 0 : i32
    %dma_start3A_319 = tpu.memref_slice %arg2[%dma_start3A_318] : memref<32000000xf32, #tpu.memory_space<hbm>> -> memref<32000000xf32, #tpu.memory_space<hbm>>
    tpu.enqueue_indirect_dma source(%dma_start3A_319 : memref<32000000xf32, #tpu.memory_space<hbm>>) target(%dma_start3A_314 : memref<128xf32, #tpu.memory_space<vmem>>) offsets(%dma_start3A_317 : memref<128xi32, #tpu.memory_space<vmem>>) semaphore(%arg7 : memref<!tpu.dma_semaphore, #tpu.memory_space<semaphore_mem>>)
    %dma_start3A_320 = arith.constant 10 : i32
    %dma_start3A_321 = arith.constant 1 : i32
    %dma_start3A_322 = arith.constant 10 : i32
    %dma_start3A_323 = arith.constant 128 : i32
    %dma_start3A_324 = tpu.memref_slice %arg6[%dma_start3A_322, %dma_start3A_323] : memref<16x1024xf32, #tpu.memory_space<vmem>> -> memref<1x128xf32, #tpu.memory_space<vmem>>
    %dma_start3A_325 = tpu.memref_squeeze %dma_start3A_324 : memref<1x128xf32, #tpu.memory_space<vmem>> -> memref<128xf32, #tpu.memory_space<vmem>>
    %dma_start3A_326 = arith.constant 0 : i32
    %dma_start3A_327 = tpu.memref_slice %arg5[%dma_start3A_320, %dma_start3A_321, %dma_start3A_326] : memref<16x8x128xi32, #tpu.memory_space<vmem>> -> memref<1x1x128xi32, #tpu.memory_space<vmem>>
    %dma_start3A_328 = tpu.memref_squeeze %dma_start3A_327 : memref<1x1x128xi32, #tpu.memory_space<vmem>> -> memref<128xi32, #tpu.memory_space<vmem>>
    %dma_start3A_329 = arith.constant 0 : i32
    %dma_start3A_330 = tpu.memref_slice %arg2[%dma_start3A_329] : memref<32000000xf32, #tpu.memory_space<hbm>> -> memref<32000000xf32, #tpu.memory_space<hbm>>
    tpu.enqueue_indirect_dma source(%dma_start3A_330 : memref<32000000xf32, #tpu.memory_space<hbm>>) target(%dma_start3A_325 : memref<128xf32, #tpu.memory_space<vmem>>) offsets(%dma_start3A_328 : memref<128xi32, #tpu.memory_space<vmem>>) semaphore(%arg7 : memref<!tpu.dma_semaphore, #tpu.memory_space<semaphore_mem>>)
    %dma_start3A_331 = arith.constant 11 : i32
    %dma_start3A_332 = arith.constant 1 : i32
    %dma_start3A_333 = arith.constant 11 : i32
    %dma_start3A_334 = arith.constant 128 : i32
    %dma_start3A_335 = tpu.memref_slice %arg6[%dma_start3A_333, %dma_start3A_334] : memref<16x1024xf32, #tpu.memory_space<vmem>> -> memref<1x128xf32, #tpu.memory_space<vmem>>
    %dma_start3A_336 = tpu.memref_squeeze %dma_start3A_335 : memref<1x128xf32, #tpu.memory_space<vmem>> -> memref<128xf32, #tpu.memory_space<vmem>>
    %dma_start3A_337 = arith.constant 0 : i32
    %dma_start3A_338 = tpu.memref_slice %arg5[%dma_start3A_331, %dma_start3A_332, %dma_start3A_337] : memref<16x8x128xi32, #tpu.memory_space<vmem>> -> memref<1x1x128xi32, #tpu.memory_space<vmem>>
    %dma_start3A_339 = tpu.memref_squeeze %dma_start3A_338 : memref<1x1x128xi32, #tpu.memory_space<vmem>> -> memref<128xi32, #tpu.memory_space<vmem>>
    %dma_start3A_340 = arith.constant 0 : i32
    %dma_start3A_341 = tpu.memref_slice %arg2[%dma_start3A_340] : memref<32000000xf32, #tpu.memory_space<hbm>> -> memref<32000000xf32, #tpu.memory_space<hbm>>
    tpu.enqueue_indirect_dma source(%dma_start3A_341 : memref<32000000xf32, #tpu.memory_space<hbm>>) target(%dma_start3A_336 : memref<128xf32, #tpu.memory_space<vmem>>) offsets(%dma_start3A_339 : memref<128xi32, #tpu.memory_space<vmem>>) semaphore(%arg7 : memref<!tpu.dma_semaphore, #tpu.memory_space<semaphore_mem>>)
    %dma_start3A_342 = arith.constant 12 : i32
    %dma_start3A_343 = arith.constant 1 : i32
    %dma_start3A_344 = arith.constant 12 : i32
    %dma_start3A_345 = arith.constant 128 : i32
    %dma_start3A_346 = tpu.memref_slice %arg6[%dma_start3A_344, %dma_start3A_345] : memref<16x1024xf32, #tpu.memory_space<vmem>> -> memref<1x128xf32, #tpu.memory_space<vmem>>
    %dma_start3A_347 = tpu.memref_squeeze %dma_start3A_346 : memref<1x128xf32, #tpu.memory_space<vmem>> -> memref<128xf32, #tpu.memory_space<vmem>>
    %dma_start3A_348 = arith.constant 0 : i32
    %dma_start3A_349 = tpu.memref_slice %arg5[%dma_start3A_342, %dma_start3A_343, %dma_start3A_348] : memref<16x8x128xi32, #tpu.memory_space<vmem>> -> memref<1x1x128xi32, #tpu.memory_space<vmem>>
    %dma_start3A_350 = tpu.memref_squeeze %dma_start3A_349 : memref<1x1x128xi32, #tpu.memory_space<vmem>> -> memref<128xi32, #tpu.memory_space<vmem>>
    %dma_start3A_351 = arith.constant 0 : i32
    %dma_start3A_352 = tpu.memref_slice %arg2[%dma_start3A_351] : memref<32000000xf32, #tpu.memory_space<hbm>> -> memref<32000000xf32, #tpu.memory_space<hbm>>
    tpu.enqueue_indirect_dma source(%dma_start3A_352 : memref<32000000xf32, #tpu.memory_space<hbm>>) target(%dma_start3A_347 : memref<128xf32, #tpu.memory_space<vmem>>) offsets(%dma_start3A_350 : memref<128xi32, #tpu.memory_space<vmem>>) semaphore(%arg7 : memref<!tpu.dma_semaphore, #tpu.memory_space<semaphore_mem>>)
    %dma_start3A_353 = arith.constant 13 : i32
    %dma_start3A_354 = arith.constant 1 : i32
    %dma_start3A_355 = arith.constant 13 : i32
    %dma_start3A_356 = arith.constant 128 : i32
    %dma_start3A_357 = tpu.memref_slice %arg6[%dma_start3A_355, %dma_start3A_356] : memref<16x1024xf32, #tpu.memory_space<vmem>> -> memref<1x128xf32, #tpu.memory_space<vmem>>
    %dma_start3A_358 = tpu.memref_squeeze %dma_start3A_357 : memref<1x128xf32, #tpu.memory_space<vmem>> -> memref<128xf32, #tpu.memory_space<vmem>>
    %dma_start3A_359 = arith.constant 0 : i32
    %dma_start3A_360 = tpu.memref_slice %arg5[%dma_start3A_353, %dma_start3A_354, %dma_start3A_359] : memref<16x8x128xi32, #tpu.memory_space<vmem>> -> memref<1x1x128xi32, #tpu.memory_space<vmem>>
    %dma_start3A_361 = tpu.memref_squeeze %dma_start3A_360 : memref<1x1x128xi32, #tpu.memory_space<vmem>> -> memref<128xi32, #tpu.memory_space<vmem>>
    %dma_start3A_362 = arith.constant 0 : i32
    %dma_start3A_363 = tpu.memref_slice %arg2[%dma_start3A_362] : memref<32000000xf32, #tpu.memory_space<hbm>> -> memref<32000000xf32, #tpu.memory_space<hbm>>
    tpu.enqueue_indirect_dma source(%dma_start3A_363 : memref<32000000xf32, #tpu.memory_space<hbm>>) target(%dma_start3A_358 : memref<128xf32, #tpu.memory_space<vmem>>) offsets(%dma_start3A_361 : memref<128xi32, #tpu.memory_space<vmem>>) semaphore(%arg7 : memref<!tpu.dma_semaphore, #tpu.memory_space<semaphore_mem>>)
    %dma_start3A_364 = arith.constant 14 : i32
    %dma_start3A_365 = arith.constant 1 : i32
    %dma_start3A_366 = arith.constant 14 : i32
    %dma_start3A_367 = arith.constant 128 : i32
    %dma_start3A_368 = tpu.memref_slice %arg6[%dma_start3A_366, %dma_start3A_367] : memref<16x1024xf32, #tpu.memory_space<vmem>> -> memref<1x128xf32, #tpu.memory_space<vmem>>
    %dma_start3A_369 = tpu.memref_squeeze %dma_start3A_368 : memref<1x128xf32, #tpu.memory_space<vmem>> -> memref<128xf32, #tpu.memory_space<vmem>>
    %dma_start3A_370 = arith.constant 0 : i32
    %dma_start3A_371 = tpu.memref_slice %arg5[%dma_start3A_364, %dma_start3A_365, %dma_start3A_370] : memref<16x8x128xi32, #tpu.memory_space<vmem>> -> memref<1x1x128xi32, #tpu.memory_space<vmem>>
    %dma_start3A_372 = tpu.memref_squeeze %dma_start3A_371 : memref<1x1x128xi32, #tpu.memory_space<vmem>> -> memref<128xi32, #tpu.memory_space<vmem>>
    %dma_start3A_373 = arith.constant 0 : i32
    %dma_start3A_374 = tpu.memref_slice %arg2[%dma_start3A_373] : memref<32000000xf32, #tpu.memory_space<hbm>> -> memref<32000000xf32, #tpu.memory_space<hbm>>
    tpu.enqueue_indirect_dma source(%dma_start3A_374 : memref<32000000xf32, #tpu.memory_space<hbm>>) target(%dma_start3A_369 : memref<128xf32, #tpu.memory_space<vmem>>) offsets(%dma_start3A_372 : memref<128xi32, #tpu.memory_space<vmem>>) semaphore(%arg7 : memref<!tpu.dma_semaphore, #tpu.memory_space<semaphore_mem>>)
    %dma_start3A_375 = arith.constant 15 : i32
    %dma_start3A_376 = arith.constant 1 : i32
    %dma_start3A_377 = arith.constant 15 : i32
    %dma_start3A_378 = arith.constant 128 : i32
    %dma_start3A_379 = tpu.memref_slice %arg6[%dma_start3A_377, %dma_start3A_378] : memref<16x1024xf32, #tpu.memory_space<vmem>> -> memref<1x128xf32, #tpu.memory_space<vmem>>
    %dma_start3A_380 = tpu.memref_squeeze %dma_start3A_379 : memref<1x128xf32, #tpu.memory_space<vmem>> -> memref<128xf32, #tpu.memory_space<vmem>>
    %dma_start3A_381 = arith.constant 0 : i32
    %dma_start3A_382 = tpu.memref_slice %arg5[%dma_start3A_375, %dma_start3A_376, %dma_start3A_381] : memref<16x8x128xi32, #tpu.memory_space<vmem>> -> memref<1x1x128xi32, #tpu.memory_space<vmem>>
    %dma_start3A_383 = tpu.memref_squeeze %dma_start3A_382 : memref<1x1x128xi32, #tpu.memory_space<vmem>> -> memref<128xi32, #tpu.memory_space<vmem>>
    %dma_start3A_384 = arith.constant 0 : i32
    %dma_start3A_385 = tpu.memref_slice %arg2[%dma_start3A_384] : memref<32000000xf32, #tpu.memory_space<hbm>> -> memref<32000000xf32, #tpu.memory_space<hbm>>
    tpu.enqueue_indirect_dma source(%dma_start3A_385 : memref<32000000xf32, #tpu.memory_space<hbm>>) target(%dma_start3A_380 : memref<128xf32, #tpu.memory_space<vmem>>) offsets(%dma_start3A_383 : memref<128xi32, #tpu.memory_space<vmem>>) semaphore(%arg7 : memref<!tpu.dma_semaphore, #tpu.memory_space<semaphore_mem>>)
    %dma_start3A_386 = arith.constant 0 : i32
    %dma_start3A_387 = arith.constant 2 : i32
    %dma_start3A_388 = arith.constant 0 : i32
    %dma_start3A_389 = arith.constant 256 : i32
    %dma_start3A_390 = tpu.memref_slice %arg6[%dma_start3A_388, %dma_start3A_389] : memref<16x1024xf32, #tpu.memory_space<vmem>> -> memref<1x128xf32, #tpu.memory_space<vmem>>
    %dma_start3A_391 = tpu.memref_squeeze %dma_start3A_390 : memref<1x128xf32, #tpu.memory_space<vmem>> -> memref<128xf32, #tpu.memory_space<vmem>>
    %dma_start3A_392 = arith.constant 0 : i32
    %dma_start3A_393 = tpu.memref_slice %arg5[%dma_start3A_386, %dma_start3A_387, %dma_start3A_392] : memref<16x8x128xi32, #tpu.memory_space<vmem>> -> memref<1x1x128xi32, #tpu.memory_space<vmem>>
    %dma_start3A_394 = tpu.memref_squeeze %dma_start3A_393 : memref<1x1x128xi32, #tpu.memory_space<vmem>> -> memref<128xi32, #tpu.memory_space<vmem>>
    %dma_start3A_395 = arith.constant 0 : i32
    %dma_start3A_396 = tpu.memref_slice %arg2[%dma_start3A_395] : memref<32000000xf32, #tpu.memory_space<hbm>> -> memref<32000000xf32, #tpu.memory_space<hbm>>
    tpu.enqueue_indirect_dma source(%dma_start3A_396 : memref<32000000xf32, #tpu.memory_space<hbm>>) target(%dma_start3A_391 : memref<128xf32, #tpu.memory_space<vmem>>) offsets(%dma_start3A_394 : memref<128xi32, #tpu.memory_space<vmem>>) semaphore(%arg7 : memref<!tpu.dma_semaphore, #tpu.memory_space<semaphore_mem>>)
    %dma_start3A_397 = arith.constant 1 : i32
    %dma_start3A_398 = arith.constant 2 : i32
    %dma_start3A_399 = arith.constant 1 : i32
    %dma_start3A_400 = arith.constant 256 : i32
    %dma_start3A_401 = tpu.memref_slice %arg6[%dma_start3A_399, %dma_start3A_400] : memref<16x1024xf32, #tpu.memory_space<vmem>> -> memref<1x128xf32, #tpu.memory_space<vmem>>
    %dma_start3A_402 = tpu.memref_squeeze %dma_start3A_401 : memref<1x128xf32, #tpu.memory_space<vmem>> -> memref<128xf32, #tpu.memory_space<vmem>>
    %dma_start3A_403 = arith.constant 0 : i32
    %dma_start3A_404 = tpu.memref_slice %arg5[%dma_start3A_397, %dma_start3A_398, %dma_start3A_403] : memref<16x8x128xi32, #tpu.memory_space<vmem>> -> memref<1x1x128xi32, #tpu.memory_space<vmem>>
    %dma_start3A_405 = tpu.memref_squeeze %dma_start3A_404 : memref<1x1x128xi32, #tpu.memory_space<vmem>> -> memref<128xi32, #tpu.memory_space<vmem>>
    %dma_start3A_406 = arith.constant 0 : i32
    %dma_start3A_407 = tpu.memref_slice %arg2[%dma_start3A_406] : memref<32000000xf32, #tpu.memory_space<hbm>> -> memref<32000000xf32, #tpu.memory_space<hbm>>
    tpu.enqueue_indirect_dma source(%dma_start3A_407 : memref<32000000xf32, #tpu.memory_space<hbm>>) target(%dma_start3A_402 : memref<128xf32, #tpu.memory_space<vmem>>) offsets(%dma_start3A_405 : memref<128xi32, #tpu.memory_space<vmem>>) semaphore(%arg7 : memref<!tpu.dma_semaphore, #tpu.memory_space<semaphore_mem>>)
    %dma_start3A_408 = arith.constant 2 : i32
    %dma_start3A_409 = arith.constant 2 : i32
    %dma_start3A_410 = arith.constant 2 : i32
    %dma_start3A_411 = arith.constant 256 : i32
    %dma_start3A_412 = tpu.memref_slice %arg6[%dma_start3A_410, %dma_start3A_411] : memref<16x1024xf32, #tpu.memory_space<vmem>> -> memref<1x128xf32, #tpu.memory_space<vmem>>
    %dma_start3A_413 = tpu.memref_squeeze %dma_start3A_412 : memref<1x128xf32, #tpu.memory_space<vmem>> -> memref<128xf32, #tpu.memory_space<vmem>>
    %dma_start3A_414 = arith.constant 0 : i32
    %dma_start3A_415 = tpu.memref_slice %arg5[%dma_start3A_408, %dma_start3A_409, %dma_start3A_414] : memref<16x8x128xi32, #tpu.memory_space<vmem>> -> memref<1x1x128xi32, #tpu.memory_space<vmem>>
    %dma_start3A_416 = tpu.memref_squeeze %dma_start3A_415 : memref<1x1x128xi32, #tpu.memory_space<vmem>> -> memref<128xi32, #tpu.memory_space<vmem>>
    %dma_start3A_417 = arith.constant 0 : i32
    %dma_start3A_418 = tpu.memref_slice %arg2[%dma_start3A_417] : memref<32000000xf32, #tpu.memory_space<hbm>> -> memref<32000000xf32, #tpu.memory_space<hbm>>
    tpu.enqueue_indirect_dma source(%dma_start3A_418 : memref<32000000xf32, #tpu.memory_space<hbm>>) target(%dma_start3A_413 : memref<128xf32, #tpu.memory_space<vmem>>) offsets(%dma_start3A_416 : memref<128xi32, #tpu.memory_space<vmem>>) semaphore(%arg7 : memref<!tpu.dma_semaphore, #tpu.memory_space<semaphore_mem>>)
    %dma_start3A_419 = arith.constant 3 : i32
    %dma_start3A_420 = arith.constant 2 : i32
    %dma_start3A_421 = arith.constant 3 : i32
    %dma_start3A_422 = arith.constant 256 : i32
    %dma_start3A_423 = tpu.memref_slice %arg6[%dma_start3A_421, %dma_start3A_422] : memref<16x1024xf32, #tpu.memory_space<vmem>> -> memref<1x128xf32, #tpu.memory_space<vmem>>
    %dma_start3A_424 = tpu.memref_squeeze %dma_start3A_423 : memref<1x128xf32, #tpu.memory_space<vmem>> -> memref<128xf32, #tpu.memory_space<vmem>>
    %dma_start3A_425 = arith.constant 0 : i32
    %dma_start3A_426 = tpu.memref_slice %arg5[%dma_start3A_419, %dma_start3A_420, %dma_start3A_425] : memref<16x8x128xi32, #tpu.memory_space<vmem>> -> memref<1x1x128xi32, #tpu.memory_space<vmem>>
    %dma_start3A_427 = tpu.memref_squeeze %dma_start3A_426 : memref<1x1x128xi32, #tpu.memory_space<vmem>> -> memref<128xi32, #tpu.memory_space<vmem>>
    %dma_start3A_428 = arith.constant 0 : i32
    %dma_start3A_429 = tpu.memref_slice %arg2[%dma_start3A_428] : memref<32000000xf32, #tpu.memory_space<hbm>> -> memref<32000000xf32, #tpu.memory_space<hbm>>
    tpu.enqueue_indirect_dma source(%dma_start3A_429 : memref<32000000xf32, #tpu.memory_space<hbm>>) target(%dma_start3A_424 : memref<128xf32, #tpu.memory_space<vmem>>) offsets(%dma_start3A_427 : memref<128xi32, #tpu.memory_space<vmem>>) semaphore(%arg7 : memref<!tpu.dma_semaphore, #tpu.memory_space<semaphore_mem>>)
    %dma_start3A_430 = arith.constant 4 : i32
    %dma_start3A_431 = arith.constant 2 : i32
    %dma_start3A_432 = arith.constant 4 : i32
    %dma_start3A_433 = arith.constant 256 : i32
    %dma_start3A_434 = tpu.memref_slice %arg6[%dma_start3A_432, %dma_start3A_433] : memref<16x1024xf32, #tpu.memory_space<vmem>> -> memref<1x128xf32, #tpu.memory_space<vmem>>
    %dma_start3A_435 = tpu.memref_squeeze %dma_start3A_434 : memref<1x128xf32, #tpu.memory_space<vmem>> -> memref<128xf32, #tpu.memory_space<vmem>>
    %dma_start3A_436 = arith.constant 0 : i32
    %dma_start3A_437 = tpu.memref_slice %arg5[%dma_start3A_430, %dma_start3A_431, %dma_start3A_436] : memref<16x8x128xi32, #tpu.memory_space<vmem>> -> memref<1x1x128xi32, #tpu.memory_space<vmem>>
    %dma_start3A_438 = tpu.memref_squeeze %dma_start3A_437 : memref<1x1x128xi32, #tpu.memory_space<vmem>> -> memref<128xi32, #tpu.memory_space<vmem>>
    %dma_start3A_439 = arith.constant 0 : i32
    %dma_start3A_440 = tpu.memref_slice %arg2[%dma_start3A_439] : memref<32000000xf32, #tpu.memory_space<hbm>> -> memref<32000000xf32, #tpu.memory_space<hbm>>
    tpu.enqueue_indirect_dma source(%dma_start3A_440 : memref<32000000xf32, #tpu.memory_space<hbm>>) target(%dma_start3A_435 : memref<128xf32, #tpu.memory_space<vmem>>) offsets(%dma_start3A_438 : memref<128xi32, #tpu.memory_space<vmem>>) semaphore(%arg7 : memref<!tpu.dma_semaphore, #tpu.memory_space<semaphore_mem>>)
    %dma_start3A_441 = arith.constant 5 : i32
    %dma_start3A_442 = arith.constant 2 : i32
    %dma_start3A_443 = arith.constant 5 : i32
    %dma_start3A_444 = arith.constant 256 : i32
    %dma_start3A_445 = tpu.memref_slice %arg6[%dma_start3A_443, %dma_start3A_444] : memref<16x1024xf32, #tpu.memory_space<vmem>> -> memref<1x128xf32, #tpu.memory_space<vmem>>
    %dma_start3A_446 = tpu.memref_squeeze %dma_start3A_445 : memref<1x128xf32, #tpu.memory_space<vmem>> -> memref<128xf32, #tpu.memory_space<vmem>>
    %dma_start3A_447 = arith.constant 0 : i32
    %dma_start3A_448 = tpu.memref_slice %arg5[%dma_start3A_441, %dma_start3A_442, %dma_start3A_447] : memref<16x8x128xi32, #tpu.memory_space<vmem>> -> memref<1x1x128xi32, #tpu.memory_space<vmem>>
    %dma_start3A_449 = tpu.memref_squeeze %dma_start3A_448 : memref<1x1x128xi32, #tpu.memory_space<vmem>> -> memref<128xi32, #tpu.memory_space<vmem>>
    %dma_start3A_450 = arith.constant 0 : i32
    %dma_start3A_451 = tpu.memref_slice %arg2[%dma_start3A_450] : memref<32000000xf32, #tpu.memory_space<hbm>> -> memref<32000000xf32, #tpu.memory_space<hbm>>
    tpu.enqueue_indirect_dma source(%dma_start3A_451 : memref<32000000xf32, #tpu.memory_space<hbm>>) target(%dma_start3A_446 : memref<128xf32, #tpu.memory_space<vmem>>) offsets(%dma_start3A_449 : memref<128xi32, #tpu.memory_space<vmem>>) semaphore(%arg7 : memref<!tpu.dma_semaphore, #tpu.memory_space<semaphore_mem>>)
    %dma_start3A_452 = arith.constant 6 : i32
    %dma_start3A_453 = arith.constant 2 : i32
    %dma_start3A_454 = arith.constant 6 : i32
    %dma_start3A_455 = arith.constant 256 : i32
    %dma_start3A_456 = tpu.memref_slice %arg6[%dma_start3A_454, %dma_start3A_455] : memref<16x1024xf32, #tpu.memory_space<vmem>> -> memref<1x128xf32, #tpu.memory_space<vmem>>
    %dma_start3A_457 = tpu.memref_squeeze %dma_start3A_456 : memref<1x128xf32, #tpu.memory_space<vmem>> -> memref<128xf32, #tpu.memory_space<vmem>>
    %dma_start3A_458 = arith.constant 0 : i32
    %dma_start3A_459 = tpu.memref_slice %arg5[%dma_start3A_452, %dma_start3A_453, %dma_start3A_458] : memref<16x8x128xi32, #tpu.memory_space<vmem>> -> memref<1x1x128xi32, #tpu.memory_space<vmem>>
    %dma_start3A_460 = tpu.memref_squeeze %dma_start3A_459 : memref<1x1x128xi32, #tpu.memory_space<vmem>> -> memref<128xi32, #tpu.memory_space<vmem>>
    %dma_start3A_461 = arith.constant 0 : i32
    %dma_start3A_462 = tpu.memref_slice %arg2[%dma_start3A_461] : memref<32000000xf32, #tpu.memory_space<hbm>> -> memref<32000000xf32, #tpu.memory_space<hbm>>
    tpu.enqueue_indirect_dma source(%dma_start3A_462 : memref<32000000xf32, #tpu.memory_space<hbm>>) target(%dma_start3A_457 : memref<128xf32, #tpu.memory_space<vmem>>) offsets(%dma_start3A_460 : memref<128xi32, #tpu.memory_space<vmem>>) semaphore(%arg7 : memref<!tpu.dma_semaphore, #tpu.memory_space<semaphore_mem>>)
    %dma_start3A_463 = arith.constant 7 : i32
    %dma_start3A_464 = arith.constant 2 : i32
    %dma_start3A_465 = arith.constant 7 : i32
    %dma_start3A_466 = arith.constant 256 : i32
    %dma_start3A_467 = tpu.memref_slice %arg6[%dma_start3A_465, %dma_start3A_466] : memref<16x1024xf32, #tpu.memory_space<vmem>> -> memref<1x128xf32, #tpu.memory_space<vmem>>
    %dma_start3A_468 = tpu.memref_squeeze %dma_start3A_467 : memref<1x128xf32, #tpu.memory_space<vmem>> -> memref<128xf32, #tpu.memory_space<vmem>>
    %dma_start3A_469 = arith.constant 0 : i32
    %dma_start3A_470 = tpu.memref_slice %arg5[%dma_start3A_463, %dma_start3A_464, %dma_start3A_469] : memref<16x8x128xi32, #tpu.memory_space<vmem>> -> memref<1x1x128xi32, #tpu.memory_space<vmem>>
    %dma_start3A_471 = tpu.memref_squeeze %dma_start3A_470 : memref<1x1x128xi32, #tpu.memory_space<vmem>> -> memref<128xi32, #tpu.memory_space<vmem>>
    %dma_start3A_472 = arith.constant 0 : i32
    %dma_start3A_473 = tpu.memref_slice %arg2[%dma_start3A_472] : memref<32000000xf32, #tpu.memory_space<hbm>> -> memref<32000000xf32, #tpu.memory_space<hbm>>
    tpu.enqueue_indirect_dma source(%dma_start3A_473 : memref<32000000xf32, #tpu.memory_space<hbm>>) target(%dma_start3A_468 : memref<128xf32, #tpu.memory_space<vmem>>) offsets(%dma_start3A_471 : memref<128xi32, #tpu.memory_space<vmem>>) semaphore(%arg7 : memref<!tpu.dma_semaphore, #tpu.memory_space<semaphore_mem>>)
    %dma_start3A_474 = arith.constant 8 : i32
    %dma_start3A_475 = arith.constant 2 : i32
    %dma_start3A_476 = arith.constant 8 : i32
    %dma_start3A_477 = arith.constant 256 : i32
    %dma_start3A_478 = tpu.memref_slice %arg6[%dma_start3A_476, %dma_start3A_477] : memref<16x1024xf32, #tpu.memory_space<vmem>> -> memref<1x128xf32, #tpu.memory_space<vmem>>
    %dma_start3A_479 = tpu.memref_squeeze %dma_start3A_478 : memref<1x128xf32, #tpu.memory_space<vmem>> -> memref<128xf32, #tpu.memory_space<vmem>>
    %dma_start3A_480 = arith.constant 0 : i32
    %dma_start3A_481 = tpu.memref_slice %arg5[%dma_start3A_474, %dma_start3A_475, %dma_start3A_480] : memref<16x8x128xi32, #tpu.memory_space<vmem>> -> memref<1x1x128xi32, #tpu.memory_space<vmem>>
    %dma_start3A_482 = tpu.memref_squeeze %dma_start3A_481 : memref<1x1x128xi32, #tpu.memory_space<vmem>> -> memref<128xi32, #tpu.memory_space<vmem>>
    %dma_start3A_483 = arith.constant 0 : i32
    %dma_start3A_484 = tpu.memref_slice %arg2[%dma_start3A_483] : memref<32000000xf32, #tpu.memory_space<hbm>> -> memref<32000000xf32, #tpu.memory_space<hbm>>
    tpu.enqueue_indirect_dma source(%dma_start3A_484 : memref<32000000xf32, #tpu.memory_space<hbm>>) target(%dma_start3A_479 : memref<128xf32, #tpu.memory_space<vmem>>) offsets(%dma_start3A_482 : memref<128xi32, #tpu.memory_space<vmem>>) semaphore(%arg7 : memref<!tpu.dma_semaphore, #tpu.memory_space<semaphore_mem>>)
    %dma_start3A_485 = arith.constant 9 : i32
    %dma_start3A_486 = arith.constant 2 : i32
    %dma_start3A_487 = arith.constant 9 : i32
    %dma_start3A_488 = arith.constant 256 : i32
    %dma_start3A_489 = tpu.memref_slice %arg6[%dma_start3A_487, %dma_start3A_488] : memref<16x1024xf32, #tpu.memory_space<vmem>> -> memref<1x128xf32, #tpu.memory_space<vmem>>
    %dma_start3A_490 = tpu.memref_squeeze %dma_start3A_489 : memref<1x128xf32, #tpu.memory_space<vmem>> -> memref<128xf32, #tpu.memory_space<vmem>>
    %dma_start3A_491 = arith.constant 0 : i32
    %dma_start3A_492 = tpu.memref_slice %arg5[%dma_start3A_485, %dma_start3A_486, %dma_start3A_491] : memref<16x8x128xi32, #tpu.memory_space<vmem>> -> memref<1x1x128xi32, #tpu.memory_space<vmem>>
    %dma_start3A_493 = tpu.memref_squeeze %dma_start3A_492 : memref<1x1x128xi32, #tpu.memory_space<vmem>> -> memref<128xi32, #tpu.memory_space<vmem>>
    %dma_start3A_494 = arith.constant 0 : i32
    %dma_start3A_495 = tpu.memref_slice %arg2[%dma_start3A_494] : memref<32000000xf32, #tpu.memory_space<hbm>> -> memref<32000000xf32, #tpu.memory_space<hbm>>
    tpu.enqueue_indirect_dma source(%dma_start3A_495 : memref<32000000xf32, #tpu.memory_space<hbm>>) target(%dma_start3A_490 : memref<128xf32, #tpu.memory_space<vmem>>) offsets(%dma_start3A_493 : memref<128xi32, #tpu.memory_space<vmem>>) semaphore(%arg7 : memref<!tpu.dma_semaphore, #tpu.memory_space<semaphore_mem>>)
    %dma_start3A_496 = arith.constant 10 : i32
    %dma_start3A_497 = arith.constant 2 : i32
    %dma_start3A_498 = arith.constant 10 : i32
    %dma_start3A_499 = arith.constant 256 : i32
    %dma_start3A_500 = tpu.memref_slice %arg6[%dma_start3A_498, %dma_start3A_499] : memref<16x1024xf32, #tpu.memory_space<vmem>> -> memref<1x128xf32, #tpu.memory_space<vmem>>
    %dma_start3A_501 = tpu.memref_squeeze %dma_start3A_500 : memref<1x128xf32, #tpu.memory_space<vmem>> -> memref<128xf32, #tpu.memory_space<vmem>>
    %dma_start3A_502 = arith.constant 0 : i32
    %dma_start3A_503 = tpu.memref_slice %arg5[%dma_start3A_496, %dma_start3A_497, %dma_start3A_502] : memref<16x8x128xi32, #tpu.memory_space<vmem>> -> memref<1x1x128xi32, #tpu.memory_space<vmem>>
    %dma_start3A_504 = tpu.memref_squeeze %dma_start3A_503 : memref<1x1x128xi32, #tpu.memory_space<vmem>> -> memref<128xi32, #tpu.memory_space<vmem>>
    %dma_start3A_505 = arith.constant 0 : i32
    %dma_start3A_506 = tpu.memref_slice %arg2[%dma_start3A_505] : memref<32000000xf32, #tpu.memory_space<hbm>> -> memref<32000000xf32, #tpu.memory_space<hbm>>
    tpu.enqueue_indirect_dma source(%dma_start3A_506 : memref<32000000xf32, #tpu.memory_space<hbm>>) target(%dma_start3A_501 : memref<128xf32, #tpu.memory_space<vmem>>) offsets(%dma_start3A_504 : memref<128xi32, #tpu.memory_space<vmem>>) semaphore(%arg7 : memref<!tpu.dma_semaphore, #tpu.memory_space<semaphore_mem>>)
    %dma_start3A_507 = arith.constant 11 : i32
    %dma_start3A_508 = arith.constant 2 : i32
    %dma_start3A_509 = arith.constant 11 : i32
    %dma_start3A_510 = arith.constant 256 : i32
    %dma_start3A_511 = tpu.memref_slice %arg6[%dma_start3A_509, %dma_start3A_510] : memref<16x1024xf32, #tpu.memory_space<vmem>> -> memref<1x128xf32, #tpu.memory_space<vmem>>
    %dma_start3A_512 = tpu.memref_squeeze %dma_start3A_511 : memref<1x128xf32, #tpu.memory_space<vmem>> -> memref<128xf32, #tpu.memory_space<vmem>>
    %dma_start3A_513 = arith.constant 0 : i32
    %dma_start3A_514 = tpu.memref_slice %arg5[%dma_start3A_507, %dma_start3A_508, %dma_start3A_513] : memref<16x8x128xi32, #tpu.memory_space<vmem>> -> memref<1x1x128xi32, #tpu.memory_space<vmem>>
    %dma_start3A_515 = tpu.memref_squeeze %dma_start3A_514 : memref<1x1x128xi32, #tpu.memory_space<vmem>> -> memref<128xi32, #tpu.memory_space<vmem>>
    %dma_start3A_516 = arith.constant 0 : i32
    %dma_start3A_517 = tpu.memref_slice %arg2[%dma_start3A_516] : memref<32000000xf32, #tpu.memory_space<hbm>> -> memref<32000000xf32, #tpu.memory_space<hbm>>
    tpu.enqueue_indirect_dma source(%dma_start3A_517 : memref<32000000xf32, #tpu.memory_space<hbm>>) target(%dma_start3A_512 : memref<128xf32, #tpu.memory_space<vmem>>) offsets(%dma_start3A_515 : memref<128xi32, #tpu.memory_space<vmem>>) semaphore(%arg7 : memref<!tpu.dma_semaphore, #tpu.memory_space<semaphore_mem>>)
    %dma_start3A_518 = arith.constant 12 : i32
    %dma_start3A_519 = arith.constant 2 : i32
    %dma_start3A_520 = arith.constant 12 : i32
    %dma_start3A_521 = arith.constant 256 : i32
    %dma_start3A_522 = tpu.memref_slice %arg6[%dma_start3A_520, %dma_start3A_521] : memref<16x1024xf32, #tpu.memory_space<vmem>> -> memref<1x128xf32, #tpu.memory_space<vmem>>
    %dma_start3A_523 = tpu.memref_squeeze %dma_start3A_522 : memref<1x128xf32, #tpu.memory_space<vmem>> -> memref<128xf32, #tpu.memory_space<vmem>>
    %dma_start3A_524 = arith.constant 0 : i32
    %dma_start3A_525 = tpu.memref_slice %arg5[%dma_start3A_518, %dma_start3A_519, %dma_start3A_524] : memref<16x8x128xi32, #tpu.memory_space<vmem>> -> memref<1x1x128xi32, #tpu.memory_space<vmem>>
    %dma_start3A_526 = tpu.memref_squeeze %dma_start3A_525 : memref<1x1x128xi32, #tpu.memory_space<vmem>> -> memref<128xi32, #tpu.memory_space<vmem>>
    %dma_start3A_527 = arith.constant 0 : i32
    %dma_start3A_528 = tpu.memref_slice %arg2[%dma_start3A_527] : memref<32000000xf32, #tpu.memory_space<hbm>> -> memref<32000000xf32, #tpu.memory_space<hbm>>
    tpu.enqueue_indirect_dma source(%dma_start3A_528 : memref<32000000xf32, #tpu.memory_space<hbm>>) target(%dma_start3A_523 : memref<128xf32, #tpu.memory_space<vmem>>) offsets(%dma_start3A_526 : memref<128xi32, #tpu.memory_space<vmem>>) semaphore(%arg7 : memref<!tpu.dma_semaphore, #tpu.memory_space<semaphore_mem>>)
    %dma_start3A_529 = arith.constant 13 : i32
    %dma_start3A_530 = arith.constant 2 : i32
    %dma_start3A_531 = arith.constant 13 : i32
    %dma_start3A_532 = arith.constant 256 : i32
    %dma_start3A_533 = tpu.memref_slice %arg6[%dma_start3A_531, %dma_start3A_532] : memref<16x1024xf32, #tpu.memory_space<vmem>> -> memref<1x128xf32, #tpu.memory_space<vmem>>
    %dma_start3A_534 = tpu.memref_squeeze %dma_start3A_533 : memref<1x128xf32, #tpu.memory_space<vmem>> -> memref<128xf32, #tpu.memory_space<vmem>>
    %dma_start3A_535 = arith.constant 0 : i32
    %dma_start3A_536 = tpu.memref_slice %arg5[%dma_start3A_529, %dma_start3A_530, %dma_start3A_535] : memref<16x8x128xi32, #tpu.memory_space<vmem>> -> memref<1x1x128xi32, #tpu.memory_space<vmem>>
    %dma_start3A_537 = tpu.memref_squeeze %dma_start3A_536 : memref<1x1x128xi32, #tpu.memory_space<vmem>> -> memref<128xi32, #tpu.memory_space<vmem>>
    %dma_start3A_538 = arith.constant 0 : i32
    %dma_start3A_539 = tpu.memref_slice %arg2[%dma_start3A_538] : memref<32000000xf32, #tpu.memory_space<hbm>> -> memref<32000000xf32, #tpu.memory_space<hbm>>
    tpu.enqueue_indirect_dma source(%dma_start3A_539 : memref<32000000xf32, #tpu.memory_space<hbm>>) target(%dma_start3A_534 : memref<128xf32, #tpu.memory_space<vmem>>) offsets(%dma_start3A_537 : memref<128xi32, #tpu.memory_space<vmem>>) semaphore(%arg7 : memref<!tpu.dma_semaphore, #tpu.memory_space<semaphore_mem>>)
    %dma_start3A_540 = arith.constant 14 : i32
    %dma_start3A_541 = arith.constant 2 : i32
    %dma_start3A_542 = arith.constant 14 : i32
    %dma_start3A_543 = arith.constant 256 : i32
    %dma_start3A_544 = tpu.memref_slice %arg6[%dma_start3A_542, %dma_start3A_543] : memref<16x1024xf32, #tpu.memory_space<vmem>> -> memref<1x128xf32, #tpu.memory_space<vmem>>
    %dma_start3A_545 = tpu.memref_squeeze %dma_start3A_544 : memref<1x128xf32, #tpu.memory_space<vmem>> -> memref<128xf32, #tpu.memory_space<vmem>>
    %dma_start3A_546 = arith.constant 0 : i32
    %dma_start3A_547 = tpu.memref_slice %arg5[%dma_start3A_540, %dma_start3A_541, %dma_start3A_546] : memref<16x8x128xi32, #tpu.memory_space<vmem>> -> memref<1x1x128xi32, #tpu.memory_space<vmem>>
    %dma_start3A_548 = tpu.memref_squeeze %dma_start3A_547 : memref<1x1x128xi32, #tpu.memory_space<vmem>> -> memref<128xi32, #tpu.memory_space<vmem>>
    %dma_start3A_549 = arith.constant 0 : i32
    %dma_start3A_550 = tpu.memref_slice %arg2[%dma_start3A_549] : memref<32000000xf32, #tpu.memory_space<hbm>> -> memref<32000000xf32, #tpu.memory_space<hbm>>
    tpu.enqueue_indirect_dma source(%dma_start3A_550 : memref<32000000xf32, #tpu.memory_space<hbm>>) target(%dma_start3A_545 : memref<128xf32, #tpu.memory_space<vmem>>) offsets(%dma_start3A_548 : memref<128xi32, #tpu.memory_space<vmem>>) semaphore(%arg7 : memref<!tpu.dma_semaphore, #tpu.memory_space<semaphore_mem>>)
    %dma_start3A_551 = arith.constant 15 : i32
    %dma_start3A_552 = arith.constant 2 : i32
    %dma_start3A_553 = arith.constant 15 : i32
    %dma_start3A_554 = arith.constant 256 : i32
    %dma_start3A_555 = tpu.memref_slice %arg6[%dma_start3A_553, %dma_start3A_554] : memref<16x1024xf32, #tpu.memory_space<vmem>> -> memref<1x128xf32, #tpu.memory_space<vmem>>
    %dma_start3A_556 = tpu.memref_squeeze %dma_start3A_555 : memref<1x128xf32, #tpu.memory_space<vmem>> -> memref<128xf32, #tpu.memory_space<vmem>>
    %dma_start3A_557 = arith.constant 0 : i32
    %dma_start3A_558 = tpu.memref_slice %arg5[%dma_start3A_551, %dma_start3A_552, %dma_start3A_557] : memref<16x8x128xi32, #tpu.memory_space<vmem>> -> memref<1x1x128xi32, #tpu.memory_space<vmem>>
    %dma_start3A_559 = tpu.memref_squeeze %dma_start3A_558 : memref<1x1x128xi32, #tpu.memory_space<vmem>> -> memref<128xi32, #tpu.memory_space<vmem>>
    %dma_start3A_560 = arith.constant 0 : i32
    %dma_start3A_561 = tpu.memref_slice %arg2[%dma_start3A_560] : memref<32000000xf32, #tpu.memory_space<hbm>> -> memref<32000000xf32, #tpu.memory_space<hbm>>
    tpu.enqueue_indirect_dma source(%dma_start3A_561 : memref<32000000xf32, #tpu.memory_space<hbm>>) target(%dma_start3A_556 : memref<128xf32, #tpu.memory_space<vmem>>) offsets(%dma_start3A_559 : memref<128xi32, #tpu.memory_space<vmem>>) semaphore(%arg7 : memref<!tpu.dma_semaphore, #tpu.memory_space<semaphore_mem>>)
    %dma_start3A_562 = arith.constant 0 : i32
    %dma_start3A_563 = arith.constant 3 : i32
    %dma_start3A_564 = arith.constant 0 : i32
    %dma_start3A_565 = arith.constant 384 : i32
    %dma_start3A_566 = tpu.memref_slice %arg6[%dma_start3A_564, %dma_start3A_565] : memref<16x1024xf32, #tpu.memory_space<vmem>> -> memref<1x128xf32, #tpu.memory_space<vmem>>
    %dma_start3A_567 = tpu.memref_squeeze %dma_start3A_566 : memref<1x128xf32, #tpu.memory_space<vmem>> -> memref<128xf32, #tpu.memory_space<vmem>>
    %dma_start3A_568 = arith.constant 0 : i32
    %dma_start3A_569 = tpu.memref_slice %arg5[%dma_start3A_562, %dma_start3A_563, %dma_start3A_568] : memref<16x8x128xi32, #tpu.memory_space<vmem>> -> memref<1x1x128xi32, #tpu.memory_space<vmem>>
    %dma_start3A_570 = tpu.memref_squeeze %dma_start3A_569 : memref<1x1x128xi32, #tpu.memory_space<vmem>> -> memref<128xi32, #tpu.memory_space<vmem>>
    %dma_start3A_571 = arith.constant 0 : i32
    %dma_start3A_572 = tpu.memref_slice %arg2[%dma_start3A_571] : memref<32000000xf32, #tpu.memory_space<hbm>> -> memref<32000000xf32, #tpu.memory_space<hbm>>
    tpu.enqueue_indirect_dma source(%dma_start3A_572 : memref<32000000xf32, #tpu.memory_space<hbm>>) target(%dma_start3A_567 : memref<128xf32, #tpu.memory_space<vmem>>) offsets(%dma_start3A_570 : memref<128xi32, #tpu.memory_space<vmem>>) semaphore(%arg7 : memref<!tpu.dma_semaphore, #tpu.memory_space<semaphore_mem>>)
    %dma_start3A_573 = arith.constant 1 : i32
    %dma_start3A_574 = arith.constant 3 : i32
    %dma_start3A_575 = arith.constant 1 : i32
    %dma_start3A_576 = arith.constant 384 : i32
    %dma_start3A_577 = tpu.memref_slice %arg6[%dma_start3A_575, %dma_start3A_576] : memref<16x1024xf32, #tpu.memory_space<vmem>> -> memref<1x128xf32, #tpu.memory_space<vmem>>
    %dma_start3A_578 = tpu.memref_squeeze %dma_start3A_577 : memref<1x128xf32, #tpu.memory_space<vmem>> -> memref<128xf32, #tpu.memory_space<vmem>>
    %dma_start3A_579 = arith.constant 0 : i32
    %dma_start3A_580 = tpu.memref_slice %arg5[%dma_start3A_573, %dma_start3A_574, %dma_start3A_579] : memref<16x8x128xi32, #tpu.memory_space<vmem>> -> memref<1x1x128xi32, #tpu.memory_space<vmem>>
    %dma_start3A_581 = tpu.memref_squeeze %dma_start3A_580 : memref<1x1x128xi32, #tpu.memory_space<vmem>> -> memref<128xi32, #tpu.memory_space<vmem>>
    %dma_start3A_582 = arith.constant 0 : i32
    %dma_start3A_583 = tpu.memref_slice %arg2[%dma_start3A_582] : memref<32000000xf32, #tpu.memory_space<hbm>> -> memref<32000000xf32, #tpu.memory_space<hbm>>
    tpu.enqueue_indirect_dma source(%dma_start3A_583 : memref<32000000xf32, #tpu.memory_space<hbm>>) target(%dma_start3A_578 : memref<128xf32, #tpu.memory_space<vmem>>) offsets(%dma_start3A_581 : memref<128xi32, #tpu.memory_space<vmem>>) semaphore(%arg7 : memref<!tpu.dma_semaphore, #tpu.memory_space<semaphore_mem>>)
    %dma_start3A_584 = arith.constant 2 : i32
    %dma_start3A_585 = arith.constant 3 : i32
    %dma_start3A_586 = arith.constant 2 : i32
    %dma_start3A_587 = arith.constant 384 : i32
    %dma_start3A_588 = tpu.memref_slice %arg6[%dma_start3A_586, %dma_start3A_587] : memref<16x1024xf32, #tpu.memory_space<vmem>> -> memref<1x128xf32, #tpu.memory_space<vmem>>
    %dma_start3A_589 = tpu.memref_squeeze %dma_start3A_588 : memref<1x128xf32, #tpu.memory_space<vmem>> -> memref<128xf32, #tpu.memory_space<vmem>>
    %dma_start3A_590 = arith.constant 0 : i32
    %dma_start3A_591 = tpu.memref_slice %arg5[%dma_start3A_584, %dma_start3A_585, %dma_start3A_590] : memref<16x8x128xi32, #tpu.memory_space<vmem>> -> memref<1x1x128xi32, #tpu.memory_space<vmem>>
    %dma_start3A_592 = tpu.memref_squeeze %dma_start3A_591 : memref<1x1x128xi32, #tpu.memory_space<vmem>> -> memref<128xi32, #tpu.memory_space<vmem>>
    %dma_start3A_593 = arith.constant 0 : i32
    %dma_start3A_594 = tpu.memref_slice %arg2[%dma_start3A_593] : memref<32000000xf32, #tpu.memory_space<hbm>> -> memref<32000000xf32, #tpu.memory_space<hbm>>
    tpu.enqueue_indirect_dma source(%dma_start3A_594 : memref<32000000xf32, #tpu.memory_space<hbm>>) target(%dma_start3A_589 : memref<128xf32, #tpu.memory_space<vmem>>) offsets(%dma_start3A_592 : memref<128xi32, #tpu.memory_space<vmem>>) semaphore(%arg7 : memref<!tpu.dma_semaphore, #tpu.memory_space<semaphore_mem>>)
    %dma_start3A_595 = arith.constant 3 : i32
    %dma_start3A_596 = arith.constant 3 : i32
    %dma_start3A_597 = arith.constant 3 : i32
    %dma_start3A_598 = arith.constant 384 : i32
    %dma_start3A_599 = tpu.memref_slice %arg6[%dma_start3A_597, %dma_start3A_598] : memref<16x1024xf32, #tpu.memory_space<vmem>> -> memref<1x128xf32, #tpu.memory_space<vmem>>
    %dma_start3A_600 = tpu.memref_squeeze %dma_start3A_599 : memref<1x128xf32, #tpu.memory_space<vmem>> -> memref<128xf32, #tpu.memory_space<vmem>>
    %dma_start3A_601 = arith.constant 0 : i32
    %dma_start3A_602 = tpu.memref_slice %arg5[%dma_start3A_595, %dma_start3A_596, %dma_start3A_601] : memref<16x8x128xi32, #tpu.memory_space<vmem>> -> memref<1x1x128xi32, #tpu.memory_space<vmem>>
    %dma_start3A_603 = tpu.memref_squeeze %dma_start3A_602 : memref<1x1x128xi32, #tpu.memory_space<vmem>> -> memref<128xi32, #tpu.memory_space<vmem>>
    %dma_start3A_604 = arith.constant 0 : i32
    %dma_start3A_605 = tpu.memref_slice %arg2[%dma_start3A_604] : memref<32000000xf32, #tpu.memory_space<hbm>> -> memref<32000000xf32, #tpu.memory_space<hbm>>
    tpu.enqueue_indirect_dma source(%dma_start3A_605 : memref<32000000xf32, #tpu.memory_space<hbm>>) target(%dma_start3A_600 : memref<128xf32, #tpu.memory_space<vmem>>) offsets(%dma_start3A_603 : memref<128xi32, #tpu.memory_space<vmem>>) semaphore(%arg7 : memref<!tpu.dma_semaphore, #tpu.memory_space<semaphore_mem>>)
    %dma_start3A_606 = arith.constant 4 : i32
    %dma_start3A_607 = arith.constant 3 : i32
    %dma_start3A_608 = arith.constant 4 : i32
    %dma_start3A_609 = arith.constant 384 : i32
    %dma_start3A_610 = tpu.memref_slice %arg6[%dma_start3A_608, %dma_start3A_609] : memref<16x1024xf32, #tpu.memory_space<vmem>> -> memref<1x128xf32, #tpu.memory_space<vmem>>
    %dma_start3A_611 = tpu.memref_squeeze %dma_start3A_610 : memref<1x128xf32, #tpu.memory_space<vmem>> -> memref<128xf32, #tpu.memory_space<vmem>>
    %dma_start3A_612 = arith.constant 0 : i32
    %dma_start3A_613 = tpu.memref_slice %arg5[%dma_start3A_606, %dma_start3A_607, %dma_start3A_612] : memref<16x8x128xi32, #tpu.memory_space<vmem>> -> memref<1x1x128xi32, #tpu.memory_space<vmem>>
    %dma_start3A_614 = tpu.memref_squeeze %dma_start3A_613 : memref<1x1x128xi32, #tpu.memory_space<vmem>> -> memref<128xi32, #tpu.memory_space<vmem>>
    %dma_start3A_615 = arith.constant 0 : i32
    %dma_start3A_616 = tpu.memref_slice %arg2[%dma_start3A_615] : memref<32000000xf32, #tpu.memory_space<hbm>> -> memref<32000000xf32, #tpu.memory_space<hbm>>
    tpu.enqueue_indirect_dma source(%dma_start3A_616 : memref<32000000xf32, #tpu.memory_space<hbm>>) target(%dma_start3A_611 : memref<128xf32, #tpu.memory_space<vmem>>) offsets(%dma_start3A_614 : memref<128xi32, #tpu.memory_space<vmem>>) semaphore(%arg7 : memref<!tpu.dma_semaphore, #tpu.memory_space<semaphore_mem>>)
    %dma_start3A_617 = arith.constant 5 : i32
    %dma_start3A_618 = arith.constant 3 : i32
    %dma_start3A_619 = arith.constant 5 : i32
    %dma_start3A_620 = arith.constant 384 : i32
    %dma_start3A_621 = tpu.memref_slice %arg6[%dma_start3A_619, %dma_start3A_620] : memref<16x1024xf32, #tpu.memory_space<vmem>> -> memref<1x128xf32, #tpu.memory_space<vmem>>
    %dma_start3A_622 = tpu.memref_squeeze %dma_start3A_621 : memref<1x128xf32, #tpu.memory_space<vmem>> -> memref<128xf32, #tpu.memory_space<vmem>>
    %dma_start3A_623 = arith.constant 0 : i32
    %dma_start3A_624 = tpu.memref_slice %arg5[%dma_start3A_617, %dma_start3A_618, %dma_start3A_623] : memref<16x8x128xi32, #tpu.memory_space<vmem>> -> memref<1x1x128xi32, #tpu.memory_space<vmem>>
    %dma_start3A_625 = tpu.memref_squeeze %dma_start3A_624 : memref<1x1x128xi32, #tpu.memory_space<vmem>> -> memref<128xi32, #tpu.memory_space<vmem>>
    %dma_start3A_626 = arith.constant 0 : i32
    %dma_start3A_627 = tpu.memref_slice %arg2[%dma_start3A_626] : memref<32000000xf32, #tpu.memory_space<hbm>> -> memref<32000000xf32, #tpu.memory_space<hbm>>
    tpu.enqueue_indirect_dma source(%dma_start3A_627 : memref<32000000xf32, #tpu.memory_space<hbm>>) target(%dma_start3A_622 : memref<128xf32, #tpu.memory_space<vmem>>) offsets(%dma_start3A_625 : memref<128xi32, #tpu.memory_space<vmem>>) semaphore(%arg7 : memref<!tpu.dma_semaphore, #tpu.memory_space<semaphore_mem>>)
    %dma_start3A_628 = arith.constant 6 : i32
    %dma_start3A_629 = arith.constant 3 : i32
    %dma_start3A_630 = arith.constant 6 : i32
    %dma_start3A_631 = arith.constant 384 : i32
    %dma_start3A_632 = tpu.memref_slice %arg6[%dma_start3A_630, %dma_start3A_631] : memref<16x1024xf32, #tpu.memory_space<vmem>> -> memref<1x128xf32, #tpu.memory_space<vmem>>
    %dma_start3A_633 = tpu.memref_squeeze %dma_start3A_632 : memref<1x128xf32, #tpu.memory_space<vmem>> -> memref<128xf32, #tpu.memory_space<vmem>>
    %dma_start3A_634 = arith.constant 0 : i32
    %dma_start3A_635 = tpu.memref_slice %arg5[%dma_start3A_628, %dma_start3A_629, %dma_start3A_634] : memref<16x8x128xi32, #tpu.memory_space<vmem>> -> memref<1x1x128xi32, #tpu.memory_space<vmem>>
    %dma_start3A_636 = tpu.memref_squeeze %dma_start3A_635 : memref<1x1x128xi32, #tpu.memory_space<vmem>> -> memref<128xi32, #tpu.memory_space<vmem>>
    %dma_start3A_637 = arith.constant 0 : i32
    %dma_start3A_638 = tpu.memref_slice %arg2[%dma_start3A_637] : memref<32000000xf32, #tpu.memory_space<hbm>> -> memref<32000000xf32, #tpu.memory_space<hbm>>
    tpu.enqueue_indirect_dma source(%dma_start3A_638 : memref<32000000xf32, #tpu.memory_space<hbm>>) target(%dma_start3A_633 : memref<128xf32, #tpu.memory_space<vmem>>) offsets(%dma_start3A_636 : memref<128xi32, #tpu.memory_space<vmem>>) semaphore(%arg7 : memref<!tpu.dma_semaphore, #tpu.memory_space<semaphore_mem>>)
    %dma_start3A_639 = arith.constant 7 : i32
    %dma_start3A_640 = arith.constant 3 : i32
    %dma_start3A_641 = arith.constant 7 : i32
    %dma_start3A_642 = arith.constant 384 : i32
    %dma_start3A_643 = tpu.memref_slice %arg6[%dma_start3A_641, %dma_start3A_642] : memref<16x1024xf32, #tpu.memory_space<vmem>> -> memref<1x128xf32, #tpu.memory_space<vmem>>
    %dma_start3A_644 = tpu.memref_squeeze %dma_start3A_643 : memref<1x128xf32, #tpu.memory_space<vmem>> -> memref<128xf32, #tpu.memory_space<vmem>>
    %dma_start3A_645 = arith.constant 0 : i32
    %dma_start3A_646 = tpu.memref_slice %arg5[%dma_start3A_639, %dma_start3A_640, %dma_start3A_645] : memref<16x8x128xi32, #tpu.memory_space<vmem>> -> memref<1x1x128xi32, #tpu.memory_space<vmem>>
    %dma_start3A_647 = tpu.memref_squeeze %dma_start3A_646 : memref<1x1x128xi32, #tpu.memory_space<vmem>> -> memref<128xi32, #tpu.memory_space<vmem>>
    %dma_start3A_648 = arith.constant 0 : i32
    %dma_start3A_649 = tpu.memref_slice %arg2[%dma_start3A_648] : memref<32000000xf32, #tpu.memory_space<hbm>> -> memref<32000000xf32, #tpu.memory_space<hbm>>
    tpu.enqueue_indirect_dma source(%dma_start3A_649 : memref<32000000xf32, #tpu.memory_space<hbm>>) target(%dma_start3A_644 : memref<128xf32, #tpu.memory_space<vmem>>) offsets(%dma_start3A_647 : memref<128xi32, #tpu.memory_space<vmem>>) semaphore(%arg7 : memref<!tpu.dma_semaphore, #tpu.memory_space<semaphore_mem>>)
    %dma_start3A_650 = arith.constant 8 : i32
    %dma_start3A_651 = arith.constant 3 : i32
    %dma_start3A_652 = arith.constant 8 : i32
    %dma_start3A_653 = arith.constant 384 : i32
    %dma_start3A_654 = tpu.memref_slice %arg6[%dma_start3A_652, %dma_start3A_653] : memref<16x1024xf32, #tpu.memory_space<vmem>> -> memref<1x128xf32, #tpu.memory_space<vmem>>
    %dma_start3A_655 = tpu.memref_squeeze %dma_start3A_654 : memref<1x128xf32, #tpu.memory_space<vmem>> -> memref<128xf32, #tpu.memory_space<vmem>>
    %dma_start3A_656 = arith.constant 0 : i32
    %dma_start3A_657 = tpu.memref_slice %arg5[%dma_start3A_650, %dma_start3A_651, %dma_start3A_656] : memref<16x8x128xi32, #tpu.memory_space<vmem>> -> memref<1x1x128xi32, #tpu.memory_space<vmem>>
    %dma_start3A_658 = tpu.memref_squeeze %dma_start3A_657 : memref<1x1x128xi32, #tpu.memory_space<vmem>> -> memref<128xi32, #tpu.memory_space<vmem>>
    %dma_start3A_659 = arith.constant 0 : i32
    %dma_start3A_660 = tpu.memref_slice %arg2[%dma_start3A_659] : memref<32000000xf32, #tpu.memory_space<hbm>> -> memref<32000000xf32, #tpu.memory_space<hbm>>
    tpu.enqueue_indirect_dma source(%dma_start3A_660 : memref<32000000xf32, #tpu.memory_space<hbm>>) target(%dma_start3A_655 : memref<128xf32, #tpu.memory_space<vmem>>) offsets(%dma_start3A_658 : memref<128xi32, #tpu.memory_space<vmem>>) semaphore(%arg7 : memref<!tpu.dma_semaphore, #tpu.memory_space<semaphore_mem>>)
    %dma_start3A_661 = arith.constant 9 : i32
    %dma_start3A_662 = arith.constant 3 : i32
    %dma_start3A_663 = arith.constant 9 : i32
    %dma_start3A_664 = arith.constant 384 : i32
    %dma_start3A_665 = tpu.memref_slice %arg6[%dma_start3A_663, %dma_start3A_664] : memref<16x1024xf32, #tpu.memory_space<vmem>> -> memref<1x128xf32, #tpu.memory_space<vmem>>
    %dma_start3A_666 = tpu.memref_squeeze %dma_start3A_665 : memref<1x128xf32, #tpu.memory_space<vmem>> -> memref<128xf32, #tpu.memory_space<vmem>>
    %dma_start3A_667 = arith.constant 0 : i32
    %dma_start3A_668 = tpu.memref_slice %arg5[%dma_start3A_661, %dma_start3A_662, %dma_start3A_667] : memref<16x8x128xi32, #tpu.memory_space<vmem>> -> memref<1x1x128xi32, #tpu.memory_space<vmem>>
    %dma_start3A_669 = tpu.memref_squeeze %dma_start3A_668 : memref<1x1x128xi32, #tpu.memory_space<vmem>> -> memref<128xi32, #tpu.memory_space<vmem>>
    %dma_start3A_670 = arith.constant 0 : i32
    %dma_start3A_671 = tpu.memref_slice %arg2[%dma_start3A_670] : memref<32000000xf32, #tpu.memory_space<hbm>> -> memref<32000000xf32, #tpu.memory_space<hbm>>
    tpu.enqueue_indirect_dma source(%dma_start3A_671 : memref<32000000xf32, #tpu.memory_space<hbm>>) target(%dma_start3A_666 : memref<128xf32, #tpu.memory_space<vmem>>) offsets(%dma_start3A_669 : memref<128xi32, #tpu.memory_space<vmem>>) semaphore(%arg7 : memref<!tpu.dma_semaphore, #tpu.memory_space<semaphore_mem>>)
    %dma_start3A_672 = arith.constant 10 : i32
    %dma_start3A_673 = arith.constant 3 : i32
    %dma_start3A_674 = arith.constant 10 : i32
    %dma_start3A_675 = arith.constant 384 : i32
    %dma_start3A_676 = tpu.memref_slice %arg6[%dma_start3A_674, %dma_start3A_675] : memref<16x1024xf32, #tpu.memory_space<vmem>> -> memref<1x128xf32, #tpu.memory_space<vmem>>
    %dma_start3A_677 = tpu.memref_squeeze %dma_start3A_676 : memref<1x128xf32, #tpu.memory_space<vmem>> -> memref<128xf32, #tpu.memory_space<vmem>>
    %dma_start3A_678 = arith.constant 0 : i32
    %dma_start3A_679 = tpu.memref_slice %arg5[%dma_start3A_672, %dma_start3A_673, %dma_start3A_678] : memref<16x8x128xi32, #tpu.memory_space<vmem>> -> memref<1x1x128xi32, #tpu.memory_space<vmem>>
    %dma_start3A_680 = tpu.memref_squeeze %dma_start3A_679 : memref<1x1x128xi32, #tpu.memory_space<vmem>> -> memref<128xi32, #tpu.memory_space<vmem>>
    %dma_start3A_681 = arith.constant 0 : i32
    %dma_start3A_682 = tpu.memref_slice %arg2[%dma_start3A_681] : memref<32000000xf32, #tpu.memory_space<hbm>> -> memref<32000000xf32, #tpu.memory_space<hbm>>
    tpu.enqueue_indirect_dma source(%dma_start3A_682 : memref<32000000xf32, #tpu.memory_space<hbm>>) target(%dma_start3A_677 : memref<128xf32, #tpu.memory_space<vmem>>) offsets(%dma_start3A_680 : memref<128xi32, #tpu.memory_space<vmem>>) semaphore(%arg7 : memref<!tpu.dma_semaphore, #tpu.memory_space<semaphore_mem>>)
    %dma_start3A_683 = arith.constant 11 : i32
    %dma_start3A_684 = arith.constant 3 : i32
    %dma_start3A_685 = arith.constant 11 : i32
    %dma_start3A_686 = arith.constant 384 : i32
    %dma_start3A_687 = tpu.memref_slice %arg6[%dma_start3A_685, %dma_start3A_686] : memref<16x1024xf32, #tpu.memory_space<vmem>> -> memref<1x128xf32, #tpu.memory_space<vmem>>
    %dma_start3A_688 = tpu.memref_squeeze %dma_start3A_687 : memref<1x128xf32, #tpu.memory_space<vmem>> -> memref<128xf32, #tpu.memory_space<vmem>>
    %dma_start3A_689 = arith.constant 0 : i32
    %dma_start3A_690 = tpu.memref_slice %arg5[%dma_start3A_683, %dma_start3A_684, %dma_start3A_689] : memref<16x8x128xi32, #tpu.memory_space<vmem>> -> memref<1x1x128xi32, #tpu.memory_space<vmem>>
    %dma_start3A_691 = tpu.memref_squeeze %dma_start3A_690 : memref<1x1x128xi32, #tpu.memory_space<vmem>> -> memref<128xi32, #tpu.memory_space<vmem>>
    %dma_start3A_692 = arith.constant 0 : i32
    %dma_start3A_693 = tpu.memref_slice %arg2[%dma_start3A_692] : memref<32000000xf32, #tpu.memory_space<hbm>> -> memref<32000000xf32, #tpu.memory_space<hbm>>
    tpu.enqueue_indirect_dma source(%dma_start3A_693 : memref<32000000xf32, #tpu.memory_space<hbm>>) target(%dma_start3A_688 : memref<128xf32, #tpu.memory_space<vmem>>) offsets(%dma_start3A_691 : memref<128xi32, #tpu.memory_space<vmem>>) semaphore(%arg7 : memref<!tpu.dma_semaphore, #tpu.memory_space<semaphore_mem>>)
    %dma_start3A_694 = arith.constant 12 : i32
    %dma_start3A_695 = arith.constant 3 : i32
    %dma_start3A_696 = arith.constant 12 : i32
    %dma_start3A_697 = arith.constant 384 : i32
    %dma_start3A_698 = tpu.memref_slice %arg6[%dma_start3A_696, %dma_start3A_697] : memref<16x1024xf32, #tpu.memory_space<vmem>> -> memref<1x128xf32, #tpu.memory_space<vmem>>
    %dma_start3A_699 = tpu.memref_squeeze %dma_start3A_698 : memref<1x128xf32, #tpu.memory_space<vmem>> -> memref<128xf32, #tpu.memory_space<vmem>>
    %dma_start3A_700 = arith.constant 0 : i32
    %dma_start3A_701 = tpu.memref_slice %arg5[%dma_start3A_694, %dma_start3A_695, %dma_start3A_700] : memref<16x8x128xi32, #tpu.memory_space<vmem>> -> memref<1x1x128xi32, #tpu.memory_space<vmem>>
    %dma_start3A_702 = tpu.memref_squeeze %dma_start3A_701 : memref<1x1x128xi32, #tpu.memory_space<vmem>> -> memref<128xi32, #tpu.memory_space<vmem>>
    %dma_start3A_703 = arith.constant 0 : i32
    %dma_start3A_704 = tpu.memref_slice %arg2[%dma_start3A_703] : memref<32000000xf32, #tpu.memory_space<hbm>> -> memref<32000000xf32, #tpu.memory_space<hbm>>
    tpu.enqueue_indirect_dma source(%dma_start3A_704 : memref<32000000xf32, #tpu.memory_space<hbm>>) target(%dma_start3A_699 : memref<128xf32, #tpu.memory_space<vmem>>) offsets(%dma_start3A_702 : memref<128xi32, #tpu.memory_space<vmem>>) semaphore(%arg7 : memref<!tpu.dma_semaphore, #tpu.memory_space<semaphore_mem>>)
    %dma_start3A_705 = arith.constant 13 : i32
    %dma_start3A_706 = arith.constant 3 : i32
    %dma_start3A_707 = arith.constant 13 : i32
    %dma_start3A_708 = arith.constant 384 : i32
    %dma_start3A_709 = tpu.memref_slice %arg6[%dma_start3A_707, %dma_start3A_708] : memref<16x1024xf32, #tpu.memory_space<vmem>> -> memref<1x128xf32, #tpu.memory_space<vmem>>
    %dma_start3A_710 = tpu.memref_squeeze %dma_start3A_709 : memref<1x128xf32, #tpu.memory_space<vmem>> -> memref<128xf32, #tpu.memory_space<vmem>>
    %dma_start3A_711 = arith.constant 0 : i32
    %dma_start3A_712 = tpu.memref_slice %arg5[%dma_start3A_705, %dma_start3A_706, %dma_start3A_711] : memref<16x8x128xi32, #tpu.memory_space<vmem>> -> memref<1x1x128xi32, #tpu.memory_space<vmem>>
    %dma_start3A_713 = tpu.memref_squeeze %dma_start3A_712 : memref<1x1x128xi32, #tpu.memory_space<vmem>> -> memref<128xi32, #tpu.memory_space<vmem>>
    %dma_start3A_714 = arith.constant 0 : i32
    %dma_start3A_715 = tpu.memref_slice %arg2[%dma_start3A_714] : memref<32000000xf32, #tpu.memory_space<hbm>> -> memref<32000000xf32, #tpu.memory_space<hbm>>
    tpu.enqueue_indirect_dma source(%dma_start3A_715 : memref<32000000xf32, #tpu.memory_space<hbm>>) target(%dma_start3A_710 : memref<128xf32, #tpu.memory_space<vmem>>) offsets(%dma_start3A_713 : memref<128xi32, #tpu.memory_space<vmem>>) semaphore(%arg7 : memref<!tpu.dma_semaphore, #tpu.memory_space<semaphore_mem>>)
    %dma_start3A_716 = arith.constant 14 : i32
    %dma_start3A_717 = arith.constant 3 : i32
    %dma_start3A_718 = arith.constant 14 : i32
    %dma_start3A_719 = arith.constant 384 : i32
    %dma_start3A_720 = tpu.memref_slice %arg6[%dma_start3A_718, %dma_start3A_719] : memref<16x1024xf32, #tpu.memory_space<vmem>> -> memref<1x128xf32, #tpu.memory_space<vmem>>
    %dma_start3A_721 = tpu.memref_squeeze %dma_start3A_720 : memref<1x128xf32, #tpu.memory_space<vmem>> -> memref<128xf32, #tpu.memory_space<vmem>>
    %dma_start3A_722 = arith.constant 0 : i32
    %dma_start3A_723 = tpu.memref_slice %arg5[%dma_start3A_716, %dma_start3A_717, %dma_start3A_722] : memref<16x8x128xi32, #tpu.memory_space<vmem>> -> memref<1x1x128xi32, #tpu.memory_space<vmem>>
    %dma_start3A_724 = tpu.memref_squeeze %dma_start3A_723 : memref<1x1x128xi32, #tpu.memory_space<vmem>> -> memref<128xi32, #tpu.memory_space<vmem>>
    %dma_start3A_725 = arith.constant 0 : i32
    %dma_start3A_726 = tpu.memref_slice %arg2[%dma_start3A_725] : memref<32000000xf32, #tpu.memory_space<hbm>> -> memref<32000000xf32, #tpu.memory_space<hbm>>
    tpu.enqueue_indirect_dma source(%dma_start3A_726 : memref<32000000xf32, #tpu.memory_space<hbm>>) target(%dma_start3A_721 : memref<128xf32, #tpu.memory_space<vmem>>) offsets(%dma_start3A_724 : memref<128xi32, #tpu.memory_space<vmem>>) semaphore(%arg7 : memref<!tpu.dma_semaphore, #tpu.memory_space<semaphore_mem>>)
    %dma_start3A_727 = arith.constant 15 : i32
    %dma_start3A_728 = arith.constant 3 : i32
    %dma_start3A_729 = arith.constant 15 : i32
    %dma_start3A_730 = arith.constant 384 : i32
    %dma_start3A_731 = tpu.memref_slice %arg6[%dma_start3A_729, %dma_start3A_730] : memref<16x1024xf32, #tpu.memory_space<vmem>> -> memref<1x128xf32, #tpu.memory_space<vmem>>
    %dma_start3A_732 = tpu.memref_squeeze %dma_start3A_731 : memref<1x128xf32, #tpu.memory_space<vmem>> -> memref<128xf32, #tpu.memory_space<vmem>>
    %dma_start3A_733 = arith.constant 0 : i32
    %dma_start3A_734 = tpu.memref_slice %arg5[%dma_start3A_727, %dma_start3A_728, %dma_start3A_733] : memref<16x8x128xi32, #tpu.memory_space<vmem>> -> memref<1x1x128xi32, #tpu.memory_space<vmem>>
    %dma_start3A_735 = tpu.memref_squeeze %dma_start3A_734 : memref<1x1x128xi32, #tpu.memory_space<vmem>> -> memref<128xi32, #tpu.memory_space<vmem>>
    %dma_start3A_736 = arith.constant 0 : i32
    %dma_start3A_737 = tpu.memref_slice %arg2[%dma_start3A_736] : memref<32000000xf32, #tpu.memory_space<hbm>> -> memref<32000000xf32, #tpu.memory_space<hbm>>
    tpu.enqueue_indirect_dma source(%dma_start3A_737 : memref<32000000xf32, #tpu.memory_space<hbm>>) target(%dma_start3A_732 : memref<128xf32, #tpu.memory_space<vmem>>) offsets(%dma_start3A_735 : memref<128xi32, #tpu.memory_space<vmem>>) semaphore(%arg7 : memref<!tpu.dma_semaphore, #tpu.memory_space<semaphore_mem>>)
    %dma_start3A_738 = arith.constant 0 : i32
    %dma_start3A_739 = arith.constant 4 : i32
    %dma_start3A_740 = arith.constant 0 : i32
    %dma_start3A_741 = arith.constant 512 : i32
    %dma_start3A_742 = tpu.memref_slice %arg6[%dma_start3A_740, %dma_start3A_741] : memref<16x1024xf32, #tpu.memory_space<vmem>> -> memref<1x128xf32, #tpu.memory_space<vmem>>
    %dma_start3A_743 = tpu.memref_squeeze %dma_start3A_742 : memref<1x128xf32, #tpu.memory_space<vmem>> -> memref<128xf32, #tpu.memory_space<vmem>>
    %dma_start3A_744 = arith.constant 0 : i32
    %dma_start3A_745 = tpu.memref_slice %arg5[%dma_start3A_738, %dma_start3A_739, %dma_start3A_744] : memref<16x8x128xi32, #tpu.memory_space<vmem>> -> memref<1x1x128xi32, #tpu.memory_space<vmem>>
    %dma_start3A_746 = tpu.memref_squeeze %dma_start3A_745 : memref<1x1x128xi32, #tpu.memory_space<vmem>> -> memref<128xi32, #tpu.memory_space<vmem>>
    %dma_start3A_747 = arith.constant 0 : i32
    %dma_start3A_748 = tpu.memref_slice %arg2[%dma_start3A_747] : memref<32000000xf32, #tpu.memory_space<hbm>> -> memref<32000000xf32, #tpu.memory_space<hbm>>
    tpu.enqueue_indirect_dma source(%dma_start3A_748 : memref<32000000xf32, #tpu.memory_space<hbm>>) target(%dma_start3A_743 : memref<128xf32, #tpu.memory_space<vmem>>) offsets(%dma_start3A_746 : memref<128xi32, #tpu.memory_space<vmem>>) semaphore(%arg7 : memref<!tpu.dma_semaphore, #tpu.memory_space<semaphore_mem>>)
    %dma_start3A_749 = arith.constant 1 : i32
    %dma_start3A_750 = arith.constant 4 : i32
    %dma_start3A_751 = arith.constant 1 : i32
    %dma_start3A_752 = arith.constant 512 : i32
    %dma_start3A_753 = tpu.memref_slice %arg6[%dma_start3A_751, %dma_start3A_752] : memref<16x1024xf32, #tpu.memory_space<vmem>> -> memref<1x128xf32, #tpu.memory_space<vmem>>
    %dma_start3A_754 = tpu.memref_squeeze %dma_start3A_753 : memref<1x128xf32, #tpu.memory_space<vmem>> -> memref<128xf32, #tpu.memory_space<vmem>>
    %dma_start3A_755 = arith.constant 0 : i32
    %dma_start3A_756 = tpu.memref_slice %arg5[%dma_start3A_749, %dma_start3A_750, %dma_start3A_755] : memref<16x8x128xi32, #tpu.memory_space<vmem>> -> memref<1x1x128xi32, #tpu.memory_space<vmem>>
    %dma_start3A_757 = tpu.memref_squeeze %dma_start3A_756 : memref<1x1x128xi32, #tpu.memory_space<vmem>> -> memref<128xi32, #tpu.memory_space<vmem>>
    %dma_start3A_758 = arith.constant 0 : i32
    %dma_start3A_759 = tpu.memref_slice %arg2[%dma_start3A_758] : memref<32000000xf32, #tpu.memory_space<hbm>> -> memref<32000000xf32, #tpu.memory_space<hbm>>
    tpu.enqueue_indirect_dma source(%dma_start3A_759 : memref<32000000xf32, #tpu.memory_space<hbm>>) target(%dma_start3A_754 : memref<128xf32, #tpu.memory_space<vmem>>) offsets(%dma_start3A_757 : memref<128xi32, #tpu.memory_space<vmem>>) semaphore(%arg7 : memref<!tpu.dma_semaphore, #tpu.memory_space<semaphore_mem>>)
    %dma_start3A_760 = arith.constant 2 : i32
    %dma_start3A_761 = arith.constant 4 : i32
    %dma_start3A_762 = arith.constant 2 : i32
    %dma_start3A_763 = arith.constant 512 : i32
    %dma_start3A_764 = tpu.memref_slice %arg6[%dma_start3A_762, %dma_start3A_763] : memref<16x1024xf32, #tpu.memory_space<vmem>> -> memref<1x128xf32, #tpu.memory_space<vmem>>
    %dma_start3A_765 = tpu.memref_squeeze %dma_start3A_764 : memref<1x128xf32, #tpu.memory_space<vmem>> -> memref<128xf32, #tpu.memory_space<vmem>>
    %dma_start3A_766 = arith.constant 0 : i32
    %dma_start3A_767 = tpu.memref_slice %arg5[%dma_start3A_760, %dma_start3A_761, %dma_start3A_766] : memref<16x8x128xi32, #tpu.memory_space<vmem>> -> memref<1x1x128xi32, #tpu.memory_space<vmem>>
    %dma_start3A_768 = tpu.memref_squeeze %dma_start3A_767 : memref<1x1x128xi32, #tpu.memory_space<vmem>> -> memref<128xi32, #tpu.memory_space<vmem>>
    %dma_start3A_769 = arith.constant 0 : i32
    %dma_start3A_770 = tpu.memref_slice %arg2[%dma_start3A_769] : memref<32000000xf32, #tpu.memory_space<hbm>> -> memref<32000000xf32, #tpu.memory_space<hbm>>
    tpu.enqueue_indirect_dma source(%dma_start3A_770 : memref<32000000xf32, #tpu.memory_space<hbm>>) target(%dma_start3A_765 : memref<128xf32, #tpu.memory_space<vmem>>) offsets(%dma_start3A_768 : memref<128xi32, #tpu.memory_space<vmem>>) semaphore(%arg7 : memref<!tpu.dma_semaphore, #tpu.memory_space<semaphore_mem>>)
    %dma_start3A_771 = arith.constant 3 : i32
    %dma_start3A_772 = arith.constant 4 : i32
    %dma_start3A_773 = arith.constant 3 : i32
    %dma_start3A_774 = arith.constant 512 : i32
    %dma_start3A_775 = tpu.memref_slice %arg6[%dma_start3A_773, %dma_start3A_774] : memref<16x1024xf32, #tpu.memory_space<vmem>> -> memref<1x128xf32, #tpu.memory_space<vmem>>
    %dma_start3A_776 = tpu.memref_squeeze %dma_start3A_775 : memref<1x128xf32, #tpu.memory_space<vmem>> -> memref<128xf32, #tpu.memory_space<vmem>>
    %dma_start3A_777 = arith.constant 0 : i32
    %dma_start3A_778 = tpu.memref_slice %arg5[%dma_start3A_771, %dma_start3A_772, %dma_start3A_777] : memref<16x8x128xi32, #tpu.memory_space<vmem>> -> memref<1x1x128xi32, #tpu.memory_space<vmem>>
    %dma_start3A_779 = tpu.memref_squeeze %dma_start3A_778 : memref<1x1x128xi32, #tpu.memory_space<vmem>> -> memref<128xi32, #tpu.memory_space<vmem>>
    %dma_start3A_780 = arith.constant 0 : i32
    %dma_start3A_781 = tpu.memref_slice %arg2[%dma_start3A_780] : memref<32000000xf32, #tpu.memory_space<hbm>> -> memref<32000000xf32, #tpu.memory_space<hbm>>
    tpu.enqueue_indirect_dma source(%dma_start3A_781 : memref<32000000xf32, #tpu.memory_space<hbm>>) target(%dma_start3A_776 : memref<128xf32, #tpu.memory_space<vmem>>) offsets(%dma_start3A_779 : memref<128xi32, #tpu.memory_space<vmem>>) semaphore(%arg7 : memref<!tpu.dma_semaphore, #tpu.memory_space<semaphore_mem>>)
    %dma_start3A_782 = arith.constant 4 : i32
    %dma_start3A_783 = arith.constant 4 : i32
    %dma_start3A_784 = arith.constant 4 : i32
    %dma_start3A_785 = arith.constant 512 : i32
    %dma_start3A_786 = tpu.memref_slice %arg6[%dma_start3A_784, %dma_start3A_785] : memref<16x1024xf32, #tpu.memory_space<vmem>> -> memref<1x128xf32, #tpu.memory_space<vmem>>
    %dma_start3A_787 = tpu.memref_squeeze %dma_start3A_786 : memref<1x128xf32, #tpu.memory_space<vmem>> -> memref<128xf32, #tpu.memory_space<vmem>>
    %dma_start3A_788 = arith.constant 0 : i32
    %dma_start3A_789 = tpu.memref_slice %arg5[%dma_start3A_782, %dma_start3A_783, %dma_start3A_788] : memref<16x8x128xi32, #tpu.memory_space<vmem>> -> memref<1x1x128xi32, #tpu.memory_space<vmem>>
    %dma_start3A_790 = tpu.memref_squeeze %dma_start3A_789 : memref<1x1x128xi32, #tpu.memory_space<vmem>> -> memref<128xi32, #tpu.memory_space<vmem>>
    %dma_start3A_791 = arith.constant 0 : i32
    %dma_start3A_792 = tpu.memref_slice %arg2[%dma_start3A_791] : memref<32000000xf32, #tpu.memory_space<hbm>> -> memref<32000000xf32, #tpu.memory_space<hbm>>
    tpu.enqueue_indirect_dma source(%dma_start3A_792 : memref<32000000xf32, #tpu.memory_space<hbm>>) target(%dma_start3A_787 : memref<128xf32, #tpu.memory_space<vmem>>) offsets(%dma_start3A_790 : memref<128xi32, #tpu.memory_space<vmem>>) semaphore(%arg7 : memref<!tpu.dma_semaphore, #tpu.memory_space<semaphore_mem>>)
    %dma_start3A_793 = arith.constant 5 : i32
    %dma_start3A_794 = arith.constant 4 : i32
    %dma_start3A_795 = arith.constant 5 : i32
    %dma_start3A_796 = arith.constant 512 : i32
    %dma_start3A_797 = tpu.memref_slice %arg6[%dma_start3A_795, %dma_start3A_796] : memref<16x1024xf32, #tpu.memory_space<vmem>> -> memref<1x128xf32, #tpu.memory_space<vmem>>
    %dma_start3A_798 = tpu.memref_squeeze %dma_start3A_797 : memref<1x128xf32, #tpu.memory_space<vmem>> -> memref<128xf32, #tpu.memory_space<vmem>>
    %dma_start3A_799 = arith.constant 0 : i32
    %dma_start3A_800 = tpu.memref_slice %arg5[%dma_start3A_793, %dma_start3A_794, %dma_start3A_799] : memref<16x8x128xi32, #tpu.memory_space<vmem>> -> memref<1x1x128xi32, #tpu.memory_space<vmem>>
    %dma_start3A_801 = tpu.memref_squeeze %dma_start3A_800 : memref<1x1x128xi32, #tpu.memory_space<vmem>> -> memref<128xi32, #tpu.memory_space<vmem>>
    %dma_start3A_802 = arith.constant 0 : i32
    %dma_start3A_803 = tpu.memref_slice %arg2[%dma_start3A_802] : memref<32000000xf32, #tpu.memory_space<hbm>> -> memref<32000000xf32, #tpu.memory_space<hbm>>
    tpu.enqueue_indirect_dma source(%dma_start3A_803 : memref<32000000xf32, #tpu.memory_space<hbm>>) target(%dma_start3A_798 : memref<128xf32, #tpu.memory_space<vmem>>) offsets(%dma_start3A_801 : memref<128xi32, #tpu.memory_space<vmem>>) semaphore(%arg7 : memref<!tpu.dma_semaphore, #tpu.memory_space<semaphore_mem>>)
    %dma_start3A_804 = arith.constant 6 : i32
    %dma_start3A_805 = arith.constant 4 : i32
    %dma_start3A_806 = arith.constant 6 : i32
    %dma_start3A_807 = arith.constant 512 : i32
    %dma_start3A_808 = tpu.memref_slice %arg6[%dma_start3A_806, %dma_start3A_807] : memref<16x1024xf32, #tpu.memory_space<vmem>> -> memref<1x128xf32, #tpu.memory_space<vmem>>
    %dma_start3A_809 = tpu.memref_squeeze %dma_start3A_808 : memref<1x128xf32, #tpu.memory_space<vmem>> -> memref<128xf32, #tpu.memory_space<vmem>>
    %dma_start3A_810 = arith.constant 0 : i32
    %dma_start3A_811 = tpu.memref_slice %arg5[%dma_start3A_804, %dma_start3A_805, %dma_start3A_810] : memref<16x8x128xi32, #tpu.memory_space<vmem>> -> memref<1x1x128xi32, #tpu.memory_space<vmem>>
    %dma_start3A_812 = tpu.memref_squeeze %dma_start3A_811 : memref<1x1x128xi32, #tpu.memory_space<vmem>> -> memref<128xi32, #tpu.memory_space<vmem>>
    %dma_start3A_813 = arith.constant 0 : i32
    %dma_start3A_814 = tpu.memref_slice %arg2[%dma_start3A_813] : memref<32000000xf32, #tpu.memory_space<hbm>> -> memref<32000000xf32, #tpu.memory_space<hbm>>
    tpu.enqueue_indirect_dma source(%dma_start3A_814 : memref<32000000xf32, #tpu.memory_space<hbm>>) target(%dma_start3A_809 : memref<128xf32, #tpu.memory_space<vmem>>) offsets(%dma_start3A_812 : memref<128xi32, #tpu.memory_space<vmem>>) semaphore(%arg7 : memref<!tpu.dma_semaphore, #tpu.memory_space<semaphore_mem>>)
    %dma_start3A_815 = arith.constant 7 : i32
    %dma_start3A_816 = arith.constant 4 : i32
    %dma_start3A_817 = arith.constant 7 : i32
    %dma_start3A_818 = arith.constant 512 : i32
    %dma_start3A_819 = tpu.memref_slice %arg6[%dma_start3A_817, %dma_start3A_818] : memref<16x1024xf32, #tpu.memory_space<vmem>> -> memref<1x128xf32, #tpu.memory_space<vmem>>
    %dma_start3A_820 = tpu.memref_squeeze %dma_start3A_819 : memref<1x128xf32, #tpu.memory_space<vmem>> -> memref<128xf32, #tpu.memory_space<vmem>>
    %dma_start3A_821 = arith.constant 0 : i32
    %dma_start3A_822 = tpu.memref_slice %arg5[%dma_start3A_815, %dma_start3A_816, %dma_start3A_821] : memref<16x8x128xi32, #tpu.memory_space<vmem>> -> memref<1x1x128xi32, #tpu.memory_space<vmem>>
    %dma_start3A_823 = tpu.memref_squeeze %dma_start3A_822 : memref<1x1x128xi32, #tpu.memory_space<vmem>> -> memref<128xi32, #tpu.memory_space<vmem>>
    %dma_start3A_824 = arith.constant 0 : i32
    %dma_start3A_825 = tpu.memref_slice %arg2[%dma_start3A_824] : memref<32000000xf32, #tpu.memory_space<hbm>> -> memref<32000000xf32, #tpu.memory_space<hbm>>
    tpu.enqueue_indirect_dma source(%dma_start3A_825 : memref<32000000xf32, #tpu.memory_space<hbm>>) target(%dma_start3A_820 : memref<128xf32, #tpu.memory_space<vmem>>) offsets(%dma_start3A_823 : memref<128xi32, #tpu.memory_space<vmem>>) semaphore(%arg7 : memref<!tpu.dma_semaphore, #tpu.memory_space<semaphore_mem>>)
    %dma_start3A_826 = arith.constant 8 : i32
    %dma_start3A_827 = arith.constant 4 : i32
    %dma_start3A_828 = arith.constant 8 : i32
    %dma_start3A_829 = arith.constant 512 : i32
    %dma_start3A_830 = tpu.memref_slice %arg6[%dma_start3A_828, %dma_start3A_829] : memref<16x1024xf32, #tpu.memory_space<vmem>> -> memref<1x128xf32, #tpu.memory_space<vmem>>
    %dma_start3A_831 = tpu.memref_squeeze %dma_start3A_830 : memref<1x128xf32, #tpu.memory_space<vmem>> -> memref<128xf32, #tpu.memory_space<vmem>>
    %dma_start3A_832 = arith.constant 0 : i32
    %dma_start3A_833 = tpu.memref_slice %arg5[%dma_start3A_826, %dma_start3A_827, %dma_start3A_832] : memref<16x8x128xi32, #tpu.memory_space<vmem>> -> memref<1x1x128xi32, #tpu.memory_space<vmem>>
    %dma_start3A_834 = tpu.memref_squeeze %dma_start3A_833 : memref<1x1x128xi32, #tpu.memory_space<vmem>> -> memref<128xi32, #tpu.memory_space<vmem>>
    %dma_start3A_835 = arith.constant 0 : i32
    %dma_start3A_836 = tpu.memref_slice %arg2[%dma_start3A_835] : memref<32000000xf32, #tpu.memory_space<hbm>> -> memref<32000000xf32, #tpu.memory_space<hbm>>
    tpu.enqueue_indirect_dma source(%dma_start3A_836 : memref<32000000xf32, #tpu.memory_space<hbm>>) target(%dma_start3A_831 : memref<128xf32, #tpu.memory_space<vmem>>) offsets(%dma_start3A_834 : memref<128xi32, #tpu.memory_space<vmem>>) semaphore(%arg7 : memref<!tpu.dma_semaphore, #tpu.memory_space<semaphore_mem>>)
    %dma_start3A_837 = arith.constant 9 : i32
    %dma_start3A_838 = arith.constant 4 : i32
    %dma_start3A_839 = arith.constant 9 : i32
    %dma_start3A_840 = arith.constant 512 : i32
    %dma_start3A_841 = tpu.memref_slice %arg6[%dma_start3A_839, %dma_start3A_840] : memref<16x1024xf32, #tpu.memory_space<vmem>> -> memref<1x128xf32, #tpu.memory_space<vmem>>
    %dma_start3A_842 = tpu.memref_squeeze %dma_start3A_841 : memref<1x128xf32, #tpu.memory_space<vmem>> -> memref<128xf32, #tpu.memory_space<vmem>>
    %dma_start3A_843 = arith.constant 0 : i32
    %dma_start3A_844 = tpu.memref_slice %arg5[%dma_start3A_837, %dma_start3A_838, %dma_start3A_843] : memref<16x8x128xi32, #tpu.memory_space<vmem>> -> memref<1x1x128xi32, #tpu.memory_space<vmem>>
    %dma_start3A_845 = tpu.memref_squeeze %dma_start3A_844 : memref<1x1x128xi32, #tpu.memory_space<vmem>> -> memref<128xi32, #tpu.memory_space<vmem>>
    %dma_start3A_846 = arith.constant 0 : i32
    %dma_start3A_847 = tpu.memref_slice %arg2[%dma_start3A_846] : memref<32000000xf32, #tpu.memory_space<hbm>> -> memref<32000000xf32, #tpu.memory_space<hbm>>
    tpu.enqueue_indirect_dma source(%dma_start3A_847 : memref<32000000xf32, #tpu.memory_space<hbm>>) target(%dma_start3A_842 : memref<128xf32, #tpu.memory_space<vmem>>) offsets(%dma_start3A_845 : memref<128xi32, #tpu.memory_space<vmem>>) semaphore(%arg7 : memref<!tpu.dma_semaphore, #tpu.memory_space<semaphore_mem>>)
    %dma_start3A_848 = arith.constant 10 : i32
    %dma_start3A_849 = arith.constant 4 : i32
    %dma_start3A_850 = arith.constant 10 : i32
    %dma_start3A_851 = arith.constant 512 : i32
    %dma_start3A_852 = tpu.memref_slice %arg6[%dma_start3A_850, %dma_start3A_851] : memref<16x1024xf32, #tpu.memory_space<vmem>> -> memref<1x128xf32, #tpu.memory_space<vmem>>
    %dma_start3A_853 = tpu.memref_squeeze %dma_start3A_852 : memref<1x128xf32, #tpu.memory_space<vmem>> -> memref<128xf32, #tpu.memory_space<vmem>>
    %dma_start3A_854 = arith.constant 0 : i32
    %dma_start3A_855 = tpu.memref_slice %arg5[%dma_start3A_848, %dma_start3A_849, %dma_start3A_854] : memref<16x8x128xi32, #tpu.memory_space<vmem>> -> memref<1x1x128xi32, #tpu.memory_space<vmem>>
    %dma_start3A_856 = tpu.memref_squeeze %dma_start3A_855 : memref<1x1x128xi32, #tpu.memory_space<vmem>> -> memref<128xi32, #tpu.memory_space<vmem>>
    %dma_start3A_857 = arith.constant 0 : i32
    %dma_start3A_858 = tpu.memref_slice %arg2[%dma_start3A_857] : memref<32000000xf32, #tpu.memory_space<hbm>> -> memref<32000000xf32, #tpu.memory_space<hbm>>
    tpu.enqueue_indirect_dma source(%dma_start3A_858 : memref<32000000xf32, #tpu.memory_space<hbm>>) target(%dma_start3A_853 : memref<128xf32, #tpu.memory_space<vmem>>) offsets(%dma_start3A_856 : memref<128xi32, #tpu.memory_space<vmem>>) semaphore(%arg7 : memref<!tpu.dma_semaphore, #tpu.memory_space<semaphore_mem>>)
    %dma_start3A_859 = arith.constant 11 : i32
    %dma_start3A_860 = arith.constant 4 : i32
    %dma_start3A_861 = arith.constant 11 : i32
    %dma_start3A_862 = arith.constant 512 : i32
    %dma_start3A_863 = tpu.memref_slice %arg6[%dma_start3A_861, %dma_start3A_862] : memref<16x1024xf32, #tpu.memory_space<vmem>> -> memref<1x128xf32, #tpu.memory_space<vmem>>
    %dma_start3A_864 = tpu.memref_squeeze %dma_start3A_863 : memref<1x128xf32, #tpu.memory_space<vmem>> -> memref<128xf32, #tpu.memory_space<vmem>>
    %dma_start3A_865 = arith.constant 0 : i32
    %dma_start3A_866 = tpu.memref_slice %arg5[%dma_start3A_859, %dma_start3A_860, %dma_start3A_865] : memref<16x8x128xi32, #tpu.memory_space<vmem>> -> memref<1x1x128xi32, #tpu.memory_space<vmem>>
    %dma_start3A_867 = tpu.memref_squeeze %dma_start3A_866 : memref<1x1x128xi32, #tpu.memory_space<vmem>> -> memref<128xi32, #tpu.memory_space<vmem>>
    %dma_start3A_868 = arith.constant 0 : i32
    %dma_start3A_869 = tpu.memref_slice %arg2[%dma_start3A_868] : memref<32000000xf32, #tpu.memory_space<hbm>> -> memref<32000000xf32, #tpu.memory_space<hbm>>
    tpu.enqueue_indirect_dma source(%dma_start3A_869 : memref<32000000xf32, #tpu.memory_space<hbm>>) target(%dma_start3A_864 : memref<128xf32, #tpu.memory_space<vmem>>) offsets(%dma_start3A_867 : memref<128xi32, #tpu.memory_space<vmem>>) semaphore(%arg7 : memref<!tpu.dma_semaphore, #tpu.memory_space<semaphore_mem>>)
    %dma_start3A_870 = arith.constant 12 : i32
    %dma_start3A_871 = arith.constant 4 : i32
    %dma_start3A_872 = arith.constant 12 : i32
    %dma_start3A_873 = arith.constant 512 : i32
    %dma_start3A_874 = tpu.memref_slice %arg6[%dma_start3A_872, %dma_start3A_873] : memref<16x1024xf32, #tpu.memory_space<vmem>> -> memref<1x128xf32, #tpu.memory_space<vmem>>
    %dma_start3A_875 = tpu.memref_squeeze %dma_start3A_874 : memref<1x128xf32, #tpu.memory_space<vmem>> -> memref<128xf32, #tpu.memory_space<vmem>>
    %dma_start3A_876 = arith.constant 0 : i32
    %dma_start3A_877 = tpu.memref_slice %arg5[%dma_start3A_870, %dma_start3A_871, %dma_start3A_876] : memref<16x8x128xi32, #tpu.memory_space<vmem>> -> memref<1x1x128xi32, #tpu.memory_space<vmem>>
    %dma_start3A_878 = tpu.memref_squeeze %dma_start3A_877 : memref<1x1x128xi32, #tpu.memory_space<vmem>> -> memref<128xi32, #tpu.memory_space<vmem>>
    %dma_start3A_879 = arith.constant 0 : i32
    %dma_start3A_880 = tpu.memref_slice %arg2[%dma_start3A_879] : memref<32000000xf32, #tpu.memory_space<hbm>> -> memref<32000000xf32, #tpu.memory_space<hbm>>
    tpu.enqueue_indirect_dma source(%dma_start3A_880 : memref<32000000xf32, #tpu.memory_space<hbm>>) target(%dma_start3A_875 : memref<128xf32, #tpu.memory_space<vmem>>) offsets(%dma_start3A_878 : memref<128xi32, #tpu.memory_space<vmem>>) semaphore(%arg7 : memref<!tpu.dma_semaphore, #tpu.memory_space<semaphore_mem>>)
    %dma_start3A_881 = arith.constant 13 : i32
    %dma_start3A_882 = arith.constant 4 : i32
    %dma_start3A_883 = arith.constant 13 : i32
    %dma_start3A_884 = arith.constant 512 : i32
    %dma_start3A_885 = tpu.memref_slice %arg6[%dma_start3A_883, %dma_start3A_884] : memref<16x1024xf32, #tpu.memory_space<vmem>> -> memref<1x128xf32, #tpu.memory_space<vmem>>
    %dma_start3A_886 = tpu.memref_squeeze %dma_start3A_885 : memref<1x128xf32, #tpu.memory_space<vmem>> -> memref<128xf32, #tpu.memory_space<vmem>>
    %dma_start3A_887 = arith.constant 0 : i32
    %dma_start3A_888 = tpu.memref_slice %arg5[%dma_start3A_881, %dma_start3A_882, %dma_start3A_887] : memref<16x8x128xi32, #tpu.memory_space<vmem>> -> memref<1x1x128xi32, #tpu.memory_space<vmem>>
    %dma_start3A_889 = tpu.memref_squeeze %dma_start3A_888 : memref<1x1x128xi32, #tpu.memory_space<vmem>> -> memref<128xi32, #tpu.memory_space<vmem>>
    %dma_start3A_890 = arith.constant 0 : i32
    %dma_start3A_891 = tpu.memref_slice %arg2[%dma_start3A_890] : memref<32000000xf32, #tpu.memory_space<hbm>> -> memref<32000000xf32, #tpu.memory_space<hbm>>
    tpu.enqueue_indirect_dma source(%dma_start3A_891 : memref<32000000xf32, #tpu.memory_space<hbm>>) target(%dma_start3A_886 : memref<128xf32, #tpu.memory_space<vmem>>) offsets(%dma_start3A_889 : memref<128xi32, #tpu.memory_space<vmem>>) semaphore(%arg7 : memref<!tpu.dma_semaphore, #tpu.memory_space<semaphore_mem>>)
    %dma_start3A_892 = arith.constant 14 : i32
    %dma_start3A_893 = arith.constant 4 : i32
    %dma_start3A_894 = arith.constant 14 : i32
    %dma_start3A_895 = arith.constant 512 : i32
    %dma_start3A_896 = tpu.memref_slice %arg6[%dma_start3A_894, %dma_start3A_895] : memref<16x1024xf32, #tpu.memory_space<vmem>> -> memref<1x128xf32, #tpu.memory_space<vmem>>
    %dma_start3A_897 = tpu.memref_squeeze %dma_start3A_896 : memref<1x128xf32, #tpu.memory_space<vmem>> -> memref<128xf32, #tpu.memory_space<vmem>>
    %dma_start3A_898 = arith.constant 0 : i32
    %dma_start3A_899 = tpu.memref_slice %arg5[%dma_start3A_892, %dma_start3A_893, %dma_start3A_898] : memref<16x8x128xi32, #tpu.memory_space<vmem>> -> memref<1x1x128xi32, #tpu.memory_space<vmem>>
    %dma_start3A_900 = tpu.memref_squeeze %dma_start3A_899 : memref<1x1x128xi32, #tpu.memory_space<vmem>> -> memref<128xi32, #tpu.memory_space<vmem>>
    %dma_start3A_901 = arith.constant 0 : i32
    %dma_start3A_902 = tpu.memref_slice %arg2[%dma_start3A_901] : memref<32000000xf32, #tpu.memory_space<hbm>> -> memref<32000000xf32, #tpu.memory_space<hbm>>
    tpu.enqueue_indirect_dma source(%dma_start3A_902 : memref<32000000xf32, #tpu.memory_space<hbm>>) target(%dma_start3A_897 : memref<128xf32, #tpu.memory_space<vmem>>) offsets(%dma_start3A_900 : memref<128xi32, #tpu.memory_space<vmem>>) semaphore(%arg7 : memref<!tpu.dma_semaphore, #tpu.memory_space<semaphore_mem>>)
    %dma_start3A_903 = arith.constant 15 : i32
    %dma_start3A_904 = arith.constant 4 : i32
    %dma_start3A_905 = arith.constant 15 : i32
    %dma_start3A_906 = arith.constant 512 : i32
    %dma_start3A_907 = tpu.memref_slice %arg6[%dma_start3A_905, %dma_start3A_906] : memref<16x1024xf32, #tpu.memory_space<vmem>> -> memref<1x128xf32, #tpu.memory_space<vmem>>
    %dma_start3A_908 = tpu.memref_squeeze %dma_start3A_907 : memref<1x128xf32, #tpu.memory_space<vmem>> -> memref<128xf32, #tpu.memory_space<vmem>>
    %dma_start3A_909 = arith.constant 0 : i32
    %dma_start3A_910 = tpu.memref_slice %arg5[%dma_start3A_903, %dma_start3A_904, %dma_start3A_909] : memref<16x8x128xi32, #tpu.memory_space<vmem>> -> memref<1x1x128xi32, #tpu.memory_space<vmem>>
    %dma_start3A_911 = tpu.memref_squeeze %dma_start3A_910 : memref<1x1x128xi32, #tpu.memory_space<vmem>> -> memref<128xi32, #tpu.memory_space<vmem>>
    %dma_start3A_912 = arith.constant 0 : i32
    %dma_start3A_913 = tpu.memref_slice %arg2[%dma_start3A_912] : memref<32000000xf32, #tpu.memory_space<hbm>> -> memref<32000000xf32, #tpu.memory_space<hbm>>
    tpu.enqueue_indirect_dma source(%dma_start3A_913 : memref<32000000xf32, #tpu.memory_space<hbm>>) target(%dma_start3A_908 : memref<128xf32, #tpu.memory_space<vmem>>) offsets(%dma_start3A_911 : memref<128xi32, #tpu.memory_space<vmem>>) semaphore(%arg7 : memref<!tpu.dma_semaphore, #tpu.memory_space<semaphore_mem>>)
    %dma_start3A_914 = arith.constant 0 : i32
    %dma_start3A_915 = arith.constant 5 : i32
    %dma_start3A_916 = arith.constant 0 : i32
    %dma_start3A_917 = arith.constant 640 : i32
    %dma_start3A_918 = tpu.memref_slice %arg6[%dma_start3A_916, %dma_start3A_917] : memref<16x1024xf32, #tpu.memory_space<vmem>> -> memref<1x128xf32, #tpu.memory_space<vmem>>
    %dma_start3A_919 = tpu.memref_squeeze %dma_start3A_918 : memref<1x128xf32, #tpu.memory_space<vmem>> -> memref<128xf32, #tpu.memory_space<vmem>>
    %dma_start3A_920 = arith.constant 0 : i32
    %dma_start3A_921 = tpu.memref_slice %arg5[%dma_start3A_914, %dma_start3A_915, %dma_start3A_920] : memref<16x8x128xi32, #tpu.memory_space<vmem>> -> memref<1x1x128xi32, #tpu.memory_space<vmem>>
    %dma_start3A_922 = tpu.memref_squeeze %dma_start3A_921 : memref<1x1x128xi32, #tpu.memory_space<vmem>> -> memref<128xi32, #tpu.memory_space<vmem>>
    %dma_start3A_923 = arith.constant 0 : i32
    %dma_start3A_924 = tpu.memref_slice %arg2[%dma_start3A_923] : memref<32000000xf32, #tpu.memory_space<hbm>> -> memref<32000000xf32, #tpu.memory_space<hbm>>
    tpu.enqueue_indirect_dma source(%dma_start3A_924 : memref<32000000xf32, #tpu.memory_space<hbm>>) target(%dma_start3A_919 : memref<128xf32, #tpu.memory_space<vmem>>) offsets(%dma_start3A_922 : memref<128xi32, #tpu.memory_space<vmem>>) semaphore(%arg7 : memref<!tpu.dma_semaphore, #tpu.memory_space<semaphore_mem>>)
    %dma_start3A_925 = arith.constant 1 : i32
    %dma_start3A_926 = arith.constant 5 : i32
    %dma_start3A_927 = arith.constant 1 : i32
    %dma_start3A_928 = arith.constant 640 : i32
    %dma_start3A_929 = tpu.memref_slice %arg6[%dma_start3A_927, %dma_start3A_928] : memref<16x1024xf32, #tpu.memory_space<vmem>> -> memref<1x128xf32, #tpu.memory_space<vmem>>
    %dma_start3A_930 = tpu.memref_squeeze %dma_start3A_929 : memref<1x128xf32, #tpu.memory_space<vmem>> -> memref<128xf32, #tpu.memory_space<vmem>>
    %dma_start3A_931 = arith.constant 0 : i32
    %dma_start3A_932 = tpu.memref_slice %arg5[%dma_start3A_925, %dma_start3A_926, %dma_start3A_931] : memref<16x8x128xi32, #tpu.memory_space<vmem>> -> memref<1x1x128xi32, #tpu.memory_space<vmem>>
    %dma_start3A_933 = tpu.memref_squeeze %dma_start3A_932 : memref<1x1x128xi32, #tpu.memory_space<vmem>> -> memref<128xi32, #tpu.memory_space<vmem>>
    %dma_start3A_934 = arith.constant 0 : i32
    %dma_start3A_935 = tpu.memref_slice %arg2[%dma_start3A_934] : memref<32000000xf32, #tpu.memory_space<hbm>> -> memref<32000000xf32, #tpu.memory_space<hbm>>
    tpu.enqueue_indirect_dma source(%dma_start3A_935 : memref<32000000xf32, #tpu.memory_space<hbm>>) target(%dma_start3A_930 : memref<128xf32, #tpu.memory_space<vmem>>) offsets(%dma_start3A_933 : memref<128xi32, #tpu.memory_space<vmem>>) semaphore(%arg7 : memref<!tpu.dma_semaphore, #tpu.memory_space<semaphore_mem>>)
    %dma_start3A_936 = arith.constant 2 : i32
    %dma_start3A_937 = arith.constant 5 : i32
    %dma_start3A_938 = arith.constant 2 : i32
    %dma_start3A_939 = arith.constant 640 : i32
    %dma_start3A_940 = tpu.memref_slice %arg6[%dma_start3A_938, %dma_start3A_939] : memref<16x1024xf32, #tpu.memory_space<vmem>> -> memref<1x128xf32, #tpu.memory_space<vmem>>
    %dma_start3A_941 = tpu.memref_squeeze %dma_start3A_940 : memref<1x128xf32, #tpu.memory_space<vmem>> -> memref<128xf32, #tpu.memory_space<vmem>>
    %dma_start3A_942 = arith.constant 0 : i32
    %dma_start3A_943 = tpu.memref_slice %arg5[%dma_start3A_936, %dma_start3A_937, %dma_start3A_942] : memref<16x8x128xi32, #tpu.memory_space<vmem>> -> memref<1x1x128xi32, #tpu.memory_space<vmem>>
    %dma_start3A_944 = tpu.memref_squeeze %dma_start3A_943 : memref<1x1x128xi32, #tpu.memory_space<vmem>> -> memref<128xi32, #tpu.memory_space<vmem>>
    %dma_start3A_945 = arith.constant 0 : i32
    %dma_start3A_946 = tpu.memref_slice %arg2[%dma_start3A_945] : memref<32000000xf32, #tpu.memory_space<hbm>> -> memref<32000000xf32, #tpu.memory_space<hbm>>
    tpu.enqueue_indirect_dma source(%dma_start3A_946 : memref<32000000xf32, #tpu.memory_space<hbm>>) target(%dma_start3A_941 : memref<128xf32, #tpu.memory_space<vmem>>) offsets(%dma_start3A_944 : memref<128xi32, #tpu.memory_space<vmem>>) semaphore(%arg7 : memref<!tpu.dma_semaphore, #tpu.memory_space<semaphore_mem>>)
    %dma_start3A_947 = arith.constant 3 : i32
    %dma_start3A_948 = arith.constant 5 : i32
    %dma_start3A_949 = arith.constant 3 : i32
    %dma_start3A_950 = arith.constant 640 : i32
    %dma_start3A_951 = tpu.memref_slice %arg6[%dma_start3A_949, %dma_start3A_950] : memref<16x1024xf32, #tpu.memory_space<vmem>> -> memref<1x128xf32, #tpu.memory_space<vmem>>
    %dma_start3A_952 = tpu.memref_squeeze %dma_start3A_951 : memref<1x128xf32, #tpu.memory_space<vmem>> -> memref<128xf32, #tpu.memory_space<vmem>>
    %dma_start3A_953 = arith.constant 0 : i32
    %dma_start3A_954 = tpu.memref_slice %arg5[%dma_start3A_947, %dma_start3A_948, %dma_start3A_953] : memref<16x8x128xi32, #tpu.memory_space<vmem>> -> memref<1x1x128xi32, #tpu.memory_space<vmem>>
    %dma_start3A_955 = tpu.memref_squeeze %dma_start3A_954 : memref<1x1x128xi32, #tpu.memory_space<vmem>> -> memref<128xi32, #tpu.memory_space<vmem>>
    %dma_start3A_956 = arith.constant 0 : i32
    %dma_start3A_957 = tpu.memref_slice %arg2[%dma_start3A_956] : memref<32000000xf32, #tpu.memory_space<hbm>> -> memref<32000000xf32, #tpu.memory_space<hbm>>
    tpu.enqueue_indirect_dma source(%dma_start3A_957 : memref<32000000xf32, #tpu.memory_space<hbm>>) target(%dma_start3A_952 : memref<128xf32, #tpu.memory_space<vmem>>) offsets(%dma_start3A_955 : memref<128xi32, #tpu.memory_space<vmem>>) semaphore(%arg7 : memref<!tpu.dma_semaphore, #tpu.memory_space<semaphore_mem>>)
    %dma_start3A_958 = arith.constant 4 : i32
    %dma_start3A_959 = arith.constant 5 : i32
    %dma_start3A_960 = arith.constant 4 : i32
    %dma_start3A_961 = arith.constant 640 : i32
    %dma_start3A_962 = tpu.memref_slice %arg6[%dma_start3A_960, %dma_start3A_961] : memref<16x1024xf32, #tpu.memory_space<vmem>> -> memref<1x128xf32, #tpu.memory_space<vmem>>
    %dma_start3A_963 = tpu.memref_squeeze %dma_start3A_962 : memref<1x128xf32, #tpu.memory_space<vmem>> -> memref<128xf32, #tpu.memory_space<vmem>>
    %dma_start3A_964 = arith.constant 0 : i32
    %dma_start3A_965 = tpu.memref_slice %arg5[%dma_start3A_958, %dma_start3A_959, %dma_start3A_964] : memref<16x8x128xi32, #tpu.memory_space<vmem>> -> memref<1x1x128xi32, #tpu.memory_space<vmem>>
    %dma_start3A_966 = tpu.memref_squeeze %dma_start3A_965 : memref<1x1x128xi32, #tpu.memory_space<vmem>> -> memref<128xi32, #tpu.memory_space<vmem>>
    %dma_start3A_967 = arith.constant 0 : i32
    %dma_start3A_968 = tpu.memref_slice %arg2[%dma_start3A_967] : memref<32000000xf32, #tpu.memory_space<hbm>> -> memref<32000000xf32, #tpu.memory_space<hbm>>
    tpu.enqueue_indirect_dma source(%dma_start3A_968 : memref<32000000xf32, #tpu.memory_space<hbm>>) target(%dma_start3A_963 : memref<128xf32, #tpu.memory_space<vmem>>) offsets(%dma_start3A_966 : memref<128xi32, #tpu.memory_space<vmem>>) semaphore(%arg7 : memref<!tpu.dma_semaphore, #tpu.memory_space<semaphore_mem>>)
    %dma_start3A_969 = arith.constant 5 : i32
    %dma_start3A_970 = arith.constant 5 : i32
    %dma_start3A_971 = arith.constant 5 : i32
    %dma_start3A_972 = arith.constant 640 : i32
    %dma_start3A_973 = tpu.memref_slice %arg6[%dma_start3A_971, %dma_start3A_972] : memref<16x1024xf32, #tpu.memory_space<vmem>> -> memref<1x128xf32, #tpu.memory_space<vmem>>
    %dma_start3A_974 = tpu.memref_squeeze %dma_start3A_973 : memref<1x128xf32, #tpu.memory_space<vmem>> -> memref<128xf32, #tpu.memory_space<vmem>>
    %dma_start3A_975 = arith.constant 0 : i32
    %dma_start3A_976 = tpu.memref_slice %arg5[%dma_start3A_969, %dma_start3A_970, %dma_start3A_975] : memref<16x8x128xi32, #tpu.memory_space<vmem>> -> memref<1x1x128xi32, #tpu.memory_space<vmem>>
    %dma_start3A_977 = tpu.memref_squeeze %dma_start3A_976 : memref<1x1x128xi32, #tpu.memory_space<vmem>> -> memref<128xi32, #tpu.memory_space<vmem>>
    %dma_start3A_978 = arith.constant 0 : i32
    %dma_start3A_979 = tpu.memref_slice %arg2[%dma_start3A_978] : memref<32000000xf32, #tpu.memory_space<hbm>> -> memref<32000000xf32, #tpu.memory_space<hbm>>
    tpu.enqueue_indirect_dma source(%dma_start3A_979 : memref<32000000xf32, #tpu.memory_space<hbm>>) target(%dma_start3A_974 : memref<128xf32, #tpu.memory_space<vmem>>) offsets(%dma_start3A_977 : memref<128xi32, #tpu.memory_space<vmem>>) semaphore(%arg7 : memref<!tpu.dma_semaphore, #tpu.memory_space<semaphore_mem>>)
    %dma_start3A_980 = arith.constant 6 : i32
    %dma_start3A_981 = arith.constant 5 : i32
    %dma_start3A_982 = arith.constant 6 : i32
    %dma_start3A_983 = arith.constant 640 : i32
    %dma_start3A_984 = tpu.memref_slice %arg6[%dma_start3A_982, %dma_start3A_983] : memref<16x1024xf32, #tpu.memory_space<vmem>> -> memref<1x128xf32, #tpu.memory_space<vmem>>
    %dma_start3A_985 = tpu.memref_squeeze %dma_start3A_984 : memref<1x128xf32, #tpu.memory_space<vmem>> -> memref<128xf32, #tpu.memory_space<vmem>>
    %dma_start3A_986 = arith.constant 0 : i32
    %dma_start3A_987 = tpu.memref_slice %arg5[%dma_start3A_980, %dma_start3A_981, %dma_start3A_986] : memref<16x8x128xi32, #tpu.memory_space<vmem>> -> memref<1x1x128xi32, #tpu.memory_space<vmem>>
    %dma_start3A_988 = tpu.memref_squeeze %dma_start3A_987 : memref<1x1x128xi32, #tpu.memory_space<vmem>> -> memref<128xi32, #tpu.memory_space<vmem>>
    %dma_start3A_989 = arith.constant 0 : i32
    %dma_start3A_990 = tpu.memref_slice %arg2[%dma_start3A_989] : memref<32000000xf32, #tpu.memory_space<hbm>> -> memref<32000000xf32, #tpu.memory_space<hbm>>
    tpu.enqueue_indirect_dma source(%dma_start3A_990 : memref<32000000xf32, #tpu.memory_space<hbm>>) target(%dma_start3A_985 : memref<128xf32, #tpu.memory_space<vmem>>) offsets(%dma_start3A_988 : memref<128xi32, #tpu.memory_space<vmem>>) semaphore(%arg7 : memref<!tpu.dma_semaphore, #tpu.memory_space<semaphore_mem>>)
    %dma_start3A_991 = arith.constant 7 : i32
    %dma_start3A_992 = arith.constant 5 : i32
    %dma_start3A_993 = arith.constant 7 : i32
    %dma_start3A_994 = arith.constant 640 : i32
    %dma_start3A_995 = tpu.memref_slice %arg6[%dma_start3A_993, %dma_start3A_994] : memref<16x1024xf32, #tpu.memory_space<vmem>> -> memref<1x128xf32, #tpu.memory_space<vmem>>
    %dma_start3A_996 = tpu.memref_squeeze %dma_start3A_995 : memref<1x128xf32, #tpu.memory_space<vmem>> -> memref<128xf32, #tpu.memory_space<vmem>>
    %dma_start3A_997 = arith.constant 0 : i32
    %dma_start3A_998 = tpu.memref_slice %arg5[%dma_start3A_991, %dma_start3A_992, %dma_start3A_997] : memref<16x8x128xi32, #tpu.memory_space<vmem>> -> memref<1x1x128xi32, #tpu.memory_space<vmem>>
    %dma_start3A_999 = tpu.memref_squeeze %dma_start3A_998 : memref<1x1x128xi32, #tpu.memory_space<vmem>> -> memref<128xi32, #tpu.memory_space<vmem>>
    %dma_start3A_1000 = arith.constant 0 : i32
    %dma_start3A_1001 = tpu.memref_slice %arg2[%dma_start3A_1000] : memref<32000000xf32, #tpu.memory_space<hbm>> -> memref<32000000xf32, #tpu.memory_space<hbm>>
    tpu.enqueue_indirect_dma source(%dma_start3A_1001 : memref<32000000xf32, #tpu.memory_space<hbm>>) target(%dma_start3A_996 : memref<128xf32, #tpu.memory_space<vmem>>) offsets(%dma_start3A_999 : memref<128xi32, #tpu.memory_space<vmem>>) semaphore(%arg7 : memref<!tpu.dma_semaphore, #tpu.memory_space<semaphore_mem>>)
    %dma_start3A_1002 = arith.constant 8 : i32
    %dma_start3A_1003 = arith.constant 5 : i32
    %dma_start3A_1004 = arith.constant 8 : i32
    %dma_start3A_1005 = arith.constant 640 : i32
    %dma_start3A_1006 = tpu.memref_slice %arg6[%dma_start3A_1004, %dma_start3A_1005] : memref<16x1024xf32, #tpu.memory_space<vmem>> -> memref<1x128xf32, #tpu.memory_space<vmem>>
    %dma_start3A_1007 = tpu.memref_squeeze %dma_start3A_1006 : memref<1x128xf32, #tpu.memory_space<vmem>> -> memref<128xf32, #tpu.memory_space<vmem>>
    %dma_start3A_1008 = arith.constant 0 : i32
    %dma_start3A_1009 = tpu.memref_slice %arg5[%dma_start3A_1002, %dma_start3A_1003, %dma_start3A_1008] : memref<16x8x128xi32, #tpu.memory_space<vmem>> -> memref<1x1x128xi32, #tpu.memory_space<vmem>>
    %dma_start3A_1010 = tpu.memref_squeeze %dma_start3A_1009 : memref<1x1x128xi32, #tpu.memory_space<vmem>> -> memref<128xi32, #tpu.memory_space<vmem>>
    %dma_start3A_1011 = arith.constant 0 : i32
    %dma_start3A_1012 = tpu.memref_slice %arg2[%dma_start3A_1011] : memref<32000000xf32, #tpu.memory_space<hbm>> -> memref<32000000xf32, #tpu.memory_space<hbm>>
    tpu.enqueue_indirect_dma source(%dma_start3A_1012 : memref<32000000xf32, #tpu.memory_space<hbm>>) target(%dma_start3A_1007 : memref<128xf32, #tpu.memory_space<vmem>>) offsets(%dma_start3A_1010 : memref<128xi32, #tpu.memory_space<vmem>>) semaphore(%arg7 : memref<!tpu.dma_semaphore, #tpu.memory_space<semaphore_mem>>)
    %dma_start3A_1013 = arith.constant 9 : i32
    %dma_start3A_1014 = arith.constant 5 : i32
    %dma_start3A_1015 = arith.constant 9 : i32
    %dma_start3A_1016 = arith.constant 640 : i32
    %dma_start3A_1017 = tpu.memref_slice %arg6[%dma_start3A_1015, %dma_start3A_1016] : memref<16x1024xf32, #tpu.memory_space<vmem>> -> memref<1x128xf32, #tpu.memory_space<vmem>>
    %dma_start3A_1018 = tpu.memref_squeeze %dma_start3A_1017 : memref<1x128xf32, #tpu.memory_space<vmem>> -> memref<128xf32, #tpu.memory_space<vmem>>
    %dma_start3A_1019 = arith.constant 0 : i32
    %dma_start3A_1020 = tpu.memref_slice %arg5[%dma_start3A_1013, %dma_start3A_1014, %dma_start3A_1019] : memref<16x8x128xi32, #tpu.memory_space<vmem>> -> memref<1x1x128xi32, #tpu.memory_space<vmem>>
    %dma_start3A_1021 = tpu.memref_squeeze %dma_start3A_1020 : memref<1x1x128xi32, #tpu.memory_space<vmem>> -> memref<128xi32, #tpu.memory_space<vmem>>
    %dma_start3A_1022 = arith.constant 0 : i32
    %dma_start3A_1023 = tpu.memref_slice %arg2[%dma_start3A_1022] : memref<32000000xf32, #tpu.memory_space<hbm>> -> memref<32000000xf32, #tpu.memory_space<hbm>>
    tpu.enqueue_indirect_dma source(%dma_start3A_1023 : memref<32000000xf32, #tpu.memory_space<hbm>>) target(%dma_start3A_1018 : memref<128xf32, #tpu.memory_space<vmem>>) offsets(%dma_start3A_1021 : memref<128xi32, #tpu.memory_space<vmem>>) semaphore(%arg7 : memref<!tpu.dma_semaphore, #tpu.memory_space<semaphore_mem>>)
    %dma_start3A_1024 = arith.constant 10 : i32
    %dma_start3A_1025 = arith.constant 5 : i32
    %dma_start3A_1026 = arith.constant 10 : i32
    %dma_start3A_1027 = arith.constant 640 : i32
    %dma_start3A_1028 = tpu.memref_slice %arg6[%dma_start3A_1026, %dma_start3A_1027] : memref<16x1024xf32, #tpu.memory_space<vmem>> -> memref<1x128xf32, #tpu.memory_space<vmem>>
    %dma_start3A_1029 = tpu.memref_squeeze %dma_start3A_1028 : memref<1x128xf32, #tpu.memory_space<vmem>> -> memref<128xf32, #tpu.memory_space<vmem>>
    %dma_start3A_1030 = arith.constant 0 : i32
    %dma_start3A_1031 = tpu.memref_slice %arg5[%dma_start3A_1024, %dma_start3A_1025, %dma_start3A_1030] : memref<16x8x128xi32, #tpu.memory_space<vmem>> -> memref<1x1x128xi32, #tpu.memory_space<vmem>>
    %dma_start3A_1032 = tpu.memref_squeeze %dma_start3A_1031 : memref<1x1x128xi32, #tpu.memory_space<vmem>> -> memref<128xi32, #tpu.memory_space<vmem>>
    %dma_start3A_1033 = arith.constant 0 : i32
    %dma_start3A_1034 = tpu.memref_slice %arg2[%dma_start3A_1033] : memref<32000000xf32, #tpu.memory_space<hbm>> -> memref<32000000xf32, #tpu.memory_space<hbm>>
    tpu.enqueue_indirect_dma source(%dma_start3A_1034 : memref<32000000xf32, #tpu.memory_space<hbm>>) target(%dma_start3A_1029 : memref<128xf32, #tpu.memory_space<vmem>>) offsets(%dma_start3A_1032 : memref<128xi32, #tpu.memory_space<vmem>>) semaphore(%arg7 : memref<!tpu.dma_semaphore, #tpu.memory_space<semaphore_mem>>)
    %dma_start3A_1035 = arith.constant 11 : i32
    %dma_start3A_1036 = arith.constant 5 : i32
    %dma_start3A_1037 = arith.constant 11 : i32
    %dma_start3A_1038 = arith.constant 640 : i32
    %dma_start3A_1039 = tpu.memref_slice %arg6[%dma_start3A_1037, %dma_start3A_1038] : memref<16x1024xf32, #tpu.memory_space<vmem>> -> memref<1x128xf32, #tpu.memory_space<vmem>>
    %dma_start3A_1040 = tpu.memref_squeeze %dma_start3A_1039 : memref<1x128xf32, #tpu.memory_space<vmem>> -> memref<128xf32, #tpu.memory_space<vmem>>
    %dma_start3A_1041 = arith.constant 0 : i32
    %dma_start3A_1042 = tpu.memref_slice %arg5[%dma_start3A_1035, %dma_start3A_1036, %dma_start3A_1041] : memref<16x8x128xi32, #tpu.memory_space<vmem>> -> memref<1x1x128xi32, #tpu.memory_space<vmem>>
    %dma_start3A_1043 = tpu.memref_squeeze %dma_start3A_1042 : memref<1x1x128xi32, #tpu.memory_space<vmem>> -> memref<128xi32, #tpu.memory_space<vmem>>
    %dma_start3A_1044 = arith.constant 0 : i32
    %dma_start3A_1045 = tpu.memref_slice %arg2[%dma_start3A_1044] : memref<32000000xf32, #tpu.memory_space<hbm>> -> memref<32000000xf32, #tpu.memory_space<hbm>>
    tpu.enqueue_indirect_dma source(%dma_start3A_1045 : memref<32000000xf32, #tpu.memory_space<hbm>>) target(%dma_start3A_1040 : memref<128xf32, #tpu.memory_space<vmem>>) offsets(%dma_start3A_1043 : memref<128xi32, #tpu.memory_space<vmem>>) semaphore(%arg7 : memref<!tpu.dma_semaphore, #tpu.memory_space<semaphore_mem>>)
    %dma_start3A_1046 = arith.constant 12 : i32
    %dma_start3A_1047 = arith.constant 5 : i32
    %dma_start3A_1048 = arith.constant 12 : i32
    %dma_start3A_1049 = arith.constant 640 : i32
    %dma_start3A_1050 = tpu.memref_slice %arg6[%dma_start3A_1048, %dma_start3A_1049] : memref<16x1024xf32, #tpu.memory_space<vmem>> -> memref<1x128xf32, #tpu.memory_space<vmem>>
    %dma_start3A_1051 = tpu.memref_squeeze %dma_start3A_1050 : memref<1x128xf32, #tpu.memory_space<vmem>> -> memref<128xf32, #tpu.memory_space<vmem>>
    %dma_start3A_1052 = arith.constant 0 : i32
    %dma_start3A_1053 = tpu.memref_slice %arg5[%dma_start3A_1046, %dma_start3A_1047, %dma_start3A_1052] : memref<16x8x128xi32, #tpu.memory_space<vmem>> -> memref<1x1x128xi32, #tpu.memory_space<vmem>>
    %dma_start3A_1054 = tpu.memref_squeeze %dma_start3A_1053 : memref<1x1x128xi32, #tpu.memory_space<vmem>> -> memref<128xi32, #tpu.memory_space<vmem>>
    %dma_start3A_1055 = arith.constant 0 : i32
    %dma_start3A_1056 = tpu.memref_slice %arg2[%dma_start3A_1055] : memref<32000000xf32, #tpu.memory_space<hbm>> -> memref<32000000xf32, #tpu.memory_space<hbm>>
    tpu.enqueue_indirect_dma source(%dma_start3A_1056 : memref<32000000xf32, #tpu.memory_space<hbm>>) target(%dma_start3A_1051 : memref<128xf32, #tpu.memory_space<vmem>>) offsets(%dma_start3A_1054 : memref<128xi32, #tpu.memory_space<vmem>>) semaphore(%arg7 : memref<!tpu.dma_semaphore, #tpu.memory_space<semaphore_mem>>)
    %dma_start3A_1057 = arith.constant 13 : i32
    %dma_start3A_1058 = arith.constant 5 : i32
    %dma_start3A_1059 = arith.constant 13 : i32
    %dma_start3A_1060 = arith.constant 640 : i32
    %dma_start3A_1061 = tpu.memref_slice %arg6[%dma_start3A_1059, %dma_start3A_1060] : memref<16x1024xf32, #tpu.memory_space<vmem>> -> memref<1x128xf32, #tpu.memory_space<vmem>>
    %dma_start3A_1062 = tpu.memref_squeeze %dma_start3A_1061 : memref<1x128xf32, #tpu.memory_space<vmem>> -> memref<128xf32, #tpu.memory_space<vmem>>
    %dma_start3A_1063 = arith.constant 0 : i32
    %dma_start3A_1064 = tpu.memref_slice %arg5[%dma_start3A_1057, %dma_start3A_1058, %dma_start3A_1063] : memref<16x8x128xi32, #tpu.memory_space<vmem>> -> memref<1x1x128xi32, #tpu.memory_space<vmem>>
    %dma_start3A_1065 = tpu.memref_squeeze %dma_start3A_1064 : memref<1x1x128xi32, #tpu.memory_space<vmem>> -> memref<128xi32, #tpu.memory_space<vmem>>
    %dma_start3A_1066 = arith.constant 0 : i32
    %dma_start3A_1067 = tpu.memref_slice %arg2[%dma_start3A_1066] : memref<32000000xf32, #tpu.memory_space<hbm>> -> memref<32000000xf32, #tpu.memory_space<hbm>>
    tpu.enqueue_indirect_dma source(%dma_start3A_1067 : memref<32000000xf32, #tpu.memory_space<hbm>>) target(%dma_start3A_1062 : memref<128xf32, #tpu.memory_space<vmem>>) offsets(%dma_start3A_1065 : memref<128xi32, #tpu.memory_space<vmem>>) semaphore(%arg7 : memref<!tpu.dma_semaphore, #tpu.memory_space<semaphore_mem>>)
    %dma_start3A_1068 = arith.constant 14 : i32
    %dma_start3A_1069 = arith.constant 5 : i32
    %dma_start3A_1070 = arith.constant 14 : i32
    %dma_start3A_1071 = arith.constant 640 : i32
    %dma_start3A_1072 = tpu.memref_slice %arg6[%dma_start3A_1070, %dma_start3A_1071] : memref<16x1024xf32, #tpu.memory_space<vmem>> -> memref<1x128xf32, #tpu.memory_space<vmem>>
    %dma_start3A_1073 = tpu.memref_squeeze %dma_start3A_1072 : memref<1x128xf32, #tpu.memory_space<vmem>> -> memref<128xf32, #tpu.memory_space<vmem>>
    %dma_start3A_1074 = arith.constant 0 : i32
    %dma_start3A_1075 = tpu.memref_slice %arg5[%dma_start3A_1068, %dma_start3A_1069, %dma_start3A_1074] : memref<16x8x128xi32, #tpu.memory_space<vmem>> -> memref<1x1x128xi32, #tpu.memory_space<vmem>>
    %dma_start3A_1076 = tpu.memref_squeeze %dma_start3A_1075 : memref<1x1x128xi32, #tpu.memory_space<vmem>> -> memref<128xi32, #tpu.memory_space<vmem>>
    %dma_start3A_1077 = arith.constant 0 : i32
    %dma_start3A_1078 = tpu.memref_slice %arg2[%dma_start3A_1077] : memref<32000000xf32, #tpu.memory_space<hbm>> -> memref<32000000xf32, #tpu.memory_space<hbm>>
    tpu.enqueue_indirect_dma source(%dma_start3A_1078 : memref<32000000xf32, #tpu.memory_space<hbm>>) target(%dma_start3A_1073 : memref<128xf32, #tpu.memory_space<vmem>>) offsets(%dma_start3A_1076 : memref<128xi32, #tpu.memory_space<vmem>>) semaphore(%arg7 : memref<!tpu.dma_semaphore, #tpu.memory_space<semaphore_mem>>)
    %dma_start3A_1079 = arith.constant 15 : i32
    %dma_start3A_1080 = arith.constant 5 : i32
    %dma_start3A_1081 = arith.constant 15 : i32
    %dma_start3A_1082 = arith.constant 640 : i32
    %dma_start3A_1083 = tpu.memref_slice %arg6[%dma_start3A_1081, %dma_start3A_1082] : memref<16x1024xf32, #tpu.memory_space<vmem>> -> memref<1x128xf32, #tpu.memory_space<vmem>>
    %dma_start3A_1084 = tpu.memref_squeeze %dma_start3A_1083 : memref<1x128xf32, #tpu.memory_space<vmem>> -> memref<128xf32, #tpu.memory_space<vmem>>
    %dma_start3A_1085 = arith.constant 0 : i32
    %dma_start3A_1086 = tpu.memref_slice %arg5[%dma_start3A_1079, %dma_start3A_1080, %dma_start3A_1085] : memref<16x8x128xi32, #tpu.memory_space<vmem>> -> memref<1x1x128xi32, #tpu.memory_space<vmem>>
    %dma_start3A_1087 = tpu.memref_squeeze %dma_start3A_1086 : memref<1x1x128xi32, #tpu.memory_space<vmem>> -> memref<128xi32, #tpu.memory_space<vmem>>
    %dma_start3A_1088 = arith.constant 0 : i32
    %dma_start3A_1089 = tpu.memref_slice %arg2[%dma_start3A_1088] : memref<32000000xf32, #tpu.memory_space<hbm>> -> memref<32000000xf32, #tpu.memory_space<hbm>>
    tpu.enqueue_indirect_dma source(%dma_start3A_1089 : memref<32000000xf32, #tpu.memory_space<hbm>>) target(%dma_start3A_1084 : memref<128xf32, #tpu.memory_space<vmem>>) offsets(%dma_start3A_1087 : memref<128xi32, #tpu.memory_space<vmem>>) semaphore(%arg7 : memref<!tpu.dma_semaphore, #tpu.memory_space<semaphore_mem>>)
    %dma_start3A_1090 = arith.constant 0 : i32
    %dma_start3A_1091 = arith.constant 6 : i32
    %dma_start3A_1092 = arith.constant 0 : i32
    %dma_start3A_1093 = arith.constant 768 : i32
    %dma_start3A_1094 = tpu.memref_slice %arg6[%dma_start3A_1092, %dma_start3A_1093] : memref<16x1024xf32, #tpu.memory_space<vmem>> -> memref<1x128xf32, #tpu.memory_space<vmem>>
    %dma_start3A_1095 = tpu.memref_squeeze %dma_start3A_1094 : memref<1x128xf32, #tpu.memory_space<vmem>> -> memref<128xf32, #tpu.memory_space<vmem>>
    %dma_start3A_1096 = arith.constant 0 : i32
    %dma_start3A_1097 = tpu.memref_slice %arg5[%dma_start3A_1090, %dma_start3A_1091, %dma_start3A_1096] : memref<16x8x128xi32, #tpu.memory_space<vmem>> -> memref<1x1x128xi32, #tpu.memory_space<vmem>>
    %dma_start3A_1098 = tpu.memref_squeeze %dma_start3A_1097 : memref<1x1x128xi32, #tpu.memory_space<vmem>> -> memref<128xi32, #tpu.memory_space<vmem>>
    %dma_start3A_1099 = arith.constant 0 : i32
    %dma_start3A_1100 = tpu.memref_slice %arg2[%dma_start3A_1099] : memref<32000000xf32, #tpu.memory_space<hbm>> -> memref<32000000xf32, #tpu.memory_space<hbm>>
    tpu.enqueue_indirect_dma source(%dma_start3A_1100 : memref<32000000xf32, #tpu.memory_space<hbm>>) target(%dma_start3A_1095 : memref<128xf32, #tpu.memory_space<vmem>>) offsets(%dma_start3A_1098 : memref<128xi32, #tpu.memory_space<vmem>>) semaphore(%arg7 : memref<!tpu.dma_semaphore, #tpu.memory_space<semaphore_mem>>)
    %dma_start3A_1101 = arith.constant 1 : i32
    %dma_start3A_1102 = arith.constant 6 : i32
    %dma_start3A_1103 = arith.constant 1 : i32
    %dma_start3A_1104 = arith.constant 768 : i32
    %dma_start3A_1105 = tpu.memref_slice %arg6[%dma_start3A_1103, %dma_start3A_1104] : memref<16x1024xf32, #tpu.memory_space<vmem>> -> memref<1x128xf32, #tpu.memory_space<vmem>>
    %dma_start3A_1106 = tpu.memref_squeeze %dma_start3A_1105 : memref<1x128xf32, #tpu.memory_space<vmem>> -> memref<128xf32, #tpu.memory_space<vmem>>
    %dma_start3A_1107 = arith.constant 0 : i32
    %dma_start3A_1108 = tpu.memref_slice %arg5[%dma_start3A_1101, %dma_start3A_1102, %dma_start3A_1107] : memref<16x8x128xi32, #tpu.memory_space<vmem>> -> memref<1x1x128xi32, #tpu.memory_space<vmem>>
    %dma_start3A_1109 = tpu.memref_squeeze %dma_start3A_1108 : memref<1x1x128xi32, #tpu.memory_space<vmem>> -> memref<128xi32, #tpu.memory_space<vmem>>
    %dma_start3A_1110 = arith.constant 0 : i32
    %dma_start3A_1111 = tpu.memref_slice %arg2[%dma_start3A_1110] : memref<32000000xf32, #tpu.memory_space<hbm>> -> memref<32000000xf32, #tpu.memory_space<hbm>>
    tpu.enqueue_indirect_dma source(%dma_start3A_1111 : memref<32000000xf32, #tpu.memory_space<hbm>>) target(%dma_start3A_1106 : memref<128xf32, #tpu.memory_space<vmem>>) offsets(%dma_start3A_1109 : memref<128xi32, #tpu.memory_space<vmem>>) semaphore(%arg7 : memref<!tpu.dma_semaphore, #tpu.memory_space<semaphore_mem>>)
    %dma_start3A_1112 = arith.constant 2 : i32
    %dma_start3A_1113 = arith.constant 6 : i32
    %dma_start3A_1114 = arith.constant 2 : i32
    %dma_start3A_1115 = arith.constant 768 : i32
    %dma_start3A_1116 = tpu.memref_slice %arg6[%dma_start3A_1114, %dma_start3A_1115] : memref<16x1024xf32, #tpu.memory_space<vmem>> -> memref<1x128xf32, #tpu.memory_space<vmem>>
    %dma_start3A_1117 = tpu.memref_squeeze %dma_start3A_1116 : memref<1x128xf32, #tpu.memory_space<vmem>> -> memref<128xf32, #tpu.memory_space<vmem>>
    %dma_start3A_1118 = arith.constant 0 : i32
    %dma_start3A_1119 = tpu.memref_slice %arg5[%dma_start3A_1112, %dma_start3A_1113, %dma_start3A_1118] : memref<16x8x128xi32, #tpu.memory_space<vmem>> -> memref<1x1x128xi32, #tpu.memory_space<vmem>>
    %dma_start3A_1120 = tpu.memref_squeeze %dma_start3A_1119 : memref<1x1x128xi32, #tpu.memory_space<vmem>> -> memref<128xi32, #tpu.memory_space<vmem>>
    %dma_start3A_1121 = arith.constant 0 : i32
    %dma_start3A_1122 = tpu.memref_slice %arg2[%dma_start3A_1121] : memref<32000000xf32, #tpu.memory_space<hbm>> -> memref<32000000xf32, #tpu.memory_space<hbm>>
    tpu.enqueue_indirect_dma source(%dma_start3A_1122 : memref<32000000xf32, #tpu.memory_space<hbm>>) target(%dma_start3A_1117 : memref<128xf32, #tpu.memory_space<vmem>>) offsets(%dma_start3A_1120 : memref<128xi32, #tpu.memory_space<vmem>>) semaphore(%arg7 : memref<!tpu.dma_semaphore, #tpu.memory_space<semaphore_mem>>)
    %dma_start3A_1123 = arith.constant 3 : i32
    %dma_start3A_1124 = arith.constant 6 : i32
    %dma_start3A_1125 = arith.constant 3 : i32
    %dma_start3A_1126 = arith.constant 768 : i32
    %dma_start3A_1127 = tpu.memref_slice %arg6[%dma_start3A_1125, %dma_start3A_1126] : memref<16x1024xf32, #tpu.memory_space<vmem>> -> memref<1x128xf32, #tpu.memory_space<vmem>>
    %dma_start3A_1128 = tpu.memref_squeeze %dma_start3A_1127 : memref<1x128xf32, #tpu.memory_space<vmem>> -> memref<128xf32, #tpu.memory_space<vmem>>
    %dma_start3A_1129 = arith.constant 0 : i32
    %dma_start3A_1130 = tpu.memref_slice %arg5[%dma_start3A_1123, %dma_start3A_1124, %dma_start3A_1129] : memref<16x8x128xi32, #tpu.memory_space<vmem>> -> memref<1x1x128xi32, #tpu.memory_space<vmem>>
    %dma_start3A_1131 = tpu.memref_squeeze %dma_start3A_1130 : memref<1x1x128xi32, #tpu.memory_space<vmem>> -> memref<128xi32, #tpu.memory_space<vmem>>
    %dma_start3A_1132 = arith.constant 0 : i32
    %dma_start3A_1133 = tpu.memref_slice %arg2[%dma_start3A_1132] : memref<32000000xf32, #tpu.memory_space<hbm>> -> memref<32000000xf32, #tpu.memory_space<hbm>>
    tpu.enqueue_indirect_dma source(%dma_start3A_1133 : memref<32000000xf32, #tpu.memory_space<hbm>>) target(%dma_start3A_1128 : memref<128xf32, #tpu.memory_space<vmem>>) offsets(%dma_start3A_1131 : memref<128xi32, #tpu.memory_space<vmem>>) semaphore(%arg7 : memref<!tpu.dma_semaphore, #tpu.memory_space<semaphore_mem>>)
    %dma_start3A_1134 = arith.constant 4 : i32
    %dma_start3A_1135 = arith.constant 6 : i32
    %dma_start3A_1136 = arith.constant 4 : i32
    %dma_start3A_1137 = arith.constant 768 : i32
    %dma_start3A_1138 = tpu.memref_slice %arg6[%dma_start3A_1136, %dma_start3A_1137] : memref<16x1024xf32, #tpu.memory_space<vmem>> -> memref<1x128xf32, #tpu.memory_space<vmem>>
    %dma_start3A_1139 = tpu.memref_squeeze %dma_start3A_1138 : memref<1x128xf32, #tpu.memory_space<vmem>> -> memref<128xf32, #tpu.memory_space<vmem>>
    %dma_start3A_1140 = arith.constant 0 : i32
    %dma_start3A_1141 = tpu.memref_slice %arg5[%dma_start3A_1134, %dma_start3A_1135, %dma_start3A_1140] : memref<16x8x128xi32, #tpu.memory_space<vmem>> -> memref<1x1x128xi32, #tpu.memory_space<vmem>>
    %dma_start3A_1142 = tpu.memref_squeeze %dma_start3A_1141 : memref<1x1x128xi32, #tpu.memory_space<vmem>> -> memref<128xi32, #tpu.memory_space<vmem>>
    %dma_start3A_1143 = arith.constant 0 : i32
    %dma_start3A_1144 = tpu.memref_slice %arg2[%dma_start3A_1143] : memref<32000000xf32, #tpu.memory_space<hbm>> -> memref<32000000xf32, #tpu.memory_space<hbm>>
    tpu.enqueue_indirect_dma source(%dma_start3A_1144 : memref<32000000xf32, #tpu.memory_space<hbm>>) target(%dma_start3A_1139 : memref<128xf32, #tpu.memory_space<vmem>>) offsets(%dma_start3A_1142 : memref<128xi32, #tpu.memory_space<vmem>>) semaphore(%arg7 : memref<!tpu.dma_semaphore, #tpu.memory_space<semaphore_mem>>)
    %dma_start3A_1145 = arith.constant 5 : i32
    %dma_start3A_1146 = arith.constant 6 : i32
    %dma_start3A_1147 = arith.constant 5 : i32
    %dma_start3A_1148 = arith.constant 768 : i32
    %dma_start3A_1149 = tpu.memref_slice %arg6[%dma_start3A_1147, %dma_start3A_1148] : memref<16x1024xf32, #tpu.memory_space<vmem>> -> memref<1x128xf32, #tpu.memory_space<vmem>>
    %dma_start3A_1150 = tpu.memref_squeeze %dma_start3A_1149 : memref<1x128xf32, #tpu.memory_space<vmem>> -> memref<128xf32, #tpu.memory_space<vmem>>
    %dma_start3A_1151 = arith.constant 0 : i32
    %dma_start3A_1152 = tpu.memref_slice %arg5[%dma_start3A_1145, %dma_start3A_1146, %dma_start3A_1151] : memref<16x8x128xi32, #tpu.memory_space<vmem>> -> memref<1x1x128xi32, #tpu.memory_space<vmem>>
    %dma_start3A_1153 = tpu.memref_squeeze %dma_start3A_1152 : memref<1x1x128xi32, #tpu.memory_space<vmem>> -> memref<128xi32, #tpu.memory_space<vmem>>
    %dma_start3A_1154 = arith.constant 0 : i32
    %dma_start3A_1155 = tpu.memref_slice %arg2[%dma_start3A_1154] : memref<32000000xf32, #tpu.memory_space<hbm>> -> memref<32000000xf32, #tpu.memory_space<hbm>>
    tpu.enqueue_indirect_dma source(%dma_start3A_1155 : memref<32000000xf32, #tpu.memory_space<hbm>>) target(%dma_start3A_1150 : memref<128xf32, #tpu.memory_space<vmem>>) offsets(%dma_start3A_1153 : memref<128xi32, #tpu.memory_space<vmem>>) semaphore(%arg7 : memref<!tpu.dma_semaphore, #tpu.memory_space<semaphore_mem>>)
    %dma_start3A_1156 = arith.constant 6 : i32
    %dma_start3A_1157 = arith.constant 6 : i32
    %dma_start3A_1158 = arith.constant 6 : i32
    %dma_start3A_1159 = arith.constant 768 : i32
    %dma_start3A_1160 = tpu.memref_slice %arg6[%dma_start3A_1158, %dma_start3A_1159] : memref<16x1024xf32, #tpu.memory_space<vmem>> -> memref<1x128xf32, #tpu.memory_space<vmem>>
    %dma_start3A_1161 = tpu.memref_squeeze %dma_start3A_1160 : memref<1x128xf32, #tpu.memory_space<vmem>> -> memref<128xf32, #tpu.memory_space<vmem>>
    %dma_start3A_1162 = arith.constant 0 : i32
    %dma_start3A_1163 = tpu.memref_slice %arg5[%dma_start3A_1156, %dma_start3A_1157, %dma_start3A_1162] : memref<16x8x128xi32, #tpu.memory_space<vmem>> -> memref<1x1x128xi32, #tpu.memory_space<vmem>>
    %dma_start3A_1164 = tpu.memref_squeeze %dma_start3A_1163 : memref<1x1x128xi32, #tpu.memory_space<vmem>> -> memref<128xi32, #tpu.memory_space<vmem>>
    %dma_start3A_1165 = arith.constant 0 : i32
    %dma_start3A_1166 = tpu.memref_slice %arg2[%dma_start3A_1165] : memref<32000000xf32, #tpu.memory_space<hbm>> -> memref<32000000xf32, #tpu.memory_space<hbm>>
    tpu.enqueue_indirect_dma source(%dma_start3A_1166 : memref<32000000xf32, #tpu.memory_space<hbm>>) target(%dma_start3A_1161 : memref<128xf32, #tpu.memory_space<vmem>>) offsets(%dma_start3A_1164 : memref<128xi32, #tpu.memory_space<vmem>>) semaphore(%arg7 : memref<!tpu.dma_semaphore, #tpu.memory_space<semaphore_mem>>)
    %dma_start3A_1167 = arith.constant 7 : i32
    %dma_start3A_1168 = arith.constant 6 : i32
    %dma_start3A_1169 = arith.constant 7 : i32
    %dma_start3A_1170 = arith.constant 768 : i32
    %dma_start3A_1171 = tpu.memref_slice %arg6[%dma_start3A_1169, %dma_start3A_1170] : memref<16x1024xf32, #tpu.memory_space<vmem>> -> memref<1x128xf32, #tpu.memory_space<vmem>>
    %dma_start3A_1172 = tpu.memref_squeeze %dma_start3A_1171 : memref<1x128xf32, #tpu.memory_space<vmem>> -> memref<128xf32, #tpu.memory_space<vmem>>
    %dma_start3A_1173 = arith.constant 0 : i32
    %dma_start3A_1174 = tpu.memref_slice %arg5[%dma_start3A_1167, %dma_start3A_1168, %dma_start3A_1173] : memref<16x8x128xi32, #tpu.memory_space<vmem>> -> memref<1x1x128xi32, #tpu.memory_space<vmem>>
    %dma_start3A_1175 = tpu.memref_squeeze %dma_start3A_1174 : memref<1x1x128xi32, #tpu.memory_space<vmem>> -> memref<128xi32, #tpu.memory_space<vmem>>
    %dma_start3A_1176 = arith.constant 0 : i32
    %dma_start3A_1177 = tpu.memref_slice %arg2[%dma_start3A_1176] : memref<32000000xf32, #tpu.memory_space<hbm>> -> memref<32000000xf32, #tpu.memory_space<hbm>>
    tpu.enqueue_indirect_dma source(%dma_start3A_1177 : memref<32000000xf32, #tpu.memory_space<hbm>>) target(%dma_start3A_1172 : memref<128xf32, #tpu.memory_space<vmem>>) offsets(%dma_start3A_1175 : memref<128xi32, #tpu.memory_space<vmem>>) semaphore(%arg7 : memref<!tpu.dma_semaphore, #tpu.memory_space<semaphore_mem>>)
    %dma_start3A_1178 = arith.constant 8 : i32
    %dma_start3A_1179 = arith.constant 6 : i32
    %dma_start3A_1180 = arith.constant 8 : i32
    %dma_start3A_1181 = arith.constant 768 : i32
    %dma_start3A_1182 = tpu.memref_slice %arg6[%dma_start3A_1180, %dma_start3A_1181] : memref<16x1024xf32, #tpu.memory_space<vmem>> -> memref<1x128xf32, #tpu.memory_space<vmem>>
    %dma_start3A_1183 = tpu.memref_squeeze %dma_start3A_1182 : memref<1x128xf32, #tpu.memory_space<vmem>> -> memref<128xf32, #tpu.memory_space<vmem>>
    %dma_start3A_1184 = arith.constant 0 : i32
    %dma_start3A_1185 = tpu.memref_slice %arg5[%dma_start3A_1178, %dma_start3A_1179, %dma_start3A_1184] : memref<16x8x128xi32, #tpu.memory_space<vmem>> -> memref<1x1x128xi32, #tpu.memory_space<vmem>>
    %dma_start3A_1186 = tpu.memref_squeeze %dma_start3A_1185 : memref<1x1x128xi32, #tpu.memory_space<vmem>> -> memref<128xi32, #tpu.memory_space<vmem>>
    %dma_start3A_1187 = arith.constant 0 : i32
    %dma_start3A_1188 = tpu.memref_slice %arg2[%dma_start3A_1187] : memref<32000000xf32, #tpu.memory_space<hbm>> -> memref<32000000xf32, #tpu.memory_space<hbm>>
    tpu.enqueue_indirect_dma source(%dma_start3A_1188 : memref<32000000xf32, #tpu.memory_space<hbm>>) target(%dma_start3A_1183 : memref<128xf32, #tpu.memory_space<vmem>>) offsets(%dma_start3A_1186 : memref<128xi32, #tpu.memory_space<vmem>>) semaphore(%arg7 : memref<!tpu.dma_semaphore, #tpu.memory_space<semaphore_mem>>)
    %dma_start3A_1189 = arith.constant 9 : i32
    %dma_start3A_1190 = arith.constant 6 : i32
    %dma_start3A_1191 = arith.constant 9 : i32
    %dma_start3A_1192 = arith.constant 768 : i32
    %dma_start3A_1193 = tpu.memref_slice %arg6[%dma_start3A_1191, %dma_start3A_1192] : memref<16x1024xf32, #tpu.memory_space<vmem>> -> memref<1x128xf32, #tpu.memory_space<vmem>>
    %dma_start3A_1194 = tpu.memref_squeeze %dma_start3A_1193 : memref<1x128xf32, #tpu.memory_space<vmem>> -> memref<128xf32, #tpu.memory_space<vmem>>
    %dma_start3A_1195 = arith.constant 0 : i32
    %dma_start3A_1196 = tpu.memref_slice %arg5[%dma_start3A_1189, %dma_start3A_1190, %dma_start3A_1195] : memref<16x8x128xi32, #tpu.memory_space<vmem>> -> memref<1x1x128xi32, #tpu.memory_space<vmem>>
    %dma_start3A_1197 = tpu.memref_squeeze %dma_start3A_1196 : memref<1x1x128xi32, #tpu.memory_space<vmem>> -> memref<128xi32, #tpu.memory_space<vmem>>
    %dma_start3A_1198 = arith.constant 0 : i32
    %dma_start3A_1199 = tpu.memref_slice %arg2[%dma_start3A_1198] : memref<32000000xf32, #tpu.memory_space<hbm>> -> memref<32000000xf32, #tpu.memory_space<hbm>>
    tpu.enqueue_indirect_dma source(%dma_start3A_1199 : memref<32000000xf32, #tpu.memory_space<hbm>>) target(%dma_start3A_1194 : memref<128xf32, #tpu.memory_space<vmem>>) offsets(%dma_start3A_1197 : memref<128xi32, #tpu.memory_space<vmem>>) semaphore(%arg7 : memref<!tpu.dma_semaphore, #tpu.memory_space<semaphore_mem>>)
    %dma_start3A_1200 = arith.constant 10 : i32
    %dma_start3A_1201 = arith.constant 6 : i32
    %dma_start3A_1202 = arith.constant 10 : i32
    %dma_start3A_1203 = arith.constant 768 : i32
    %dma_start3A_1204 = tpu.memref_slice %arg6[%dma_start3A_1202, %dma_start3A_1203] : memref<16x1024xf32, #tpu.memory_space<vmem>> -> memref<1x128xf32, #tpu.memory_space<vmem>>
    %dma_start3A_1205 = tpu.memref_squeeze %dma_start3A_1204 : memref<1x128xf32, #tpu.memory_space<vmem>> -> memref<128xf32, #tpu.memory_space<vmem>>
    %dma_start3A_1206 = arith.constant 0 : i32
    %dma_start3A_1207 = tpu.memref_slice %arg5[%dma_start3A_1200, %dma_start3A_1201, %dma_start3A_1206] : memref<16x8x128xi32, #tpu.memory_space<vmem>> -> memref<1x1x128xi32, #tpu.memory_space<vmem>>
    %dma_start3A_1208 = tpu.memref_squeeze %dma_start3A_1207 : memref<1x1x128xi32, #tpu.memory_space<vmem>> -> memref<128xi32, #tpu.memory_space<vmem>>
    %dma_start3A_1209 = arith.constant 0 : i32
    %dma_start3A_1210 = tpu.memref_slice %arg2[%dma_start3A_1209] : memref<32000000xf32, #tpu.memory_space<hbm>> -> memref<32000000xf32, #tpu.memory_space<hbm>>
    tpu.enqueue_indirect_dma source(%dma_start3A_1210 : memref<32000000xf32, #tpu.memory_space<hbm>>) target(%dma_start3A_1205 : memref<128xf32, #tpu.memory_space<vmem>>) offsets(%dma_start3A_1208 : memref<128xi32, #tpu.memory_space<vmem>>) semaphore(%arg7 : memref<!tpu.dma_semaphore, #tpu.memory_space<semaphore_mem>>)
    %dma_start3A_1211 = arith.constant 11 : i32
    %dma_start3A_1212 = arith.constant 6 : i32
    %dma_start3A_1213 = arith.constant 11 : i32
    %dma_start3A_1214 = arith.constant 768 : i32
    %dma_start3A_1215 = tpu.memref_slice %arg6[%dma_start3A_1213, %dma_start3A_1214] : memref<16x1024xf32, #tpu.memory_space<vmem>> -> memref<1x128xf32, #tpu.memory_space<vmem>>
    %dma_start3A_1216 = tpu.memref_squeeze %dma_start3A_1215 : memref<1x128xf32, #tpu.memory_space<vmem>> -> memref<128xf32, #tpu.memory_space<vmem>>
    %dma_start3A_1217 = arith.constant 0 : i32
    %dma_start3A_1218 = tpu.memref_slice %arg5[%dma_start3A_1211, %dma_start3A_1212, %dma_start3A_1217] : memref<16x8x128xi32, #tpu.memory_space<vmem>> -> memref<1x1x128xi32, #tpu.memory_space<vmem>>
    %dma_start3A_1219 = tpu.memref_squeeze %dma_start3A_1218 : memref<1x1x128xi32, #tpu.memory_space<vmem>> -> memref<128xi32, #tpu.memory_space<vmem>>
    %dma_start3A_1220 = arith.constant 0 : i32
    %dma_start3A_1221 = tpu.memref_slice %arg2[%dma_start3A_1220] : memref<32000000xf32, #tpu.memory_space<hbm>> -> memref<32000000xf32, #tpu.memory_space<hbm>>
    tpu.enqueue_indirect_dma source(%dma_start3A_1221 : memref<32000000xf32, #tpu.memory_space<hbm>>) target(%dma_start3A_1216 : memref<128xf32, #tpu.memory_space<vmem>>) offsets(%dma_start3A_1219 : memref<128xi32, #tpu.memory_space<vmem>>) semaphore(%arg7 : memref<!tpu.dma_semaphore, #tpu.memory_space<semaphore_mem>>)
    %dma_start3A_1222 = arith.constant 12 : i32
    %dma_start3A_1223 = arith.constant 6 : i32
    %dma_start3A_1224 = arith.constant 12 : i32
    %dma_start3A_1225 = arith.constant 768 : i32
    %dma_start3A_1226 = tpu.memref_slice %arg6[%dma_start3A_1224, %dma_start3A_1225] : memref<16x1024xf32, #tpu.memory_space<vmem>> -> memref<1x128xf32, #tpu.memory_space<vmem>>
    %dma_start3A_1227 = tpu.memref_squeeze %dma_start3A_1226 : memref<1x128xf32, #tpu.memory_space<vmem>> -> memref<128xf32, #tpu.memory_space<vmem>>
    %dma_start3A_1228 = arith.constant 0 : i32
    %dma_start3A_1229 = tpu.memref_slice %arg5[%dma_start3A_1222, %dma_start3A_1223, %dma_start3A_1228] : memref<16x8x128xi32, #tpu.memory_space<vmem>> -> memref<1x1x128xi32, #tpu.memory_space<vmem>>
    %dma_start3A_1230 = tpu.memref_squeeze %dma_start3A_1229 : memref<1x1x128xi32, #tpu.memory_space<vmem>> -> memref<128xi32, #tpu.memory_space<vmem>>
    %dma_start3A_1231 = arith.constant 0 : i32
    %dma_start3A_1232 = tpu.memref_slice %arg2[%dma_start3A_1231] : memref<32000000xf32, #tpu.memory_space<hbm>> -> memref<32000000xf32, #tpu.memory_space<hbm>>
    tpu.enqueue_indirect_dma source(%dma_start3A_1232 : memref<32000000xf32, #tpu.memory_space<hbm>>) target(%dma_start3A_1227 : memref<128xf32, #tpu.memory_space<vmem>>) offsets(%dma_start3A_1230 : memref<128xi32, #tpu.memory_space<vmem>>) semaphore(%arg7 : memref<!tpu.dma_semaphore, #tpu.memory_space<semaphore_mem>>)
    %dma_start3A_1233 = arith.constant 13 : i32
    %dma_start3A_1234 = arith.constant 6 : i32
    %dma_start3A_1235 = arith.constant 13 : i32
    %dma_start3A_1236 = arith.constant 768 : i32
    %dma_start3A_1237 = tpu.memref_slice %arg6[%dma_start3A_1235, %dma_start3A_1236] : memref<16x1024xf32, #tpu.memory_space<vmem>> -> memref<1x128xf32, #tpu.memory_space<vmem>>
    %dma_start3A_1238 = tpu.memref_squeeze %dma_start3A_1237 : memref<1x128xf32, #tpu.memory_space<vmem>> -> memref<128xf32, #tpu.memory_space<vmem>>
    %dma_start3A_1239 = arith.constant 0 : i32
    %dma_start3A_1240 = tpu.memref_slice %arg5[%dma_start3A_1233, %dma_start3A_1234, %dma_start3A_1239] : memref<16x8x128xi32, #tpu.memory_space<vmem>> -> memref<1x1x128xi32, #tpu.memory_space<vmem>>
    %dma_start3A_1241 = tpu.memref_squeeze %dma_start3A_1240 : memref<1x1x128xi32, #tpu.memory_space<vmem>> -> memref<128xi32, #tpu.memory_space<vmem>>
    %dma_start3A_1242 = arith.constant 0 : i32
    %dma_start3A_1243 = tpu.memref_slice %arg2[%dma_start3A_1242] : memref<32000000xf32, #tpu.memory_space<hbm>> -> memref<32000000xf32, #tpu.memory_space<hbm>>
    tpu.enqueue_indirect_dma source(%dma_start3A_1243 : memref<32000000xf32, #tpu.memory_space<hbm>>) target(%dma_start3A_1238 : memref<128xf32, #tpu.memory_space<vmem>>) offsets(%dma_start3A_1241 : memref<128xi32, #tpu.memory_space<vmem>>) semaphore(%arg7 : memref<!tpu.dma_semaphore, #tpu.memory_space<semaphore_mem>>)
    %dma_start3A_1244 = arith.constant 14 : i32
    %dma_start3A_1245 = arith.constant 6 : i32
    %dma_start3A_1246 = arith.constant 14 : i32
    %dma_start3A_1247 = arith.constant 768 : i32
    %dma_start3A_1248 = tpu.memref_slice %arg6[%dma_start3A_1246, %dma_start3A_1247] : memref<16x1024xf32, #tpu.memory_space<vmem>> -> memref<1x128xf32, #tpu.memory_space<vmem>>
    %dma_start3A_1249 = tpu.memref_squeeze %dma_start3A_1248 : memref<1x128xf32, #tpu.memory_space<vmem>> -> memref<128xf32, #tpu.memory_space<vmem>>
    %dma_start3A_1250 = arith.constant 0 : i32
    %dma_start3A_1251 = tpu.memref_slice %arg5[%dma_start3A_1244, %dma_start3A_1245, %dma_start3A_1250] : memref<16x8x128xi32, #tpu.memory_space<vmem>> -> memref<1x1x128xi32, #tpu.memory_space<vmem>>
    %dma_start3A_1252 = tpu.memref_squeeze %dma_start3A_1251 : memref<1x1x128xi32, #tpu.memory_space<vmem>> -> memref<128xi32, #tpu.memory_space<vmem>>
    %dma_start3A_1253 = arith.constant 0 : i32
    %dma_start3A_1254 = tpu.memref_slice %arg2[%dma_start3A_1253] : memref<32000000xf32, #tpu.memory_space<hbm>> -> memref<32000000xf32, #tpu.memory_space<hbm>>
    tpu.enqueue_indirect_dma source(%dma_start3A_1254 : memref<32000000xf32, #tpu.memory_space<hbm>>) target(%dma_start3A_1249 : memref<128xf32, #tpu.memory_space<vmem>>) offsets(%dma_start3A_1252 : memref<128xi32, #tpu.memory_space<vmem>>) semaphore(%arg7 : memref<!tpu.dma_semaphore, #tpu.memory_space<semaphore_mem>>)
    %dma_start3A_1255 = arith.constant 15 : i32
    %dma_start3A_1256 = arith.constant 6 : i32
    %dma_start3A_1257 = arith.constant 15 : i32
    %dma_start3A_1258 = arith.constant 768 : i32
    %dma_start3A_1259 = tpu.memref_slice %arg6[%dma_start3A_1257, %dma_start3A_1258] : memref<16x1024xf32, #tpu.memory_space<vmem>> -> memref<1x128xf32, #tpu.memory_space<vmem>>
    %dma_start3A_1260 = tpu.memref_squeeze %dma_start3A_1259 : memref<1x128xf32, #tpu.memory_space<vmem>> -> memref<128xf32, #tpu.memory_space<vmem>>
    %dma_start3A_1261 = arith.constant 0 : i32
    %dma_start3A_1262 = tpu.memref_slice %arg5[%dma_start3A_1255, %dma_start3A_1256, %dma_start3A_1261] : memref<16x8x128xi32, #tpu.memory_space<vmem>> -> memref<1x1x128xi32, #tpu.memory_space<vmem>>
    %dma_start3A_1263 = tpu.memref_squeeze %dma_start3A_1262 : memref<1x1x128xi32, #tpu.memory_space<vmem>> -> memref<128xi32, #tpu.memory_space<vmem>>
    %dma_start3A_1264 = arith.constant 0 : i32
    %dma_start3A_1265 = tpu.memref_slice %arg2[%dma_start3A_1264] : memref<32000000xf32, #tpu.memory_space<hbm>> -> memref<32000000xf32, #tpu.memory_space<hbm>>
    tpu.enqueue_indirect_dma source(%dma_start3A_1265 : memref<32000000xf32, #tpu.memory_space<hbm>>) target(%dma_start3A_1260 : memref<128xf32, #tpu.memory_space<vmem>>) offsets(%dma_start3A_1263 : memref<128xi32, #tpu.memory_space<vmem>>) semaphore(%arg7 : memref<!tpu.dma_semaphore, #tpu.memory_space<semaphore_mem>>)
    %dma_start3A_1266 = arith.constant 0 : i32
    %dma_start3A_1267 = arith.constant 7 : i32
    %dma_start3A_1268 = arith.constant 0 : i32
    %dma_start3A_1269 = arith.constant 896 : i32
    %dma_start3A_1270 = tpu.memref_slice %arg6[%dma_start3A_1268, %dma_start3A_1269] : memref<16x1024xf32, #tpu.memory_space<vmem>> -> memref<1x128xf32, #tpu.memory_space<vmem>>
    %dma_start3A_1271 = tpu.memref_squeeze %dma_start3A_1270 : memref<1x128xf32, #tpu.memory_space<vmem>> -> memref<128xf32, #tpu.memory_space<vmem>>
    %dma_start3A_1272 = arith.constant 0 : i32
    %dma_start3A_1273 = tpu.memref_slice %arg5[%dma_start3A_1266, %dma_start3A_1267, %dma_start3A_1272] : memref<16x8x128xi32, #tpu.memory_space<vmem>> -> memref<1x1x128xi32, #tpu.memory_space<vmem>>
    %dma_start3A_1274 = tpu.memref_squeeze %dma_start3A_1273 : memref<1x1x128xi32, #tpu.memory_space<vmem>> -> memref<128xi32, #tpu.memory_space<vmem>>
    %dma_start3A_1275 = arith.constant 0 : i32
    %dma_start3A_1276 = tpu.memref_slice %arg2[%dma_start3A_1275] : memref<32000000xf32, #tpu.memory_space<hbm>> -> memref<32000000xf32, #tpu.memory_space<hbm>>
    tpu.enqueue_indirect_dma source(%dma_start3A_1276 : memref<32000000xf32, #tpu.memory_space<hbm>>) target(%dma_start3A_1271 : memref<128xf32, #tpu.memory_space<vmem>>) offsets(%dma_start3A_1274 : memref<128xi32, #tpu.memory_space<vmem>>) semaphore(%arg7 : memref<!tpu.dma_semaphore, #tpu.memory_space<semaphore_mem>>)
    %dma_start3A_1277 = arith.constant 1 : i32
    %dma_start3A_1278 = arith.constant 7 : i32
    %dma_start3A_1279 = arith.constant 1 : i32
    %dma_start3A_1280 = arith.constant 896 : i32
    %dma_start3A_1281 = tpu.memref_slice %arg6[%dma_start3A_1279, %dma_start3A_1280] : memref<16x1024xf32, #tpu.memory_space<vmem>> -> memref<1x128xf32, #tpu.memory_space<vmem>>
    %dma_start3A_1282 = tpu.memref_squeeze %dma_start3A_1281 : memref<1x128xf32, #tpu.memory_space<vmem>> -> memref<128xf32, #tpu.memory_space<vmem>>
    %dma_start3A_1283 = arith.constant 0 : i32
    %dma_start3A_1284 = tpu.memref_slice %arg5[%dma_start3A_1277, %dma_start3A_1278, %dma_start3A_1283] : memref<16x8x128xi32, #tpu.memory_space<vmem>> -> memref<1x1x128xi32, #tpu.memory_space<vmem>>
    %dma_start3A_1285 = tpu.memref_squeeze %dma_start3A_1284 : memref<1x1x128xi32, #tpu.memory_space<vmem>> -> memref<128xi32, #tpu.memory_space<vmem>>
    %dma_start3A_1286 = arith.constant 0 : i32
    %dma_start3A_1287 = tpu.memref_slice %arg2[%dma_start3A_1286] : memref<32000000xf32, #tpu.memory_space<hbm>> -> memref<32000000xf32, #tpu.memory_space<hbm>>
    tpu.enqueue_indirect_dma source(%dma_start3A_1287 : memref<32000000xf32, #tpu.memory_space<hbm>>) target(%dma_start3A_1282 : memref<128xf32, #tpu.memory_space<vmem>>) offsets(%dma_start3A_1285 : memref<128xi32, #tpu.memory_space<vmem>>) semaphore(%arg7 : memref<!tpu.dma_semaphore, #tpu.memory_space<semaphore_mem>>)
    %dma_start3A_1288 = arith.constant 2 : i32
    %dma_start3A_1289 = arith.constant 7 : i32
    %dma_start3A_1290 = arith.constant 2 : i32
    %dma_start3A_1291 = arith.constant 896 : i32
    %dma_start3A_1292 = tpu.memref_slice %arg6[%dma_start3A_1290, %dma_start3A_1291] : memref<16x1024xf32, #tpu.memory_space<vmem>> -> memref<1x128xf32, #tpu.memory_space<vmem>>
    %dma_start3A_1293 = tpu.memref_squeeze %dma_start3A_1292 : memref<1x128xf32, #tpu.memory_space<vmem>> -> memref<128xf32, #tpu.memory_space<vmem>>
    %dma_start3A_1294 = arith.constant 0 : i32
    %dma_start3A_1295 = tpu.memref_slice %arg5[%dma_start3A_1288, %dma_start3A_1289, %dma_start3A_1294] : memref<16x8x128xi32, #tpu.memory_space<vmem>> -> memref<1x1x128xi32, #tpu.memory_space<vmem>>
    %dma_start3A_1296 = tpu.memref_squeeze %dma_start3A_1295 : memref<1x1x128xi32, #tpu.memory_space<vmem>> -> memref<128xi32, #tpu.memory_space<vmem>>
    %dma_start3A_1297 = arith.constant 0 : i32
    %dma_start3A_1298 = tpu.memref_slice %arg2[%dma_start3A_1297] : memref<32000000xf32, #tpu.memory_space<hbm>> -> memref<32000000xf32, #tpu.memory_space<hbm>>
    tpu.enqueue_indirect_dma source(%dma_start3A_1298 : memref<32000000xf32, #tpu.memory_space<hbm>>) target(%dma_start3A_1293 : memref<128xf32, #tpu.memory_space<vmem>>) offsets(%dma_start3A_1296 : memref<128xi32, #tpu.memory_space<vmem>>) semaphore(%arg7 : memref<!tpu.dma_semaphore, #tpu.memory_space<semaphore_mem>>)
    %dma_start3A_1299 = arith.constant 3 : i32
    %dma_start3A_1300 = arith.constant 7 : i32
    %dma_start3A_1301 = arith.constant 3 : i32
    %dma_start3A_1302 = arith.constant 896 : i32
    %dma_start3A_1303 = tpu.memref_slice %arg6[%dma_start3A_1301, %dma_start3A_1302] : memref<16x1024xf32, #tpu.memory_space<vmem>> -> memref<1x128xf32, #tpu.memory_space<vmem>>
    %dma_start3A_1304 = tpu.memref_squeeze %dma_start3A_1303 : memref<1x128xf32, #tpu.memory_space<vmem>> -> memref<128xf32, #tpu.memory_space<vmem>>
    %dma_start3A_1305 = arith.constant 0 : i32
    %dma_start3A_1306 = tpu.memref_slice %arg5[%dma_start3A_1299, %dma_start3A_1300, %dma_start3A_1305] : memref<16x8x128xi32, #tpu.memory_space<vmem>> -> memref<1x1x128xi32, #tpu.memory_space<vmem>>
    %dma_start3A_1307 = tpu.memref_squeeze %dma_start3A_1306 : memref<1x1x128xi32, #tpu.memory_space<vmem>> -> memref<128xi32, #tpu.memory_space<vmem>>
    %dma_start3A_1308 = arith.constant 0 : i32
    %dma_start3A_1309 = tpu.memref_slice %arg2[%dma_start3A_1308] : memref<32000000xf32, #tpu.memory_space<hbm>> -> memref<32000000xf32, #tpu.memory_space<hbm>>
    tpu.enqueue_indirect_dma source(%dma_start3A_1309 : memref<32000000xf32, #tpu.memory_space<hbm>>) target(%dma_start3A_1304 : memref<128xf32, #tpu.memory_space<vmem>>) offsets(%dma_start3A_1307 : memref<128xi32, #tpu.memory_space<vmem>>) semaphore(%arg7 : memref<!tpu.dma_semaphore, #tpu.memory_space<semaphore_mem>>)
    %dma_start3A_1310 = arith.constant 4 : i32
    %dma_start3A_1311 = arith.constant 7 : i32
    %dma_start3A_1312 = arith.constant 4 : i32
    %dma_start3A_1313 = arith.constant 896 : i32
    %dma_start3A_1314 = tpu.memref_slice %arg6[%dma_start3A_1312, %dma_start3A_1313] : memref<16x1024xf32, #tpu.memory_space<vmem>> -> memref<1x128xf32, #tpu.memory_space<vmem>>
    %dma_start3A_1315 = tpu.memref_squeeze %dma_start3A_1314 : memref<1x128xf32, #tpu.memory_space<vmem>> -> memref<128xf32, #tpu.memory_space<vmem>>
    %dma_start3A_1316 = arith.constant 0 : i32
    %dma_start3A_1317 = tpu.memref_slice %arg5[%dma_start3A_1310, %dma_start3A_1311, %dma_start3A_1316] : memref<16x8x128xi32, #tpu.memory_space<vmem>> -> memref<1x1x128xi32, #tpu.memory_space<vmem>>
    %dma_start3A_1318 = tpu.memref_squeeze %dma_start3A_1317 : memref<1x1x128xi32, #tpu.memory_space<vmem>> -> memref<128xi32, #tpu.memory_space<vmem>>
    %dma_start3A_1319 = arith.constant 0 : i32
    %dma_start3A_1320 = tpu.memref_slice %arg2[%dma_start3A_1319] : memref<32000000xf32, #tpu.memory_space<hbm>> -> memref<32000000xf32, #tpu.memory_space<hbm>>
    tpu.enqueue_indirect_dma source(%dma_start3A_1320 : memref<32000000xf32, #tpu.memory_space<hbm>>) target(%dma_start3A_1315 : memref<128xf32, #tpu.memory_space<vmem>>) offsets(%dma_start3A_1318 : memref<128xi32, #tpu.memory_space<vmem>>) semaphore(%arg7 : memref<!tpu.dma_semaphore, #tpu.memory_space<semaphore_mem>>)
    %dma_start3A_1321 = arith.constant 5 : i32
    %dma_start3A_1322 = arith.constant 7 : i32
    %dma_start3A_1323 = arith.constant 5 : i32
    %dma_start3A_1324 = arith.constant 896 : i32
    %dma_start3A_1325 = tpu.memref_slice %arg6[%dma_start3A_1323, %dma_start3A_1324] : memref<16x1024xf32, #tpu.memory_space<vmem>> -> memref<1x128xf32, #tpu.memory_space<vmem>>
    %dma_start3A_1326 = tpu.memref_squeeze %dma_start3A_1325 : memref<1x128xf32, #tpu.memory_space<vmem>> -> memref<128xf32, #tpu.memory_space<vmem>>
    %dma_start3A_1327 = arith.constant 0 : i32
    %dma_start3A_1328 = tpu.memref_slice %arg5[%dma_start3A_1321, %dma_start3A_1322, %dma_start3A_1327] : memref<16x8x128xi32, #tpu.memory_space<vmem>> -> memref<1x1x128xi32, #tpu.memory_space<vmem>>
    %dma_start3A_1329 = tpu.memref_squeeze %dma_start3A_1328 : memref<1x1x128xi32, #tpu.memory_space<vmem>> -> memref<128xi32, #tpu.memory_space<vmem>>
    %dma_start3A_1330 = arith.constant 0 : i32
    %dma_start3A_1331 = tpu.memref_slice %arg2[%dma_start3A_1330] : memref<32000000xf32, #tpu.memory_space<hbm>> -> memref<32000000xf32, #tpu.memory_space<hbm>>
    tpu.enqueue_indirect_dma source(%dma_start3A_1331 : memref<32000000xf32, #tpu.memory_space<hbm>>) target(%dma_start3A_1326 : memref<128xf32, #tpu.memory_space<vmem>>) offsets(%dma_start3A_1329 : memref<128xi32, #tpu.memory_space<vmem>>) semaphore(%arg7 : memref<!tpu.dma_semaphore, #tpu.memory_space<semaphore_mem>>)
    %dma_start3A_1332 = arith.constant 6 : i32
    %dma_start3A_1333 = arith.constant 7 : i32
    %dma_start3A_1334 = arith.constant 6 : i32
    %dma_start3A_1335 = arith.constant 896 : i32
    %dma_start3A_1336 = tpu.memref_slice %arg6[%dma_start3A_1334, %dma_start3A_1335] : memref<16x1024xf32, #tpu.memory_space<vmem>> -> memref<1x128xf32, #tpu.memory_space<vmem>>
    %dma_start3A_1337 = tpu.memref_squeeze %dma_start3A_1336 : memref<1x128xf32, #tpu.memory_space<vmem>> -> memref<128xf32, #tpu.memory_space<vmem>>
    %dma_start3A_1338 = arith.constant 0 : i32
    %dma_start3A_1339 = tpu.memref_slice %arg5[%dma_start3A_1332, %dma_start3A_1333, %dma_start3A_1338] : memref<16x8x128xi32, #tpu.memory_space<vmem>> -> memref<1x1x128xi32, #tpu.memory_space<vmem>>
    %dma_start3A_1340 = tpu.memref_squeeze %dma_start3A_1339 : memref<1x1x128xi32, #tpu.memory_space<vmem>> -> memref<128xi32, #tpu.memory_space<vmem>>
    %dma_start3A_1341 = arith.constant 0 : i32
    %dma_start3A_1342 = tpu.memref_slice %arg2[%dma_start3A_1341] : memref<32000000xf32, #tpu.memory_space<hbm>> -> memref<32000000xf32, #tpu.memory_space<hbm>>
    tpu.enqueue_indirect_dma source(%dma_start3A_1342 : memref<32000000xf32, #tpu.memory_space<hbm>>) target(%dma_start3A_1337 : memref<128xf32, #tpu.memory_space<vmem>>) offsets(%dma_start3A_1340 : memref<128xi32, #tpu.memory_space<vmem>>) semaphore(%arg7 : memref<!tpu.dma_semaphore, #tpu.memory_space<semaphore_mem>>)
    %dma_start3A_1343 = arith.constant 7 : i32
    %dma_start3A_1344 = arith.constant 7 : i32
    %dma_start3A_1345 = arith.constant 7 : i32
    %dma_start3A_1346 = arith.constant 896 : i32
    %dma_start3A_1347 = tpu.memref_slice %arg6[%dma_start3A_1345, %dma_start3A_1346] : memref<16x1024xf32, #tpu.memory_space<vmem>> -> memref<1x128xf32, #tpu.memory_space<vmem>>
    %dma_start3A_1348 = tpu.memref_squeeze %dma_start3A_1347 : memref<1x128xf32, #tpu.memory_space<vmem>> -> memref<128xf32, #tpu.memory_space<vmem>>
    %dma_start3A_1349 = arith.constant 0 : i32
    %dma_start3A_1350 = tpu.memref_slice %arg5[%dma_start3A_1343, %dma_start3A_1344, %dma_start3A_1349] : memref<16x8x128xi32, #tpu.memory_space<vmem>> -> memref<1x1x128xi32, #tpu.memory_space<vmem>>
    %dma_start3A_1351 = tpu.memref_squeeze %dma_start3A_1350 : memref<1x1x128xi32, #tpu.memory_space<vmem>> -> memref<128xi32, #tpu.memory_space<vmem>>
    %dma_start3A_1352 = arith.constant 0 : i32
    %dma_start3A_1353 = tpu.memref_slice %arg2[%dma_start3A_1352] : memref<32000000xf32, #tpu.memory_space<hbm>> -> memref<32000000xf32, #tpu.memory_space<hbm>>
    tpu.enqueue_indirect_dma source(%dma_start3A_1353 : memref<32000000xf32, #tpu.memory_space<hbm>>) target(%dma_start3A_1348 : memref<128xf32, #tpu.memory_space<vmem>>) offsets(%dma_start3A_1351 : memref<128xi32, #tpu.memory_space<vmem>>) semaphore(%arg7 : memref<!tpu.dma_semaphore, #tpu.memory_space<semaphore_mem>>)
    %dma_start3A_1354 = arith.constant 8 : i32
    %dma_start3A_1355 = arith.constant 7 : i32
    %dma_start3A_1356 = arith.constant 8 : i32
    %dma_start3A_1357 = arith.constant 896 : i32
    %dma_start3A_1358 = tpu.memref_slice %arg6[%dma_start3A_1356, %dma_start3A_1357] : memref<16x1024xf32, #tpu.memory_space<vmem>> -> memref<1x128xf32, #tpu.memory_space<vmem>>
    %dma_start3A_1359 = tpu.memref_squeeze %dma_start3A_1358 : memref<1x128xf32, #tpu.memory_space<vmem>> -> memref<128xf32, #tpu.memory_space<vmem>>
    %dma_start3A_1360 = arith.constant 0 : i32
    %dma_start3A_1361 = tpu.memref_slice %arg5[%dma_start3A_1354, %dma_start3A_1355, %dma_start3A_1360] : memref<16x8x128xi32, #tpu.memory_space<vmem>> -> memref<1x1x128xi32, #tpu.memory_space<vmem>>
    %dma_start3A_1362 = tpu.memref_squeeze %dma_start3A_1361 : memref<1x1x128xi32, #tpu.memory_space<vmem>> -> memref<128xi32, #tpu.memory_space<vmem>>
    %dma_start3A_1363 = arith.constant 0 : i32
    %dma_start3A_1364 = tpu.memref_slice %arg2[%dma_start3A_1363] : memref<32000000xf32, #tpu.memory_space<hbm>> -> memref<32000000xf32, #tpu.memory_space<hbm>>
    tpu.enqueue_indirect_dma source(%dma_start3A_1364 : memref<32000000xf32, #tpu.memory_space<hbm>>) target(%dma_start3A_1359 : memref<128xf32, #tpu.memory_space<vmem>>) offsets(%dma_start3A_1362 : memref<128xi32, #tpu.memory_space<vmem>>) semaphore(%arg7 : memref<!tpu.dma_semaphore, #tpu.memory_space<semaphore_mem>>)
    %dma_start3A_1365 = arith.constant 9 : i32
    %dma_start3A_1366 = arith.constant 7 : i32
    %dma_start3A_1367 = arith.constant 9 : i32
    %dma_start3A_1368 = arith.constant 896 : i32
    %dma_start3A_1369 = tpu.memref_slice %arg6[%dma_start3A_1367, %dma_start3A_1368] : memref<16x1024xf32, #tpu.memory_space<vmem>> -> memref<1x128xf32, #tpu.memory_space<vmem>>
    %dma_start3A_1370 = tpu.memref_squeeze %dma_start3A_1369 : memref<1x128xf32, #tpu.memory_space<vmem>> -> memref<128xf32, #tpu.memory_space<vmem>>
    %dma_start3A_1371 = arith.constant 0 : i32
    %dma_start3A_1372 = tpu.memref_slice %arg5[%dma_start3A_1365, %dma_start3A_1366, %dma_start3A_1371] : memref<16x8x128xi32, #tpu.memory_space<vmem>> -> memref<1x1x128xi32, #tpu.memory_space<vmem>>
    %dma_start3A_1373 = tpu.memref_squeeze %dma_start3A_1372 : memref<1x1x128xi32, #tpu.memory_space<vmem>> -> memref<128xi32, #tpu.memory_space<vmem>>
    %dma_start3A_1374 = arith.constant 0 : i32
    %dma_start3A_1375 = tpu.memref_slice %arg2[%dma_start3A_1374] : memref<32000000xf32, #tpu.memory_space<hbm>> -> memref<32000000xf32, #tpu.memory_space<hbm>>
    tpu.enqueue_indirect_dma source(%dma_start3A_1375 : memref<32000000xf32, #tpu.memory_space<hbm>>) target(%dma_start3A_1370 : memref<128xf32, #tpu.memory_space<vmem>>) offsets(%dma_start3A_1373 : memref<128xi32, #tpu.memory_space<vmem>>) semaphore(%arg7 : memref<!tpu.dma_semaphore, #tpu.memory_space<semaphore_mem>>)
    %dma_start3A_1376 = arith.constant 10 : i32
    %dma_start3A_1377 = arith.constant 7 : i32
    %dma_start3A_1378 = arith.constant 10 : i32
    %dma_start3A_1379 = arith.constant 896 : i32
    %dma_start3A_1380 = tpu.memref_slice %arg6[%dma_start3A_1378, %dma_start3A_1379] : memref<16x1024xf32, #tpu.memory_space<vmem>> -> memref<1x128xf32, #tpu.memory_space<vmem>>
    %dma_start3A_1381 = tpu.memref_squeeze %dma_start3A_1380 : memref<1x128xf32, #tpu.memory_space<vmem>> -> memref<128xf32, #tpu.memory_space<vmem>>
    %dma_start3A_1382 = arith.constant 0 : i32
    %dma_start3A_1383 = tpu.memref_slice %arg5[%dma_start3A_1376, %dma_start3A_1377, %dma_start3A_1382] : memref<16x8x128xi32, #tpu.memory_space<vmem>> -> memref<1x1x128xi32, #tpu.memory_space<vmem>>
    %dma_start3A_1384 = tpu.memref_squeeze %dma_start3A_1383 : memref<1x1x128xi32, #tpu.memory_space<vmem>> -> memref<128xi32, #tpu.memory_space<vmem>>
    %dma_start3A_1385 = arith.constant 0 : i32
    %dma_start3A_1386 = tpu.memref_slice %arg2[%dma_start3A_1385] : memref<32000000xf32, #tpu.memory_space<hbm>> -> memref<32000000xf32, #tpu.memory_space<hbm>>
    tpu.enqueue_indirect_dma source(%dma_start3A_1386 : memref<32000000xf32, #tpu.memory_space<hbm>>) target(%dma_start3A_1381 : memref<128xf32, #tpu.memory_space<vmem>>) offsets(%dma_start3A_1384 : memref<128xi32, #tpu.memory_space<vmem>>) semaphore(%arg7 : memref<!tpu.dma_semaphore, #tpu.memory_space<semaphore_mem>>)
    %dma_start3A_1387 = arith.constant 11 : i32
    %dma_start3A_1388 = arith.constant 7 : i32
    %dma_start3A_1389 = arith.constant 11 : i32
    %dma_start3A_1390 = arith.constant 896 : i32
    %dma_start3A_1391 = tpu.memref_slice %arg6[%dma_start3A_1389, %dma_start3A_1390] : memref<16x1024xf32, #tpu.memory_space<vmem>> -> memref<1x128xf32, #tpu.memory_space<vmem>>
    %dma_start3A_1392 = tpu.memref_squeeze %dma_start3A_1391 : memref<1x128xf32, #tpu.memory_space<vmem>> -> memref<128xf32, #tpu.memory_space<vmem>>
    %dma_start3A_1393 = arith.constant 0 : i32
    %dma_start3A_1394 = tpu.memref_slice %arg5[%dma_start3A_1387, %dma_start3A_1388, %dma_start3A_1393] : memref<16x8x128xi32, #tpu.memory_space<vmem>> -> memref<1x1x128xi32, #tpu.memory_space<vmem>>
    %dma_start3A_1395 = tpu.memref_squeeze %dma_start3A_1394 : memref<1x1x128xi32, #tpu.memory_space<vmem>> -> memref<128xi32, #tpu.memory_space<vmem>>
    %dma_start3A_1396 = arith.constant 0 : i32
    %dma_start3A_1397 = tpu.memref_slice %arg2[%dma_start3A_1396] : memref<32000000xf32, #tpu.memory_space<hbm>> -> memref<32000000xf32, #tpu.memory_space<hbm>>
    tpu.enqueue_indirect_dma source(%dma_start3A_1397 : memref<32000000xf32, #tpu.memory_space<hbm>>) target(%dma_start3A_1392 : memref<128xf32, #tpu.memory_space<vmem>>) offsets(%dma_start3A_1395 : memref<128xi32, #tpu.memory_space<vmem>>) semaphore(%arg7 : memref<!tpu.dma_semaphore, #tpu.memory_space<semaphore_mem>>)
    %dma_start3A_1398 = arith.constant 12 : i32
    %dma_start3A_1399 = arith.constant 7 : i32
    %dma_start3A_1400 = arith.constant 12 : i32
    %dma_start3A_1401 = arith.constant 896 : i32
    %dma_start3A_1402 = tpu.memref_slice %arg6[%dma_start3A_1400, %dma_start3A_1401] : memref<16x1024xf32, #tpu.memory_space<vmem>> -> memref<1x128xf32, #tpu.memory_space<vmem>>
    %dma_start3A_1403 = tpu.memref_squeeze %dma_start3A_1402 : memref<1x128xf32, #tpu.memory_space<vmem>> -> memref<128xf32, #tpu.memory_space<vmem>>
    %dma_start3A_1404 = arith.constant 0 : i32
    %dma_start3A_1405 = tpu.memref_slice %arg5[%dma_start3A_1398, %dma_start3A_1399, %dma_start3A_1404] : memref<16x8x128xi32, #tpu.memory_space<vmem>> -> memref<1x1x128xi32, #tpu.memory_space<vmem>>
    %dma_start3A_1406 = tpu.memref_squeeze %dma_start3A_1405 : memref<1x1x128xi32, #tpu.memory_space<vmem>> -> memref<128xi32, #tpu.memory_space<vmem>>
    %dma_start3A_1407 = arith.constant 0 : i32
    %dma_start3A_1408 = tpu.memref_slice %arg2[%dma_start3A_1407] : memref<32000000xf32, #tpu.memory_space<hbm>> -> memref<32000000xf32, #tpu.memory_space<hbm>>
    tpu.enqueue_indirect_dma source(%dma_start3A_1408 : memref<32000000xf32, #tpu.memory_space<hbm>>) target(%dma_start3A_1403 : memref<128xf32, #tpu.memory_space<vmem>>) offsets(%dma_start3A_1406 : memref<128xi32, #tpu.memory_space<vmem>>) semaphore(%arg7 : memref<!tpu.dma_semaphore, #tpu.memory_space<semaphore_mem>>)
    %dma_start3A_1409 = arith.constant 13 : i32
    %dma_start3A_1410 = arith.constant 7 : i32
    %dma_start3A_1411 = arith.constant 13 : i32
    %dma_start3A_1412 = arith.constant 896 : i32
    %dma_start3A_1413 = tpu.memref_slice %arg6[%dma_start3A_1411, %dma_start3A_1412] : memref<16x1024xf32, #tpu.memory_space<vmem>> -> memref<1x128xf32, #tpu.memory_space<vmem>>
    %dma_start3A_1414 = tpu.memref_squeeze %dma_start3A_1413 : memref<1x128xf32, #tpu.memory_space<vmem>> -> memref<128xf32, #tpu.memory_space<vmem>>
    %dma_start3A_1415 = arith.constant 0 : i32
    %dma_start3A_1416 = tpu.memref_slice %arg5[%dma_start3A_1409, %dma_start3A_1410, %dma_start3A_1415] : memref<16x8x128xi32, #tpu.memory_space<vmem>> -> memref<1x1x128xi32, #tpu.memory_space<vmem>>
    %dma_start3A_1417 = tpu.memref_squeeze %dma_start3A_1416 : memref<1x1x128xi32, #tpu.memory_space<vmem>> -> memref<128xi32, #tpu.memory_space<vmem>>
    %dma_start3A_1418 = arith.constant 0 : i32
    %dma_start3A_1419 = tpu.memref_slice %arg2[%dma_start3A_1418] : memref<32000000xf32, #tpu.memory_space<hbm>> -> memref<32000000xf32, #tpu.memory_space<hbm>>
    tpu.enqueue_indirect_dma source(%dma_start3A_1419 : memref<32000000xf32, #tpu.memory_space<hbm>>) target(%dma_start3A_1414 : memref<128xf32, #tpu.memory_space<vmem>>) offsets(%dma_start3A_1417 : memref<128xi32, #tpu.memory_space<vmem>>) semaphore(%arg7 : memref<!tpu.dma_semaphore, #tpu.memory_space<semaphore_mem>>)
    %dma_start3A_1420 = arith.constant 14 : i32
    %dma_start3A_1421 = arith.constant 7 : i32
    %dma_start3A_1422 = arith.constant 14 : i32
    %dma_start3A_1423 = arith.constant 896 : i32
    %dma_start3A_1424 = tpu.memref_slice %arg6[%dma_start3A_1422, %dma_start3A_1423] : memref<16x1024xf32, #tpu.memory_space<vmem>> -> memref<1x128xf32, #tpu.memory_space<vmem>>
    %dma_start3A_1425 = tpu.memref_squeeze %dma_start3A_1424 : memref<1x128xf32, #tpu.memory_space<vmem>> -> memref<128xf32, #tpu.memory_space<vmem>>
    %dma_start3A_1426 = arith.constant 0 : i32
    %dma_start3A_1427 = tpu.memref_slice %arg5[%dma_start3A_1420, %dma_start3A_1421, %dma_start3A_1426] : memref<16x8x128xi32, #tpu.memory_space<vmem>> -> memref<1x1x128xi32, #tpu.memory_space<vmem>>
    %dma_start3A_1428 = tpu.memref_squeeze %dma_start3A_1427 : memref<1x1x128xi32, #tpu.memory_space<vmem>> -> memref<128xi32, #tpu.memory_space<vmem>>
    %dma_start3A_1429 = arith.constant 0 : i32
    %dma_start3A_1430 = tpu.memref_slice %arg2[%dma_start3A_1429] : memref<32000000xf32, #tpu.memory_space<hbm>> -> memref<32000000xf32, #tpu.memory_space<hbm>>
    tpu.enqueue_indirect_dma source(%dma_start3A_1430 : memref<32000000xf32, #tpu.memory_space<hbm>>) target(%dma_start3A_1425 : memref<128xf32, #tpu.memory_space<vmem>>) offsets(%dma_start3A_1428 : memref<128xi32, #tpu.memory_space<vmem>>) semaphore(%arg7 : memref<!tpu.dma_semaphore, #tpu.memory_space<semaphore_mem>>)
    %dma_start3A_1431 = arith.constant 15 : i32
    %dma_start3A_1432 = arith.constant 7 : i32
    %dma_start3A_1433 = arith.constant 15 : i32
    %dma_start3A_1434 = arith.constant 896 : i32
    %dma_start3A_1435 = tpu.memref_slice %arg6[%dma_start3A_1433, %dma_start3A_1434] : memref<16x1024xf32, #tpu.memory_space<vmem>> -> memref<1x128xf32, #tpu.memory_space<vmem>>
    %dma_start3A_1436 = tpu.memref_squeeze %dma_start3A_1435 : memref<1x128xf32, #tpu.memory_space<vmem>> -> memref<128xf32, #tpu.memory_space<vmem>>
    %dma_start3A_1437 = arith.constant 0 : i32
    %dma_start3A_1438 = tpu.memref_slice %arg5[%dma_start3A_1431, %dma_start3A_1432, %dma_start3A_1437] : memref<16x8x128xi32, #tpu.memory_space<vmem>> -> memref<1x1x128xi32, #tpu.memory_space<vmem>>
    %dma_start3A_1439 = tpu.memref_squeeze %dma_start3A_1438 : memref<1x1x128xi32, #tpu.memory_space<vmem>> -> memref<128xi32, #tpu.memory_space<vmem>>
    %dma_start3A_1440 = arith.constant 0 : i32
    %dma_start3A_1441 = tpu.memref_slice %arg2[%dma_start3A_1440] : memref<32000000xf32, #tpu.memory_space<hbm>> -> memref<32000000xf32, #tpu.memory_space<hbm>>
    tpu.enqueue_indirect_dma source(%dma_start3A_1441 : memref<32000000xf32, #tpu.memory_space<hbm>>) target(%dma_start3A_1436 : memref<128xf32, #tpu.memory_space<vmem>>) offsets(%dma_start3A_1439 : memref<128xi32, #tpu.memory_space<vmem>>) semaphore(%arg7 : memref<!tpu.dma_semaphore, #tpu.memory_space<semaphore_mem>>)
    %dma_wait3A = arith.constant 0 : i32
    %dma_wait3A_1442 = arith.constant 0 : i32
    %dma_wait3A_1443 = arith.constant 0 : i32
    %dma_wait3A_1444 = arith.constant 0 : i32
    %dma_wait3A_1445 = tpu.memref_slice %arg6[%dma_wait3A_1443, %dma_wait3A_1444] : memref<16x1024xf32, #tpu.memory_space<vmem>> -> memref<1x128xf32, #tpu.memory_space<vmem>>
    %dma_wait3A_1446 = tpu.memref_squeeze %dma_wait3A_1445 : memref<1x128xf32, #tpu.memory_space<vmem>> -> memref<128xf32, #tpu.memory_space<vmem>>
    %dma_wait3A_1447 = arith.constant 0 : i32
    %dma_wait3A_1448 = tpu.memref_slice %arg5[%dma_wait3A, %dma_wait3A_1442, %dma_wait3A_1447] : memref<16x8x128xi32, #tpu.memory_space<vmem>> -> memref<1x1x128xi32, #tpu.memory_space<vmem>>
    %dma_wait3A_1449 = tpu.memref_squeeze %dma_wait3A_1448 : memref<1x1x128xi32, #tpu.memory_space<vmem>> -> memref<128xi32, #tpu.memory_space<vmem>>
    %dma_wait3A_1450 = arith.constant 0 : i32
    %dma_wait3A_1451 = tpu.memref_slice %arg2[%dma_wait3A_1450] : memref<32000000xf32, #tpu.memory_space<hbm>> -> memref<32000000xf32, #tpu.memory_space<hbm>>
    tpu.wait_indirect_dma semaphore(%arg7 : memref<!tpu.dma_semaphore, #tpu.memory_space<semaphore_mem>>) src(%dma_wait3A_1451 : memref<32000000xf32, #tpu.memory_space<hbm>>) dst(%dma_wait3A_1446 : memref<128xf32, #tpu.memory_space<vmem>>)
    %dma_wait3A_1452 = arith.constant 1 : i32
    %dma_wait3A_1453 = arith.constant 0 : i32
    %dma_wait3A_1454 = arith.constant 1 : i32
    %dma_wait3A_1455 = arith.constant 0 : i32
    %dma_wait3A_1456 = tpu.memref_slice %arg6[%dma_wait3A_1454, %dma_wait3A_1455] : memref<16x1024xf32, #tpu.memory_space<vmem>> -> memref<1x128xf32, #tpu.memory_space<vmem>>
    %dma_wait3A_1457 = tpu.memref_squeeze %dma_wait3A_1456 : memref<1x128xf32, #tpu.memory_space<vmem>> -> memref<128xf32, #tpu.memory_space<vmem>>
    %dma_wait3A_1458 = arith.constant 0 : i32
    %dma_wait3A_1459 = tpu.memref_slice %arg5[%dma_wait3A_1452, %dma_wait3A_1453, %dma_wait3A_1458] : memref<16x8x128xi32, #tpu.memory_space<vmem>> -> memref<1x1x128xi32, #tpu.memory_space<vmem>>
    %dma_wait3A_1460 = tpu.memref_squeeze %dma_wait3A_1459 : memref<1x1x128xi32, #tpu.memory_space<vmem>> -> memref<128xi32, #tpu.memory_space<vmem>>
    %dma_wait3A_1461 = arith.constant 0 : i32
    %dma_wait3A_1462 = tpu.memref_slice %arg2[%dma_wait3A_1461] : memref<32000000xf32, #tpu.memory_space<hbm>> -> memref<32000000xf32, #tpu.memory_space<hbm>>
    tpu.wait_indirect_dma semaphore(%arg7 : memref<!tpu.dma_semaphore, #tpu.memory_space<semaphore_mem>>) src(%dma_wait3A_1462 : memref<32000000xf32, #tpu.memory_space<hbm>>) dst(%dma_wait3A_1457 : memref<128xf32, #tpu.memory_space<vmem>>)
    %dma_wait3A_1463 = arith.constant 2 : i32
    %dma_wait3A_1464 = arith.constant 0 : i32
    %dma_wait3A_1465 = arith.constant 2 : i32
    %dma_wait3A_1466 = arith.constant 0 : i32
    %dma_wait3A_1467 = tpu.memref_slice %arg6[%dma_wait3A_1465, %dma_wait3A_1466] : memref<16x1024xf32, #tpu.memory_space<vmem>> -> memref<1x128xf32, #tpu.memory_space<vmem>>
    %dma_wait3A_1468 = tpu.memref_squeeze %dma_wait3A_1467 : memref<1x128xf32, #tpu.memory_space<vmem>> -> memref<128xf32, #tpu.memory_space<vmem>>
    %dma_wait3A_1469 = arith.constant 0 : i32
    %dma_wait3A_1470 = tpu.memref_slice %arg5[%dma_wait3A_1463, %dma_wait3A_1464, %dma_wait3A_1469] : memref<16x8x128xi32, #tpu.memory_space<vmem>> -> memref<1x1x128xi32, #tpu.memory_space<vmem>>
    %dma_wait3A_1471 = tpu.memref_squeeze %dma_wait3A_1470 : memref<1x1x128xi32, #tpu.memory_space<vmem>> -> memref<128xi32, #tpu.memory_space<vmem>>
    %dma_wait3A_1472 = arith.constant 0 : i32
    %dma_wait3A_1473 = tpu.memref_slice %arg2[%dma_wait3A_1472] : memref<32000000xf32, #tpu.memory_space<hbm>> -> memref<32000000xf32, #tpu.memory_space<hbm>>
    tpu.wait_indirect_dma semaphore(%arg7 : memref<!tpu.dma_semaphore, #tpu.memory_space<semaphore_mem>>) src(%dma_wait3A_1473 : memref<32000000xf32, #tpu.memory_space<hbm>>) dst(%dma_wait3A_1468 : memref<128xf32, #tpu.memory_space<vmem>>)
    %dma_wait3A_1474 = arith.constant 3 : i32
    %dma_wait3A_1475 = arith.constant 0 : i32
    %dma_wait3A_1476 = arith.constant 3 : i32
    %dma_wait3A_1477 = arith.constant 0 : i32
    %dma_wait3A_1478 = tpu.memref_slice %arg6[%dma_wait3A_1476, %dma_wait3A_1477] : memref<16x1024xf32, #tpu.memory_space<vmem>> -> memref<1x128xf32, #tpu.memory_space<vmem>>
    %dma_wait3A_1479 = tpu.memref_squeeze %dma_wait3A_1478 : memref<1x128xf32, #tpu.memory_space<vmem>> -> memref<128xf32, #tpu.memory_space<vmem>>
    %dma_wait3A_1480 = arith.constant 0 : i32
    %dma_wait3A_1481 = tpu.memref_slice %arg5[%dma_wait3A_1474, %dma_wait3A_1475, %dma_wait3A_1480] : memref<16x8x128xi32, #tpu.memory_space<vmem>> -> memref<1x1x128xi32, #tpu.memory_space<vmem>>
    %dma_wait3A_1482 = tpu.memref_squeeze %dma_wait3A_1481 : memref<1x1x128xi32, #tpu.memory_space<vmem>> -> memref<128xi32, #tpu.memory_space<vmem>>
    %dma_wait3A_1483 = arith.constant 0 : i32
    %dma_wait3A_1484 = tpu.memref_slice %arg2[%dma_wait3A_1483] : memref<32000000xf32, #tpu.memory_space<hbm>> -> memref<32000000xf32, #tpu.memory_space<hbm>>
    tpu.wait_indirect_dma semaphore(%arg7 : memref<!tpu.dma_semaphore, #tpu.memory_space<semaphore_mem>>) src(%dma_wait3A_1484 : memref<32000000xf32, #tpu.memory_space<hbm>>) dst(%dma_wait3A_1479 : memref<128xf32, #tpu.memory_space<vmem>>)
    %dma_wait3A_1485 = arith.constant 4 : i32
    %dma_wait3A_1486 = arith.constant 0 : i32
    %dma_wait3A_1487 = arith.constant 4 : i32
    %dma_wait3A_1488 = arith.constant 0 : i32
    %dma_wait3A_1489 = tpu.memref_slice %arg6[%dma_wait3A_1487, %dma_wait3A_1488] : memref<16x1024xf32, #tpu.memory_space<vmem>> -> memref<1x128xf32, #tpu.memory_space<vmem>>
    %dma_wait3A_1490 = tpu.memref_squeeze %dma_wait3A_1489 : memref<1x128xf32, #tpu.memory_space<vmem>> -> memref<128xf32, #tpu.memory_space<vmem>>
    %dma_wait3A_1491 = arith.constant 0 : i32
    %dma_wait3A_1492 = tpu.memref_slice %arg5[%dma_wait3A_1485, %dma_wait3A_1486, %dma_wait3A_1491] : memref<16x8x128xi32, #tpu.memory_space<vmem>> -> memref<1x1x128xi32, #tpu.memory_space<vmem>>
    %dma_wait3A_1493 = tpu.memref_squeeze %dma_wait3A_1492 : memref<1x1x128xi32, #tpu.memory_space<vmem>> -> memref<128xi32, #tpu.memory_space<vmem>>
    %dma_wait3A_1494 = arith.constant 0 : i32
    %dma_wait3A_1495 = tpu.memref_slice %arg2[%dma_wait3A_1494] : memref<32000000xf32, #tpu.memory_space<hbm>> -> memref<32000000xf32, #tpu.memory_space<hbm>>
    tpu.wait_indirect_dma semaphore(%arg7 : memref<!tpu.dma_semaphore, #tpu.memory_space<semaphore_mem>>) src(%dma_wait3A_1495 : memref<32000000xf32, #tpu.memory_space<hbm>>) dst(%dma_wait3A_1490 : memref<128xf32, #tpu.memory_space<vmem>>)
    %dma_wait3A_1496 = arith.constant 5 : i32
    %dma_wait3A_1497 = arith.constant 0 : i32
    %dma_wait3A_1498 = arith.constant 5 : i32
    %dma_wait3A_1499 = arith.constant 0 : i32
    %dma_wait3A_1500 = tpu.memref_slice %arg6[%dma_wait3A_1498, %dma_wait3A_1499] : memref<16x1024xf32, #tpu.memory_space<vmem>> -> memref<1x128xf32, #tpu.memory_space<vmem>>
    %dma_wait3A_1501 = tpu.memref_squeeze %dma_wait3A_1500 : memref<1x128xf32, #tpu.memory_space<vmem>> -> memref<128xf32, #tpu.memory_space<vmem>>
    %dma_wait3A_1502 = arith.constant 0 : i32
    %dma_wait3A_1503 = tpu.memref_slice %arg5[%dma_wait3A_1496, %dma_wait3A_1497, %dma_wait3A_1502] : memref<16x8x128xi32, #tpu.memory_space<vmem>> -> memref<1x1x128xi32, #tpu.memory_space<vmem>>
    %dma_wait3A_1504 = tpu.memref_squeeze %dma_wait3A_1503 : memref<1x1x128xi32, #tpu.memory_space<vmem>> -> memref<128xi32, #tpu.memory_space<vmem>>
    %dma_wait3A_1505 = arith.constant 0 : i32
    %dma_wait3A_1506 = tpu.memref_slice %arg2[%dma_wait3A_1505] : memref<32000000xf32, #tpu.memory_space<hbm>> -> memref<32000000xf32, #tpu.memory_space<hbm>>
    tpu.wait_indirect_dma semaphore(%arg7 : memref<!tpu.dma_semaphore, #tpu.memory_space<semaphore_mem>>) src(%dma_wait3A_1506 : memref<32000000xf32, #tpu.memory_space<hbm>>) dst(%dma_wait3A_1501 : memref<128xf32, #tpu.memory_space<vmem>>)
    %dma_wait3A_1507 = arith.constant 6 : i32
    %dma_wait3A_1508 = arith.constant 0 : i32
    %dma_wait3A_1509 = arith.constant 6 : i32
    %dma_wait3A_1510 = arith.constant 0 : i32
    %dma_wait3A_1511 = tpu.memref_slice %arg6[%dma_wait3A_1509, %dma_wait3A_1510] : memref<16x1024xf32, #tpu.memory_space<vmem>> -> memref<1x128xf32, #tpu.memory_space<vmem>>
    %dma_wait3A_1512 = tpu.memref_squeeze %dma_wait3A_1511 : memref<1x128xf32, #tpu.memory_space<vmem>> -> memref<128xf32, #tpu.memory_space<vmem>>
    %dma_wait3A_1513 = arith.constant 0 : i32
    %dma_wait3A_1514 = tpu.memref_slice %arg5[%dma_wait3A_1507, %dma_wait3A_1508, %dma_wait3A_1513] : memref<16x8x128xi32, #tpu.memory_space<vmem>> -> memref<1x1x128xi32, #tpu.memory_space<vmem>>
    %dma_wait3A_1515 = tpu.memref_squeeze %dma_wait3A_1514 : memref<1x1x128xi32, #tpu.memory_space<vmem>> -> memref<128xi32, #tpu.memory_space<vmem>>
    %dma_wait3A_1516 = arith.constant 0 : i32
    %dma_wait3A_1517 = tpu.memref_slice %arg2[%dma_wait3A_1516] : memref<32000000xf32, #tpu.memory_space<hbm>> -> memref<32000000xf32, #tpu.memory_space<hbm>>
    tpu.wait_indirect_dma semaphore(%arg7 : memref<!tpu.dma_semaphore, #tpu.memory_space<semaphore_mem>>) src(%dma_wait3A_1517 : memref<32000000xf32, #tpu.memory_space<hbm>>) dst(%dma_wait3A_1512 : memref<128xf32, #tpu.memory_space<vmem>>)
    %dma_wait3A_1518 = arith.constant 7 : i32
    %dma_wait3A_1519 = arith.constant 0 : i32
    %dma_wait3A_1520 = arith.constant 7 : i32
    %dma_wait3A_1521 = arith.constant 0 : i32
    %dma_wait3A_1522 = tpu.memref_slice %arg6[%dma_wait3A_1520, %dma_wait3A_1521] : memref<16x1024xf32, #tpu.memory_space<vmem>> -> memref<1x128xf32, #tpu.memory_space<vmem>>
    %dma_wait3A_1523 = tpu.memref_squeeze %dma_wait3A_1522 : memref<1x128xf32, #tpu.memory_space<vmem>> -> memref<128xf32, #tpu.memory_space<vmem>>
    %dma_wait3A_1524 = arith.constant 0 : i32
    %dma_wait3A_1525 = tpu.memref_slice %arg5[%dma_wait3A_1518, %dma_wait3A_1519, %dma_wait3A_1524] : memref<16x8x128xi32, #tpu.memory_space<vmem>> -> memref<1x1x128xi32, #tpu.memory_space<vmem>>
    %dma_wait3A_1526 = tpu.memref_squeeze %dma_wait3A_1525 : memref<1x1x128xi32, #tpu.memory_space<vmem>> -> memref<128xi32, #tpu.memory_space<vmem>>
    %dma_wait3A_1527 = arith.constant 0 : i32
    %dma_wait3A_1528 = tpu.memref_slice %arg2[%dma_wait3A_1527] : memref<32000000xf32, #tpu.memory_space<hbm>> -> memref<32000000xf32, #tpu.memory_space<hbm>>
    tpu.wait_indirect_dma semaphore(%arg7 : memref<!tpu.dma_semaphore, #tpu.memory_space<semaphore_mem>>) src(%dma_wait3A_1528 : memref<32000000xf32, #tpu.memory_space<hbm>>) dst(%dma_wait3A_1523 : memref<128xf32, #tpu.memory_space<vmem>>)
    %dma_wait3A_1529 = arith.constant 8 : i32
    %dma_wait3A_1530 = arith.constant 0 : i32
    %dma_wait3A_1531 = arith.constant 8 : i32
    %dma_wait3A_1532 = arith.constant 0 : i32
    %dma_wait3A_1533 = tpu.memref_slice %arg6[%dma_wait3A_1531, %dma_wait3A_1532] : memref<16x1024xf32, #tpu.memory_space<vmem>> -> memref<1x128xf32, #tpu.memory_space<vmem>>
    %dma_wait3A_1534 = tpu.memref_squeeze %dma_wait3A_1533 : memref<1x128xf32, #tpu.memory_space<vmem>> -> memref<128xf32, #tpu.memory_space<vmem>>
    %dma_wait3A_1535 = arith.constant 0 : i32
    %dma_wait3A_1536 = tpu.memref_slice %arg5[%dma_wait3A_1529, %dma_wait3A_1530, %dma_wait3A_1535] : memref<16x8x128xi32, #tpu.memory_space<vmem>> -> memref<1x1x128xi32, #tpu.memory_space<vmem>>
    %dma_wait3A_1537 = tpu.memref_squeeze %dma_wait3A_1536 : memref<1x1x128xi32, #tpu.memory_space<vmem>> -> memref<128xi32, #tpu.memory_space<vmem>>
    %dma_wait3A_1538 = arith.constant 0 : i32
    %dma_wait3A_1539 = tpu.memref_slice %arg2[%dma_wait3A_1538] : memref<32000000xf32, #tpu.memory_space<hbm>> -> memref<32000000xf32, #tpu.memory_space<hbm>>
    tpu.wait_indirect_dma semaphore(%arg7 : memref<!tpu.dma_semaphore, #tpu.memory_space<semaphore_mem>>) src(%dma_wait3A_1539 : memref<32000000xf32, #tpu.memory_space<hbm>>) dst(%dma_wait3A_1534 : memref<128xf32, #tpu.memory_space<vmem>>)
    %dma_wait3A_1540 = arith.constant 9 : i32
    %dma_wait3A_1541 = arith.constant 0 : i32
    %dma_wait3A_1542 = arith.constant 9 : i32
    %dma_wait3A_1543 = arith.constant 0 : i32
    %dma_wait3A_1544 = tpu.memref_slice %arg6[%dma_wait3A_1542, %dma_wait3A_1543] : memref<16x1024xf32, #tpu.memory_space<vmem>> -> memref<1x128xf32, #tpu.memory_space<vmem>>
    %dma_wait3A_1545 = tpu.memref_squeeze %dma_wait3A_1544 : memref<1x128xf32, #tpu.memory_space<vmem>> -> memref<128xf32, #tpu.memory_space<vmem>>
    %dma_wait3A_1546 = arith.constant 0 : i32
    %dma_wait3A_1547 = tpu.memref_slice %arg5[%dma_wait3A_1540, %dma_wait3A_1541, %dma_wait3A_1546] : memref<16x8x128xi32, #tpu.memory_space<vmem>> -> memref<1x1x128xi32, #tpu.memory_space<vmem>>
    %dma_wait3A_1548 = tpu.memref_squeeze %dma_wait3A_1547 : memref<1x1x128xi32, #tpu.memory_space<vmem>> -> memref<128xi32, #tpu.memory_space<vmem>>
    %dma_wait3A_1549 = arith.constant 0 : i32
    %dma_wait3A_1550 = tpu.memref_slice %arg2[%dma_wait3A_1549] : memref<32000000xf32, #tpu.memory_space<hbm>> -> memref<32000000xf32, #tpu.memory_space<hbm>>
    tpu.wait_indirect_dma semaphore(%arg7 : memref<!tpu.dma_semaphore, #tpu.memory_space<semaphore_mem>>) src(%dma_wait3A_1550 : memref<32000000xf32, #tpu.memory_space<hbm>>) dst(%dma_wait3A_1545 : memref<128xf32, #tpu.memory_space<vmem>>)
    %dma_wait3A_1551 = arith.constant 10 : i32
    %dma_wait3A_1552 = arith.constant 0 : i32
    %dma_wait3A_1553 = arith.constant 10 : i32
    %dma_wait3A_1554 = arith.constant 0 : i32
    %dma_wait3A_1555 = tpu.memref_slice %arg6[%dma_wait3A_1553, %dma_wait3A_1554] : memref<16x1024xf32, #tpu.memory_space<vmem>> -> memref<1x128xf32, #tpu.memory_space<vmem>>
    %dma_wait3A_1556 = tpu.memref_squeeze %dma_wait3A_1555 : memref<1x128xf32, #tpu.memory_space<vmem>> -> memref<128xf32, #tpu.memory_space<vmem>>
    %dma_wait3A_1557 = arith.constant 0 : i32
    %dma_wait3A_1558 = tpu.memref_slice %arg5[%dma_wait3A_1551, %dma_wait3A_1552, %dma_wait3A_1557] : memref<16x8x128xi32, #tpu.memory_space<vmem>> -> memref<1x1x128xi32, #tpu.memory_space<vmem>>
    %dma_wait3A_1559 = tpu.memref_squeeze %dma_wait3A_1558 : memref<1x1x128xi32, #tpu.memory_space<vmem>> -> memref<128xi32, #tpu.memory_space<vmem>>
    %dma_wait3A_1560 = arith.constant 0 : i32
    %dma_wait3A_1561 = tpu.memref_slice %arg2[%dma_wait3A_1560] : memref<32000000xf32, #tpu.memory_space<hbm>> -> memref<32000000xf32, #tpu.memory_space<hbm>>
    tpu.wait_indirect_dma semaphore(%arg7 : memref<!tpu.dma_semaphore, #tpu.memory_space<semaphore_mem>>) src(%dma_wait3A_1561 : memref<32000000xf32, #tpu.memory_space<hbm>>) dst(%dma_wait3A_1556 : memref<128xf32, #tpu.memory_space<vmem>>)
    %dma_wait3A_1562 = arith.constant 11 : i32
    %dma_wait3A_1563 = arith.constant 0 : i32
    %dma_wait3A_1564 = arith.constant 11 : i32
    %dma_wait3A_1565 = arith.constant 0 : i32
    %dma_wait3A_1566 = tpu.memref_slice %arg6[%dma_wait3A_1564, %dma_wait3A_1565] : memref<16x1024xf32, #tpu.memory_space<vmem>> -> memref<1x128xf32, #tpu.memory_space<vmem>>
    %dma_wait3A_1567 = tpu.memref_squeeze %dma_wait3A_1566 : memref<1x128xf32, #tpu.memory_space<vmem>> -> memref<128xf32, #tpu.memory_space<vmem>>
    %dma_wait3A_1568 = arith.constant 0 : i32
    %dma_wait3A_1569 = tpu.memref_slice %arg5[%dma_wait3A_1562, %dma_wait3A_1563, %dma_wait3A_1568] : memref<16x8x128xi32, #tpu.memory_space<vmem>> -> memref<1x1x128xi32, #tpu.memory_space<vmem>>
    %dma_wait3A_1570 = tpu.memref_squeeze %dma_wait3A_1569 : memref<1x1x128xi32, #tpu.memory_space<vmem>> -> memref<128xi32, #tpu.memory_space<vmem>>
    %dma_wait3A_1571 = arith.constant 0 : i32
    %dma_wait3A_1572 = tpu.memref_slice %arg2[%dma_wait3A_1571] : memref<32000000xf32, #tpu.memory_space<hbm>> -> memref<32000000xf32, #tpu.memory_space<hbm>>
    tpu.wait_indirect_dma semaphore(%arg7 : memref<!tpu.dma_semaphore, #tpu.memory_space<semaphore_mem>>) src(%dma_wait3A_1572 : memref<32000000xf32, #tpu.memory_space<hbm>>) dst(%dma_wait3A_1567 : memref<128xf32, #tpu.memory_space<vmem>>)
    %dma_wait3A_1573 = arith.constant 12 : i32
    %dma_wait3A_1574 = arith.constant 0 : i32
    %dma_wait3A_1575 = arith.constant 12 : i32
    %dma_wait3A_1576 = arith.constant 0 : i32
    %dma_wait3A_1577 = tpu.memref_slice %arg6[%dma_wait3A_1575, %dma_wait3A_1576] : memref<16x1024xf32, #tpu.memory_space<vmem>> -> memref<1x128xf32, #tpu.memory_space<vmem>>
    %dma_wait3A_1578 = tpu.memref_squeeze %dma_wait3A_1577 : memref<1x128xf32, #tpu.memory_space<vmem>> -> memref<128xf32, #tpu.memory_space<vmem>>
    %dma_wait3A_1579 = arith.constant 0 : i32
    %dma_wait3A_1580 = tpu.memref_slice %arg5[%dma_wait3A_1573, %dma_wait3A_1574, %dma_wait3A_1579] : memref<16x8x128xi32, #tpu.memory_space<vmem>> -> memref<1x1x128xi32, #tpu.memory_space<vmem>>
    %dma_wait3A_1581 = tpu.memref_squeeze %dma_wait3A_1580 : memref<1x1x128xi32, #tpu.memory_space<vmem>> -> memref<128xi32, #tpu.memory_space<vmem>>
    %dma_wait3A_1582 = arith.constant 0 : i32
    %dma_wait3A_1583 = tpu.memref_slice %arg2[%dma_wait3A_1582] : memref<32000000xf32, #tpu.memory_space<hbm>> -> memref<32000000xf32, #tpu.memory_space<hbm>>
    tpu.wait_indirect_dma semaphore(%arg7 : memref<!tpu.dma_semaphore, #tpu.memory_space<semaphore_mem>>) src(%dma_wait3A_1583 : memref<32000000xf32, #tpu.memory_space<hbm>>) dst(%dma_wait3A_1578 : memref<128xf32, #tpu.memory_space<vmem>>)
    %dma_wait3A_1584 = arith.constant 13 : i32
    %dma_wait3A_1585 = arith.constant 0 : i32
    %dma_wait3A_1586 = arith.constant 13 : i32
    %dma_wait3A_1587 = arith.constant 0 : i32
    %dma_wait3A_1588 = tpu.memref_slice %arg6[%dma_wait3A_1586, %dma_wait3A_1587] : memref<16x1024xf32, #tpu.memory_space<vmem>> -> memref<1x128xf32, #tpu.memory_space<vmem>>
    %dma_wait3A_1589 = tpu.memref_squeeze %dma_wait3A_1588 : memref<1x128xf32, #tpu.memory_space<vmem>> -> memref<128xf32, #tpu.memory_space<vmem>>
    %dma_wait3A_1590 = arith.constant 0 : i32
    %dma_wait3A_1591 = tpu.memref_slice %arg5[%dma_wait3A_1584, %dma_wait3A_1585, %dma_wait3A_1590] : memref<16x8x128xi32, #tpu.memory_space<vmem>> -> memref<1x1x128xi32, #tpu.memory_space<vmem>>
    %dma_wait3A_1592 = tpu.memref_squeeze %dma_wait3A_1591 : memref<1x1x128xi32, #tpu.memory_space<vmem>> -> memref<128xi32, #tpu.memory_space<vmem>>
    %dma_wait3A_1593 = arith.constant 0 : i32
    %dma_wait3A_1594 = tpu.memref_slice %arg2[%dma_wait3A_1593] : memref<32000000xf32, #tpu.memory_space<hbm>> -> memref<32000000xf32, #tpu.memory_space<hbm>>
    tpu.wait_indirect_dma semaphore(%arg7 : memref<!tpu.dma_semaphore, #tpu.memory_space<semaphore_mem>>) src(%dma_wait3A_1594 : memref<32000000xf32, #tpu.memory_space<hbm>>) dst(%dma_wait3A_1589 : memref<128xf32, #tpu.memory_space<vmem>>)
    %dma_wait3A_1595 = arith.constant 14 : i32
    %dma_wait3A_1596 = arith.constant 0 : i32
    %dma_wait3A_1597 = arith.constant 14 : i32
    %dma_wait3A_1598 = arith.constant 0 : i32
    %dma_wait3A_1599 = tpu.memref_slice %arg6[%dma_wait3A_1597, %dma_wait3A_1598] : memref<16x1024xf32, #tpu.memory_space<vmem>> -> memref<1x128xf32, #tpu.memory_space<vmem>>
    %dma_wait3A_1600 = tpu.memref_squeeze %dma_wait3A_1599 : memref<1x128xf32, #tpu.memory_space<vmem>> -> memref<128xf32, #tpu.memory_space<vmem>>
    %dma_wait3A_1601 = arith.constant 0 : i32
    %dma_wait3A_1602 = tpu.memref_slice %arg5[%dma_wait3A_1595, %dma_wait3A_1596, %dma_wait3A_1601] : memref<16x8x128xi32, #tpu.memory_space<vmem>> -> memref<1x1x128xi32, #tpu.memory_space<vmem>>
    %dma_wait3A_1603 = tpu.memref_squeeze %dma_wait3A_1602 : memref<1x1x128xi32, #tpu.memory_space<vmem>> -> memref<128xi32, #tpu.memory_space<vmem>>
    %dma_wait3A_1604 = arith.constant 0 : i32
    %dma_wait3A_1605 = tpu.memref_slice %arg2[%dma_wait3A_1604] : memref<32000000xf32, #tpu.memory_space<hbm>> -> memref<32000000xf32, #tpu.memory_space<hbm>>
    tpu.wait_indirect_dma semaphore(%arg7 : memref<!tpu.dma_semaphore, #tpu.memory_space<semaphore_mem>>) src(%dma_wait3A_1605 : memref<32000000xf32, #tpu.memory_space<hbm>>) dst(%dma_wait3A_1600 : memref<128xf32, #tpu.memory_space<vmem>>)
    %dma_wait3A_1606 = arith.constant 15 : i32
    %dma_wait3A_1607 = arith.constant 0 : i32
    %dma_wait3A_1608 = arith.constant 15 : i32
    %dma_wait3A_1609 = arith.constant 0 : i32
    %dma_wait3A_1610 = tpu.memref_slice %arg6[%dma_wait3A_1608, %dma_wait3A_1609] : memref<16x1024xf32, #tpu.memory_space<vmem>> -> memref<1x128xf32, #tpu.memory_space<vmem>>
    %dma_wait3A_1611 = tpu.memref_squeeze %dma_wait3A_1610 : memref<1x128xf32, #tpu.memory_space<vmem>> -> memref<128xf32, #tpu.memory_space<vmem>>
    %dma_wait3A_1612 = arith.constant 0 : i32
    %dma_wait3A_1613 = tpu.memref_slice %arg5[%dma_wait3A_1606, %dma_wait3A_1607, %dma_wait3A_1612] : memref<16x8x128xi32, #tpu.memory_space<vmem>> -> memref<1x1x128xi32, #tpu.memory_space<vmem>>
    %dma_wait3A_1614 = tpu.memref_squeeze %dma_wait3A_1613 : memref<1x1x128xi32, #tpu.memory_space<vmem>> -> memref<128xi32, #tpu.memory_space<vmem>>
    %dma_wait3A_1615 = arith.constant 0 : i32
    %dma_wait3A_1616 = tpu.memref_slice %arg2[%dma_wait3A_1615] : memref<32000000xf32, #tpu.memory_space<hbm>> -> memref<32000000xf32, #tpu.memory_space<hbm>>
    tpu.wait_indirect_dma semaphore(%arg7 : memref<!tpu.dma_semaphore, #tpu.memory_space<semaphore_mem>>) src(%dma_wait3A_1616 : memref<32000000xf32, #tpu.memory_space<hbm>>) dst(%dma_wait3A_1611 : memref<128xf32, #tpu.memory_space<vmem>>)
    %dma_wait3A_1617 = arith.constant 0 : i32
    %dma_wait3A_1618 = arith.constant 1 : i32
    %dma_wait3A_1619 = arith.constant 0 : i32
    %dma_wait3A_1620 = arith.constant 128 : i32
    %dma_wait3A_1621 = tpu.memref_slice %arg6[%dma_wait3A_1619, %dma_wait3A_1620] : memref<16x1024xf32, #tpu.memory_space<vmem>> -> memref<1x128xf32, #tpu.memory_space<vmem>>
    %dma_wait3A_1622 = tpu.memref_squeeze %dma_wait3A_1621 : memref<1x128xf32, #tpu.memory_space<vmem>> -> memref<128xf32, #tpu.memory_space<vmem>>
    %dma_wait3A_1623 = arith.constant 0 : i32
    %dma_wait3A_1624 = tpu.memref_slice %arg5[%dma_wait3A_1617, %dma_wait3A_1618, %dma_wait3A_1623] : memref<16x8x128xi32, #tpu.memory_space<vmem>> -> memref<1x1x128xi32, #tpu.memory_space<vmem>>
    %dma_wait3A_1625 = tpu.memref_squeeze %dma_wait3A_1624 : memref<1x1x128xi32, #tpu.memory_space<vmem>> -> memref<128xi32, #tpu.memory_space<vmem>>
    %dma_wait3A_1626 = arith.constant 0 : i32
    %dma_wait3A_1627 = tpu.memref_slice %arg2[%dma_wait3A_1626] : memref<32000000xf32, #tpu.memory_space<hbm>> -> memref<32000000xf32, #tpu.memory_space<hbm>>
    tpu.wait_indirect_dma semaphore(%arg7 : memref<!tpu.dma_semaphore, #tpu.memory_space<semaphore_mem>>) src(%dma_wait3A_1627 : memref<32000000xf32, #tpu.memory_space<hbm>>) dst(%dma_wait3A_1622 : memref<128xf32, #tpu.memory_space<vmem>>)
    %dma_wait3A_1628 = arith.constant 1 : i32
    %dma_wait3A_1629 = arith.constant 1 : i32
    %dma_wait3A_1630 = arith.constant 1 : i32
    %dma_wait3A_1631 = arith.constant 128 : i32
    %dma_wait3A_1632 = tpu.memref_slice %arg6[%dma_wait3A_1630, %dma_wait3A_1631] : memref<16x1024xf32, #tpu.memory_space<vmem>> -> memref<1x128xf32, #tpu.memory_space<vmem>>
    %dma_wait3A_1633 = tpu.memref_squeeze %dma_wait3A_1632 : memref<1x128xf32, #tpu.memory_space<vmem>> -> memref<128xf32, #tpu.memory_space<vmem>>
    %dma_wait3A_1634 = arith.constant 0 : i32
    %dma_wait3A_1635 = tpu.memref_slice %arg5[%dma_wait3A_1628, %dma_wait3A_1629, %dma_wait3A_1634] : memref<16x8x128xi32, #tpu.memory_space<vmem>> -> memref<1x1x128xi32, #tpu.memory_space<vmem>>
    %dma_wait3A_1636 = tpu.memref_squeeze %dma_wait3A_1635 : memref<1x1x128xi32, #tpu.memory_space<vmem>> -> memref<128xi32, #tpu.memory_space<vmem>>
    %dma_wait3A_1637 = arith.constant 0 : i32
    %dma_wait3A_1638 = tpu.memref_slice %arg2[%dma_wait3A_1637] : memref<32000000xf32, #tpu.memory_space<hbm>> -> memref<32000000xf32, #tpu.memory_space<hbm>>
    tpu.wait_indirect_dma semaphore(%arg7 : memref<!tpu.dma_semaphore, #tpu.memory_space<semaphore_mem>>) src(%dma_wait3A_1638 : memref<32000000xf32, #tpu.memory_space<hbm>>) dst(%dma_wait3A_1633 : memref<128xf32, #tpu.memory_space<vmem>>)
    %dma_wait3A_1639 = arith.constant 2 : i32
    %dma_wait3A_1640 = arith.constant 1 : i32
    %dma_wait3A_1641 = arith.constant 2 : i32
    %dma_wait3A_1642 = arith.constant 128 : i32
    %dma_wait3A_1643 = tpu.memref_slice %arg6[%dma_wait3A_1641, %dma_wait3A_1642] : memref<16x1024xf32, #tpu.memory_space<vmem>> -> memref<1x128xf32, #tpu.memory_space<vmem>>
    %dma_wait3A_1644 = tpu.memref_squeeze %dma_wait3A_1643 : memref<1x128xf32, #tpu.memory_space<vmem>> -> memref<128xf32, #tpu.memory_space<vmem>>
    %dma_wait3A_1645 = arith.constant 0 : i32
    %dma_wait3A_1646 = tpu.memref_slice %arg5[%dma_wait3A_1639, %dma_wait3A_1640, %dma_wait3A_1645] : memref<16x8x128xi32, #tpu.memory_space<vmem>> -> memref<1x1x128xi32, #tpu.memory_space<vmem>>
    %dma_wait3A_1647 = tpu.memref_squeeze %dma_wait3A_1646 : memref<1x1x128xi32, #tpu.memory_space<vmem>> -> memref<128xi32, #tpu.memory_space<vmem>>
    %dma_wait3A_1648 = arith.constant 0 : i32
    %dma_wait3A_1649 = tpu.memref_slice %arg2[%dma_wait3A_1648] : memref<32000000xf32, #tpu.memory_space<hbm>> -> memref<32000000xf32, #tpu.memory_space<hbm>>
    tpu.wait_indirect_dma semaphore(%arg7 : memref<!tpu.dma_semaphore, #tpu.memory_space<semaphore_mem>>) src(%dma_wait3A_1649 : memref<32000000xf32, #tpu.memory_space<hbm>>) dst(%dma_wait3A_1644 : memref<128xf32, #tpu.memory_space<vmem>>)
    %dma_wait3A_1650 = arith.constant 3 : i32
    %dma_wait3A_1651 = arith.constant 1 : i32
    %dma_wait3A_1652 = arith.constant 3 : i32
    %dma_wait3A_1653 = arith.constant 128 : i32
    %dma_wait3A_1654 = tpu.memref_slice %arg6[%dma_wait3A_1652, %dma_wait3A_1653] : memref<16x1024xf32, #tpu.memory_space<vmem>> -> memref<1x128xf32, #tpu.memory_space<vmem>>
    %dma_wait3A_1655 = tpu.memref_squeeze %dma_wait3A_1654 : memref<1x128xf32, #tpu.memory_space<vmem>> -> memref<128xf32, #tpu.memory_space<vmem>>
    %dma_wait3A_1656 = arith.constant 0 : i32
    %dma_wait3A_1657 = tpu.memref_slice %arg5[%dma_wait3A_1650, %dma_wait3A_1651, %dma_wait3A_1656] : memref<16x8x128xi32, #tpu.memory_space<vmem>> -> memref<1x1x128xi32, #tpu.memory_space<vmem>>
    %dma_wait3A_1658 = tpu.memref_squeeze %dma_wait3A_1657 : memref<1x1x128xi32, #tpu.memory_space<vmem>> -> memref<128xi32, #tpu.memory_space<vmem>>
    %dma_wait3A_1659 = arith.constant 0 : i32
    %dma_wait3A_1660 = tpu.memref_slice %arg2[%dma_wait3A_1659] : memref<32000000xf32, #tpu.memory_space<hbm>> -> memref<32000000xf32, #tpu.memory_space<hbm>>
    tpu.wait_indirect_dma semaphore(%arg7 : memref<!tpu.dma_semaphore, #tpu.memory_space<semaphore_mem>>) src(%dma_wait3A_1660 : memref<32000000xf32, #tpu.memory_space<hbm>>) dst(%dma_wait3A_1655 : memref<128xf32, #tpu.memory_space<vmem>>)
    %dma_wait3A_1661 = arith.constant 4 : i32
    %dma_wait3A_1662 = arith.constant 1 : i32
    %dma_wait3A_1663 = arith.constant 4 : i32
    %dma_wait3A_1664 = arith.constant 128 : i32
    %dma_wait3A_1665 = tpu.memref_slice %arg6[%dma_wait3A_1663, %dma_wait3A_1664] : memref<16x1024xf32, #tpu.memory_space<vmem>> -> memref<1x128xf32, #tpu.memory_space<vmem>>
    %dma_wait3A_1666 = tpu.memref_squeeze %dma_wait3A_1665 : memref<1x128xf32, #tpu.memory_space<vmem>> -> memref<128xf32, #tpu.memory_space<vmem>>
    %dma_wait3A_1667 = arith.constant 0 : i32
    %dma_wait3A_1668 = tpu.memref_slice %arg5[%dma_wait3A_1661, %dma_wait3A_1662, %dma_wait3A_1667] : memref<16x8x128xi32, #tpu.memory_space<vmem>> -> memref<1x1x128xi32, #tpu.memory_space<vmem>>
    %dma_wait3A_1669 = tpu.memref_squeeze %dma_wait3A_1668 : memref<1x1x128xi32, #tpu.memory_space<vmem>> -> memref<128xi32, #tpu.memory_space<vmem>>
    %dma_wait3A_1670 = arith.constant 0 : i32
    %dma_wait3A_1671 = tpu.memref_slice %arg2[%dma_wait3A_1670] : memref<32000000xf32, #tpu.memory_space<hbm>> -> memref<32000000xf32, #tpu.memory_space<hbm>>
    tpu.wait_indirect_dma semaphore(%arg7 : memref<!tpu.dma_semaphore, #tpu.memory_space<semaphore_mem>>) src(%dma_wait3A_1671 : memref<32000000xf32, #tpu.memory_space<hbm>>) dst(%dma_wait3A_1666 : memref<128xf32, #tpu.memory_space<vmem>>)
    %dma_wait3A_1672 = arith.constant 5 : i32
    %dma_wait3A_1673 = arith.constant 1 : i32
    %dma_wait3A_1674 = arith.constant 5 : i32
    %dma_wait3A_1675 = arith.constant 128 : i32
    %dma_wait3A_1676 = tpu.memref_slice %arg6[%dma_wait3A_1674, %dma_wait3A_1675] : memref<16x1024xf32, #tpu.memory_space<vmem>> -> memref<1x128xf32, #tpu.memory_space<vmem>>
    %dma_wait3A_1677 = tpu.memref_squeeze %dma_wait3A_1676 : memref<1x128xf32, #tpu.memory_space<vmem>> -> memref<128xf32, #tpu.memory_space<vmem>>
    %dma_wait3A_1678 = arith.constant 0 : i32
    %dma_wait3A_1679 = tpu.memref_slice %arg5[%dma_wait3A_1672, %dma_wait3A_1673, %dma_wait3A_1678] : memref<16x8x128xi32, #tpu.memory_space<vmem>> -> memref<1x1x128xi32, #tpu.memory_space<vmem>>
    %dma_wait3A_1680 = tpu.memref_squeeze %dma_wait3A_1679 : memref<1x1x128xi32, #tpu.memory_space<vmem>> -> memref<128xi32, #tpu.memory_space<vmem>>
    %dma_wait3A_1681 = arith.constant 0 : i32
    %dma_wait3A_1682 = tpu.memref_slice %arg2[%dma_wait3A_1681] : memref<32000000xf32, #tpu.memory_space<hbm>> -> memref<32000000xf32, #tpu.memory_space<hbm>>
    tpu.wait_indirect_dma semaphore(%arg7 : memref<!tpu.dma_semaphore, #tpu.memory_space<semaphore_mem>>) src(%dma_wait3A_1682 : memref<32000000xf32, #tpu.memory_space<hbm>>) dst(%dma_wait3A_1677 : memref<128xf32, #tpu.memory_space<vmem>>)
    %dma_wait3A_1683 = arith.constant 6 : i32
    %dma_wait3A_1684 = arith.constant 1 : i32
    %dma_wait3A_1685 = arith.constant 6 : i32
    %dma_wait3A_1686 = arith.constant 128 : i32
    %dma_wait3A_1687 = tpu.memref_slice %arg6[%dma_wait3A_1685, %dma_wait3A_1686] : memref<16x1024xf32, #tpu.memory_space<vmem>> -> memref<1x128xf32, #tpu.memory_space<vmem>>
    %dma_wait3A_1688 = tpu.memref_squeeze %dma_wait3A_1687 : memref<1x128xf32, #tpu.memory_space<vmem>> -> memref<128xf32, #tpu.memory_space<vmem>>
    %dma_wait3A_1689 = arith.constant 0 : i32
    %dma_wait3A_1690 = tpu.memref_slice %arg5[%dma_wait3A_1683, %dma_wait3A_1684, %dma_wait3A_1689] : memref<16x8x128xi32, #tpu.memory_space<vmem>> -> memref<1x1x128xi32, #tpu.memory_space<vmem>>
    %dma_wait3A_1691 = tpu.memref_squeeze %dma_wait3A_1690 : memref<1x1x128xi32, #tpu.memory_space<vmem>> -> memref<128xi32, #tpu.memory_space<vmem>>
    %dma_wait3A_1692 = arith.constant 0 : i32
    %dma_wait3A_1693 = tpu.memref_slice %arg2[%dma_wait3A_1692] : memref<32000000xf32, #tpu.memory_space<hbm>> -> memref<32000000xf32, #tpu.memory_space<hbm>>
    tpu.wait_indirect_dma semaphore(%arg7 : memref<!tpu.dma_semaphore, #tpu.memory_space<semaphore_mem>>) src(%dma_wait3A_1693 : memref<32000000xf32, #tpu.memory_space<hbm>>) dst(%dma_wait3A_1688 : memref<128xf32, #tpu.memory_space<vmem>>)
    %dma_wait3A_1694 = arith.constant 7 : i32
    %dma_wait3A_1695 = arith.constant 1 : i32
    %dma_wait3A_1696 = arith.constant 7 : i32
    %dma_wait3A_1697 = arith.constant 128 : i32
    %dma_wait3A_1698 = tpu.memref_slice %arg6[%dma_wait3A_1696, %dma_wait3A_1697] : memref<16x1024xf32, #tpu.memory_space<vmem>> -> memref<1x128xf32, #tpu.memory_space<vmem>>
    %dma_wait3A_1699 = tpu.memref_squeeze %dma_wait3A_1698 : memref<1x128xf32, #tpu.memory_space<vmem>> -> memref<128xf32, #tpu.memory_space<vmem>>
    %dma_wait3A_1700 = arith.constant 0 : i32
    %dma_wait3A_1701 = tpu.memref_slice %arg5[%dma_wait3A_1694, %dma_wait3A_1695, %dma_wait3A_1700] : memref<16x8x128xi32, #tpu.memory_space<vmem>> -> memref<1x1x128xi32, #tpu.memory_space<vmem>>
    %dma_wait3A_1702 = tpu.memref_squeeze %dma_wait3A_1701 : memref<1x1x128xi32, #tpu.memory_space<vmem>> -> memref<128xi32, #tpu.memory_space<vmem>>
    %dma_wait3A_1703 = arith.constant 0 : i32
    %dma_wait3A_1704 = tpu.memref_slice %arg2[%dma_wait3A_1703] : memref<32000000xf32, #tpu.memory_space<hbm>> -> memref<32000000xf32, #tpu.memory_space<hbm>>
    tpu.wait_indirect_dma semaphore(%arg7 : memref<!tpu.dma_semaphore, #tpu.memory_space<semaphore_mem>>) src(%dma_wait3A_1704 : memref<32000000xf32, #tpu.memory_space<hbm>>) dst(%dma_wait3A_1699 : memref<128xf32, #tpu.memory_space<vmem>>)
    %dma_wait3A_1705 = arith.constant 8 : i32
    %dma_wait3A_1706 = arith.constant 1 : i32
    %dma_wait3A_1707 = arith.constant 8 : i32
    %dma_wait3A_1708 = arith.constant 128 : i32
    %dma_wait3A_1709 = tpu.memref_slice %arg6[%dma_wait3A_1707, %dma_wait3A_1708] : memref<16x1024xf32, #tpu.memory_space<vmem>> -> memref<1x128xf32, #tpu.memory_space<vmem>>
    %dma_wait3A_1710 = tpu.memref_squeeze %dma_wait3A_1709 : memref<1x128xf32, #tpu.memory_space<vmem>> -> memref<128xf32, #tpu.memory_space<vmem>>
    %dma_wait3A_1711 = arith.constant 0 : i32
    %dma_wait3A_1712 = tpu.memref_slice %arg5[%dma_wait3A_1705, %dma_wait3A_1706, %dma_wait3A_1711] : memref<16x8x128xi32, #tpu.memory_space<vmem>> -> memref<1x1x128xi32, #tpu.memory_space<vmem>>
    %dma_wait3A_1713 = tpu.memref_squeeze %dma_wait3A_1712 : memref<1x1x128xi32, #tpu.memory_space<vmem>> -> memref<128xi32, #tpu.memory_space<vmem>>
    %dma_wait3A_1714 = arith.constant 0 : i32
    %dma_wait3A_1715 = tpu.memref_slice %arg2[%dma_wait3A_1714] : memref<32000000xf32, #tpu.memory_space<hbm>> -> memref<32000000xf32, #tpu.memory_space<hbm>>
    tpu.wait_indirect_dma semaphore(%arg7 : memref<!tpu.dma_semaphore, #tpu.memory_space<semaphore_mem>>) src(%dma_wait3A_1715 : memref<32000000xf32, #tpu.memory_space<hbm>>) dst(%dma_wait3A_1710 : memref<128xf32, #tpu.memory_space<vmem>>)
    %dma_wait3A_1716 = arith.constant 9 : i32
    %dma_wait3A_1717 = arith.constant 1 : i32
    %dma_wait3A_1718 = arith.constant 9 : i32
    %dma_wait3A_1719 = arith.constant 128 : i32
    %dma_wait3A_1720 = tpu.memref_slice %arg6[%dma_wait3A_1718, %dma_wait3A_1719] : memref<16x1024xf32, #tpu.memory_space<vmem>> -> memref<1x128xf32, #tpu.memory_space<vmem>>
    %dma_wait3A_1721 = tpu.memref_squeeze %dma_wait3A_1720 : memref<1x128xf32, #tpu.memory_space<vmem>> -> memref<128xf32, #tpu.memory_space<vmem>>
    %dma_wait3A_1722 = arith.constant 0 : i32
    %dma_wait3A_1723 = tpu.memref_slice %arg5[%dma_wait3A_1716, %dma_wait3A_1717, %dma_wait3A_1722] : memref<16x8x128xi32, #tpu.memory_space<vmem>> -> memref<1x1x128xi32, #tpu.memory_space<vmem>>
    %dma_wait3A_1724 = tpu.memref_squeeze %dma_wait3A_1723 : memref<1x1x128xi32, #tpu.memory_space<vmem>> -> memref<128xi32, #tpu.memory_space<vmem>>
    %dma_wait3A_1725 = arith.constant 0 : i32
    %dma_wait3A_1726 = tpu.memref_slice %arg2[%dma_wait3A_1725] : memref<32000000xf32, #tpu.memory_space<hbm>> -> memref<32000000xf32, #tpu.memory_space<hbm>>
    tpu.wait_indirect_dma semaphore(%arg7 : memref<!tpu.dma_semaphore, #tpu.memory_space<semaphore_mem>>) src(%dma_wait3A_1726 : memref<32000000xf32, #tpu.memory_space<hbm>>) dst(%dma_wait3A_1721 : memref<128xf32, #tpu.memory_space<vmem>>)
    %dma_wait3A_1727 = arith.constant 10 : i32
    %dma_wait3A_1728 = arith.constant 1 : i32
    %dma_wait3A_1729 = arith.constant 10 : i32
    %dma_wait3A_1730 = arith.constant 128 : i32
    %dma_wait3A_1731 = tpu.memref_slice %arg6[%dma_wait3A_1729, %dma_wait3A_1730] : memref<16x1024xf32, #tpu.memory_space<vmem>> -> memref<1x128xf32, #tpu.memory_space<vmem>>
    %dma_wait3A_1732 = tpu.memref_squeeze %dma_wait3A_1731 : memref<1x128xf32, #tpu.memory_space<vmem>> -> memref<128xf32, #tpu.memory_space<vmem>>
    %dma_wait3A_1733 = arith.constant 0 : i32
    %dma_wait3A_1734 = tpu.memref_slice %arg5[%dma_wait3A_1727, %dma_wait3A_1728, %dma_wait3A_1733] : memref<16x8x128xi32, #tpu.memory_space<vmem>> -> memref<1x1x128xi32, #tpu.memory_space<vmem>>
    %dma_wait3A_1735 = tpu.memref_squeeze %dma_wait3A_1734 : memref<1x1x128xi32, #tpu.memory_space<vmem>> -> memref<128xi32, #tpu.memory_space<vmem>>
    %dma_wait3A_1736 = arith.constant 0 : i32
    %dma_wait3A_1737 = tpu.memref_slice %arg2[%dma_wait3A_1736] : memref<32000000xf32, #tpu.memory_space<hbm>> -> memref<32000000xf32, #tpu.memory_space<hbm>>
    tpu.wait_indirect_dma semaphore(%arg7 : memref<!tpu.dma_semaphore, #tpu.memory_space<semaphore_mem>>) src(%dma_wait3A_1737 : memref<32000000xf32, #tpu.memory_space<hbm>>) dst(%dma_wait3A_1732 : memref<128xf32, #tpu.memory_space<vmem>>)
    %dma_wait3A_1738 = arith.constant 11 : i32
    %dma_wait3A_1739 = arith.constant 1 : i32
    %dma_wait3A_1740 = arith.constant 11 : i32
    %dma_wait3A_1741 = arith.constant 128 : i32
    %dma_wait3A_1742 = tpu.memref_slice %arg6[%dma_wait3A_1740, %dma_wait3A_1741] : memref<16x1024xf32, #tpu.memory_space<vmem>> -> memref<1x128xf32, #tpu.memory_space<vmem>>
    %dma_wait3A_1743 = tpu.memref_squeeze %dma_wait3A_1742 : memref<1x128xf32, #tpu.memory_space<vmem>> -> memref<128xf32, #tpu.memory_space<vmem>>
    %dma_wait3A_1744 = arith.constant 0 : i32
    %dma_wait3A_1745 = tpu.memref_slice %arg5[%dma_wait3A_1738, %dma_wait3A_1739, %dma_wait3A_1744] : memref<16x8x128xi32, #tpu.memory_space<vmem>> -> memref<1x1x128xi32, #tpu.memory_space<vmem>>
    %dma_wait3A_1746 = tpu.memref_squeeze %dma_wait3A_1745 : memref<1x1x128xi32, #tpu.memory_space<vmem>> -> memref<128xi32, #tpu.memory_space<vmem>>
    %dma_wait3A_1747 = arith.constant 0 : i32
    %dma_wait3A_1748 = tpu.memref_slice %arg2[%dma_wait3A_1747] : memref<32000000xf32, #tpu.memory_space<hbm>> -> memref<32000000xf32, #tpu.memory_space<hbm>>
    tpu.wait_indirect_dma semaphore(%arg7 : memref<!tpu.dma_semaphore, #tpu.memory_space<semaphore_mem>>) src(%dma_wait3A_1748 : memref<32000000xf32, #tpu.memory_space<hbm>>) dst(%dma_wait3A_1743 : memref<128xf32, #tpu.memory_space<vmem>>)
    %dma_wait3A_1749 = arith.constant 12 : i32
    %dma_wait3A_1750 = arith.constant 1 : i32
    %dma_wait3A_1751 = arith.constant 12 : i32
    %dma_wait3A_1752 = arith.constant 128 : i32
    %dma_wait3A_1753 = tpu.memref_slice %arg6[%dma_wait3A_1751, %dma_wait3A_1752] : memref<16x1024xf32, #tpu.memory_space<vmem>> -> memref<1x128xf32, #tpu.memory_space<vmem>>
    %dma_wait3A_1754 = tpu.memref_squeeze %dma_wait3A_1753 : memref<1x128xf32, #tpu.memory_space<vmem>> -> memref<128xf32, #tpu.memory_space<vmem>>
    %dma_wait3A_1755 = arith.constant 0 : i32
    %dma_wait3A_1756 = tpu.memref_slice %arg5[%dma_wait3A_1749, %dma_wait3A_1750, %dma_wait3A_1755] : memref<16x8x128xi32, #tpu.memory_space<vmem>> -> memref<1x1x128xi32, #tpu.memory_space<vmem>>
    %dma_wait3A_1757 = tpu.memref_squeeze %dma_wait3A_1756 : memref<1x1x128xi32, #tpu.memory_space<vmem>> -> memref<128xi32, #tpu.memory_space<vmem>>
    %dma_wait3A_1758 = arith.constant 0 : i32
    %dma_wait3A_1759 = tpu.memref_slice %arg2[%dma_wait3A_1758] : memref<32000000xf32, #tpu.memory_space<hbm>> -> memref<32000000xf32, #tpu.memory_space<hbm>>
    tpu.wait_indirect_dma semaphore(%arg7 : memref<!tpu.dma_semaphore, #tpu.memory_space<semaphore_mem>>) src(%dma_wait3A_1759 : memref<32000000xf32, #tpu.memory_space<hbm>>) dst(%dma_wait3A_1754 : memref<128xf32, #tpu.memory_space<vmem>>)
    %dma_wait3A_1760 = arith.constant 13 : i32
    %dma_wait3A_1761 = arith.constant 1 : i32
    %dma_wait3A_1762 = arith.constant 13 : i32
    %dma_wait3A_1763 = arith.constant 128 : i32
    %dma_wait3A_1764 = tpu.memref_slice %arg6[%dma_wait3A_1762, %dma_wait3A_1763] : memref<16x1024xf32, #tpu.memory_space<vmem>> -> memref<1x128xf32, #tpu.memory_space<vmem>>
    %dma_wait3A_1765 = tpu.memref_squeeze %dma_wait3A_1764 : memref<1x128xf32, #tpu.memory_space<vmem>> -> memref<128xf32, #tpu.memory_space<vmem>>
    %dma_wait3A_1766 = arith.constant 0 : i32
    %dma_wait3A_1767 = tpu.memref_slice %arg5[%dma_wait3A_1760, %dma_wait3A_1761, %dma_wait3A_1766] : memref<16x8x128xi32, #tpu.memory_space<vmem>> -> memref<1x1x128xi32, #tpu.memory_space<vmem>>
    %dma_wait3A_1768 = tpu.memref_squeeze %dma_wait3A_1767 : memref<1x1x128xi32, #tpu.memory_space<vmem>> -> memref<128xi32, #tpu.memory_space<vmem>>
    %dma_wait3A_1769 = arith.constant 0 : i32
    %dma_wait3A_1770 = tpu.memref_slice %arg2[%dma_wait3A_1769] : memref<32000000xf32, #tpu.memory_space<hbm>> -> memref<32000000xf32, #tpu.memory_space<hbm>>
    tpu.wait_indirect_dma semaphore(%arg7 : memref<!tpu.dma_semaphore, #tpu.memory_space<semaphore_mem>>) src(%dma_wait3A_1770 : memref<32000000xf32, #tpu.memory_space<hbm>>) dst(%dma_wait3A_1765 : memref<128xf32, #tpu.memory_space<vmem>>)
    %dma_wait3A_1771 = arith.constant 14 : i32
    %dma_wait3A_1772 = arith.constant 1 : i32
    %dma_wait3A_1773 = arith.constant 14 : i32
    %dma_wait3A_1774 = arith.constant 128 : i32
    %dma_wait3A_1775 = tpu.memref_slice %arg6[%dma_wait3A_1773, %dma_wait3A_1774] : memref<16x1024xf32, #tpu.memory_space<vmem>> -> memref<1x128xf32, #tpu.memory_space<vmem>>
    %dma_wait3A_1776 = tpu.memref_squeeze %dma_wait3A_1775 : memref<1x128xf32, #tpu.memory_space<vmem>> -> memref<128xf32, #tpu.memory_space<vmem>>
    %dma_wait3A_1777 = arith.constant 0 : i32
    %dma_wait3A_1778 = tpu.memref_slice %arg5[%dma_wait3A_1771, %dma_wait3A_1772, %dma_wait3A_1777] : memref<16x8x128xi32, #tpu.memory_space<vmem>> -> memref<1x1x128xi32, #tpu.memory_space<vmem>>
    %dma_wait3A_1779 = tpu.memref_squeeze %dma_wait3A_1778 : memref<1x1x128xi32, #tpu.memory_space<vmem>> -> memref<128xi32, #tpu.memory_space<vmem>>
    %dma_wait3A_1780 = arith.constant 0 : i32
    %dma_wait3A_1781 = tpu.memref_slice %arg2[%dma_wait3A_1780] : memref<32000000xf32, #tpu.memory_space<hbm>> -> memref<32000000xf32, #tpu.memory_space<hbm>>
    tpu.wait_indirect_dma semaphore(%arg7 : memref<!tpu.dma_semaphore, #tpu.memory_space<semaphore_mem>>) src(%dma_wait3A_1781 : memref<32000000xf32, #tpu.memory_space<hbm>>) dst(%dma_wait3A_1776 : memref<128xf32, #tpu.memory_space<vmem>>)
    %dma_wait3A_1782 = arith.constant 15 : i32
    %dma_wait3A_1783 = arith.constant 1 : i32
    %dma_wait3A_1784 = arith.constant 15 : i32
    %dma_wait3A_1785 = arith.constant 128 : i32
    %dma_wait3A_1786 = tpu.memref_slice %arg6[%dma_wait3A_1784, %dma_wait3A_1785] : memref<16x1024xf32, #tpu.memory_space<vmem>> -> memref<1x128xf32, #tpu.memory_space<vmem>>
    %dma_wait3A_1787 = tpu.memref_squeeze %dma_wait3A_1786 : memref<1x128xf32, #tpu.memory_space<vmem>> -> memref<128xf32, #tpu.memory_space<vmem>>
    %dma_wait3A_1788 = arith.constant 0 : i32
    %dma_wait3A_1789 = tpu.memref_slice %arg5[%dma_wait3A_1782, %dma_wait3A_1783, %dma_wait3A_1788] : memref<16x8x128xi32, #tpu.memory_space<vmem>> -> memref<1x1x128xi32, #tpu.memory_space<vmem>>
    %dma_wait3A_1790 = tpu.memref_squeeze %dma_wait3A_1789 : memref<1x1x128xi32, #tpu.memory_space<vmem>> -> memref<128xi32, #tpu.memory_space<vmem>>
    %dma_wait3A_1791 = arith.constant 0 : i32
    %dma_wait3A_1792 = tpu.memref_slice %arg2[%dma_wait3A_1791] : memref<32000000xf32, #tpu.memory_space<hbm>> -> memref<32000000xf32, #tpu.memory_space<hbm>>
    tpu.wait_indirect_dma semaphore(%arg7 : memref<!tpu.dma_semaphore, #tpu.memory_space<semaphore_mem>>) src(%dma_wait3A_1792 : memref<32000000xf32, #tpu.memory_space<hbm>>) dst(%dma_wait3A_1787 : memref<128xf32, #tpu.memory_space<vmem>>)
    %dma_wait3A_1793 = arith.constant 0 : i32
    %dma_wait3A_1794 = arith.constant 2 : i32
    %dma_wait3A_1795 = arith.constant 0 : i32
    %dma_wait3A_1796 = arith.constant 256 : i32
    %dma_wait3A_1797 = tpu.memref_slice %arg6[%dma_wait3A_1795, %dma_wait3A_1796] : memref<16x1024xf32, #tpu.memory_space<vmem>> -> memref<1x128xf32, #tpu.memory_space<vmem>>
    %dma_wait3A_1798 = tpu.memref_squeeze %dma_wait3A_1797 : memref<1x128xf32, #tpu.memory_space<vmem>> -> memref<128xf32, #tpu.memory_space<vmem>>
    %dma_wait3A_1799 = arith.constant 0 : i32
    %dma_wait3A_1800 = tpu.memref_slice %arg5[%dma_wait3A_1793, %dma_wait3A_1794, %dma_wait3A_1799] : memref<16x8x128xi32, #tpu.memory_space<vmem>> -> memref<1x1x128xi32, #tpu.memory_space<vmem>>
    %dma_wait3A_1801 = tpu.memref_squeeze %dma_wait3A_1800 : memref<1x1x128xi32, #tpu.memory_space<vmem>> -> memref<128xi32, #tpu.memory_space<vmem>>
    %dma_wait3A_1802 = arith.constant 0 : i32
    %dma_wait3A_1803 = tpu.memref_slice %arg2[%dma_wait3A_1802] : memref<32000000xf32, #tpu.memory_space<hbm>> -> memref<32000000xf32, #tpu.memory_space<hbm>>
    tpu.wait_indirect_dma semaphore(%arg7 : memref<!tpu.dma_semaphore, #tpu.memory_space<semaphore_mem>>) src(%dma_wait3A_1803 : memref<32000000xf32, #tpu.memory_space<hbm>>) dst(%dma_wait3A_1798 : memref<128xf32, #tpu.memory_space<vmem>>)
    %dma_wait3A_1804 = arith.constant 1 : i32
    %dma_wait3A_1805 = arith.constant 2 : i32
    %dma_wait3A_1806 = arith.constant 1 : i32
    %dma_wait3A_1807 = arith.constant 256 : i32
    %dma_wait3A_1808 = tpu.memref_slice %arg6[%dma_wait3A_1806, %dma_wait3A_1807] : memref<16x1024xf32, #tpu.memory_space<vmem>> -> memref<1x128xf32, #tpu.memory_space<vmem>>
    %dma_wait3A_1809 = tpu.memref_squeeze %dma_wait3A_1808 : memref<1x128xf32, #tpu.memory_space<vmem>> -> memref<128xf32, #tpu.memory_space<vmem>>
    %dma_wait3A_1810 = arith.constant 0 : i32
    %dma_wait3A_1811 = tpu.memref_slice %arg5[%dma_wait3A_1804, %dma_wait3A_1805, %dma_wait3A_1810] : memref<16x8x128xi32, #tpu.memory_space<vmem>> -> memref<1x1x128xi32, #tpu.memory_space<vmem>>
    %dma_wait3A_1812 = tpu.memref_squeeze %dma_wait3A_1811 : memref<1x1x128xi32, #tpu.memory_space<vmem>> -> memref<128xi32, #tpu.memory_space<vmem>>
    %dma_wait3A_1813 = arith.constant 0 : i32
    %dma_wait3A_1814 = tpu.memref_slice %arg2[%dma_wait3A_1813] : memref<32000000xf32, #tpu.memory_space<hbm>> -> memref<32000000xf32, #tpu.memory_space<hbm>>
    tpu.wait_indirect_dma semaphore(%arg7 : memref<!tpu.dma_semaphore, #tpu.memory_space<semaphore_mem>>) src(%dma_wait3A_1814 : memref<32000000xf32, #tpu.memory_space<hbm>>) dst(%dma_wait3A_1809 : memref<128xf32, #tpu.memory_space<vmem>>)
    %dma_wait3A_1815 = arith.constant 2 : i32
    %dma_wait3A_1816 = arith.constant 2 : i32
    %dma_wait3A_1817 = arith.constant 2 : i32
    %dma_wait3A_1818 = arith.constant 256 : i32
    %dma_wait3A_1819 = tpu.memref_slice %arg6[%dma_wait3A_1817, %dma_wait3A_1818] : memref<16x1024xf32, #tpu.memory_space<vmem>> -> memref<1x128xf32, #tpu.memory_space<vmem>>
    %dma_wait3A_1820 = tpu.memref_squeeze %dma_wait3A_1819 : memref<1x128xf32, #tpu.memory_space<vmem>> -> memref<128xf32, #tpu.memory_space<vmem>>
    %dma_wait3A_1821 = arith.constant 0 : i32
    %dma_wait3A_1822 = tpu.memref_slice %arg5[%dma_wait3A_1815, %dma_wait3A_1816, %dma_wait3A_1821] : memref<16x8x128xi32, #tpu.memory_space<vmem>> -> memref<1x1x128xi32, #tpu.memory_space<vmem>>
    %dma_wait3A_1823 = tpu.memref_squeeze %dma_wait3A_1822 : memref<1x1x128xi32, #tpu.memory_space<vmem>> -> memref<128xi32, #tpu.memory_space<vmem>>
    %dma_wait3A_1824 = arith.constant 0 : i32
    %dma_wait3A_1825 = tpu.memref_slice %arg2[%dma_wait3A_1824] : memref<32000000xf32, #tpu.memory_space<hbm>> -> memref<32000000xf32, #tpu.memory_space<hbm>>
    tpu.wait_indirect_dma semaphore(%arg7 : memref<!tpu.dma_semaphore, #tpu.memory_space<semaphore_mem>>) src(%dma_wait3A_1825 : memref<32000000xf32, #tpu.memory_space<hbm>>) dst(%dma_wait3A_1820 : memref<128xf32, #tpu.memory_space<vmem>>)
    %dma_wait3A_1826 = arith.constant 3 : i32
    %dma_wait3A_1827 = arith.constant 2 : i32
    %dma_wait3A_1828 = arith.constant 3 : i32
    %dma_wait3A_1829 = arith.constant 256 : i32
    %dma_wait3A_1830 = tpu.memref_slice %arg6[%dma_wait3A_1828, %dma_wait3A_1829] : memref<16x1024xf32, #tpu.memory_space<vmem>> -> memref<1x128xf32, #tpu.memory_space<vmem>>
    %dma_wait3A_1831 = tpu.memref_squeeze %dma_wait3A_1830 : memref<1x128xf32, #tpu.memory_space<vmem>> -> memref<128xf32, #tpu.memory_space<vmem>>
    %dma_wait3A_1832 = arith.constant 0 : i32
    %dma_wait3A_1833 = tpu.memref_slice %arg5[%dma_wait3A_1826, %dma_wait3A_1827, %dma_wait3A_1832] : memref<16x8x128xi32, #tpu.memory_space<vmem>> -> memref<1x1x128xi32, #tpu.memory_space<vmem>>
    %dma_wait3A_1834 = tpu.memref_squeeze %dma_wait3A_1833 : memref<1x1x128xi32, #tpu.memory_space<vmem>> -> memref<128xi32, #tpu.memory_space<vmem>>
    %dma_wait3A_1835 = arith.constant 0 : i32
    %dma_wait3A_1836 = tpu.memref_slice %arg2[%dma_wait3A_1835] : memref<32000000xf32, #tpu.memory_space<hbm>> -> memref<32000000xf32, #tpu.memory_space<hbm>>
    tpu.wait_indirect_dma semaphore(%arg7 : memref<!tpu.dma_semaphore, #tpu.memory_space<semaphore_mem>>) src(%dma_wait3A_1836 : memref<32000000xf32, #tpu.memory_space<hbm>>) dst(%dma_wait3A_1831 : memref<128xf32, #tpu.memory_space<vmem>>)
    %dma_wait3A_1837 = arith.constant 4 : i32
    %dma_wait3A_1838 = arith.constant 2 : i32
    %dma_wait3A_1839 = arith.constant 4 : i32
    %dma_wait3A_1840 = arith.constant 256 : i32
    %dma_wait3A_1841 = tpu.memref_slice %arg6[%dma_wait3A_1839, %dma_wait3A_1840] : memref<16x1024xf32, #tpu.memory_space<vmem>> -> memref<1x128xf32, #tpu.memory_space<vmem>>
    %dma_wait3A_1842 = tpu.memref_squeeze %dma_wait3A_1841 : memref<1x128xf32, #tpu.memory_space<vmem>> -> memref<128xf32, #tpu.memory_space<vmem>>
    %dma_wait3A_1843 = arith.constant 0 : i32
    %dma_wait3A_1844 = tpu.memref_slice %arg5[%dma_wait3A_1837, %dma_wait3A_1838, %dma_wait3A_1843] : memref<16x8x128xi32, #tpu.memory_space<vmem>> -> memref<1x1x128xi32, #tpu.memory_space<vmem>>
    %dma_wait3A_1845 = tpu.memref_squeeze %dma_wait3A_1844 : memref<1x1x128xi32, #tpu.memory_space<vmem>> -> memref<128xi32, #tpu.memory_space<vmem>>
    %dma_wait3A_1846 = arith.constant 0 : i32
    %dma_wait3A_1847 = tpu.memref_slice %arg2[%dma_wait3A_1846] : memref<32000000xf32, #tpu.memory_space<hbm>> -> memref<32000000xf32, #tpu.memory_space<hbm>>
    tpu.wait_indirect_dma semaphore(%arg7 : memref<!tpu.dma_semaphore, #tpu.memory_space<semaphore_mem>>) src(%dma_wait3A_1847 : memref<32000000xf32, #tpu.memory_space<hbm>>) dst(%dma_wait3A_1842 : memref<128xf32, #tpu.memory_space<vmem>>)
    %dma_wait3A_1848 = arith.constant 5 : i32
    %dma_wait3A_1849 = arith.constant 2 : i32
    %dma_wait3A_1850 = arith.constant 5 : i32
    %dma_wait3A_1851 = arith.constant 256 : i32
    %dma_wait3A_1852 = tpu.memref_slice %arg6[%dma_wait3A_1850, %dma_wait3A_1851] : memref<16x1024xf32, #tpu.memory_space<vmem>> -> memref<1x128xf32, #tpu.memory_space<vmem>>
    %dma_wait3A_1853 = tpu.memref_squeeze %dma_wait3A_1852 : memref<1x128xf32, #tpu.memory_space<vmem>> -> memref<128xf32, #tpu.memory_space<vmem>>
    %dma_wait3A_1854 = arith.constant 0 : i32
    %dma_wait3A_1855 = tpu.memref_slice %arg5[%dma_wait3A_1848, %dma_wait3A_1849, %dma_wait3A_1854] : memref<16x8x128xi32, #tpu.memory_space<vmem>> -> memref<1x1x128xi32, #tpu.memory_space<vmem>>
    %dma_wait3A_1856 = tpu.memref_squeeze %dma_wait3A_1855 : memref<1x1x128xi32, #tpu.memory_space<vmem>> -> memref<128xi32, #tpu.memory_space<vmem>>
    %dma_wait3A_1857 = arith.constant 0 : i32
    %dma_wait3A_1858 = tpu.memref_slice %arg2[%dma_wait3A_1857] : memref<32000000xf32, #tpu.memory_space<hbm>> -> memref<32000000xf32, #tpu.memory_space<hbm>>
    tpu.wait_indirect_dma semaphore(%arg7 : memref<!tpu.dma_semaphore, #tpu.memory_space<semaphore_mem>>) src(%dma_wait3A_1858 : memref<32000000xf32, #tpu.memory_space<hbm>>) dst(%dma_wait3A_1853 : memref<128xf32, #tpu.memory_space<vmem>>)
    %dma_wait3A_1859 = arith.constant 6 : i32
    %dma_wait3A_1860 = arith.constant 2 : i32
    %dma_wait3A_1861 = arith.constant 6 : i32
    %dma_wait3A_1862 = arith.constant 256 : i32
    %dma_wait3A_1863 = tpu.memref_slice %arg6[%dma_wait3A_1861, %dma_wait3A_1862] : memref<16x1024xf32, #tpu.memory_space<vmem>> -> memref<1x128xf32, #tpu.memory_space<vmem>>
    %dma_wait3A_1864 = tpu.memref_squeeze %dma_wait3A_1863 : memref<1x128xf32, #tpu.memory_space<vmem>> -> memref<128xf32, #tpu.memory_space<vmem>>
    %dma_wait3A_1865 = arith.constant 0 : i32
    %dma_wait3A_1866 = tpu.memref_slice %arg5[%dma_wait3A_1859, %dma_wait3A_1860, %dma_wait3A_1865] : memref<16x8x128xi32, #tpu.memory_space<vmem>> -> memref<1x1x128xi32, #tpu.memory_space<vmem>>
    %dma_wait3A_1867 = tpu.memref_squeeze %dma_wait3A_1866 : memref<1x1x128xi32, #tpu.memory_space<vmem>> -> memref<128xi32, #tpu.memory_space<vmem>>
    %dma_wait3A_1868 = arith.constant 0 : i32
    %dma_wait3A_1869 = tpu.memref_slice %arg2[%dma_wait3A_1868] : memref<32000000xf32, #tpu.memory_space<hbm>> -> memref<32000000xf32, #tpu.memory_space<hbm>>
    tpu.wait_indirect_dma semaphore(%arg7 : memref<!tpu.dma_semaphore, #tpu.memory_space<semaphore_mem>>) src(%dma_wait3A_1869 : memref<32000000xf32, #tpu.memory_space<hbm>>) dst(%dma_wait3A_1864 : memref<128xf32, #tpu.memory_space<vmem>>)
    %dma_wait3A_1870 = arith.constant 7 : i32
    %dma_wait3A_1871 = arith.constant 2 : i32
    %dma_wait3A_1872 = arith.constant 7 : i32
    %dma_wait3A_1873 = arith.constant 256 : i32
    %dma_wait3A_1874 = tpu.memref_slice %arg6[%dma_wait3A_1872, %dma_wait3A_1873] : memref<16x1024xf32, #tpu.memory_space<vmem>> -> memref<1x128xf32, #tpu.memory_space<vmem>>
    %dma_wait3A_1875 = tpu.memref_squeeze %dma_wait3A_1874 : memref<1x128xf32, #tpu.memory_space<vmem>> -> memref<128xf32, #tpu.memory_space<vmem>>
    %dma_wait3A_1876 = arith.constant 0 : i32
    %dma_wait3A_1877 = tpu.memref_slice %arg5[%dma_wait3A_1870, %dma_wait3A_1871, %dma_wait3A_1876] : memref<16x8x128xi32, #tpu.memory_space<vmem>> -> memref<1x1x128xi32, #tpu.memory_space<vmem>>
    %dma_wait3A_1878 = tpu.memref_squeeze %dma_wait3A_1877 : memref<1x1x128xi32, #tpu.memory_space<vmem>> -> memref<128xi32, #tpu.memory_space<vmem>>
    %dma_wait3A_1879 = arith.constant 0 : i32
    %dma_wait3A_1880 = tpu.memref_slice %arg2[%dma_wait3A_1879] : memref<32000000xf32, #tpu.memory_space<hbm>> -> memref<32000000xf32, #tpu.memory_space<hbm>>
    tpu.wait_indirect_dma semaphore(%arg7 : memref<!tpu.dma_semaphore, #tpu.memory_space<semaphore_mem>>) src(%dma_wait3A_1880 : memref<32000000xf32, #tpu.memory_space<hbm>>) dst(%dma_wait3A_1875 : memref<128xf32, #tpu.memory_space<vmem>>)
    %dma_wait3A_1881 = arith.constant 8 : i32
    %dma_wait3A_1882 = arith.constant 2 : i32
    %dma_wait3A_1883 = arith.constant 8 : i32
    %dma_wait3A_1884 = arith.constant 256 : i32
    %dma_wait3A_1885 = tpu.memref_slice %arg6[%dma_wait3A_1883, %dma_wait3A_1884] : memref<16x1024xf32, #tpu.memory_space<vmem>> -> memref<1x128xf32, #tpu.memory_space<vmem>>
    %dma_wait3A_1886 = tpu.memref_squeeze %dma_wait3A_1885 : memref<1x128xf32, #tpu.memory_space<vmem>> -> memref<128xf32, #tpu.memory_space<vmem>>
    %dma_wait3A_1887 = arith.constant 0 : i32
    %dma_wait3A_1888 = tpu.memref_slice %arg5[%dma_wait3A_1881, %dma_wait3A_1882, %dma_wait3A_1887] : memref<16x8x128xi32, #tpu.memory_space<vmem>> -> memref<1x1x128xi32, #tpu.memory_space<vmem>>
    %dma_wait3A_1889 = tpu.memref_squeeze %dma_wait3A_1888 : memref<1x1x128xi32, #tpu.memory_space<vmem>> -> memref<128xi32, #tpu.memory_space<vmem>>
    %dma_wait3A_1890 = arith.constant 0 : i32
    %dma_wait3A_1891 = tpu.memref_slice %arg2[%dma_wait3A_1890] : memref<32000000xf32, #tpu.memory_space<hbm>> -> memref<32000000xf32, #tpu.memory_space<hbm>>
    tpu.wait_indirect_dma semaphore(%arg7 : memref<!tpu.dma_semaphore, #tpu.memory_space<semaphore_mem>>) src(%dma_wait3A_1891 : memref<32000000xf32, #tpu.memory_space<hbm>>) dst(%dma_wait3A_1886 : memref<128xf32, #tpu.memory_space<vmem>>)
    %dma_wait3A_1892 = arith.constant 9 : i32
    %dma_wait3A_1893 = arith.constant 2 : i32
    %dma_wait3A_1894 = arith.constant 9 : i32
    %dma_wait3A_1895 = arith.constant 256 : i32
    %dma_wait3A_1896 = tpu.memref_slice %arg6[%dma_wait3A_1894, %dma_wait3A_1895] : memref<16x1024xf32, #tpu.memory_space<vmem>> -> memref<1x128xf32, #tpu.memory_space<vmem>>
    %dma_wait3A_1897 = tpu.memref_squeeze %dma_wait3A_1896 : memref<1x128xf32, #tpu.memory_space<vmem>> -> memref<128xf32, #tpu.memory_space<vmem>>
    %dma_wait3A_1898 = arith.constant 0 : i32
    %dma_wait3A_1899 = tpu.memref_slice %arg5[%dma_wait3A_1892, %dma_wait3A_1893, %dma_wait3A_1898] : memref<16x8x128xi32, #tpu.memory_space<vmem>> -> memref<1x1x128xi32, #tpu.memory_space<vmem>>
    %dma_wait3A_1900 = tpu.memref_squeeze %dma_wait3A_1899 : memref<1x1x128xi32, #tpu.memory_space<vmem>> -> memref<128xi32, #tpu.memory_space<vmem>>
    %dma_wait3A_1901 = arith.constant 0 : i32
    %dma_wait3A_1902 = tpu.memref_slice %arg2[%dma_wait3A_1901] : memref<32000000xf32, #tpu.memory_space<hbm>> -> memref<32000000xf32, #tpu.memory_space<hbm>>
    tpu.wait_indirect_dma semaphore(%arg7 : memref<!tpu.dma_semaphore, #tpu.memory_space<semaphore_mem>>) src(%dma_wait3A_1902 : memref<32000000xf32, #tpu.memory_space<hbm>>) dst(%dma_wait3A_1897 : memref<128xf32, #tpu.memory_space<vmem>>)
    %dma_wait3A_1903 = arith.constant 10 : i32
    %dma_wait3A_1904 = arith.constant 2 : i32
    %dma_wait3A_1905 = arith.constant 10 : i32
    %dma_wait3A_1906 = arith.constant 256 : i32
    %dma_wait3A_1907 = tpu.memref_slice %arg6[%dma_wait3A_1905, %dma_wait3A_1906] : memref<16x1024xf32, #tpu.memory_space<vmem>> -> memref<1x128xf32, #tpu.memory_space<vmem>>
    %dma_wait3A_1908 = tpu.memref_squeeze %dma_wait3A_1907 : memref<1x128xf32, #tpu.memory_space<vmem>> -> memref<128xf32, #tpu.memory_space<vmem>>
    %dma_wait3A_1909 = arith.constant 0 : i32
    %dma_wait3A_1910 = tpu.memref_slice %arg5[%dma_wait3A_1903, %dma_wait3A_1904, %dma_wait3A_1909] : memref<16x8x128xi32, #tpu.memory_space<vmem>> -> memref<1x1x128xi32, #tpu.memory_space<vmem>>
    %dma_wait3A_1911 = tpu.memref_squeeze %dma_wait3A_1910 : memref<1x1x128xi32, #tpu.memory_space<vmem>> -> memref<128xi32, #tpu.memory_space<vmem>>
    %dma_wait3A_1912 = arith.constant 0 : i32
    %dma_wait3A_1913 = tpu.memref_slice %arg2[%dma_wait3A_1912] : memref<32000000xf32, #tpu.memory_space<hbm>> -> memref<32000000xf32, #tpu.memory_space<hbm>>
    tpu.wait_indirect_dma semaphore(%arg7 : memref<!tpu.dma_semaphore, #tpu.memory_space<semaphore_mem>>) src(%dma_wait3A_1913 : memref<32000000xf32, #tpu.memory_space<hbm>>) dst(%dma_wait3A_1908 : memref<128xf32, #tpu.memory_space<vmem>>)
    %dma_wait3A_1914 = arith.constant 11 : i32
    %dma_wait3A_1915 = arith.constant 2 : i32
    %dma_wait3A_1916 = arith.constant 11 : i32
    %dma_wait3A_1917 = arith.constant 256 : i32
    %dma_wait3A_1918 = tpu.memref_slice %arg6[%dma_wait3A_1916, %dma_wait3A_1917] : memref<16x1024xf32, #tpu.memory_space<vmem>> -> memref<1x128xf32, #tpu.memory_space<vmem>>
    %dma_wait3A_1919 = tpu.memref_squeeze %dma_wait3A_1918 : memref<1x128xf32, #tpu.memory_space<vmem>> -> memref<128xf32, #tpu.memory_space<vmem>>
    %dma_wait3A_1920 = arith.constant 0 : i32
    %dma_wait3A_1921 = tpu.memref_slice %arg5[%dma_wait3A_1914, %dma_wait3A_1915, %dma_wait3A_1920] : memref<16x8x128xi32, #tpu.memory_space<vmem>> -> memref<1x1x128xi32, #tpu.memory_space<vmem>>
    %dma_wait3A_1922 = tpu.memref_squeeze %dma_wait3A_1921 : memref<1x1x128xi32, #tpu.memory_space<vmem>> -> memref<128xi32, #tpu.memory_space<vmem>>
    %dma_wait3A_1923 = arith.constant 0 : i32
    %dma_wait3A_1924 = tpu.memref_slice %arg2[%dma_wait3A_1923] : memref<32000000xf32, #tpu.memory_space<hbm>> -> memref<32000000xf32, #tpu.memory_space<hbm>>
    tpu.wait_indirect_dma semaphore(%arg7 : memref<!tpu.dma_semaphore, #tpu.memory_space<semaphore_mem>>) src(%dma_wait3A_1924 : memref<32000000xf32, #tpu.memory_space<hbm>>) dst(%dma_wait3A_1919 : memref<128xf32, #tpu.memory_space<vmem>>)
    %dma_wait3A_1925 = arith.constant 12 : i32
    %dma_wait3A_1926 = arith.constant 2 : i32
    %dma_wait3A_1927 = arith.constant 12 : i32
    %dma_wait3A_1928 = arith.constant 256 : i32
    %dma_wait3A_1929 = tpu.memref_slice %arg6[%dma_wait3A_1927, %dma_wait3A_1928] : memref<16x1024xf32, #tpu.memory_space<vmem>> -> memref<1x128xf32, #tpu.memory_space<vmem>>
    %dma_wait3A_1930 = tpu.memref_squeeze %dma_wait3A_1929 : memref<1x128xf32, #tpu.memory_space<vmem>> -> memref<128xf32, #tpu.memory_space<vmem>>
    %dma_wait3A_1931 = arith.constant 0 : i32
    %dma_wait3A_1932 = tpu.memref_slice %arg5[%dma_wait3A_1925, %dma_wait3A_1926, %dma_wait3A_1931] : memref<16x8x128xi32, #tpu.memory_space<vmem>> -> memref<1x1x128xi32, #tpu.memory_space<vmem>>
    %dma_wait3A_1933 = tpu.memref_squeeze %dma_wait3A_1932 : memref<1x1x128xi32, #tpu.memory_space<vmem>> -> memref<128xi32, #tpu.memory_space<vmem>>
    %dma_wait3A_1934 = arith.constant 0 : i32
    %dma_wait3A_1935 = tpu.memref_slice %arg2[%dma_wait3A_1934] : memref<32000000xf32, #tpu.memory_space<hbm>> -> memref<32000000xf32, #tpu.memory_space<hbm>>
    tpu.wait_indirect_dma semaphore(%arg7 : memref<!tpu.dma_semaphore, #tpu.memory_space<semaphore_mem>>) src(%dma_wait3A_1935 : memref<32000000xf32, #tpu.memory_space<hbm>>) dst(%dma_wait3A_1930 : memref<128xf32, #tpu.memory_space<vmem>>)
    %dma_wait3A_1936 = arith.constant 13 : i32
    %dma_wait3A_1937 = arith.constant 2 : i32
    %dma_wait3A_1938 = arith.constant 13 : i32
    %dma_wait3A_1939 = arith.constant 256 : i32
    %dma_wait3A_1940 = tpu.memref_slice %arg6[%dma_wait3A_1938, %dma_wait3A_1939] : memref<16x1024xf32, #tpu.memory_space<vmem>> -> memref<1x128xf32, #tpu.memory_space<vmem>>
    %dma_wait3A_1941 = tpu.memref_squeeze %dma_wait3A_1940 : memref<1x128xf32, #tpu.memory_space<vmem>> -> memref<128xf32, #tpu.memory_space<vmem>>
    %dma_wait3A_1942 = arith.constant 0 : i32
    %dma_wait3A_1943 = tpu.memref_slice %arg5[%dma_wait3A_1936, %dma_wait3A_1937, %dma_wait3A_1942] : memref<16x8x128xi32, #tpu.memory_space<vmem>> -> memref<1x1x128xi32, #tpu.memory_space<vmem>>
    %dma_wait3A_1944 = tpu.memref_squeeze %dma_wait3A_1943 : memref<1x1x128xi32, #tpu.memory_space<vmem>> -> memref<128xi32, #tpu.memory_space<vmem>>
    %dma_wait3A_1945 = arith.constant 0 : i32
    %dma_wait3A_1946 = tpu.memref_slice %arg2[%dma_wait3A_1945] : memref<32000000xf32, #tpu.memory_space<hbm>> -> memref<32000000xf32, #tpu.memory_space<hbm>>
    tpu.wait_indirect_dma semaphore(%arg7 : memref<!tpu.dma_semaphore, #tpu.memory_space<semaphore_mem>>) src(%dma_wait3A_1946 : memref<32000000xf32, #tpu.memory_space<hbm>>) dst(%dma_wait3A_1941 : memref<128xf32, #tpu.memory_space<vmem>>)
    %dma_wait3A_1947 = arith.constant 14 : i32
    %dma_wait3A_1948 = arith.constant 2 : i32
    %dma_wait3A_1949 = arith.constant 14 : i32
    %dma_wait3A_1950 = arith.constant 256 : i32
    %dma_wait3A_1951 = tpu.memref_slice %arg6[%dma_wait3A_1949, %dma_wait3A_1950] : memref<16x1024xf32, #tpu.memory_space<vmem>> -> memref<1x128xf32, #tpu.memory_space<vmem>>
    %dma_wait3A_1952 = tpu.memref_squeeze %dma_wait3A_1951 : memref<1x128xf32, #tpu.memory_space<vmem>> -> memref<128xf32, #tpu.memory_space<vmem>>
    %dma_wait3A_1953 = arith.constant 0 : i32
    %dma_wait3A_1954 = tpu.memref_slice %arg5[%dma_wait3A_1947, %dma_wait3A_1948, %dma_wait3A_1953] : memref<16x8x128xi32, #tpu.memory_space<vmem>> -> memref<1x1x128xi32, #tpu.memory_space<vmem>>
    %dma_wait3A_1955 = tpu.memref_squeeze %dma_wait3A_1954 : memref<1x1x128xi32, #tpu.memory_space<vmem>> -> memref<128xi32, #tpu.memory_space<vmem>>
    %dma_wait3A_1956 = arith.constant 0 : i32
    %dma_wait3A_1957 = tpu.memref_slice %arg2[%dma_wait3A_1956] : memref<32000000xf32, #tpu.memory_space<hbm>> -> memref<32000000xf32, #tpu.memory_space<hbm>>
    tpu.wait_indirect_dma semaphore(%arg7 : memref<!tpu.dma_semaphore, #tpu.memory_space<semaphore_mem>>) src(%dma_wait3A_1957 : memref<32000000xf32, #tpu.memory_space<hbm>>) dst(%dma_wait3A_1952 : memref<128xf32, #tpu.memory_space<vmem>>)
    %dma_wait3A_1958 = arith.constant 15 : i32
    %dma_wait3A_1959 = arith.constant 2 : i32
    %dma_wait3A_1960 = arith.constant 15 : i32
    %dma_wait3A_1961 = arith.constant 256 : i32
    %dma_wait3A_1962 = tpu.memref_slice %arg6[%dma_wait3A_1960, %dma_wait3A_1961] : memref<16x1024xf32, #tpu.memory_space<vmem>> -> memref<1x128xf32, #tpu.memory_space<vmem>>
    %dma_wait3A_1963 = tpu.memref_squeeze %dma_wait3A_1962 : memref<1x128xf32, #tpu.memory_space<vmem>> -> memref<128xf32, #tpu.memory_space<vmem>>
    %dma_wait3A_1964 = arith.constant 0 : i32
    %dma_wait3A_1965 = tpu.memref_slice %arg5[%dma_wait3A_1958, %dma_wait3A_1959, %dma_wait3A_1964] : memref<16x8x128xi32, #tpu.memory_space<vmem>> -> memref<1x1x128xi32, #tpu.memory_space<vmem>>
    %dma_wait3A_1966 = tpu.memref_squeeze %dma_wait3A_1965 : memref<1x1x128xi32, #tpu.memory_space<vmem>> -> memref<128xi32, #tpu.memory_space<vmem>>
    %dma_wait3A_1967 = arith.constant 0 : i32
    %dma_wait3A_1968 = tpu.memref_slice %arg2[%dma_wait3A_1967] : memref<32000000xf32, #tpu.memory_space<hbm>> -> memref<32000000xf32, #tpu.memory_space<hbm>>
    tpu.wait_indirect_dma semaphore(%arg7 : memref<!tpu.dma_semaphore, #tpu.memory_space<semaphore_mem>>) src(%dma_wait3A_1968 : memref<32000000xf32, #tpu.memory_space<hbm>>) dst(%dma_wait3A_1963 : memref<128xf32, #tpu.memory_space<vmem>>)
    %dma_wait3A_1969 = arith.constant 0 : i32
    %dma_wait3A_1970 = arith.constant 3 : i32
    %dma_wait3A_1971 = arith.constant 0 : i32
    %dma_wait3A_1972 = arith.constant 384 : i32
    %dma_wait3A_1973 = tpu.memref_slice %arg6[%dma_wait3A_1971, %dma_wait3A_1972] : memref<16x1024xf32, #tpu.memory_space<vmem>> -> memref<1x128xf32, #tpu.memory_space<vmem>>
    %dma_wait3A_1974 = tpu.memref_squeeze %dma_wait3A_1973 : memref<1x128xf32, #tpu.memory_space<vmem>> -> memref<128xf32, #tpu.memory_space<vmem>>
    %dma_wait3A_1975 = arith.constant 0 : i32
    %dma_wait3A_1976 = tpu.memref_slice %arg5[%dma_wait3A_1969, %dma_wait3A_1970, %dma_wait3A_1975] : memref<16x8x128xi32, #tpu.memory_space<vmem>> -> memref<1x1x128xi32, #tpu.memory_space<vmem>>
    %dma_wait3A_1977 = tpu.memref_squeeze %dma_wait3A_1976 : memref<1x1x128xi32, #tpu.memory_space<vmem>> -> memref<128xi32, #tpu.memory_space<vmem>>
    %dma_wait3A_1978 = arith.constant 0 : i32
    %dma_wait3A_1979 = tpu.memref_slice %arg2[%dma_wait3A_1978] : memref<32000000xf32, #tpu.memory_space<hbm>> -> memref<32000000xf32, #tpu.memory_space<hbm>>
    tpu.wait_indirect_dma semaphore(%arg7 : memref<!tpu.dma_semaphore, #tpu.memory_space<semaphore_mem>>) src(%dma_wait3A_1979 : memref<32000000xf32, #tpu.memory_space<hbm>>) dst(%dma_wait3A_1974 : memref<128xf32, #tpu.memory_space<vmem>>)
    %dma_wait3A_1980 = arith.constant 1 : i32
    %dma_wait3A_1981 = arith.constant 3 : i32
    %dma_wait3A_1982 = arith.constant 1 : i32
    %dma_wait3A_1983 = arith.constant 384 : i32
    %dma_wait3A_1984 = tpu.memref_slice %arg6[%dma_wait3A_1982, %dma_wait3A_1983] : memref<16x1024xf32, #tpu.memory_space<vmem>> -> memref<1x128xf32, #tpu.memory_space<vmem>>
    %dma_wait3A_1985 = tpu.memref_squeeze %dma_wait3A_1984 : memref<1x128xf32, #tpu.memory_space<vmem>> -> memref<128xf32, #tpu.memory_space<vmem>>
    %dma_wait3A_1986 = arith.constant 0 : i32
    %dma_wait3A_1987 = tpu.memref_slice %arg5[%dma_wait3A_1980, %dma_wait3A_1981, %dma_wait3A_1986] : memref<16x8x128xi32, #tpu.memory_space<vmem>> -> memref<1x1x128xi32, #tpu.memory_space<vmem>>
    %dma_wait3A_1988 = tpu.memref_squeeze %dma_wait3A_1987 : memref<1x1x128xi32, #tpu.memory_space<vmem>> -> memref<128xi32, #tpu.memory_space<vmem>>
    %dma_wait3A_1989 = arith.constant 0 : i32
    %dma_wait3A_1990 = tpu.memref_slice %arg2[%dma_wait3A_1989] : memref<32000000xf32, #tpu.memory_space<hbm>> -> memref<32000000xf32, #tpu.memory_space<hbm>>
    tpu.wait_indirect_dma semaphore(%arg7 : memref<!tpu.dma_semaphore, #tpu.memory_space<semaphore_mem>>) src(%dma_wait3A_1990 : memref<32000000xf32, #tpu.memory_space<hbm>>) dst(%dma_wait3A_1985 : memref<128xf32, #tpu.memory_space<vmem>>)
    %dma_wait3A_1991 = arith.constant 2 : i32
    %dma_wait3A_1992 = arith.constant 3 : i32
    %dma_wait3A_1993 = arith.constant 2 : i32
    %dma_wait3A_1994 = arith.constant 384 : i32
    %dma_wait3A_1995 = tpu.memref_slice %arg6[%dma_wait3A_1993, %dma_wait3A_1994] : memref<16x1024xf32, #tpu.memory_space<vmem>> -> memref<1x128xf32, #tpu.memory_space<vmem>>
    %dma_wait3A_1996 = tpu.memref_squeeze %dma_wait3A_1995 : memref<1x128xf32, #tpu.memory_space<vmem>> -> memref<128xf32, #tpu.memory_space<vmem>>
    %dma_wait3A_1997 = arith.constant 0 : i32
    %dma_wait3A_1998 = tpu.memref_slice %arg5[%dma_wait3A_1991, %dma_wait3A_1992, %dma_wait3A_1997] : memref<16x8x128xi32, #tpu.memory_space<vmem>> -> memref<1x1x128xi32, #tpu.memory_space<vmem>>
    %dma_wait3A_1999 = tpu.memref_squeeze %dma_wait3A_1998 : memref<1x1x128xi32, #tpu.memory_space<vmem>> -> memref<128xi32, #tpu.memory_space<vmem>>
    %dma_wait3A_2000 = arith.constant 0 : i32
    %dma_wait3A_2001 = tpu.memref_slice %arg2[%dma_wait3A_2000] : memref<32000000xf32, #tpu.memory_space<hbm>> -> memref<32000000xf32, #tpu.memory_space<hbm>>
    tpu.wait_indirect_dma semaphore(%arg7 : memref<!tpu.dma_semaphore, #tpu.memory_space<semaphore_mem>>) src(%dma_wait3A_2001 : memref<32000000xf32, #tpu.memory_space<hbm>>) dst(%dma_wait3A_1996 : memref<128xf32, #tpu.memory_space<vmem>>)
    %dma_wait3A_2002 = arith.constant 3 : i32
    %dma_wait3A_2003 = arith.constant 3 : i32
    %dma_wait3A_2004 = arith.constant 3 : i32
    %dma_wait3A_2005 = arith.constant 384 : i32
    %dma_wait3A_2006 = tpu.memref_slice %arg6[%dma_wait3A_2004, %dma_wait3A_2005] : memref<16x1024xf32, #tpu.memory_space<vmem>> -> memref<1x128xf32, #tpu.memory_space<vmem>>
    %dma_wait3A_2007 = tpu.memref_squeeze %dma_wait3A_2006 : memref<1x128xf32, #tpu.memory_space<vmem>> -> memref<128xf32, #tpu.memory_space<vmem>>
    %dma_wait3A_2008 = arith.constant 0 : i32
    %dma_wait3A_2009 = tpu.memref_slice %arg5[%dma_wait3A_2002, %dma_wait3A_2003, %dma_wait3A_2008] : memref<16x8x128xi32, #tpu.memory_space<vmem>> -> memref<1x1x128xi32, #tpu.memory_space<vmem>>
    %dma_wait3A_2010 = tpu.memref_squeeze %dma_wait3A_2009 : memref<1x1x128xi32, #tpu.memory_space<vmem>> -> memref<128xi32, #tpu.memory_space<vmem>>
    %dma_wait3A_2011 = arith.constant 0 : i32
    %dma_wait3A_2012 = tpu.memref_slice %arg2[%dma_wait3A_2011] : memref<32000000xf32, #tpu.memory_space<hbm>> -> memref<32000000xf32, #tpu.memory_space<hbm>>
    tpu.wait_indirect_dma semaphore(%arg7 : memref<!tpu.dma_semaphore, #tpu.memory_space<semaphore_mem>>) src(%dma_wait3A_2012 : memref<32000000xf32, #tpu.memory_space<hbm>>) dst(%dma_wait3A_2007 : memref<128xf32, #tpu.memory_space<vmem>>)
    %dma_wait3A_2013 = arith.constant 4 : i32
    %dma_wait3A_2014 = arith.constant 3 : i32
    %dma_wait3A_2015 = arith.constant 4 : i32
    %dma_wait3A_2016 = arith.constant 384 : i32
    %dma_wait3A_2017 = tpu.memref_slice %arg6[%dma_wait3A_2015, %dma_wait3A_2016] : memref<16x1024xf32, #tpu.memory_space<vmem>> -> memref<1x128xf32, #tpu.memory_space<vmem>>
    %dma_wait3A_2018 = tpu.memref_squeeze %dma_wait3A_2017 : memref<1x128xf32, #tpu.memory_space<vmem>> -> memref<128xf32, #tpu.memory_space<vmem>>
    %dma_wait3A_2019 = arith.constant 0 : i32
    %dma_wait3A_2020 = tpu.memref_slice %arg5[%dma_wait3A_2013, %dma_wait3A_2014, %dma_wait3A_2019] : memref<16x8x128xi32, #tpu.memory_space<vmem>> -> memref<1x1x128xi32, #tpu.memory_space<vmem>>
    %dma_wait3A_2021 = tpu.memref_squeeze %dma_wait3A_2020 : memref<1x1x128xi32, #tpu.memory_space<vmem>> -> memref<128xi32, #tpu.memory_space<vmem>>
    %dma_wait3A_2022 = arith.constant 0 : i32
    %dma_wait3A_2023 = tpu.memref_slice %arg2[%dma_wait3A_2022] : memref<32000000xf32, #tpu.memory_space<hbm>> -> memref<32000000xf32, #tpu.memory_space<hbm>>
    tpu.wait_indirect_dma semaphore(%arg7 : memref<!tpu.dma_semaphore, #tpu.memory_space<semaphore_mem>>) src(%dma_wait3A_2023 : memref<32000000xf32, #tpu.memory_space<hbm>>) dst(%dma_wait3A_2018 : memref<128xf32, #tpu.memory_space<vmem>>)
    %dma_wait3A_2024 = arith.constant 5 : i32
    %dma_wait3A_2025 = arith.constant 3 : i32
    %dma_wait3A_2026 = arith.constant 5 : i32
    %dma_wait3A_2027 = arith.constant 384 : i32
    %dma_wait3A_2028 = tpu.memref_slice %arg6[%dma_wait3A_2026, %dma_wait3A_2027] : memref<16x1024xf32, #tpu.memory_space<vmem>> -> memref<1x128xf32, #tpu.memory_space<vmem>>
    %dma_wait3A_2029 = tpu.memref_squeeze %dma_wait3A_2028 : memref<1x128xf32, #tpu.memory_space<vmem>> -> memref<128xf32, #tpu.memory_space<vmem>>
    %dma_wait3A_2030 = arith.constant 0 : i32
    %dma_wait3A_2031 = tpu.memref_slice %arg5[%dma_wait3A_2024, %dma_wait3A_2025, %dma_wait3A_2030] : memref<16x8x128xi32, #tpu.memory_space<vmem>> -> memref<1x1x128xi32, #tpu.memory_space<vmem>>
    %dma_wait3A_2032 = tpu.memref_squeeze %dma_wait3A_2031 : memref<1x1x128xi32, #tpu.memory_space<vmem>> -> memref<128xi32, #tpu.memory_space<vmem>>
    %dma_wait3A_2033 = arith.constant 0 : i32
    %dma_wait3A_2034 = tpu.memref_slice %arg2[%dma_wait3A_2033] : memref<32000000xf32, #tpu.memory_space<hbm>> -> memref<32000000xf32, #tpu.memory_space<hbm>>
    tpu.wait_indirect_dma semaphore(%arg7 : memref<!tpu.dma_semaphore, #tpu.memory_space<semaphore_mem>>) src(%dma_wait3A_2034 : memref<32000000xf32, #tpu.memory_space<hbm>>) dst(%dma_wait3A_2029 : memref<128xf32, #tpu.memory_space<vmem>>)
    %dma_wait3A_2035 = arith.constant 6 : i32
    %dma_wait3A_2036 = arith.constant 3 : i32
    %dma_wait3A_2037 = arith.constant 6 : i32
    %dma_wait3A_2038 = arith.constant 384 : i32
    %dma_wait3A_2039 = tpu.memref_slice %arg6[%dma_wait3A_2037, %dma_wait3A_2038] : memref<16x1024xf32, #tpu.memory_space<vmem>> -> memref<1x128xf32, #tpu.memory_space<vmem>>
    %dma_wait3A_2040 = tpu.memref_squeeze %dma_wait3A_2039 : memref<1x128xf32, #tpu.memory_space<vmem>> -> memref<128xf32, #tpu.memory_space<vmem>>
    %dma_wait3A_2041 = arith.constant 0 : i32
    %dma_wait3A_2042 = tpu.memref_slice %arg5[%dma_wait3A_2035, %dma_wait3A_2036, %dma_wait3A_2041] : memref<16x8x128xi32, #tpu.memory_space<vmem>> -> memref<1x1x128xi32, #tpu.memory_space<vmem>>
    %dma_wait3A_2043 = tpu.memref_squeeze %dma_wait3A_2042 : memref<1x1x128xi32, #tpu.memory_space<vmem>> -> memref<128xi32, #tpu.memory_space<vmem>>
    %dma_wait3A_2044 = arith.constant 0 : i32
    %dma_wait3A_2045 = tpu.memref_slice %arg2[%dma_wait3A_2044] : memref<32000000xf32, #tpu.memory_space<hbm>> -> memref<32000000xf32, #tpu.memory_space<hbm>>
    tpu.wait_indirect_dma semaphore(%arg7 : memref<!tpu.dma_semaphore, #tpu.memory_space<semaphore_mem>>) src(%dma_wait3A_2045 : memref<32000000xf32, #tpu.memory_space<hbm>>) dst(%dma_wait3A_2040 : memref<128xf32, #tpu.memory_space<vmem>>)
    %dma_wait3A_2046 = arith.constant 7 : i32
    %dma_wait3A_2047 = arith.constant 3 : i32
    %dma_wait3A_2048 = arith.constant 7 : i32
    %dma_wait3A_2049 = arith.constant 384 : i32
    %dma_wait3A_2050 = tpu.memref_slice %arg6[%dma_wait3A_2048, %dma_wait3A_2049] : memref<16x1024xf32, #tpu.memory_space<vmem>> -> memref<1x128xf32, #tpu.memory_space<vmem>>
    %dma_wait3A_2051 = tpu.memref_squeeze %dma_wait3A_2050 : memref<1x128xf32, #tpu.memory_space<vmem>> -> memref<128xf32, #tpu.memory_space<vmem>>
    %dma_wait3A_2052 = arith.constant 0 : i32
    %dma_wait3A_2053 = tpu.memref_slice %arg5[%dma_wait3A_2046, %dma_wait3A_2047, %dma_wait3A_2052] : memref<16x8x128xi32, #tpu.memory_space<vmem>> -> memref<1x1x128xi32, #tpu.memory_space<vmem>>
    %dma_wait3A_2054 = tpu.memref_squeeze %dma_wait3A_2053 : memref<1x1x128xi32, #tpu.memory_space<vmem>> -> memref<128xi32, #tpu.memory_space<vmem>>
    %dma_wait3A_2055 = arith.constant 0 : i32
    %dma_wait3A_2056 = tpu.memref_slice %arg2[%dma_wait3A_2055] : memref<32000000xf32, #tpu.memory_space<hbm>> -> memref<32000000xf32, #tpu.memory_space<hbm>>
    tpu.wait_indirect_dma semaphore(%arg7 : memref<!tpu.dma_semaphore, #tpu.memory_space<semaphore_mem>>) src(%dma_wait3A_2056 : memref<32000000xf32, #tpu.memory_space<hbm>>) dst(%dma_wait3A_2051 : memref<128xf32, #tpu.memory_space<vmem>>)
    %dma_wait3A_2057 = arith.constant 8 : i32
    %dma_wait3A_2058 = arith.constant 3 : i32
    %dma_wait3A_2059 = arith.constant 8 : i32
    %dma_wait3A_2060 = arith.constant 384 : i32
    %dma_wait3A_2061 = tpu.memref_slice %arg6[%dma_wait3A_2059, %dma_wait3A_2060] : memref<16x1024xf32, #tpu.memory_space<vmem>> -> memref<1x128xf32, #tpu.memory_space<vmem>>
    %dma_wait3A_2062 = tpu.memref_squeeze %dma_wait3A_2061 : memref<1x128xf32, #tpu.memory_space<vmem>> -> memref<128xf32, #tpu.memory_space<vmem>>
    %dma_wait3A_2063 = arith.constant 0 : i32
    %dma_wait3A_2064 = tpu.memref_slice %arg5[%dma_wait3A_2057, %dma_wait3A_2058, %dma_wait3A_2063] : memref<16x8x128xi32, #tpu.memory_space<vmem>> -> memref<1x1x128xi32, #tpu.memory_space<vmem>>
    %dma_wait3A_2065 = tpu.memref_squeeze %dma_wait3A_2064 : memref<1x1x128xi32, #tpu.memory_space<vmem>> -> memref<128xi32, #tpu.memory_space<vmem>>
    %dma_wait3A_2066 = arith.constant 0 : i32
    %dma_wait3A_2067 = tpu.memref_slice %arg2[%dma_wait3A_2066] : memref<32000000xf32, #tpu.memory_space<hbm>> -> memref<32000000xf32, #tpu.memory_space<hbm>>
    tpu.wait_indirect_dma semaphore(%arg7 : memref<!tpu.dma_semaphore, #tpu.memory_space<semaphore_mem>>) src(%dma_wait3A_2067 : memref<32000000xf32, #tpu.memory_space<hbm>>) dst(%dma_wait3A_2062 : memref<128xf32, #tpu.memory_space<vmem>>)
    %dma_wait3A_2068 = arith.constant 9 : i32
    %dma_wait3A_2069 = arith.constant 3 : i32
    %dma_wait3A_2070 = arith.constant 9 : i32
    %dma_wait3A_2071 = arith.constant 384 : i32
    %dma_wait3A_2072 = tpu.memref_slice %arg6[%dma_wait3A_2070, %dma_wait3A_2071] : memref<16x1024xf32, #tpu.memory_space<vmem>> -> memref<1x128xf32, #tpu.memory_space<vmem>>
    %dma_wait3A_2073 = tpu.memref_squeeze %dma_wait3A_2072 : memref<1x128xf32, #tpu.memory_space<vmem>> -> memref<128xf32, #tpu.memory_space<vmem>>
    %dma_wait3A_2074 = arith.constant 0 : i32
    %dma_wait3A_2075 = tpu.memref_slice %arg5[%dma_wait3A_2068, %dma_wait3A_2069, %dma_wait3A_2074] : memref<16x8x128xi32, #tpu.memory_space<vmem>> -> memref<1x1x128xi32, #tpu.memory_space<vmem>>
    %dma_wait3A_2076 = tpu.memref_squeeze %dma_wait3A_2075 : memref<1x1x128xi32, #tpu.memory_space<vmem>> -> memref<128xi32, #tpu.memory_space<vmem>>
    %dma_wait3A_2077 = arith.constant 0 : i32
    %dma_wait3A_2078 = tpu.memref_slice %arg2[%dma_wait3A_2077] : memref<32000000xf32, #tpu.memory_space<hbm>> -> memref<32000000xf32, #tpu.memory_space<hbm>>
    tpu.wait_indirect_dma semaphore(%arg7 : memref<!tpu.dma_semaphore, #tpu.memory_space<semaphore_mem>>) src(%dma_wait3A_2078 : memref<32000000xf32, #tpu.memory_space<hbm>>) dst(%dma_wait3A_2073 : memref<128xf32, #tpu.memory_space<vmem>>)
    %dma_wait3A_2079 = arith.constant 10 : i32
    %dma_wait3A_2080 = arith.constant 3 : i32
    %dma_wait3A_2081 = arith.constant 10 : i32
    %dma_wait3A_2082 = arith.constant 384 : i32
    %dma_wait3A_2083 = tpu.memref_slice %arg6[%dma_wait3A_2081, %dma_wait3A_2082] : memref<16x1024xf32, #tpu.memory_space<vmem>> -> memref<1x128xf32, #tpu.memory_space<vmem>>
    %dma_wait3A_2084 = tpu.memref_squeeze %dma_wait3A_2083 : memref<1x128xf32, #tpu.memory_space<vmem>> -> memref<128xf32, #tpu.memory_space<vmem>>
    %dma_wait3A_2085 = arith.constant 0 : i32
    %dma_wait3A_2086 = tpu.memref_slice %arg5[%dma_wait3A_2079, %dma_wait3A_2080, %dma_wait3A_2085] : memref<16x8x128xi32, #tpu.memory_space<vmem>> -> memref<1x1x128xi32, #tpu.memory_space<vmem>>
    %dma_wait3A_2087 = tpu.memref_squeeze %dma_wait3A_2086 : memref<1x1x128xi32, #tpu.memory_space<vmem>> -> memref<128xi32, #tpu.memory_space<vmem>>
    %dma_wait3A_2088 = arith.constant 0 : i32
    %dma_wait3A_2089 = tpu.memref_slice %arg2[%dma_wait3A_2088] : memref<32000000xf32, #tpu.memory_space<hbm>> -> memref<32000000xf32, #tpu.memory_space<hbm>>
    tpu.wait_indirect_dma semaphore(%arg7 : memref<!tpu.dma_semaphore, #tpu.memory_space<semaphore_mem>>) src(%dma_wait3A_2089 : memref<32000000xf32, #tpu.memory_space<hbm>>) dst(%dma_wait3A_2084 : memref<128xf32, #tpu.memory_space<vmem>>)
    %dma_wait3A_2090 = arith.constant 11 : i32
    %dma_wait3A_2091 = arith.constant 3 : i32
    %dma_wait3A_2092 = arith.constant 11 : i32
    %dma_wait3A_2093 = arith.constant 384 : i32
    %dma_wait3A_2094 = tpu.memref_slice %arg6[%dma_wait3A_2092, %dma_wait3A_2093] : memref<16x1024xf32, #tpu.memory_space<vmem>> -> memref<1x128xf32, #tpu.memory_space<vmem>>
    %dma_wait3A_2095 = tpu.memref_squeeze %dma_wait3A_2094 : memref<1x128xf32, #tpu.memory_space<vmem>> -> memref<128xf32, #tpu.memory_space<vmem>>
    %dma_wait3A_2096 = arith.constant 0 : i32
    %dma_wait3A_2097 = tpu.memref_slice %arg5[%dma_wait3A_2090, %dma_wait3A_2091, %dma_wait3A_2096] : memref<16x8x128xi32, #tpu.memory_space<vmem>> -> memref<1x1x128xi32, #tpu.memory_space<vmem>>
    %dma_wait3A_2098 = tpu.memref_squeeze %dma_wait3A_2097 : memref<1x1x128xi32, #tpu.memory_space<vmem>> -> memref<128xi32, #tpu.memory_space<vmem>>
    %dma_wait3A_2099 = arith.constant 0 : i32
    %dma_wait3A_2100 = tpu.memref_slice %arg2[%dma_wait3A_2099] : memref<32000000xf32, #tpu.memory_space<hbm>> -> memref<32000000xf32, #tpu.memory_space<hbm>>
    tpu.wait_indirect_dma semaphore(%arg7 : memref<!tpu.dma_semaphore, #tpu.memory_space<semaphore_mem>>) src(%dma_wait3A_2100 : memref<32000000xf32, #tpu.memory_space<hbm>>) dst(%dma_wait3A_2095 : memref<128xf32, #tpu.memory_space<vmem>>)
    %dma_wait3A_2101 = arith.constant 12 : i32
    %dma_wait3A_2102 = arith.constant 3 : i32
    %dma_wait3A_2103 = arith.constant 12 : i32
    %dma_wait3A_2104 = arith.constant 384 : i32
    %dma_wait3A_2105 = tpu.memref_slice %arg6[%dma_wait3A_2103, %dma_wait3A_2104] : memref<16x1024xf32, #tpu.memory_space<vmem>> -> memref<1x128xf32, #tpu.memory_space<vmem>>
    %dma_wait3A_2106 = tpu.memref_squeeze %dma_wait3A_2105 : memref<1x128xf32, #tpu.memory_space<vmem>> -> memref<128xf32, #tpu.memory_space<vmem>>
    %dma_wait3A_2107 = arith.constant 0 : i32
    %dma_wait3A_2108 = tpu.memref_slice %arg5[%dma_wait3A_2101, %dma_wait3A_2102, %dma_wait3A_2107] : memref<16x8x128xi32, #tpu.memory_space<vmem>> -> memref<1x1x128xi32, #tpu.memory_space<vmem>>
    %dma_wait3A_2109 = tpu.memref_squeeze %dma_wait3A_2108 : memref<1x1x128xi32, #tpu.memory_space<vmem>> -> memref<128xi32, #tpu.memory_space<vmem>>
    %dma_wait3A_2110 = arith.constant 0 : i32
    %dma_wait3A_2111 = tpu.memref_slice %arg2[%dma_wait3A_2110] : memref<32000000xf32, #tpu.memory_space<hbm>> -> memref<32000000xf32, #tpu.memory_space<hbm>>
    tpu.wait_indirect_dma semaphore(%arg7 : memref<!tpu.dma_semaphore, #tpu.memory_space<semaphore_mem>>) src(%dma_wait3A_2111 : memref<32000000xf32, #tpu.memory_space<hbm>>) dst(%dma_wait3A_2106 : memref<128xf32, #tpu.memory_space<vmem>>)
    %dma_wait3A_2112 = arith.constant 13 : i32
    %dma_wait3A_2113 = arith.constant 3 : i32
    %dma_wait3A_2114 = arith.constant 13 : i32
    %dma_wait3A_2115 = arith.constant 384 : i32
    %dma_wait3A_2116 = tpu.memref_slice %arg6[%dma_wait3A_2114, %dma_wait3A_2115] : memref<16x1024xf32, #tpu.memory_space<vmem>> -> memref<1x128xf32, #tpu.memory_space<vmem>>
    %dma_wait3A_2117 = tpu.memref_squeeze %dma_wait3A_2116 : memref<1x128xf32, #tpu.memory_space<vmem>> -> memref<128xf32, #tpu.memory_space<vmem>>
    %dma_wait3A_2118 = arith.constant 0 : i32
    %dma_wait3A_2119 = tpu.memref_slice %arg5[%dma_wait3A_2112, %dma_wait3A_2113, %dma_wait3A_2118] : memref<16x8x128xi32, #tpu.memory_space<vmem>> -> memref<1x1x128xi32, #tpu.memory_space<vmem>>
    %dma_wait3A_2120 = tpu.memref_squeeze %dma_wait3A_2119 : memref<1x1x128xi32, #tpu.memory_space<vmem>> -> memref<128xi32, #tpu.memory_space<vmem>>
    %dma_wait3A_2121 = arith.constant 0 : i32
    %dma_wait3A_2122 = tpu.memref_slice %arg2[%dma_wait3A_2121] : memref<32000000xf32, #tpu.memory_space<hbm>> -> memref<32000000xf32, #tpu.memory_space<hbm>>
    tpu.wait_indirect_dma semaphore(%arg7 : memref<!tpu.dma_semaphore, #tpu.memory_space<semaphore_mem>>) src(%dma_wait3A_2122 : memref<32000000xf32, #tpu.memory_space<hbm>>) dst(%dma_wait3A_2117 : memref<128xf32, #tpu.memory_space<vmem>>)
    %dma_wait3A_2123 = arith.constant 14 : i32
    %dma_wait3A_2124 = arith.constant 3 : i32
    %dma_wait3A_2125 = arith.constant 14 : i32
    %dma_wait3A_2126 = arith.constant 384 : i32
    %dma_wait3A_2127 = tpu.memref_slice %arg6[%dma_wait3A_2125, %dma_wait3A_2126] : memref<16x1024xf32, #tpu.memory_space<vmem>> -> memref<1x128xf32, #tpu.memory_space<vmem>>
    %dma_wait3A_2128 = tpu.memref_squeeze %dma_wait3A_2127 : memref<1x128xf32, #tpu.memory_space<vmem>> -> memref<128xf32, #tpu.memory_space<vmem>>
    %dma_wait3A_2129 = arith.constant 0 : i32
    %dma_wait3A_2130 = tpu.memref_slice %arg5[%dma_wait3A_2123, %dma_wait3A_2124, %dma_wait3A_2129] : memref<16x8x128xi32, #tpu.memory_space<vmem>> -> memref<1x1x128xi32, #tpu.memory_space<vmem>>
    %dma_wait3A_2131 = tpu.memref_squeeze %dma_wait3A_2130 : memref<1x1x128xi32, #tpu.memory_space<vmem>> -> memref<128xi32, #tpu.memory_space<vmem>>
    %dma_wait3A_2132 = arith.constant 0 : i32
    %dma_wait3A_2133 = tpu.memref_slice %arg2[%dma_wait3A_2132] : memref<32000000xf32, #tpu.memory_space<hbm>> -> memref<32000000xf32, #tpu.memory_space<hbm>>
    tpu.wait_indirect_dma semaphore(%arg7 : memref<!tpu.dma_semaphore, #tpu.memory_space<semaphore_mem>>) src(%dma_wait3A_2133 : memref<32000000xf32, #tpu.memory_space<hbm>>) dst(%dma_wait3A_2128 : memref<128xf32, #tpu.memory_space<vmem>>)
    %dma_wait3A_2134 = arith.constant 15 : i32
    %dma_wait3A_2135 = arith.constant 3 : i32
    %dma_wait3A_2136 = arith.constant 15 : i32
    %dma_wait3A_2137 = arith.constant 384 : i32
    %dma_wait3A_2138 = tpu.memref_slice %arg6[%dma_wait3A_2136, %dma_wait3A_2137] : memref<16x1024xf32, #tpu.memory_space<vmem>> -> memref<1x128xf32, #tpu.memory_space<vmem>>
    %dma_wait3A_2139 = tpu.memref_squeeze %dma_wait3A_2138 : memref<1x128xf32, #tpu.memory_space<vmem>> -> memref<128xf32, #tpu.memory_space<vmem>>
    %dma_wait3A_2140 = arith.constant 0 : i32
    %dma_wait3A_2141 = tpu.memref_slice %arg5[%dma_wait3A_2134, %dma_wait3A_2135, %dma_wait3A_2140] : memref<16x8x128xi32, #tpu.memory_space<vmem>> -> memref<1x1x128xi32, #tpu.memory_space<vmem>>
    %dma_wait3A_2142 = tpu.memref_squeeze %dma_wait3A_2141 : memref<1x1x128xi32, #tpu.memory_space<vmem>> -> memref<128xi32, #tpu.memory_space<vmem>>
    %dma_wait3A_2143 = arith.constant 0 : i32
    %dma_wait3A_2144 = tpu.memref_slice %arg2[%dma_wait3A_2143] : memref<32000000xf32, #tpu.memory_space<hbm>> -> memref<32000000xf32, #tpu.memory_space<hbm>>
    tpu.wait_indirect_dma semaphore(%arg7 : memref<!tpu.dma_semaphore, #tpu.memory_space<semaphore_mem>>) src(%dma_wait3A_2144 : memref<32000000xf32, #tpu.memory_space<hbm>>) dst(%dma_wait3A_2139 : memref<128xf32, #tpu.memory_space<vmem>>)
    %dma_wait3A_2145 = arith.constant 0 : i32
    %dma_wait3A_2146 = arith.constant 4 : i32
    %dma_wait3A_2147 = arith.constant 0 : i32
    %dma_wait3A_2148 = arith.constant 512 : i32
    %dma_wait3A_2149 = tpu.memref_slice %arg6[%dma_wait3A_2147, %dma_wait3A_2148] : memref<16x1024xf32, #tpu.memory_space<vmem>> -> memref<1x128xf32, #tpu.memory_space<vmem>>
    %dma_wait3A_2150 = tpu.memref_squeeze %dma_wait3A_2149 : memref<1x128xf32, #tpu.memory_space<vmem>> -> memref<128xf32, #tpu.memory_space<vmem>>
    %dma_wait3A_2151 = arith.constant 0 : i32
    %dma_wait3A_2152 = tpu.memref_slice %arg5[%dma_wait3A_2145, %dma_wait3A_2146, %dma_wait3A_2151] : memref<16x8x128xi32, #tpu.memory_space<vmem>> -> memref<1x1x128xi32, #tpu.memory_space<vmem>>
    %dma_wait3A_2153 = tpu.memref_squeeze %dma_wait3A_2152 : memref<1x1x128xi32, #tpu.memory_space<vmem>> -> memref<128xi32, #tpu.memory_space<vmem>>
    %dma_wait3A_2154 = arith.constant 0 : i32
    %dma_wait3A_2155 = tpu.memref_slice %arg2[%dma_wait3A_2154] : memref<32000000xf32, #tpu.memory_space<hbm>> -> memref<32000000xf32, #tpu.memory_space<hbm>>
    tpu.wait_indirect_dma semaphore(%arg7 : memref<!tpu.dma_semaphore, #tpu.memory_space<semaphore_mem>>) src(%dma_wait3A_2155 : memref<32000000xf32, #tpu.memory_space<hbm>>) dst(%dma_wait3A_2150 : memref<128xf32, #tpu.memory_space<vmem>>)
    %dma_wait3A_2156 = arith.constant 1 : i32
    %dma_wait3A_2157 = arith.constant 4 : i32
    %dma_wait3A_2158 = arith.constant 1 : i32
    %dma_wait3A_2159 = arith.constant 512 : i32
    %dma_wait3A_2160 = tpu.memref_slice %arg6[%dma_wait3A_2158, %dma_wait3A_2159] : memref<16x1024xf32, #tpu.memory_space<vmem>> -> memref<1x128xf32, #tpu.memory_space<vmem>>
    %dma_wait3A_2161 = tpu.memref_squeeze %dma_wait3A_2160 : memref<1x128xf32, #tpu.memory_space<vmem>> -> memref<128xf32, #tpu.memory_space<vmem>>
    %dma_wait3A_2162 = arith.constant 0 : i32
    %dma_wait3A_2163 = tpu.memref_slice %arg5[%dma_wait3A_2156, %dma_wait3A_2157, %dma_wait3A_2162] : memref<16x8x128xi32, #tpu.memory_space<vmem>> -> memref<1x1x128xi32, #tpu.memory_space<vmem>>
    %dma_wait3A_2164 = tpu.memref_squeeze %dma_wait3A_2163 : memref<1x1x128xi32, #tpu.memory_space<vmem>> -> memref<128xi32, #tpu.memory_space<vmem>>
    %dma_wait3A_2165 = arith.constant 0 : i32
    %dma_wait3A_2166 = tpu.memref_slice %arg2[%dma_wait3A_2165] : memref<32000000xf32, #tpu.memory_space<hbm>> -> memref<32000000xf32, #tpu.memory_space<hbm>>
    tpu.wait_indirect_dma semaphore(%arg7 : memref<!tpu.dma_semaphore, #tpu.memory_space<semaphore_mem>>) src(%dma_wait3A_2166 : memref<32000000xf32, #tpu.memory_space<hbm>>) dst(%dma_wait3A_2161 : memref<128xf32, #tpu.memory_space<vmem>>)
    %dma_wait3A_2167 = arith.constant 2 : i32
    %dma_wait3A_2168 = arith.constant 4 : i32
    %dma_wait3A_2169 = arith.constant 2 : i32
    %dma_wait3A_2170 = arith.constant 512 : i32
    %dma_wait3A_2171 = tpu.memref_slice %arg6[%dma_wait3A_2169, %dma_wait3A_2170] : memref<16x1024xf32, #tpu.memory_space<vmem>> -> memref<1x128xf32, #tpu.memory_space<vmem>>
    %dma_wait3A_2172 = tpu.memref_squeeze %dma_wait3A_2171 : memref<1x128xf32, #tpu.memory_space<vmem>> -> memref<128xf32, #tpu.memory_space<vmem>>
    %dma_wait3A_2173 = arith.constant 0 : i32
    %dma_wait3A_2174 = tpu.memref_slice %arg5[%dma_wait3A_2167, %dma_wait3A_2168, %dma_wait3A_2173] : memref<16x8x128xi32, #tpu.memory_space<vmem>> -> memref<1x1x128xi32, #tpu.memory_space<vmem>>
    %dma_wait3A_2175 = tpu.memref_squeeze %dma_wait3A_2174 : memref<1x1x128xi32, #tpu.memory_space<vmem>> -> memref<128xi32, #tpu.memory_space<vmem>>
    %dma_wait3A_2176 = arith.constant 0 : i32
    %dma_wait3A_2177 = tpu.memref_slice %arg2[%dma_wait3A_2176] : memref<32000000xf32, #tpu.memory_space<hbm>> -> memref<32000000xf32, #tpu.memory_space<hbm>>
    tpu.wait_indirect_dma semaphore(%arg7 : memref<!tpu.dma_semaphore, #tpu.memory_space<semaphore_mem>>) src(%dma_wait3A_2177 : memref<32000000xf32, #tpu.memory_space<hbm>>) dst(%dma_wait3A_2172 : memref<128xf32, #tpu.memory_space<vmem>>)
    %dma_wait3A_2178 = arith.constant 3 : i32
    %dma_wait3A_2179 = arith.constant 4 : i32
    %dma_wait3A_2180 = arith.constant 3 : i32
    %dma_wait3A_2181 = arith.constant 512 : i32
    %dma_wait3A_2182 = tpu.memref_slice %arg6[%dma_wait3A_2180, %dma_wait3A_2181] : memref<16x1024xf32, #tpu.memory_space<vmem>> -> memref<1x128xf32, #tpu.memory_space<vmem>>
    %dma_wait3A_2183 = tpu.memref_squeeze %dma_wait3A_2182 : memref<1x128xf32, #tpu.memory_space<vmem>> -> memref<128xf32, #tpu.memory_space<vmem>>
    %dma_wait3A_2184 = arith.constant 0 : i32
    %dma_wait3A_2185 = tpu.memref_slice %arg5[%dma_wait3A_2178, %dma_wait3A_2179, %dma_wait3A_2184] : memref<16x8x128xi32, #tpu.memory_space<vmem>> -> memref<1x1x128xi32, #tpu.memory_space<vmem>>
    %dma_wait3A_2186 = tpu.memref_squeeze %dma_wait3A_2185 : memref<1x1x128xi32, #tpu.memory_space<vmem>> -> memref<128xi32, #tpu.memory_space<vmem>>
    %dma_wait3A_2187 = arith.constant 0 : i32
    %dma_wait3A_2188 = tpu.memref_slice %arg2[%dma_wait3A_2187] : memref<32000000xf32, #tpu.memory_space<hbm>> -> memref<32000000xf32, #tpu.memory_space<hbm>>
    tpu.wait_indirect_dma semaphore(%arg7 : memref<!tpu.dma_semaphore, #tpu.memory_space<semaphore_mem>>) src(%dma_wait3A_2188 : memref<32000000xf32, #tpu.memory_space<hbm>>) dst(%dma_wait3A_2183 : memref<128xf32, #tpu.memory_space<vmem>>)
    %dma_wait3A_2189 = arith.constant 4 : i32
    %dma_wait3A_2190 = arith.constant 4 : i32
    %dma_wait3A_2191 = arith.constant 4 : i32
    %dma_wait3A_2192 = arith.constant 512 : i32
    %dma_wait3A_2193 = tpu.memref_slice %arg6[%dma_wait3A_2191, %dma_wait3A_2192] : memref<16x1024xf32, #tpu.memory_space<vmem>> -> memref<1x128xf32, #tpu.memory_space<vmem>>
    %dma_wait3A_2194 = tpu.memref_squeeze %dma_wait3A_2193 : memref<1x128xf32, #tpu.memory_space<vmem>> -> memref<128xf32, #tpu.memory_space<vmem>>
    %dma_wait3A_2195 = arith.constant 0 : i32
    %dma_wait3A_2196 = tpu.memref_slice %arg5[%dma_wait3A_2189, %dma_wait3A_2190, %dma_wait3A_2195] : memref<16x8x128xi32, #tpu.memory_space<vmem>> -> memref<1x1x128xi32, #tpu.memory_space<vmem>>
    %dma_wait3A_2197 = tpu.memref_squeeze %dma_wait3A_2196 : memref<1x1x128xi32, #tpu.memory_space<vmem>> -> memref<128xi32, #tpu.memory_space<vmem>>
    %dma_wait3A_2198 = arith.constant 0 : i32
    %dma_wait3A_2199 = tpu.memref_slice %arg2[%dma_wait3A_2198] : memref<32000000xf32, #tpu.memory_space<hbm>> -> memref<32000000xf32, #tpu.memory_space<hbm>>
    tpu.wait_indirect_dma semaphore(%arg7 : memref<!tpu.dma_semaphore, #tpu.memory_space<semaphore_mem>>) src(%dma_wait3A_2199 : memref<32000000xf32, #tpu.memory_space<hbm>>) dst(%dma_wait3A_2194 : memref<128xf32, #tpu.memory_space<vmem>>)
    %dma_wait3A_2200 = arith.constant 5 : i32
    %dma_wait3A_2201 = arith.constant 4 : i32
    %dma_wait3A_2202 = arith.constant 5 : i32
    %dma_wait3A_2203 = arith.constant 512 : i32
    %dma_wait3A_2204 = tpu.memref_slice %arg6[%dma_wait3A_2202, %dma_wait3A_2203] : memref<16x1024xf32, #tpu.memory_space<vmem>> -> memref<1x128xf32, #tpu.memory_space<vmem>>
    %dma_wait3A_2205 = tpu.memref_squeeze %dma_wait3A_2204 : memref<1x128xf32, #tpu.memory_space<vmem>> -> memref<128xf32, #tpu.memory_space<vmem>>
    %dma_wait3A_2206 = arith.constant 0 : i32
    %dma_wait3A_2207 = tpu.memref_slice %arg5[%dma_wait3A_2200, %dma_wait3A_2201, %dma_wait3A_2206] : memref<16x8x128xi32, #tpu.memory_space<vmem>> -> memref<1x1x128xi32, #tpu.memory_space<vmem>>
    %dma_wait3A_2208 = tpu.memref_squeeze %dma_wait3A_2207 : memref<1x1x128xi32, #tpu.memory_space<vmem>> -> memref<128xi32, #tpu.memory_space<vmem>>
    %dma_wait3A_2209 = arith.constant 0 : i32
    %dma_wait3A_2210 = tpu.memref_slice %arg2[%dma_wait3A_2209] : memref<32000000xf32, #tpu.memory_space<hbm>> -> memref<32000000xf32, #tpu.memory_space<hbm>>
    tpu.wait_indirect_dma semaphore(%arg7 : memref<!tpu.dma_semaphore, #tpu.memory_space<semaphore_mem>>) src(%dma_wait3A_2210 : memref<32000000xf32, #tpu.memory_space<hbm>>) dst(%dma_wait3A_2205 : memref<128xf32, #tpu.memory_space<vmem>>)
    %dma_wait3A_2211 = arith.constant 6 : i32
    %dma_wait3A_2212 = arith.constant 4 : i32
    %dma_wait3A_2213 = arith.constant 6 : i32
    %dma_wait3A_2214 = arith.constant 512 : i32
    %dma_wait3A_2215 = tpu.memref_slice %arg6[%dma_wait3A_2213, %dma_wait3A_2214] : memref<16x1024xf32, #tpu.memory_space<vmem>> -> memref<1x128xf32, #tpu.memory_space<vmem>>
    %dma_wait3A_2216 = tpu.memref_squeeze %dma_wait3A_2215 : memref<1x128xf32, #tpu.memory_space<vmem>> -> memref<128xf32, #tpu.memory_space<vmem>>
    %dma_wait3A_2217 = arith.constant 0 : i32
    %dma_wait3A_2218 = tpu.memref_slice %arg5[%dma_wait3A_2211, %dma_wait3A_2212, %dma_wait3A_2217] : memref<16x8x128xi32, #tpu.memory_space<vmem>> -> memref<1x1x128xi32, #tpu.memory_space<vmem>>
    %dma_wait3A_2219 = tpu.memref_squeeze %dma_wait3A_2218 : memref<1x1x128xi32, #tpu.memory_space<vmem>> -> memref<128xi32, #tpu.memory_space<vmem>>
    %dma_wait3A_2220 = arith.constant 0 : i32
    %dma_wait3A_2221 = tpu.memref_slice %arg2[%dma_wait3A_2220] : memref<32000000xf32, #tpu.memory_space<hbm>> -> memref<32000000xf32, #tpu.memory_space<hbm>>
    tpu.wait_indirect_dma semaphore(%arg7 : memref<!tpu.dma_semaphore, #tpu.memory_space<semaphore_mem>>) src(%dma_wait3A_2221 : memref<32000000xf32, #tpu.memory_space<hbm>>) dst(%dma_wait3A_2216 : memref<128xf32, #tpu.memory_space<vmem>>)
    %dma_wait3A_2222 = arith.constant 7 : i32
    %dma_wait3A_2223 = arith.constant 4 : i32
    %dma_wait3A_2224 = arith.constant 7 : i32
    %dma_wait3A_2225 = arith.constant 512 : i32
    %dma_wait3A_2226 = tpu.memref_slice %arg6[%dma_wait3A_2224, %dma_wait3A_2225] : memref<16x1024xf32, #tpu.memory_space<vmem>> -> memref<1x128xf32, #tpu.memory_space<vmem>>
    %dma_wait3A_2227 = tpu.memref_squeeze %dma_wait3A_2226 : memref<1x128xf32, #tpu.memory_space<vmem>> -> memref<128xf32, #tpu.memory_space<vmem>>
    %dma_wait3A_2228 = arith.constant 0 : i32
    %dma_wait3A_2229 = tpu.memref_slice %arg5[%dma_wait3A_2222, %dma_wait3A_2223, %dma_wait3A_2228] : memref<16x8x128xi32, #tpu.memory_space<vmem>> -> memref<1x1x128xi32, #tpu.memory_space<vmem>>
    %dma_wait3A_2230 = tpu.memref_squeeze %dma_wait3A_2229 : memref<1x1x128xi32, #tpu.memory_space<vmem>> -> memref<128xi32, #tpu.memory_space<vmem>>
    %dma_wait3A_2231 = arith.constant 0 : i32
    %dma_wait3A_2232 = tpu.memref_slice %arg2[%dma_wait3A_2231] : memref<32000000xf32, #tpu.memory_space<hbm>> -> memref<32000000xf32, #tpu.memory_space<hbm>>
    tpu.wait_indirect_dma semaphore(%arg7 : memref<!tpu.dma_semaphore, #tpu.memory_space<semaphore_mem>>) src(%dma_wait3A_2232 : memref<32000000xf32, #tpu.memory_space<hbm>>) dst(%dma_wait3A_2227 : memref<128xf32, #tpu.memory_space<vmem>>)
    %dma_wait3A_2233 = arith.constant 8 : i32
    %dma_wait3A_2234 = arith.constant 4 : i32
    %dma_wait3A_2235 = arith.constant 8 : i32
    %dma_wait3A_2236 = arith.constant 512 : i32
    %dma_wait3A_2237 = tpu.memref_slice %arg6[%dma_wait3A_2235, %dma_wait3A_2236] : memref<16x1024xf32, #tpu.memory_space<vmem>> -> memref<1x128xf32, #tpu.memory_space<vmem>>
    %dma_wait3A_2238 = tpu.memref_squeeze %dma_wait3A_2237 : memref<1x128xf32, #tpu.memory_space<vmem>> -> memref<128xf32, #tpu.memory_space<vmem>>
    %dma_wait3A_2239 = arith.constant 0 : i32
    %dma_wait3A_2240 = tpu.memref_slice %arg5[%dma_wait3A_2233, %dma_wait3A_2234, %dma_wait3A_2239] : memref<16x8x128xi32, #tpu.memory_space<vmem>> -> memref<1x1x128xi32, #tpu.memory_space<vmem>>
    %dma_wait3A_2241 = tpu.memref_squeeze %dma_wait3A_2240 : memref<1x1x128xi32, #tpu.memory_space<vmem>> -> memref<128xi32, #tpu.memory_space<vmem>>
    %dma_wait3A_2242 = arith.constant 0 : i32
    %dma_wait3A_2243 = tpu.memref_slice %arg2[%dma_wait3A_2242] : memref<32000000xf32, #tpu.memory_space<hbm>> -> memref<32000000xf32, #tpu.memory_space<hbm>>
    tpu.wait_indirect_dma semaphore(%arg7 : memref<!tpu.dma_semaphore, #tpu.memory_space<semaphore_mem>>) src(%dma_wait3A_2243 : memref<32000000xf32, #tpu.memory_space<hbm>>) dst(%dma_wait3A_2238 : memref<128xf32, #tpu.memory_space<vmem>>)
    %dma_wait3A_2244 = arith.constant 9 : i32
    %dma_wait3A_2245 = arith.constant 4 : i32
    %dma_wait3A_2246 = arith.constant 9 : i32
    %dma_wait3A_2247 = arith.constant 512 : i32
    %dma_wait3A_2248 = tpu.memref_slice %arg6[%dma_wait3A_2246, %dma_wait3A_2247] : memref<16x1024xf32, #tpu.memory_space<vmem>> -> memref<1x128xf32, #tpu.memory_space<vmem>>
    %dma_wait3A_2249 = tpu.memref_squeeze %dma_wait3A_2248 : memref<1x128xf32, #tpu.memory_space<vmem>> -> memref<128xf32, #tpu.memory_space<vmem>>
    %dma_wait3A_2250 = arith.constant 0 : i32
    %dma_wait3A_2251 = tpu.memref_slice %arg5[%dma_wait3A_2244, %dma_wait3A_2245, %dma_wait3A_2250] : memref<16x8x128xi32, #tpu.memory_space<vmem>> -> memref<1x1x128xi32, #tpu.memory_space<vmem>>
    %dma_wait3A_2252 = tpu.memref_squeeze %dma_wait3A_2251 : memref<1x1x128xi32, #tpu.memory_space<vmem>> -> memref<128xi32, #tpu.memory_space<vmem>>
    %dma_wait3A_2253 = arith.constant 0 : i32
    %dma_wait3A_2254 = tpu.memref_slice %arg2[%dma_wait3A_2253] : memref<32000000xf32, #tpu.memory_space<hbm>> -> memref<32000000xf32, #tpu.memory_space<hbm>>
    tpu.wait_indirect_dma semaphore(%arg7 : memref<!tpu.dma_semaphore, #tpu.memory_space<semaphore_mem>>) src(%dma_wait3A_2254 : memref<32000000xf32, #tpu.memory_space<hbm>>) dst(%dma_wait3A_2249 : memref<128xf32, #tpu.memory_space<vmem>>)
    %dma_wait3A_2255 = arith.constant 10 : i32
    %dma_wait3A_2256 = arith.constant 4 : i32
    %dma_wait3A_2257 = arith.constant 10 : i32
    %dma_wait3A_2258 = arith.constant 512 : i32
    %dma_wait3A_2259 = tpu.memref_slice %arg6[%dma_wait3A_2257, %dma_wait3A_2258] : memref<16x1024xf32, #tpu.memory_space<vmem>> -> memref<1x128xf32, #tpu.memory_space<vmem>>
    %dma_wait3A_2260 = tpu.memref_squeeze %dma_wait3A_2259 : memref<1x128xf32, #tpu.memory_space<vmem>> -> memref<128xf32, #tpu.memory_space<vmem>>
    %dma_wait3A_2261 = arith.constant 0 : i32
    %dma_wait3A_2262 = tpu.memref_slice %arg5[%dma_wait3A_2255, %dma_wait3A_2256, %dma_wait3A_2261] : memref<16x8x128xi32, #tpu.memory_space<vmem>> -> memref<1x1x128xi32, #tpu.memory_space<vmem>>
    %dma_wait3A_2263 = tpu.memref_squeeze %dma_wait3A_2262 : memref<1x1x128xi32, #tpu.memory_space<vmem>> -> memref<128xi32, #tpu.memory_space<vmem>>
    %dma_wait3A_2264 = arith.constant 0 : i32
    %dma_wait3A_2265 = tpu.memref_slice %arg2[%dma_wait3A_2264] : memref<32000000xf32, #tpu.memory_space<hbm>> -> memref<32000000xf32, #tpu.memory_space<hbm>>
    tpu.wait_indirect_dma semaphore(%arg7 : memref<!tpu.dma_semaphore, #tpu.memory_space<semaphore_mem>>) src(%dma_wait3A_2265 : memref<32000000xf32, #tpu.memory_space<hbm>>) dst(%dma_wait3A_2260 : memref<128xf32, #tpu.memory_space<vmem>>)
    %dma_wait3A_2266 = arith.constant 11 : i32
    %dma_wait3A_2267 = arith.constant 4 : i32
    %dma_wait3A_2268 = arith.constant 11 : i32
    %dma_wait3A_2269 = arith.constant 512 : i32
    %dma_wait3A_2270 = tpu.memref_slice %arg6[%dma_wait3A_2268, %dma_wait3A_2269] : memref<16x1024xf32, #tpu.memory_space<vmem>> -> memref<1x128xf32, #tpu.memory_space<vmem>>
    %dma_wait3A_2271 = tpu.memref_squeeze %dma_wait3A_2270 : memref<1x128xf32, #tpu.memory_space<vmem>> -> memref<128xf32, #tpu.memory_space<vmem>>
    %dma_wait3A_2272 = arith.constant 0 : i32
    %dma_wait3A_2273 = tpu.memref_slice %arg5[%dma_wait3A_2266, %dma_wait3A_2267, %dma_wait3A_2272] : memref<16x8x128xi32, #tpu.memory_space<vmem>> -> memref<1x1x128xi32, #tpu.memory_space<vmem>>
    %dma_wait3A_2274 = tpu.memref_squeeze %dma_wait3A_2273 : memref<1x1x128xi32, #tpu.memory_space<vmem>> -> memref<128xi32, #tpu.memory_space<vmem>>
    %dma_wait3A_2275 = arith.constant 0 : i32
    %dma_wait3A_2276 = tpu.memref_slice %arg2[%dma_wait3A_2275] : memref<32000000xf32, #tpu.memory_space<hbm>> -> memref<32000000xf32, #tpu.memory_space<hbm>>
    tpu.wait_indirect_dma semaphore(%arg7 : memref<!tpu.dma_semaphore, #tpu.memory_space<semaphore_mem>>) src(%dma_wait3A_2276 : memref<32000000xf32, #tpu.memory_space<hbm>>) dst(%dma_wait3A_2271 : memref<128xf32, #tpu.memory_space<vmem>>)
    %dma_wait3A_2277 = arith.constant 12 : i32
    %dma_wait3A_2278 = arith.constant 4 : i32
    %dma_wait3A_2279 = arith.constant 12 : i32
    %dma_wait3A_2280 = arith.constant 512 : i32
    %dma_wait3A_2281 = tpu.memref_slice %arg6[%dma_wait3A_2279, %dma_wait3A_2280] : memref<16x1024xf32, #tpu.memory_space<vmem>> -> memref<1x128xf32, #tpu.memory_space<vmem>>
    %dma_wait3A_2282 = tpu.memref_squeeze %dma_wait3A_2281 : memref<1x128xf32, #tpu.memory_space<vmem>> -> memref<128xf32, #tpu.memory_space<vmem>>
    %dma_wait3A_2283 = arith.constant 0 : i32
    %dma_wait3A_2284 = tpu.memref_slice %arg5[%dma_wait3A_2277, %dma_wait3A_2278, %dma_wait3A_2283] : memref<16x8x128xi32, #tpu.memory_space<vmem>> -> memref<1x1x128xi32, #tpu.memory_space<vmem>>
    %dma_wait3A_2285 = tpu.memref_squeeze %dma_wait3A_2284 : memref<1x1x128xi32, #tpu.memory_space<vmem>> -> memref<128xi32, #tpu.memory_space<vmem>>
    %dma_wait3A_2286 = arith.constant 0 : i32
    %dma_wait3A_2287 = tpu.memref_slice %arg2[%dma_wait3A_2286] : memref<32000000xf32, #tpu.memory_space<hbm>> -> memref<32000000xf32, #tpu.memory_space<hbm>>
    tpu.wait_indirect_dma semaphore(%arg7 : memref<!tpu.dma_semaphore, #tpu.memory_space<semaphore_mem>>) src(%dma_wait3A_2287 : memref<32000000xf32, #tpu.memory_space<hbm>>) dst(%dma_wait3A_2282 : memref<128xf32, #tpu.memory_space<vmem>>)
    %dma_wait3A_2288 = arith.constant 13 : i32
    %dma_wait3A_2289 = arith.constant 4 : i32
    %dma_wait3A_2290 = arith.constant 13 : i32
    %dma_wait3A_2291 = arith.constant 512 : i32
    %dma_wait3A_2292 = tpu.memref_slice %arg6[%dma_wait3A_2290, %dma_wait3A_2291] : memref<16x1024xf32, #tpu.memory_space<vmem>> -> memref<1x128xf32, #tpu.memory_space<vmem>>
    %dma_wait3A_2293 = tpu.memref_squeeze %dma_wait3A_2292 : memref<1x128xf32, #tpu.memory_space<vmem>> -> memref<128xf32, #tpu.memory_space<vmem>>
    %dma_wait3A_2294 = arith.constant 0 : i32
    %dma_wait3A_2295 = tpu.memref_slice %arg5[%dma_wait3A_2288, %dma_wait3A_2289, %dma_wait3A_2294] : memref<16x8x128xi32, #tpu.memory_space<vmem>> -> memref<1x1x128xi32, #tpu.memory_space<vmem>>
    %dma_wait3A_2296 = tpu.memref_squeeze %dma_wait3A_2295 : memref<1x1x128xi32, #tpu.memory_space<vmem>> -> memref<128xi32, #tpu.memory_space<vmem>>
    %dma_wait3A_2297 = arith.constant 0 : i32
    %dma_wait3A_2298 = tpu.memref_slice %arg2[%dma_wait3A_2297] : memref<32000000xf32, #tpu.memory_space<hbm>> -> memref<32000000xf32, #tpu.memory_space<hbm>>
    tpu.wait_indirect_dma semaphore(%arg7 : memref<!tpu.dma_semaphore, #tpu.memory_space<semaphore_mem>>) src(%dma_wait3A_2298 : memref<32000000xf32, #tpu.memory_space<hbm>>) dst(%dma_wait3A_2293 : memref<128xf32, #tpu.memory_space<vmem>>)
    %dma_wait3A_2299 = arith.constant 14 : i32
    %dma_wait3A_2300 = arith.constant 4 : i32
    %dma_wait3A_2301 = arith.constant 14 : i32
    %dma_wait3A_2302 = arith.constant 512 : i32
    %dma_wait3A_2303 = tpu.memref_slice %arg6[%dma_wait3A_2301, %dma_wait3A_2302] : memref<16x1024xf32, #tpu.memory_space<vmem>> -> memref<1x128xf32, #tpu.memory_space<vmem>>
    %dma_wait3A_2304 = tpu.memref_squeeze %dma_wait3A_2303 : memref<1x128xf32, #tpu.memory_space<vmem>> -> memref<128xf32, #tpu.memory_space<vmem>>
    %dma_wait3A_2305 = arith.constant 0 : i32
    %dma_wait3A_2306 = tpu.memref_slice %arg5[%dma_wait3A_2299, %dma_wait3A_2300, %dma_wait3A_2305] : memref<16x8x128xi32, #tpu.memory_space<vmem>> -> memref<1x1x128xi32, #tpu.memory_space<vmem>>
    %dma_wait3A_2307 = tpu.memref_squeeze %dma_wait3A_2306 : memref<1x1x128xi32, #tpu.memory_space<vmem>> -> memref<128xi32, #tpu.memory_space<vmem>>
    %dma_wait3A_2308 = arith.constant 0 : i32
    %dma_wait3A_2309 = tpu.memref_slice %arg2[%dma_wait3A_2308] : memref<32000000xf32, #tpu.memory_space<hbm>> -> memref<32000000xf32, #tpu.memory_space<hbm>>
    tpu.wait_indirect_dma semaphore(%arg7 : memref<!tpu.dma_semaphore, #tpu.memory_space<semaphore_mem>>) src(%dma_wait3A_2309 : memref<32000000xf32, #tpu.memory_space<hbm>>) dst(%dma_wait3A_2304 : memref<128xf32, #tpu.memory_space<vmem>>)
    %dma_wait3A_2310 = arith.constant 15 : i32
    %dma_wait3A_2311 = arith.constant 4 : i32
    %dma_wait3A_2312 = arith.constant 15 : i32
    %dma_wait3A_2313 = arith.constant 512 : i32
    %dma_wait3A_2314 = tpu.memref_slice %arg6[%dma_wait3A_2312, %dma_wait3A_2313] : memref<16x1024xf32, #tpu.memory_space<vmem>> -> memref<1x128xf32, #tpu.memory_space<vmem>>
    %dma_wait3A_2315 = tpu.memref_squeeze %dma_wait3A_2314 : memref<1x128xf32, #tpu.memory_space<vmem>> -> memref<128xf32, #tpu.memory_space<vmem>>
    %dma_wait3A_2316 = arith.constant 0 : i32
    %dma_wait3A_2317 = tpu.memref_slice %arg5[%dma_wait3A_2310, %dma_wait3A_2311, %dma_wait3A_2316] : memref<16x8x128xi32, #tpu.memory_space<vmem>> -> memref<1x1x128xi32, #tpu.memory_space<vmem>>
    %dma_wait3A_2318 = tpu.memref_squeeze %dma_wait3A_2317 : memref<1x1x128xi32, #tpu.memory_space<vmem>> -> memref<128xi32, #tpu.memory_space<vmem>>
    %dma_wait3A_2319 = arith.constant 0 : i32
    %dma_wait3A_2320 = tpu.memref_slice %arg2[%dma_wait3A_2319] : memref<32000000xf32, #tpu.memory_space<hbm>> -> memref<32000000xf32, #tpu.memory_space<hbm>>
    tpu.wait_indirect_dma semaphore(%arg7 : memref<!tpu.dma_semaphore, #tpu.memory_space<semaphore_mem>>) src(%dma_wait3A_2320 : memref<32000000xf32, #tpu.memory_space<hbm>>) dst(%dma_wait3A_2315 : memref<128xf32, #tpu.memory_space<vmem>>)
    %dma_wait3A_2321 = arith.constant 0 : i32
    %dma_wait3A_2322 = arith.constant 5 : i32
    %dma_wait3A_2323 = arith.constant 0 : i32
    %dma_wait3A_2324 = arith.constant 640 : i32
    %dma_wait3A_2325 = tpu.memref_slice %arg6[%dma_wait3A_2323, %dma_wait3A_2324] : memref<16x1024xf32, #tpu.memory_space<vmem>> -> memref<1x128xf32, #tpu.memory_space<vmem>>
    %dma_wait3A_2326 = tpu.memref_squeeze %dma_wait3A_2325 : memref<1x128xf32, #tpu.memory_space<vmem>> -> memref<128xf32, #tpu.memory_space<vmem>>
    %dma_wait3A_2327 = arith.constant 0 : i32
    %dma_wait3A_2328 = tpu.memref_slice %arg5[%dma_wait3A_2321, %dma_wait3A_2322, %dma_wait3A_2327] : memref<16x8x128xi32, #tpu.memory_space<vmem>> -> memref<1x1x128xi32, #tpu.memory_space<vmem>>
    %dma_wait3A_2329 = tpu.memref_squeeze %dma_wait3A_2328 : memref<1x1x128xi32, #tpu.memory_space<vmem>> -> memref<128xi32, #tpu.memory_space<vmem>>
    %dma_wait3A_2330 = arith.constant 0 : i32
    %dma_wait3A_2331 = tpu.memref_slice %arg2[%dma_wait3A_2330] : memref<32000000xf32, #tpu.memory_space<hbm>> -> memref<32000000xf32, #tpu.memory_space<hbm>>
    tpu.wait_indirect_dma semaphore(%arg7 : memref<!tpu.dma_semaphore, #tpu.memory_space<semaphore_mem>>) src(%dma_wait3A_2331 : memref<32000000xf32, #tpu.memory_space<hbm>>) dst(%dma_wait3A_2326 : memref<128xf32, #tpu.memory_space<vmem>>)
    %dma_wait3A_2332 = arith.constant 1 : i32
    %dma_wait3A_2333 = arith.constant 5 : i32
    %dma_wait3A_2334 = arith.constant 1 : i32
    %dma_wait3A_2335 = arith.constant 640 : i32
    %dma_wait3A_2336 = tpu.memref_slice %arg6[%dma_wait3A_2334, %dma_wait3A_2335] : memref<16x1024xf32, #tpu.memory_space<vmem>> -> memref<1x128xf32, #tpu.memory_space<vmem>>
    %dma_wait3A_2337 = tpu.memref_squeeze %dma_wait3A_2336 : memref<1x128xf32, #tpu.memory_space<vmem>> -> memref<128xf32, #tpu.memory_space<vmem>>
    %dma_wait3A_2338 = arith.constant 0 : i32
    %dma_wait3A_2339 = tpu.memref_slice %arg5[%dma_wait3A_2332, %dma_wait3A_2333, %dma_wait3A_2338] : memref<16x8x128xi32, #tpu.memory_space<vmem>> -> memref<1x1x128xi32, #tpu.memory_space<vmem>>
    %dma_wait3A_2340 = tpu.memref_squeeze %dma_wait3A_2339 : memref<1x1x128xi32, #tpu.memory_space<vmem>> -> memref<128xi32, #tpu.memory_space<vmem>>
    %dma_wait3A_2341 = arith.constant 0 : i32
    %dma_wait3A_2342 = tpu.memref_slice %arg2[%dma_wait3A_2341] : memref<32000000xf32, #tpu.memory_space<hbm>> -> memref<32000000xf32, #tpu.memory_space<hbm>>
    tpu.wait_indirect_dma semaphore(%arg7 : memref<!tpu.dma_semaphore, #tpu.memory_space<semaphore_mem>>) src(%dma_wait3A_2342 : memref<32000000xf32, #tpu.memory_space<hbm>>) dst(%dma_wait3A_2337 : memref<128xf32, #tpu.memory_space<vmem>>)
    %dma_wait3A_2343 = arith.constant 2 : i32
    %dma_wait3A_2344 = arith.constant 5 : i32
    %dma_wait3A_2345 = arith.constant 2 : i32
    %dma_wait3A_2346 = arith.constant 640 : i32
    %dma_wait3A_2347 = tpu.memref_slice %arg6[%dma_wait3A_2345, %dma_wait3A_2346] : memref<16x1024xf32, #tpu.memory_space<vmem>> -> memref<1x128xf32, #tpu.memory_space<vmem>>
    %dma_wait3A_2348 = tpu.memref_squeeze %dma_wait3A_2347 : memref<1x128xf32, #tpu.memory_space<vmem>> -> memref<128xf32, #tpu.memory_space<vmem>>
    %dma_wait3A_2349 = arith.constant 0 : i32
    %dma_wait3A_2350 = tpu.memref_slice %arg5[%dma_wait3A_2343, %dma_wait3A_2344, %dma_wait3A_2349] : memref<16x8x128xi32, #tpu.memory_space<vmem>> -> memref<1x1x128xi32, #tpu.memory_space<vmem>>
    %dma_wait3A_2351 = tpu.memref_squeeze %dma_wait3A_2350 : memref<1x1x128xi32, #tpu.memory_space<vmem>> -> memref<128xi32, #tpu.memory_space<vmem>>
    %dma_wait3A_2352 = arith.constant 0 : i32
    %dma_wait3A_2353 = tpu.memref_slice %arg2[%dma_wait3A_2352] : memref<32000000xf32, #tpu.memory_space<hbm>> -> memref<32000000xf32, #tpu.memory_space<hbm>>
    tpu.wait_indirect_dma semaphore(%arg7 : memref<!tpu.dma_semaphore, #tpu.memory_space<semaphore_mem>>) src(%dma_wait3A_2353 : memref<32000000xf32, #tpu.memory_space<hbm>>) dst(%dma_wait3A_2348 : memref<128xf32, #tpu.memory_space<vmem>>)
    %dma_wait3A_2354 = arith.constant 3 : i32
    %dma_wait3A_2355 = arith.constant 5 : i32
    %dma_wait3A_2356 = arith.constant 3 : i32
    %dma_wait3A_2357 = arith.constant 640 : i32
    %dma_wait3A_2358 = tpu.memref_slice %arg6[%dma_wait3A_2356, %dma_wait3A_2357] : memref<16x1024xf32, #tpu.memory_space<vmem>> -> memref<1x128xf32, #tpu.memory_space<vmem>>
    %dma_wait3A_2359 = tpu.memref_squeeze %dma_wait3A_2358 : memref<1x128xf32, #tpu.memory_space<vmem>> -> memref<128xf32, #tpu.memory_space<vmem>>
    %dma_wait3A_2360 = arith.constant 0 : i32
    %dma_wait3A_2361 = tpu.memref_slice %arg5[%dma_wait3A_2354, %dma_wait3A_2355, %dma_wait3A_2360] : memref<16x8x128xi32, #tpu.memory_space<vmem>> -> memref<1x1x128xi32, #tpu.memory_space<vmem>>
    %dma_wait3A_2362 = tpu.memref_squeeze %dma_wait3A_2361 : memref<1x1x128xi32, #tpu.memory_space<vmem>> -> memref<128xi32, #tpu.memory_space<vmem>>
    %dma_wait3A_2363 = arith.constant 0 : i32
    %dma_wait3A_2364 = tpu.memref_slice %arg2[%dma_wait3A_2363] : memref<32000000xf32, #tpu.memory_space<hbm>> -> memref<32000000xf32, #tpu.memory_space<hbm>>
    tpu.wait_indirect_dma semaphore(%arg7 : memref<!tpu.dma_semaphore, #tpu.memory_space<semaphore_mem>>) src(%dma_wait3A_2364 : memref<32000000xf32, #tpu.memory_space<hbm>>) dst(%dma_wait3A_2359 : memref<128xf32, #tpu.memory_space<vmem>>)
    %dma_wait3A_2365 = arith.constant 4 : i32
    %dma_wait3A_2366 = arith.constant 5 : i32
    %dma_wait3A_2367 = arith.constant 4 : i32
    %dma_wait3A_2368 = arith.constant 640 : i32
    %dma_wait3A_2369 = tpu.memref_slice %arg6[%dma_wait3A_2367, %dma_wait3A_2368] : memref<16x1024xf32, #tpu.memory_space<vmem>> -> memref<1x128xf32, #tpu.memory_space<vmem>>
    %dma_wait3A_2370 = tpu.memref_squeeze %dma_wait3A_2369 : memref<1x128xf32, #tpu.memory_space<vmem>> -> memref<128xf32, #tpu.memory_space<vmem>>
    %dma_wait3A_2371 = arith.constant 0 : i32
    %dma_wait3A_2372 = tpu.memref_slice %arg5[%dma_wait3A_2365, %dma_wait3A_2366, %dma_wait3A_2371] : memref<16x8x128xi32, #tpu.memory_space<vmem>> -> memref<1x1x128xi32, #tpu.memory_space<vmem>>
    %dma_wait3A_2373 = tpu.memref_squeeze %dma_wait3A_2372 : memref<1x1x128xi32, #tpu.memory_space<vmem>> -> memref<128xi32, #tpu.memory_space<vmem>>
    %dma_wait3A_2374 = arith.constant 0 : i32
    %dma_wait3A_2375 = tpu.memref_slice %arg2[%dma_wait3A_2374] : memref<32000000xf32, #tpu.memory_space<hbm>> -> memref<32000000xf32, #tpu.memory_space<hbm>>
    tpu.wait_indirect_dma semaphore(%arg7 : memref<!tpu.dma_semaphore, #tpu.memory_space<semaphore_mem>>) src(%dma_wait3A_2375 : memref<32000000xf32, #tpu.memory_space<hbm>>) dst(%dma_wait3A_2370 : memref<128xf32, #tpu.memory_space<vmem>>)
    %dma_wait3A_2376 = arith.constant 5 : i32
    %dma_wait3A_2377 = arith.constant 5 : i32
    %dma_wait3A_2378 = arith.constant 5 : i32
    %dma_wait3A_2379 = arith.constant 640 : i32
    %dma_wait3A_2380 = tpu.memref_slice %arg6[%dma_wait3A_2378, %dma_wait3A_2379] : memref<16x1024xf32, #tpu.memory_space<vmem>> -> memref<1x128xf32, #tpu.memory_space<vmem>>
    %dma_wait3A_2381 = tpu.memref_squeeze %dma_wait3A_2380 : memref<1x128xf32, #tpu.memory_space<vmem>> -> memref<128xf32, #tpu.memory_space<vmem>>
    %dma_wait3A_2382 = arith.constant 0 : i32
    %dma_wait3A_2383 = tpu.memref_slice %arg5[%dma_wait3A_2376, %dma_wait3A_2377, %dma_wait3A_2382] : memref<16x8x128xi32, #tpu.memory_space<vmem>> -> memref<1x1x128xi32, #tpu.memory_space<vmem>>
    %dma_wait3A_2384 = tpu.memref_squeeze %dma_wait3A_2383 : memref<1x1x128xi32, #tpu.memory_space<vmem>> -> memref<128xi32, #tpu.memory_space<vmem>>
    %dma_wait3A_2385 = arith.constant 0 : i32
    %dma_wait3A_2386 = tpu.memref_slice %arg2[%dma_wait3A_2385] : memref<32000000xf32, #tpu.memory_space<hbm>> -> memref<32000000xf32, #tpu.memory_space<hbm>>
    tpu.wait_indirect_dma semaphore(%arg7 : memref<!tpu.dma_semaphore, #tpu.memory_space<semaphore_mem>>) src(%dma_wait3A_2386 : memref<32000000xf32, #tpu.memory_space<hbm>>) dst(%dma_wait3A_2381 : memref<128xf32, #tpu.memory_space<vmem>>)
    %dma_wait3A_2387 = arith.constant 6 : i32
    %dma_wait3A_2388 = arith.constant 5 : i32
    %dma_wait3A_2389 = arith.constant 6 : i32
    %dma_wait3A_2390 = arith.constant 640 : i32
    %dma_wait3A_2391 = tpu.memref_slice %arg6[%dma_wait3A_2389, %dma_wait3A_2390] : memref<16x1024xf32, #tpu.memory_space<vmem>> -> memref<1x128xf32, #tpu.memory_space<vmem>>
    %dma_wait3A_2392 = tpu.memref_squeeze %dma_wait3A_2391 : memref<1x128xf32, #tpu.memory_space<vmem>> -> memref<128xf32, #tpu.memory_space<vmem>>
    %dma_wait3A_2393 = arith.constant 0 : i32
    %dma_wait3A_2394 = tpu.memref_slice %arg5[%dma_wait3A_2387, %dma_wait3A_2388, %dma_wait3A_2393] : memref<16x8x128xi32, #tpu.memory_space<vmem>> -> memref<1x1x128xi32, #tpu.memory_space<vmem>>
    %dma_wait3A_2395 = tpu.memref_squeeze %dma_wait3A_2394 : memref<1x1x128xi32, #tpu.memory_space<vmem>> -> memref<128xi32, #tpu.memory_space<vmem>>
    %dma_wait3A_2396 = arith.constant 0 : i32
    %dma_wait3A_2397 = tpu.memref_slice %arg2[%dma_wait3A_2396] : memref<32000000xf32, #tpu.memory_space<hbm>> -> memref<32000000xf32, #tpu.memory_space<hbm>>
    tpu.wait_indirect_dma semaphore(%arg7 : memref<!tpu.dma_semaphore, #tpu.memory_space<semaphore_mem>>) src(%dma_wait3A_2397 : memref<32000000xf32, #tpu.memory_space<hbm>>) dst(%dma_wait3A_2392 : memref<128xf32, #tpu.memory_space<vmem>>)
    %dma_wait3A_2398 = arith.constant 7 : i32
    %dma_wait3A_2399 = arith.constant 5 : i32
    %dma_wait3A_2400 = arith.constant 7 : i32
    %dma_wait3A_2401 = arith.constant 640 : i32
    %dma_wait3A_2402 = tpu.memref_slice %arg6[%dma_wait3A_2400, %dma_wait3A_2401] : memref<16x1024xf32, #tpu.memory_space<vmem>> -> memref<1x128xf32, #tpu.memory_space<vmem>>
    %dma_wait3A_2403 = tpu.memref_squeeze %dma_wait3A_2402 : memref<1x128xf32, #tpu.memory_space<vmem>> -> memref<128xf32, #tpu.memory_space<vmem>>
    %dma_wait3A_2404 = arith.constant 0 : i32
    %dma_wait3A_2405 = tpu.memref_slice %arg5[%dma_wait3A_2398, %dma_wait3A_2399, %dma_wait3A_2404] : memref<16x8x128xi32, #tpu.memory_space<vmem>> -> memref<1x1x128xi32, #tpu.memory_space<vmem>>
    %dma_wait3A_2406 = tpu.memref_squeeze %dma_wait3A_2405 : memref<1x1x128xi32, #tpu.memory_space<vmem>> -> memref<128xi32, #tpu.memory_space<vmem>>
    %dma_wait3A_2407 = arith.constant 0 : i32
    %dma_wait3A_2408 = tpu.memref_slice %arg2[%dma_wait3A_2407] : memref<32000000xf32, #tpu.memory_space<hbm>> -> memref<32000000xf32, #tpu.memory_space<hbm>>
    tpu.wait_indirect_dma semaphore(%arg7 : memref<!tpu.dma_semaphore, #tpu.memory_space<semaphore_mem>>) src(%dma_wait3A_2408 : memref<32000000xf32, #tpu.memory_space<hbm>>) dst(%dma_wait3A_2403 : memref<128xf32, #tpu.memory_space<vmem>>)
    %dma_wait3A_2409 = arith.constant 8 : i32
    %dma_wait3A_2410 = arith.constant 5 : i32
    %dma_wait3A_2411 = arith.constant 8 : i32
    %dma_wait3A_2412 = arith.constant 640 : i32
    %dma_wait3A_2413 = tpu.memref_slice %arg6[%dma_wait3A_2411, %dma_wait3A_2412] : memref<16x1024xf32, #tpu.memory_space<vmem>> -> memref<1x128xf32, #tpu.memory_space<vmem>>
    %dma_wait3A_2414 = tpu.memref_squeeze %dma_wait3A_2413 : memref<1x128xf32, #tpu.memory_space<vmem>> -> memref<128xf32, #tpu.memory_space<vmem>>
    %dma_wait3A_2415 = arith.constant 0 : i32
    %dma_wait3A_2416 = tpu.memref_slice %arg5[%dma_wait3A_2409, %dma_wait3A_2410, %dma_wait3A_2415] : memref<16x8x128xi32, #tpu.memory_space<vmem>> -> memref<1x1x128xi32, #tpu.memory_space<vmem>>
    %dma_wait3A_2417 = tpu.memref_squeeze %dma_wait3A_2416 : memref<1x1x128xi32, #tpu.memory_space<vmem>> -> memref<128xi32, #tpu.memory_space<vmem>>
    %dma_wait3A_2418 = arith.constant 0 : i32
    %dma_wait3A_2419 = tpu.memref_slice %arg2[%dma_wait3A_2418] : memref<32000000xf32, #tpu.memory_space<hbm>> -> memref<32000000xf32, #tpu.memory_space<hbm>>
    tpu.wait_indirect_dma semaphore(%arg7 : memref<!tpu.dma_semaphore, #tpu.memory_space<semaphore_mem>>) src(%dma_wait3A_2419 : memref<32000000xf32, #tpu.memory_space<hbm>>) dst(%dma_wait3A_2414 : memref<128xf32, #tpu.memory_space<vmem>>)
    %dma_wait3A_2420 = arith.constant 9 : i32
    %dma_wait3A_2421 = arith.constant 5 : i32
    %dma_wait3A_2422 = arith.constant 9 : i32
    %dma_wait3A_2423 = arith.constant 640 : i32
    %dma_wait3A_2424 = tpu.memref_slice %arg6[%dma_wait3A_2422, %dma_wait3A_2423] : memref<16x1024xf32, #tpu.memory_space<vmem>> -> memref<1x128xf32, #tpu.memory_space<vmem>>
    %dma_wait3A_2425 = tpu.memref_squeeze %dma_wait3A_2424 : memref<1x128xf32, #tpu.memory_space<vmem>> -> memref<128xf32, #tpu.memory_space<vmem>>
    %dma_wait3A_2426 = arith.constant 0 : i32
    %dma_wait3A_2427 = tpu.memref_slice %arg5[%dma_wait3A_2420, %dma_wait3A_2421, %dma_wait3A_2426] : memref<16x8x128xi32, #tpu.memory_space<vmem>> -> memref<1x1x128xi32, #tpu.memory_space<vmem>>
    %dma_wait3A_2428 = tpu.memref_squeeze %dma_wait3A_2427 : memref<1x1x128xi32, #tpu.memory_space<vmem>> -> memref<128xi32, #tpu.memory_space<vmem>>
    %dma_wait3A_2429 = arith.constant 0 : i32
    %dma_wait3A_2430 = tpu.memref_slice %arg2[%dma_wait3A_2429] : memref<32000000xf32, #tpu.memory_space<hbm>> -> memref<32000000xf32, #tpu.memory_space<hbm>>
    tpu.wait_indirect_dma semaphore(%arg7 : memref<!tpu.dma_semaphore, #tpu.memory_space<semaphore_mem>>) src(%dma_wait3A_2430 : memref<32000000xf32, #tpu.memory_space<hbm>>) dst(%dma_wait3A_2425 : memref<128xf32, #tpu.memory_space<vmem>>)
    %dma_wait3A_2431 = arith.constant 10 : i32
    %dma_wait3A_2432 = arith.constant 5 : i32
    %dma_wait3A_2433 = arith.constant 10 : i32
    %dma_wait3A_2434 = arith.constant 640 : i32
    %dma_wait3A_2435 = tpu.memref_slice %arg6[%dma_wait3A_2433, %dma_wait3A_2434] : memref<16x1024xf32, #tpu.memory_space<vmem>> -> memref<1x128xf32, #tpu.memory_space<vmem>>
    %dma_wait3A_2436 = tpu.memref_squeeze %dma_wait3A_2435 : memref<1x128xf32, #tpu.memory_space<vmem>> -> memref<128xf32, #tpu.memory_space<vmem>>
    %dma_wait3A_2437 = arith.constant 0 : i32
    %dma_wait3A_2438 = tpu.memref_slice %arg5[%dma_wait3A_2431, %dma_wait3A_2432, %dma_wait3A_2437] : memref<16x8x128xi32, #tpu.memory_space<vmem>> -> memref<1x1x128xi32, #tpu.memory_space<vmem>>
    %dma_wait3A_2439 = tpu.memref_squeeze %dma_wait3A_2438 : memref<1x1x128xi32, #tpu.memory_space<vmem>> -> memref<128xi32, #tpu.memory_space<vmem>>
    %dma_wait3A_2440 = arith.constant 0 : i32
    %dma_wait3A_2441 = tpu.memref_slice %arg2[%dma_wait3A_2440] : memref<32000000xf32, #tpu.memory_space<hbm>> -> memref<32000000xf32, #tpu.memory_space<hbm>>
    tpu.wait_indirect_dma semaphore(%arg7 : memref<!tpu.dma_semaphore, #tpu.memory_space<semaphore_mem>>) src(%dma_wait3A_2441 : memref<32000000xf32, #tpu.memory_space<hbm>>) dst(%dma_wait3A_2436 : memref<128xf32, #tpu.memory_space<vmem>>)
    %dma_wait3A_2442 = arith.constant 11 : i32
    %dma_wait3A_2443 = arith.constant 5 : i32
    %dma_wait3A_2444 = arith.constant 11 : i32
    %dma_wait3A_2445 = arith.constant 640 : i32
    %dma_wait3A_2446 = tpu.memref_slice %arg6[%dma_wait3A_2444, %dma_wait3A_2445] : memref<16x1024xf32, #tpu.memory_space<vmem>> -> memref<1x128xf32, #tpu.memory_space<vmem>>
    %dma_wait3A_2447 = tpu.memref_squeeze %dma_wait3A_2446 : memref<1x128xf32, #tpu.memory_space<vmem>> -> memref<128xf32, #tpu.memory_space<vmem>>
    %dma_wait3A_2448 = arith.constant 0 : i32
    %dma_wait3A_2449 = tpu.memref_slice %arg5[%dma_wait3A_2442, %dma_wait3A_2443, %dma_wait3A_2448] : memref<16x8x128xi32, #tpu.memory_space<vmem>> -> memref<1x1x128xi32, #tpu.memory_space<vmem>>
    %dma_wait3A_2450 = tpu.memref_squeeze %dma_wait3A_2449 : memref<1x1x128xi32, #tpu.memory_space<vmem>> -> memref<128xi32, #tpu.memory_space<vmem>>
    %dma_wait3A_2451 = arith.constant 0 : i32
    %dma_wait3A_2452 = tpu.memref_slice %arg2[%dma_wait3A_2451] : memref<32000000xf32, #tpu.memory_space<hbm>> -> memref<32000000xf32, #tpu.memory_space<hbm>>
    tpu.wait_indirect_dma semaphore(%arg7 : memref<!tpu.dma_semaphore, #tpu.memory_space<semaphore_mem>>) src(%dma_wait3A_2452 : memref<32000000xf32, #tpu.memory_space<hbm>>) dst(%dma_wait3A_2447 : memref<128xf32, #tpu.memory_space<vmem>>)
    %dma_wait3A_2453 = arith.constant 12 : i32
    %dma_wait3A_2454 = arith.constant 5 : i32
    %dma_wait3A_2455 = arith.constant 12 : i32
    %dma_wait3A_2456 = arith.constant 640 : i32
    %dma_wait3A_2457 = tpu.memref_slice %arg6[%dma_wait3A_2455, %dma_wait3A_2456] : memref<16x1024xf32, #tpu.memory_space<vmem>> -> memref<1x128xf32, #tpu.memory_space<vmem>>
    %dma_wait3A_2458 = tpu.memref_squeeze %dma_wait3A_2457 : memref<1x128xf32, #tpu.memory_space<vmem>> -> memref<128xf32, #tpu.memory_space<vmem>>
    %dma_wait3A_2459 = arith.constant 0 : i32
    %dma_wait3A_2460 = tpu.memref_slice %arg5[%dma_wait3A_2453, %dma_wait3A_2454, %dma_wait3A_2459] : memref<16x8x128xi32, #tpu.memory_space<vmem>> -> memref<1x1x128xi32, #tpu.memory_space<vmem>>
    %dma_wait3A_2461 = tpu.memref_squeeze %dma_wait3A_2460 : memref<1x1x128xi32, #tpu.memory_space<vmem>> -> memref<128xi32, #tpu.memory_space<vmem>>
    %dma_wait3A_2462 = arith.constant 0 : i32
    %dma_wait3A_2463 = tpu.memref_slice %arg2[%dma_wait3A_2462] : memref<32000000xf32, #tpu.memory_space<hbm>> -> memref<32000000xf32, #tpu.memory_space<hbm>>
    tpu.wait_indirect_dma semaphore(%arg7 : memref<!tpu.dma_semaphore, #tpu.memory_space<semaphore_mem>>) src(%dma_wait3A_2463 : memref<32000000xf32, #tpu.memory_space<hbm>>) dst(%dma_wait3A_2458 : memref<128xf32, #tpu.memory_space<vmem>>)
    %dma_wait3A_2464 = arith.constant 13 : i32
    %dma_wait3A_2465 = arith.constant 5 : i32
    %dma_wait3A_2466 = arith.constant 13 : i32
    %dma_wait3A_2467 = arith.constant 640 : i32
    %dma_wait3A_2468 = tpu.memref_slice %arg6[%dma_wait3A_2466, %dma_wait3A_2467] : memref<16x1024xf32, #tpu.memory_space<vmem>> -> memref<1x128xf32, #tpu.memory_space<vmem>>
    %dma_wait3A_2469 = tpu.memref_squeeze %dma_wait3A_2468 : memref<1x128xf32, #tpu.memory_space<vmem>> -> memref<128xf32, #tpu.memory_space<vmem>>
    %dma_wait3A_2470 = arith.constant 0 : i32
    %dma_wait3A_2471 = tpu.memref_slice %arg5[%dma_wait3A_2464, %dma_wait3A_2465, %dma_wait3A_2470] : memref<16x8x128xi32, #tpu.memory_space<vmem>> -> memref<1x1x128xi32, #tpu.memory_space<vmem>>
    %dma_wait3A_2472 = tpu.memref_squeeze %dma_wait3A_2471 : memref<1x1x128xi32, #tpu.memory_space<vmem>> -> memref<128xi32, #tpu.memory_space<vmem>>
    %dma_wait3A_2473 = arith.constant 0 : i32
    %dma_wait3A_2474 = tpu.memref_slice %arg2[%dma_wait3A_2473] : memref<32000000xf32, #tpu.memory_space<hbm>> -> memref<32000000xf32, #tpu.memory_space<hbm>>
    tpu.wait_indirect_dma semaphore(%arg7 : memref<!tpu.dma_semaphore, #tpu.memory_space<semaphore_mem>>) src(%dma_wait3A_2474 : memref<32000000xf32, #tpu.memory_space<hbm>>) dst(%dma_wait3A_2469 : memref<128xf32, #tpu.memory_space<vmem>>)
    %dma_wait3A_2475 = arith.constant 14 : i32
    %dma_wait3A_2476 = arith.constant 5 : i32
    %dma_wait3A_2477 = arith.constant 14 : i32
    %dma_wait3A_2478 = arith.constant 640 : i32
    %dma_wait3A_2479 = tpu.memref_slice %arg6[%dma_wait3A_2477, %dma_wait3A_2478] : memref<16x1024xf32, #tpu.memory_space<vmem>> -> memref<1x128xf32, #tpu.memory_space<vmem>>
    %dma_wait3A_2480 = tpu.memref_squeeze %dma_wait3A_2479 : memref<1x128xf32, #tpu.memory_space<vmem>> -> memref<128xf32, #tpu.memory_space<vmem>>
    %dma_wait3A_2481 = arith.constant 0 : i32
    %dma_wait3A_2482 = tpu.memref_slice %arg5[%dma_wait3A_2475, %dma_wait3A_2476, %dma_wait3A_2481] : memref<16x8x128xi32, #tpu.memory_space<vmem>> -> memref<1x1x128xi32, #tpu.memory_space<vmem>>
    %dma_wait3A_2483 = tpu.memref_squeeze %dma_wait3A_2482 : memref<1x1x128xi32, #tpu.memory_space<vmem>> -> memref<128xi32, #tpu.memory_space<vmem>>
    %dma_wait3A_2484 = arith.constant 0 : i32
    %dma_wait3A_2485 = tpu.memref_slice %arg2[%dma_wait3A_2484] : memref<32000000xf32, #tpu.memory_space<hbm>> -> memref<32000000xf32, #tpu.memory_space<hbm>>
    tpu.wait_indirect_dma semaphore(%arg7 : memref<!tpu.dma_semaphore, #tpu.memory_space<semaphore_mem>>) src(%dma_wait3A_2485 : memref<32000000xf32, #tpu.memory_space<hbm>>) dst(%dma_wait3A_2480 : memref<128xf32, #tpu.memory_space<vmem>>)
    %dma_wait3A_2486 = arith.constant 15 : i32
    %dma_wait3A_2487 = arith.constant 5 : i32
    %dma_wait3A_2488 = arith.constant 15 : i32
    %dma_wait3A_2489 = arith.constant 640 : i32
    %dma_wait3A_2490 = tpu.memref_slice %arg6[%dma_wait3A_2488, %dma_wait3A_2489] : memref<16x1024xf32, #tpu.memory_space<vmem>> -> memref<1x128xf32, #tpu.memory_space<vmem>>
    %dma_wait3A_2491 = tpu.memref_squeeze %dma_wait3A_2490 : memref<1x128xf32, #tpu.memory_space<vmem>> -> memref<128xf32, #tpu.memory_space<vmem>>
    %dma_wait3A_2492 = arith.constant 0 : i32
    %dma_wait3A_2493 = tpu.memref_slice %arg5[%dma_wait3A_2486, %dma_wait3A_2487, %dma_wait3A_2492] : memref<16x8x128xi32, #tpu.memory_space<vmem>> -> memref<1x1x128xi32, #tpu.memory_space<vmem>>
    %dma_wait3A_2494 = tpu.memref_squeeze %dma_wait3A_2493 : memref<1x1x128xi32, #tpu.memory_space<vmem>> -> memref<128xi32, #tpu.memory_space<vmem>>
    %dma_wait3A_2495 = arith.constant 0 : i32
    %dma_wait3A_2496 = tpu.memref_slice %arg2[%dma_wait3A_2495] : memref<32000000xf32, #tpu.memory_space<hbm>> -> memref<32000000xf32, #tpu.memory_space<hbm>>
    tpu.wait_indirect_dma semaphore(%arg7 : memref<!tpu.dma_semaphore, #tpu.memory_space<semaphore_mem>>) src(%dma_wait3A_2496 : memref<32000000xf32, #tpu.memory_space<hbm>>) dst(%dma_wait3A_2491 : memref<128xf32, #tpu.memory_space<vmem>>)
    %dma_wait3A_2497 = arith.constant 0 : i32
    %dma_wait3A_2498 = arith.constant 6 : i32
    %dma_wait3A_2499 = arith.constant 0 : i32
    %dma_wait3A_2500 = arith.constant 768 : i32
    %dma_wait3A_2501 = tpu.memref_slice %arg6[%dma_wait3A_2499, %dma_wait3A_2500] : memref<16x1024xf32, #tpu.memory_space<vmem>> -> memref<1x128xf32, #tpu.memory_space<vmem>>
    %dma_wait3A_2502 = tpu.memref_squeeze %dma_wait3A_2501 : memref<1x128xf32, #tpu.memory_space<vmem>> -> memref<128xf32, #tpu.memory_space<vmem>>
    %dma_wait3A_2503 = arith.constant 0 : i32
    %dma_wait3A_2504 = tpu.memref_slice %arg5[%dma_wait3A_2497, %dma_wait3A_2498, %dma_wait3A_2503] : memref<16x8x128xi32, #tpu.memory_space<vmem>> -> memref<1x1x128xi32, #tpu.memory_space<vmem>>
    %dma_wait3A_2505 = tpu.memref_squeeze %dma_wait3A_2504 : memref<1x1x128xi32, #tpu.memory_space<vmem>> -> memref<128xi32, #tpu.memory_space<vmem>>
    %dma_wait3A_2506 = arith.constant 0 : i32
    %dma_wait3A_2507 = tpu.memref_slice %arg2[%dma_wait3A_2506] : memref<32000000xf32, #tpu.memory_space<hbm>> -> memref<32000000xf32, #tpu.memory_space<hbm>>
    tpu.wait_indirect_dma semaphore(%arg7 : memref<!tpu.dma_semaphore, #tpu.memory_space<semaphore_mem>>) src(%dma_wait3A_2507 : memref<32000000xf32, #tpu.memory_space<hbm>>) dst(%dma_wait3A_2502 : memref<128xf32, #tpu.memory_space<vmem>>)
    %dma_wait3A_2508 = arith.constant 1 : i32
    %dma_wait3A_2509 = arith.constant 6 : i32
    %dma_wait3A_2510 = arith.constant 1 : i32
    %dma_wait3A_2511 = arith.constant 768 : i32
    %dma_wait3A_2512 = tpu.memref_slice %arg6[%dma_wait3A_2510, %dma_wait3A_2511] : memref<16x1024xf32, #tpu.memory_space<vmem>> -> memref<1x128xf32, #tpu.memory_space<vmem>>
    %dma_wait3A_2513 = tpu.memref_squeeze %dma_wait3A_2512 : memref<1x128xf32, #tpu.memory_space<vmem>> -> memref<128xf32, #tpu.memory_space<vmem>>
    %dma_wait3A_2514 = arith.constant 0 : i32
    %dma_wait3A_2515 = tpu.memref_slice %arg5[%dma_wait3A_2508, %dma_wait3A_2509, %dma_wait3A_2514] : memref<16x8x128xi32, #tpu.memory_space<vmem>> -> memref<1x1x128xi32, #tpu.memory_space<vmem>>
    %dma_wait3A_2516 = tpu.memref_squeeze %dma_wait3A_2515 : memref<1x1x128xi32, #tpu.memory_space<vmem>> -> memref<128xi32, #tpu.memory_space<vmem>>
    %dma_wait3A_2517 = arith.constant 0 : i32
    %dma_wait3A_2518 = tpu.memref_slice %arg2[%dma_wait3A_2517] : memref<32000000xf32, #tpu.memory_space<hbm>> -> memref<32000000xf32, #tpu.memory_space<hbm>>
    tpu.wait_indirect_dma semaphore(%arg7 : memref<!tpu.dma_semaphore, #tpu.memory_space<semaphore_mem>>) src(%dma_wait3A_2518 : memref<32000000xf32, #tpu.memory_space<hbm>>) dst(%dma_wait3A_2513 : memref<128xf32, #tpu.memory_space<vmem>>)
    %dma_wait3A_2519 = arith.constant 2 : i32
    %dma_wait3A_2520 = arith.constant 6 : i32
    %dma_wait3A_2521 = arith.constant 2 : i32
    %dma_wait3A_2522 = arith.constant 768 : i32
    %dma_wait3A_2523 = tpu.memref_slice %arg6[%dma_wait3A_2521, %dma_wait3A_2522] : memref<16x1024xf32, #tpu.memory_space<vmem>> -> memref<1x128xf32, #tpu.memory_space<vmem>>
    %dma_wait3A_2524 = tpu.memref_squeeze %dma_wait3A_2523 : memref<1x128xf32, #tpu.memory_space<vmem>> -> memref<128xf32, #tpu.memory_space<vmem>>
    %dma_wait3A_2525 = arith.constant 0 : i32
    %dma_wait3A_2526 = tpu.memref_slice %arg5[%dma_wait3A_2519, %dma_wait3A_2520, %dma_wait3A_2525] : memref<16x8x128xi32, #tpu.memory_space<vmem>> -> memref<1x1x128xi32, #tpu.memory_space<vmem>>
    %dma_wait3A_2527 = tpu.memref_squeeze %dma_wait3A_2526 : memref<1x1x128xi32, #tpu.memory_space<vmem>> -> memref<128xi32, #tpu.memory_space<vmem>>
    %dma_wait3A_2528 = arith.constant 0 : i32
    %dma_wait3A_2529 = tpu.memref_slice %arg2[%dma_wait3A_2528] : memref<32000000xf32, #tpu.memory_space<hbm>> -> memref<32000000xf32, #tpu.memory_space<hbm>>
    tpu.wait_indirect_dma semaphore(%arg7 : memref<!tpu.dma_semaphore, #tpu.memory_space<semaphore_mem>>) src(%dma_wait3A_2529 : memref<32000000xf32, #tpu.memory_space<hbm>>) dst(%dma_wait3A_2524 : memref<128xf32, #tpu.memory_space<vmem>>)
    %dma_wait3A_2530 = arith.constant 3 : i32
    %dma_wait3A_2531 = arith.constant 6 : i32
    %dma_wait3A_2532 = arith.constant 3 : i32
    %dma_wait3A_2533 = arith.constant 768 : i32
    %dma_wait3A_2534 = tpu.memref_slice %arg6[%dma_wait3A_2532, %dma_wait3A_2533] : memref<16x1024xf32, #tpu.memory_space<vmem>> -> memref<1x128xf32, #tpu.memory_space<vmem>>
    %dma_wait3A_2535 = tpu.memref_squeeze %dma_wait3A_2534 : memref<1x128xf32, #tpu.memory_space<vmem>> -> memref<128xf32, #tpu.memory_space<vmem>>
    %dma_wait3A_2536 = arith.constant 0 : i32
    %dma_wait3A_2537 = tpu.memref_slice %arg5[%dma_wait3A_2530, %dma_wait3A_2531, %dma_wait3A_2536] : memref<16x8x128xi32, #tpu.memory_space<vmem>> -> memref<1x1x128xi32, #tpu.memory_space<vmem>>
    %dma_wait3A_2538 = tpu.memref_squeeze %dma_wait3A_2537 : memref<1x1x128xi32, #tpu.memory_space<vmem>> -> memref<128xi32, #tpu.memory_space<vmem>>
    %dma_wait3A_2539 = arith.constant 0 : i32
    %dma_wait3A_2540 = tpu.memref_slice %arg2[%dma_wait3A_2539] : memref<32000000xf32, #tpu.memory_space<hbm>> -> memref<32000000xf32, #tpu.memory_space<hbm>>
    tpu.wait_indirect_dma semaphore(%arg7 : memref<!tpu.dma_semaphore, #tpu.memory_space<semaphore_mem>>) src(%dma_wait3A_2540 : memref<32000000xf32, #tpu.memory_space<hbm>>) dst(%dma_wait3A_2535 : memref<128xf32, #tpu.memory_space<vmem>>)
    %dma_wait3A_2541 = arith.constant 4 : i32
    %dma_wait3A_2542 = arith.constant 6 : i32
    %dma_wait3A_2543 = arith.constant 4 : i32
    %dma_wait3A_2544 = arith.constant 768 : i32
    %dma_wait3A_2545 = tpu.memref_slice %arg6[%dma_wait3A_2543, %dma_wait3A_2544] : memref<16x1024xf32, #tpu.memory_space<vmem>> -> memref<1x128xf32, #tpu.memory_space<vmem>>
    %dma_wait3A_2546 = tpu.memref_squeeze %dma_wait3A_2545 : memref<1x128xf32, #tpu.memory_space<vmem>> -> memref<128xf32, #tpu.memory_space<vmem>>
    %dma_wait3A_2547 = arith.constant 0 : i32
    %dma_wait3A_2548 = tpu.memref_slice %arg5[%dma_wait3A_2541, %dma_wait3A_2542, %dma_wait3A_2547] : memref<16x8x128xi32, #tpu.memory_space<vmem>> -> memref<1x1x128xi32, #tpu.memory_space<vmem>>
    %dma_wait3A_2549 = tpu.memref_squeeze %dma_wait3A_2548 : memref<1x1x128xi32, #tpu.memory_space<vmem>> -> memref<128xi32, #tpu.memory_space<vmem>>
    %dma_wait3A_2550 = arith.constant 0 : i32
    %dma_wait3A_2551 = tpu.memref_slice %arg2[%dma_wait3A_2550] : memref<32000000xf32, #tpu.memory_space<hbm>> -> memref<32000000xf32, #tpu.memory_space<hbm>>
    tpu.wait_indirect_dma semaphore(%arg7 : memref<!tpu.dma_semaphore, #tpu.memory_space<semaphore_mem>>) src(%dma_wait3A_2551 : memref<32000000xf32, #tpu.memory_space<hbm>>) dst(%dma_wait3A_2546 : memref<128xf32, #tpu.memory_space<vmem>>)
    %dma_wait3A_2552 = arith.constant 5 : i32
    %dma_wait3A_2553 = arith.constant 6 : i32
    %dma_wait3A_2554 = arith.constant 5 : i32
    %dma_wait3A_2555 = arith.constant 768 : i32
    %dma_wait3A_2556 = tpu.memref_slice %arg6[%dma_wait3A_2554, %dma_wait3A_2555] : memref<16x1024xf32, #tpu.memory_space<vmem>> -> memref<1x128xf32, #tpu.memory_space<vmem>>
    %dma_wait3A_2557 = tpu.memref_squeeze %dma_wait3A_2556 : memref<1x128xf32, #tpu.memory_space<vmem>> -> memref<128xf32, #tpu.memory_space<vmem>>
    %dma_wait3A_2558 = arith.constant 0 : i32
    %dma_wait3A_2559 = tpu.memref_slice %arg5[%dma_wait3A_2552, %dma_wait3A_2553, %dma_wait3A_2558] : memref<16x8x128xi32, #tpu.memory_space<vmem>> -> memref<1x1x128xi32, #tpu.memory_space<vmem>>
    %dma_wait3A_2560 = tpu.memref_squeeze %dma_wait3A_2559 : memref<1x1x128xi32, #tpu.memory_space<vmem>> -> memref<128xi32, #tpu.memory_space<vmem>>
    %dma_wait3A_2561 = arith.constant 0 : i32
    %dma_wait3A_2562 = tpu.memref_slice %arg2[%dma_wait3A_2561] : memref<32000000xf32, #tpu.memory_space<hbm>> -> memref<32000000xf32, #tpu.memory_space<hbm>>
    tpu.wait_indirect_dma semaphore(%arg7 : memref<!tpu.dma_semaphore, #tpu.memory_space<semaphore_mem>>) src(%dma_wait3A_2562 : memref<32000000xf32, #tpu.memory_space<hbm>>) dst(%dma_wait3A_2557 : memref<128xf32, #tpu.memory_space<vmem>>)
    %dma_wait3A_2563 = arith.constant 6 : i32
    %dma_wait3A_2564 = arith.constant 6 : i32
    %dma_wait3A_2565 = arith.constant 6 : i32
    %dma_wait3A_2566 = arith.constant 768 : i32
    %dma_wait3A_2567 = tpu.memref_slice %arg6[%dma_wait3A_2565, %dma_wait3A_2566] : memref<16x1024xf32, #tpu.memory_space<vmem>> -> memref<1x128xf32, #tpu.memory_space<vmem>>
    %dma_wait3A_2568 = tpu.memref_squeeze %dma_wait3A_2567 : memref<1x128xf32, #tpu.memory_space<vmem>> -> memref<128xf32, #tpu.memory_space<vmem>>
    %dma_wait3A_2569 = arith.constant 0 : i32
    %dma_wait3A_2570 = tpu.memref_slice %arg5[%dma_wait3A_2563, %dma_wait3A_2564, %dma_wait3A_2569] : memref<16x8x128xi32, #tpu.memory_space<vmem>> -> memref<1x1x128xi32, #tpu.memory_space<vmem>>
    %dma_wait3A_2571 = tpu.memref_squeeze %dma_wait3A_2570 : memref<1x1x128xi32, #tpu.memory_space<vmem>> -> memref<128xi32, #tpu.memory_space<vmem>>
    %dma_wait3A_2572 = arith.constant 0 : i32
    %dma_wait3A_2573 = tpu.memref_slice %arg2[%dma_wait3A_2572] : memref<32000000xf32, #tpu.memory_space<hbm>> -> memref<32000000xf32, #tpu.memory_space<hbm>>
    tpu.wait_indirect_dma semaphore(%arg7 : memref<!tpu.dma_semaphore, #tpu.memory_space<semaphore_mem>>) src(%dma_wait3A_2573 : memref<32000000xf32, #tpu.memory_space<hbm>>) dst(%dma_wait3A_2568 : memref<128xf32, #tpu.memory_space<vmem>>)
    %dma_wait3A_2574 = arith.constant 7 : i32
    %dma_wait3A_2575 = arith.constant 6 : i32
    %dma_wait3A_2576 = arith.constant 7 : i32
    %dma_wait3A_2577 = arith.constant 768 : i32
    %dma_wait3A_2578 = tpu.memref_slice %arg6[%dma_wait3A_2576, %dma_wait3A_2577] : memref<16x1024xf32, #tpu.memory_space<vmem>> -> memref<1x128xf32, #tpu.memory_space<vmem>>
    %dma_wait3A_2579 = tpu.memref_squeeze %dma_wait3A_2578 : memref<1x128xf32, #tpu.memory_space<vmem>> -> memref<128xf32, #tpu.memory_space<vmem>>
    %dma_wait3A_2580 = arith.constant 0 : i32
    %dma_wait3A_2581 = tpu.memref_slice %arg5[%dma_wait3A_2574, %dma_wait3A_2575, %dma_wait3A_2580] : memref<16x8x128xi32, #tpu.memory_space<vmem>> -> memref<1x1x128xi32, #tpu.memory_space<vmem>>
    %dma_wait3A_2582 = tpu.memref_squeeze %dma_wait3A_2581 : memref<1x1x128xi32, #tpu.memory_space<vmem>> -> memref<128xi32, #tpu.memory_space<vmem>>
    %dma_wait3A_2583 = arith.constant 0 : i32
    %dma_wait3A_2584 = tpu.memref_slice %arg2[%dma_wait3A_2583] : memref<32000000xf32, #tpu.memory_space<hbm>> -> memref<32000000xf32, #tpu.memory_space<hbm>>
    tpu.wait_indirect_dma semaphore(%arg7 : memref<!tpu.dma_semaphore, #tpu.memory_space<semaphore_mem>>) src(%dma_wait3A_2584 : memref<32000000xf32, #tpu.memory_space<hbm>>) dst(%dma_wait3A_2579 : memref<128xf32, #tpu.memory_space<vmem>>)
    %dma_wait3A_2585 = arith.constant 8 : i32
    %dma_wait3A_2586 = arith.constant 6 : i32
    %dma_wait3A_2587 = arith.constant 8 : i32
    %dma_wait3A_2588 = arith.constant 768 : i32
    %dma_wait3A_2589 = tpu.memref_slice %arg6[%dma_wait3A_2587, %dma_wait3A_2588] : memref<16x1024xf32, #tpu.memory_space<vmem>> -> memref<1x128xf32, #tpu.memory_space<vmem>>
    %dma_wait3A_2590 = tpu.memref_squeeze %dma_wait3A_2589 : memref<1x128xf32, #tpu.memory_space<vmem>> -> memref<128xf32, #tpu.memory_space<vmem>>
    %dma_wait3A_2591 = arith.constant 0 : i32
    %dma_wait3A_2592 = tpu.memref_slice %arg5[%dma_wait3A_2585, %dma_wait3A_2586, %dma_wait3A_2591] : memref<16x8x128xi32, #tpu.memory_space<vmem>> -> memref<1x1x128xi32, #tpu.memory_space<vmem>>
    %dma_wait3A_2593 = tpu.memref_squeeze %dma_wait3A_2592 : memref<1x1x128xi32, #tpu.memory_space<vmem>> -> memref<128xi32, #tpu.memory_space<vmem>>
    %dma_wait3A_2594 = arith.constant 0 : i32
    %dma_wait3A_2595 = tpu.memref_slice %arg2[%dma_wait3A_2594] : memref<32000000xf32, #tpu.memory_space<hbm>> -> memref<32000000xf32, #tpu.memory_space<hbm>>
    tpu.wait_indirect_dma semaphore(%arg7 : memref<!tpu.dma_semaphore, #tpu.memory_space<semaphore_mem>>) src(%dma_wait3A_2595 : memref<32000000xf32, #tpu.memory_space<hbm>>) dst(%dma_wait3A_2590 : memref<128xf32, #tpu.memory_space<vmem>>)
    %dma_wait3A_2596 = arith.constant 9 : i32
    %dma_wait3A_2597 = arith.constant 6 : i32
    %dma_wait3A_2598 = arith.constant 9 : i32
    %dma_wait3A_2599 = arith.constant 768 : i32
    %dma_wait3A_2600 = tpu.memref_slice %arg6[%dma_wait3A_2598, %dma_wait3A_2599] : memref<16x1024xf32, #tpu.memory_space<vmem>> -> memref<1x128xf32, #tpu.memory_space<vmem>>
    %dma_wait3A_2601 = tpu.memref_squeeze %dma_wait3A_2600 : memref<1x128xf32, #tpu.memory_space<vmem>> -> memref<128xf32, #tpu.memory_space<vmem>>
    %dma_wait3A_2602 = arith.constant 0 : i32
    %dma_wait3A_2603 = tpu.memref_slice %arg5[%dma_wait3A_2596, %dma_wait3A_2597, %dma_wait3A_2602] : memref<16x8x128xi32, #tpu.memory_space<vmem>> -> memref<1x1x128xi32, #tpu.memory_space<vmem>>
    %dma_wait3A_2604 = tpu.memref_squeeze %dma_wait3A_2603 : memref<1x1x128xi32, #tpu.memory_space<vmem>> -> memref<128xi32, #tpu.memory_space<vmem>>
    %dma_wait3A_2605 = arith.constant 0 : i32
    %dma_wait3A_2606 = tpu.memref_slice %arg2[%dma_wait3A_2605] : memref<32000000xf32, #tpu.memory_space<hbm>> -> memref<32000000xf32, #tpu.memory_space<hbm>>
    tpu.wait_indirect_dma semaphore(%arg7 : memref<!tpu.dma_semaphore, #tpu.memory_space<semaphore_mem>>) src(%dma_wait3A_2606 : memref<32000000xf32, #tpu.memory_space<hbm>>) dst(%dma_wait3A_2601 : memref<128xf32, #tpu.memory_space<vmem>>)
    %dma_wait3A_2607 = arith.constant 10 : i32
    %dma_wait3A_2608 = arith.constant 6 : i32
    %dma_wait3A_2609 = arith.constant 10 : i32
    %dma_wait3A_2610 = arith.constant 768 : i32
    %dma_wait3A_2611 = tpu.memref_slice %arg6[%dma_wait3A_2609, %dma_wait3A_2610] : memref<16x1024xf32, #tpu.memory_space<vmem>> -> memref<1x128xf32, #tpu.memory_space<vmem>>
    %dma_wait3A_2612 = tpu.memref_squeeze %dma_wait3A_2611 : memref<1x128xf32, #tpu.memory_space<vmem>> -> memref<128xf32, #tpu.memory_space<vmem>>
    %dma_wait3A_2613 = arith.constant 0 : i32
    %dma_wait3A_2614 = tpu.memref_slice %arg5[%dma_wait3A_2607, %dma_wait3A_2608, %dma_wait3A_2613] : memref<16x8x128xi32, #tpu.memory_space<vmem>> -> memref<1x1x128xi32, #tpu.memory_space<vmem>>
    %dma_wait3A_2615 = tpu.memref_squeeze %dma_wait3A_2614 : memref<1x1x128xi32, #tpu.memory_space<vmem>> -> memref<128xi32, #tpu.memory_space<vmem>>
    %dma_wait3A_2616 = arith.constant 0 : i32
    %dma_wait3A_2617 = tpu.memref_slice %arg2[%dma_wait3A_2616] : memref<32000000xf32, #tpu.memory_space<hbm>> -> memref<32000000xf32, #tpu.memory_space<hbm>>
    tpu.wait_indirect_dma semaphore(%arg7 : memref<!tpu.dma_semaphore, #tpu.memory_space<semaphore_mem>>) src(%dma_wait3A_2617 : memref<32000000xf32, #tpu.memory_space<hbm>>) dst(%dma_wait3A_2612 : memref<128xf32, #tpu.memory_space<vmem>>)
    %dma_wait3A_2618 = arith.constant 11 : i32
    %dma_wait3A_2619 = arith.constant 6 : i32
    %dma_wait3A_2620 = arith.constant 11 : i32
    %dma_wait3A_2621 = arith.constant 768 : i32
    %dma_wait3A_2622 = tpu.memref_slice %arg6[%dma_wait3A_2620, %dma_wait3A_2621] : memref<16x1024xf32, #tpu.memory_space<vmem>> -> memref<1x128xf32, #tpu.memory_space<vmem>>
    %dma_wait3A_2623 = tpu.memref_squeeze %dma_wait3A_2622 : memref<1x128xf32, #tpu.memory_space<vmem>> -> memref<128xf32, #tpu.memory_space<vmem>>
    %dma_wait3A_2624 = arith.constant 0 : i32
    %dma_wait3A_2625 = tpu.memref_slice %arg5[%dma_wait3A_2618, %dma_wait3A_2619, %dma_wait3A_2624] : memref<16x8x128xi32, #tpu.memory_space<vmem>> -> memref<1x1x128xi32, #tpu.memory_space<vmem>>
    %dma_wait3A_2626 = tpu.memref_squeeze %dma_wait3A_2625 : memref<1x1x128xi32, #tpu.memory_space<vmem>> -> memref<128xi32, #tpu.memory_space<vmem>>
    %dma_wait3A_2627 = arith.constant 0 : i32
    %dma_wait3A_2628 = tpu.memref_slice %arg2[%dma_wait3A_2627] : memref<32000000xf32, #tpu.memory_space<hbm>> -> memref<32000000xf32, #tpu.memory_space<hbm>>
    tpu.wait_indirect_dma semaphore(%arg7 : memref<!tpu.dma_semaphore, #tpu.memory_space<semaphore_mem>>) src(%dma_wait3A_2628 : memref<32000000xf32, #tpu.memory_space<hbm>>) dst(%dma_wait3A_2623 : memref<128xf32, #tpu.memory_space<vmem>>)
    %dma_wait3A_2629 = arith.constant 12 : i32
    %dma_wait3A_2630 = arith.constant 6 : i32
    %dma_wait3A_2631 = arith.constant 12 : i32
    %dma_wait3A_2632 = arith.constant 768 : i32
    %dma_wait3A_2633 = tpu.memref_slice %arg6[%dma_wait3A_2631, %dma_wait3A_2632] : memref<16x1024xf32, #tpu.memory_space<vmem>> -> memref<1x128xf32, #tpu.memory_space<vmem>>
    %dma_wait3A_2634 = tpu.memref_squeeze %dma_wait3A_2633 : memref<1x128xf32, #tpu.memory_space<vmem>> -> memref<128xf32, #tpu.memory_space<vmem>>
    %dma_wait3A_2635 = arith.constant 0 : i32
    %dma_wait3A_2636 = tpu.memref_slice %arg5[%dma_wait3A_2629, %dma_wait3A_2630, %dma_wait3A_2635] : memref<16x8x128xi32, #tpu.memory_space<vmem>> -> memref<1x1x128xi32, #tpu.memory_space<vmem>>
    %dma_wait3A_2637 = tpu.memref_squeeze %dma_wait3A_2636 : memref<1x1x128xi32, #tpu.memory_space<vmem>> -> memref<128xi32, #tpu.memory_space<vmem>>
    %dma_wait3A_2638 = arith.constant 0 : i32
    %dma_wait3A_2639 = tpu.memref_slice %arg2[%dma_wait3A_2638] : memref<32000000xf32, #tpu.memory_space<hbm>> -> memref<32000000xf32, #tpu.memory_space<hbm>>
    tpu.wait_indirect_dma semaphore(%arg7 : memref<!tpu.dma_semaphore, #tpu.memory_space<semaphore_mem>>) src(%dma_wait3A_2639 : memref<32000000xf32, #tpu.memory_space<hbm>>) dst(%dma_wait3A_2634 : memref<128xf32, #tpu.memory_space<vmem>>)
    %dma_wait3A_2640 = arith.constant 13 : i32
    %dma_wait3A_2641 = arith.constant 6 : i32
    %dma_wait3A_2642 = arith.constant 13 : i32
    %dma_wait3A_2643 = arith.constant 768 : i32
    %dma_wait3A_2644 = tpu.memref_slice %arg6[%dma_wait3A_2642, %dma_wait3A_2643] : memref<16x1024xf32, #tpu.memory_space<vmem>> -> memref<1x128xf32, #tpu.memory_space<vmem>>
    %dma_wait3A_2645 = tpu.memref_squeeze %dma_wait3A_2644 : memref<1x128xf32, #tpu.memory_space<vmem>> -> memref<128xf32, #tpu.memory_space<vmem>>
    %dma_wait3A_2646 = arith.constant 0 : i32
    %dma_wait3A_2647 = tpu.memref_slice %arg5[%dma_wait3A_2640, %dma_wait3A_2641, %dma_wait3A_2646] : memref<16x8x128xi32, #tpu.memory_space<vmem>> -> memref<1x1x128xi32, #tpu.memory_space<vmem>>
    %dma_wait3A_2648 = tpu.memref_squeeze %dma_wait3A_2647 : memref<1x1x128xi32, #tpu.memory_space<vmem>> -> memref<128xi32, #tpu.memory_space<vmem>>
    %dma_wait3A_2649 = arith.constant 0 : i32
    %dma_wait3A_2650 = tpu.memref_slice %arg2[%dma_wait3A_2649] : memref<32000000xf32, #tpu.memory_space<hbm>> -> memref<32000000xf32, #tpu.memory_space<hbm>>
    tpu.wait_indirect_dma semaphore(%arg7 : memref<!tpu.dma_semaphore, #tpu.memory_space<semaphore_mem>>) src(%dma_wait3A_2650 : memref<32000000xf32, #tpu.memory_space<hbm>>) dst(%dma_wait3A_2645 : memref<128xf32, #tpu.memory_space<vmem>>)
    %dma_wait3A_2651 = arith.constant 14 : i32
    %dma_wait3A_2652 = arith.constant 6 : i32
    %dma_wait3A_2653 = arith.constant 14 : i32
    %dma_wait3A_2654 = arith.constant 768 : i32
    %dma_wait3A_2655 = tpu.memref_slice %arg6[%dma_wait3A_2653, %dma_wait3A_2654] : memref<16x1024xf32, #tpu.memory_space<vmem>> -> memref<1x128xf32, #tpu.memory_space<vmem>>
    %dma_wait3A_2656 = tpu.memref_squeeze %dma_wait3A_2655 : memref<1x128xf32, #tpu.memory_space<vmem>> -> memref<128xf32, #tpu.memory_space<vmem>>
    %dma_wait3A_2657 = arith.constant 0 : i32
    %dma_wait3A_2658 = tpu.memref_slice %arg5[%dma_wait3A_2651, %dma_wait3A_2652, %dma_wait3A_2657] : memref<16x8x128xi32, #tpu.memory_space<vmem>> -> memref<1x1x128xi32, #tpu.memory_space<vmem>>
    %dma_wait3A_2659 = tpu.memref_squeeze %dma_wait3A_2658 : memref<1x1x128xi32, #tpu.memory_space<vmem>> -> memref<128xi32, #tpu.memory_space<vmem>>
    %dma_wait3A_2660 = arith.constant 0 : i32
    %dma_wait3A_2661 = tpu.memref_slice %arg2[%dma_wait3A_2660] : memref<32000000xf32, #tpu.memory_space<hbm>> -> memref<32000000xf32, #tpu.memory_space<hbm>>
    tpu.wait_indirect_dma semaphore(%arg7 : memref<!tpu.dma_semaphore, #tpu.memory_space<semaphore_mem>>) src(%dma_wait3A_2661 : memref<32000000xf32, #tpu.memory_space<hbm>>) dst(%dma_wait3A_2656 : memref<128xf32, #tpu.memory_space<vmem>>)
    %dma_wait3A_2662 = arith.constant 15 : i32
    %dma_wait3A_2663 = arith.constant 6 : i32
    %dma_wait3A_2664 = arith.constant 15 : i32
    %dma_wait3A_2665 = arith.constant 768 : i32
    %dma_wait3A_2666 = tpu.memref_slice %arg6[%dma_wait3A_2664, %dma_wait3A_2665] : memref<16x1024xf32, #tpu.memory_space<vmem>> -> memref<1x128xf32, #tpu.memory_space<vmem>>
    %dma_wait3A_2667 = tpu.memref_squeeze %dma_wait3A_2666 : memref<1x128xf32, #tpu.memory_space<vmem>> -> memref<128xf32, #tpu.memory_space<vmem>>
    %dma_wait3A_2668 = arith.constant 0 : i32
    %dma_wait3A_2669 = tpu.memref_slice %arg5[%dma_wait3A_2662, %dma_wait3A_2663, %dma_wait3A_2668] : memref<16x8x128xi32, #tpu.memory_space<vmem>> -> memref<1x1x128xi32, #tpu.memory_space<vmem>>
    %dma_wait3A_2670 = tpu.memref_squeeze %dma_wait3A_2669 : memref<1x1x128xi32, #tpu.memory_space<vmem>> -> memref<128xi32, #tpu.memory_space<vmem>>
    %dma_wait3A_2671 = arith.constant 0 : i32
    %dma_wait3A_2672 = tpu.memref_slice %arg2[%dma_wait3A_2671] : memref<32000000xf32, #tpu.memory_space<hbm>> -> memref<32000000xf32, #tpu.memory_space<hbm>>
    tpu.wait_indirect_dma semaphore(%arg7 : memref<!tpu.dma_semaphore, #tpu.memory_space<semaphore_mem>>) src(%dma_wait3A_2672 : memref<32000000xf32, #tpu.memory_space<hbm>>) dst(%dma_wait3A_2667 : memref<128xf32, #tpu.memory_space<vmem>>)
    %dma_wait3A_2673 = arith.constant 0 : i32
    %dma_wait3A_2674 = arith.constant 7 : i32
    %dma_wait3A_2675 = arith.constant 0 : i32
    %dma_wait3A_2676 = arith.constant 896 : i32
    %dma_wait3A_2677 = tpu.memref_slice %arg6[%dma_wait3A_2675, %dma_wait3A_2676] : memref<16x1024xf32, #tpu.memory_space<vmem>> -> memref<1x128xf32, #tpu.memory_space<vmem>>
    %dma_wait3A_2678 = tpu.memref_squeeze %dma_wait3A_2677 : memref<1x128xf32, #tpu.memory_space<vmem>> -> memref<128xf32, #tpu.memory_space<vmem>>
    %dma_wait3A_2679 = arith.constant 0 : i32
    %dma_wait3A_2680 = tpu.memref_slice %arg5[%dma_wait3A_2673, %dma_wait3A_2674, %dma_wait3A_2679] : memref<16x8x128xi32, #tpu.memory_space<vmem>> -> memref<1x1x128xi32, #tpu.memory_space<vmem>>
    %dma_wait3A_2681 = tpu.memref_squeeze %dma_wait3A_2680 : memref<1x1x128xi32, #tpu.memory_space<vmem>> -> memref<128xi32, #tpu.memory_space<vmem>>
    %dma_wait3A_2682 = arith.constant 0 : i32
    %dma_wait3A_2683 = tpu.memref_slice %arg2[%dma_wait3A_2682] : memref<32000000xf32, #tpu.memory_space<hbm>> -> memref<32000000xf32, #tpu.memory_space<hbm>>
    tpu.wait_indirect_dma semaphore(%arg7 : memref<!tpu.dma_semaphore, #tpu.memory_space<semaphore_mem>>) src(%dma_wait3A_2683 : memref<32000000xf32, #tpu.memory_space<hbm>>) dst(%dma_wait3A_2678 : memref<128xf32, #tpu.memory_space<vmem>>)
    %dma_wait3A_2684 = arith.constant 1 : i32
    %dma_wait3A_2685 = arith.constant 7 : i32
    %dma_wait3A_2686 = arith.constant 1 : i32
    %dma_wait3A_2687 = arith.constant 896 : i32
    %dma_wait3A_2688 = tpu.memref_slice %arg6[%dma_wait3A_2686, %dma_wait3A_2687] : memref<16x1024xf32, #tpu.memory_space<vmem>> -> memref<1x128xf32, #tpu.memory_space<vmem>>
    %dma_wait3A_2689 = tpu.memref_squeeze %dma_wait3A_2688 : memref<1x128xf32, #tpu.memory_space<vmem>> -> memref<128xf32, #tpu.memory_space<vmem>>
    %dma_wait3A_2690 = arith.constant 0 : i32
    %dma_wait3A_2691 = tpu.memref_slice %arg5[%dma_wait3A_2684, %dma_wait3A_2685, %dma_wait3A_2690] : memref<16x8x128xi32, #tpu.memory_space<vmem>> -> memref<1x1x128xi32, #tpu.memory_space<vmem>>
    %dma_wait3A_2692 = tpu.memref_squeeze %dma_wait3A_2691 : memref<1x1x128xi32, #tpu.memory_space<vmem>> -> memref<128xi32, #tpu.memory_space<vmem>>
    %dma_wait3A_2693 = arith.constant 0 : i32
    %dma_wait3A_2694 = tpu.memref_slice %arg2[%dma_wait3A_2693] : memref<32000000xf32, #tpu.memory_space<hbm>> -> memref<32000000xf32, #tpu.memory_space<hbm>>
    tpu.wait_indirect_dma semaphore(%arg7 : memref<!tpu.dma_semaphore, #tpu.memory_space<semaphore_mem>>) src(%dma_wait3A_2694 : memref<32000000xf32, #tpu.memory_space<hbm>>) dst(%dma_wait3A_2689 : memref<128xf32, #tpu.memory_space<vmem>>)
    %dma_wait3A_2695 = arith.constant 2 : i32
    %dma_wait3A_2696 = arith.constant 7 : i32
    %dma_wait3A_2697 = arith.constant 2 : i32
    %dma_wait3A_2698 = arith.constant 896 : i32
    %dma_wait3A_2699 = tpu.memref_slice %arg6[%dma_wait3A_2697, %dma_wait3A_2698] : memref<16x1024xf32, #tpu.memory_space<vmem>> -> memref<1x128xf32, #tpu.memory_space<vmem>>
    %dma_wait3A_2700 = tpu.memref_squeeze %dma_wait3A_2699 : memref<1x128xf32, #tpu.memory_space<vmem>> -> memref<128xf32, #tpu.memory_space<vmem>>
    %dma_wait3A_2701 = arith.constant 0 : i32
    %dma_wait3A_2702 = tpu.memref_slice %arg5[%dma_wait3A_2695, %dma_wait3A_2696, %dma_wait3A_2701] : memref<16x8x128xi32, #tpu.memory_space<vmem>> -> memref<1x1x128xi32, #tpu.memory_space<vmem>>
    %dma_wait3A_2703 = tpu.memref_squeeze %dma_wait3A_2702 : memref<1x1x128xi32, #tpu.memory_space<vmem>> -> memref<128xi32, #tpu.memory_space<vmem>>
    %dma_wait3A_2704 = arith.constant 0 : i32
    %dma_wait3A_2705 = tpu.memref_slice %arg2[%dma_wait3A_2704] : memref<32000000xf32, #tpu.memory_space<hbm>> -> memref<32000000xf32, #tpu.memory_space<hbm>>
    tpu.wait_indirect_dma semaphore(%arg7 : memref<!tpu.dma_semaphore, #tpu.memory_space<semaphore_mem>>) src(%dma_wait3A_2705 : memref<32000000xf32, #tpu.memory_space<hbm>>) dst(%dma_wait3A_2700 : memref<128xf32, #tpu.memory_space<vmem>>)
    %dma_wait3A_2706 = arith.constant 3 : i32
    %dma_wait3A_2707 = arith.constant 7 : i32
    %dma_wait3A_2708 = arith.constant 3 : i32
    %dma_wait3A_2709 = arith.constant 896 : i32
    %dma_wait3A_2710 = tpu.memref_slice %arg6[%dma_wait3A_2708, %dma_wait3A_2709] : memref<16x1024xf32, #tpu.memory_space<vmem>> -> memref<1x128xf32, #tpu.memory_space<vmem>>
    %dma_wait3A_2711 = tpu.memref_squeeze %dma_wait3A_2710 : memref<1x128xf32, #tpu.memory_space<vmem>> -> memref<128xf32, #tpu.memory_space<vmem>>
    %dma_wait3A_2712 = arith.constant 0 : i32
    %dma_wait3A_2713 = tpu.memref_slice %arg5[%dma_wait3A_2706, %dma_wait3A_2707, %dma_wait3A_2712] : memref<16x8x128xi32, #tpu.memory_space<vmem>> -> memref<1x1x128xi32, #tpu.memory_space<vmem>>
    %dma_wait3A_2714 = tpu.memref_squeeze %dma_wait3A_2713 : memref<1x1x128xi32, #tpu.memory_space<vmem>> -> memref<128xi32, #tpu.memory_space<vmem>>
    %dma_wait3A_2715 = arith.constant 0 : i32
    %dma_wait3A_2716 = tpu.memref_slice %arg2[%dma_wait3A_2715] : memref<32000000xf32, #tpu.memory_space<hbm>> -> memref<32000000xf32, #tpu.memory_space<hbm>>
    tpu.wait_indirect_dma semaphore(%arg7 : memref<!tpu.dma_semaphore, #tpu.memory_space<semaphore_mem>>) src(%dma_wait3A_2716 : memref<32000000xf32, #tpu.memory_space<hbm>>) dst(%dma_wait3A_2711 : memref<128xf32, #tpu.memory_space<vmem>>)
    %dma_wait3A_2717 = arith.constant 4 : i32
    %dma_wait3A_2718 = arith.constant 7 : i32
    %dma_wait3A_2719 = arith.constant 4 : i32
    %dma_wait3A_2720 = arith.constant 896 : i32
    %dma_wait3A_2721 = tpu.memref_slice %arg6[%dma_wait3A_2719, %dma_wait3A_2720] : memref<16x1024xf32, #tpu.memory_space<vmem>> -> memref<1x128xf32, #tpu.memory_space<vmem>>
    %dma_wait3A_2722 = tpu.memref_squeeze %dma_wait3A_2721 : memref<1x128xf32, #tpu.memory_space<vmem>> -> memref<128xf32, #tpu.memory_space<vmem>>
    %dma_wait3A_2723 = arith.constant 0 : i32
    %dma_wait3A_2724 = tpu.memref_slice %arg5[%dma_wait3A_2717, %dma_wait3A_2718, %dma_wait3A_2723] : memref<16x8x128xi32, #tpu.memory_space<vmem>> -> memref<1x1x128xi32, #tpu.memory_space<vmem>>
    %dma_wait3A_2725 = tpu.memref_squeeze %dma_wait3A_2724 : memref<1x1x128xi32, #tpu.memory_space<vmem>> -> memref<128xi32, #tpu.memory_space<vmem>>
    %dma_wait3A_2726 = arith.constant 0 : i32
    %dma_wait3A_2727 = tpu.memref_slice %arg2[%dma_wait3A_2726] : memref<32000000xf32, #tpu.memory_space<hbm>> -> memref<32000000xf32, #tpu.memory_space<hbm>>
    tpu.wait_indirect_dma semaphore(%arg7 : memref<!tpu.dma_semaphore, #tpu.memory_space<semaphore_mem>>) src(%dma_wait3A_2727 : memref<32000000xf32, #tpu.memory_space<hbm>>) dst(%dma_wait3A_2722 : memref<128xf32, #tpu.memory_space<vmem>>)
    %dma_wait3A_2728 = arith.constant 5 : i32
    %dma_wait3A_2729 = arith.constant 7 : i32
    %dma_wait3A_2730 = arith.constant 5 : i32
    %dma_wait3A_2731 = arith.constant 896 : i32
    %dma_wait3A_2732 = tpu.memref_slice %arg6[%dma_wait3A_2730, %dma_wait3A_2731] : memref<16x1024xf32, #tpu.memory_space<vmem>> -> memref<1x128xf32, #tpu.memory_space<vmem>>
    %dma_wait3A_2733 = tpu.memref_squeeze %dma_wait3A_2732 : memref<1x128xf32, #tpu.memory_space<vmem>> -> memref<128xf32, #tpu.memory_space<vmem>>
    %dma_wait3A_2734 = arith.constant 0 : i32
    %dma_wait3A_2735 = tpu.memref_slice %arg5[%dma_wait3A_2728, %dma_wait3A_2729, %dma_wait3A_2734] : memref<16x8x128xi32, #tpu.memory_space<vmem>> -> memref<1x1x128xi32, #tpu.memory_space<vmem>>
    %dma_wait3A_2736 = tpu.memref_squeeze %dma_wait3A_2735 : memref<1x1x128xi32, #tpu.memory_space<vmem>> -> memref<128xi32, #tpu.memory_space<vmem>>
    %dma_wait3A_2737 = arith.constant 0 : i32
    %dma_wait3A_2738 = tpu.memref_slice %arg2[%dma_wait3A_2737] : memref<32000000xf32, #tpu.memory_space<hbm>> -> memref<32000000xf32, #tpu.memory_space<hbm>>
    tpu.wait_indirect_dma semaphore(%arg7 : memref<!tpu.dma_semaphore, #tpu.memory_space<semaphore_mem>>) src(%dma_wait3A_2738 : memref<32000000xf32, #tpu.memory_space<hbm>>) dst(%dma_wait3A_2733 : memref<128xf32, #tpu.memory_space<vmem>>)
    %dma_wait3A_2739 = arith.constant 6 : i32
    %dma_wait3A_2740 = arith.constant 7 : i32
    %dma_wait3A_2741 = arith.constant 6 : i32
    %dma_wait3A_2742 = arith.constant 896 : i32
    %dma_wait3A_2743 = tpu.memref_slice %arg6[%dma_wait3A_2741, %dma_wait3A_2742] : memref<16x1024xf32, #tpu.memory_space<vmem>> -> memref<1x128xf32, #tpu.memory_space<vmem>>
    %dma_wait3A_2744 = tpu.memref_squeeze %dma_wait3A_2743 : memref<1x128xf32, #tpu.memory_space<vmem>> -> memref<128xf32, #tpu.memory_space<vmem>>
    %dma_wait3A_2745 = arith.constant 0 : i32
    %dma_wait3A_2746 = tpu.memref_slice %arg5[%dma_wait3A_2739, %dma_wait3A_2740, %dma_wait3A_2745] : memref<16x8x128xi32, #tpu.memory_space<vmem>> -> memref<1x1x128xi32, #tpu.memory_space<vmem>>
    %dma_wait3A_2747 = tpu.memref_squeeze %dma_wait3A_2746 : memref<1x1x128xi32, #tpu.memory_space<vmem>> -> memref<128xi32, #tpu.memory_space<vmem>>
    %dma_wait3A_2748 = arith.constant 0 : i32
    %dma_wait3A_2749 = tpu.memref_slice %arg2[%dma_wait3A_2748] : memref<32000000xf32, #tpu.memory_space<hbm>> -> memref<32000000xf32, #tpu.memory_space<hbm>>
    tpu.wait_indirect_dma semaphore(%arg7 : memref<!tpu.dma_semaphore, #tpu.memory_space<semaphore_mem>>) src(%dma_wait3A_2749 : memref<32000000xf32, #tpu.memory_space<hbm>>) dst(%dma_wait3A_2744 : memref<128xf32, #tpu.memory_space<vmem>>)
    %dma_wait3A_2750 = arith.constant 7 : i32
    %dma_wait3A_2751 = arith.constant 7 : i32
    %dma_wait3A_2752 = arith.constant 7 : i32
    %dma_wait3A_2753 = arith.constant 896 : i32
    %dma_wait3A_2754 = tpu.memref_slice %arg6[%dma_wait3A_2752, %dma_wait3A_2753] : memref<16x1024xf32, #tpu.memory_space<vmem>> -> memref<1x128xf32, #tpu.memory_space<vmem>>
    %dma_wait3A_2755 = tpu.memref_squeeze %dma_wait3A_2754 : memref<1x128xf32, #tpu.memory_space<vmem>> -> memref<128xf32, #tpu.memory_space<vmem>>
    %dma_wait3A_2756 = arith.constant 0 : i32
    %dma_wait3A_2757 = tpu.memref_slice %arg5[%dma_wait3A_2750, %dma_wait3A_2751, %dma_wait3A_2756] : memref<16x8x128xi32, #tpu.memory_space<vmem>> -> memref<1x1x128xi32, #tpu.memory_space<vmem>>
    %dma_wait3A_2758 = tpu.memref_squeeze %dma_wait3A_2757 : memref<1x1x128xi32, #tpu.memory_space<vmem>> -> memref<128xi32, #tpu.memory_space<vmem>>
    %dma_wait3A_2759 = arith.constant 0 : i32
    %dma_wait3A_2760 = tpu.memref_slice %arg2[%dma_wait3A_2759] : memref<32000000xf32, #tpu.memory_space<hbm>> -> memref<32000000xf32, #tpu.memory_space<hbm>>
    tpu.wait_indirect_dma semaphore(%arg7 : memref<!tpu.dma_semaphore, #tpu.memory_space<semaphore_mem>>) src(%dma_wait3A_2760 : memref<32000000xf32, #tpu.memory_space<hbm>>) dst(%dma_wait3A_2755 : memref<128xf32, #tpu.memory_space<vmem>>)
    %dma_wait3A_2761 = arith.constant 8 : i32
    %dma_wait3A_2762 = arith.constant 7 : i32
    %dma_wait3A_2763 = arith.constant 8 : i32
    %dma_wait3A_2764 = arith.constant 896 : i32
    %dma_wait3A_2765 = tpu.memref_slice %arg6[%dma_wait3A_2763, %dma_wait3A_2764] : memref<16x1024xf32, #tpu.memory_space<vmem>> -> memref<1x128xf32, #tpu.memory_space<vmem>>
    %dma_wait3A_2766 = tpu.memref_squeeze %dma_wait3A_2765 : memref<1x128xf32, #tpu.memory_space<vmem>> -> memref<128xf32, #tpu.memory_space<vmem>>
    %dma_wait3A_2767 = arith.constant 0 : i32
    %dma_wait3A_2768 = tpu.memref_slice %arg5[%dma_wait3A_2761, %dma_wait3A_2762, %dma_wait3A_2767] : memref<16x8x128xi32, #tpu.memory_space<vmem>> -> memref<1x1x128xi32, #tpu.memory_space<vmem>>
    %dma_wait3A_2769 = tpu.memref_squeeze %dma_wait3A_2768 : memref<1x1x128xi32, #tpu.memory_space<vmem>> -> memref<128xi32, #tpu.memory_space<vmem>>
    %dma_wait3A_2770 = arith.constant 0 : i32
    %dma_wait3A_2771 = tpu.memref_slice %arg2[%dma_wait3A_2770] : memref<32000000xf32, #tpu.memory_space<hbm>> -> memref<32000000xf32, #tpu.memory_space<hbm>>
    tpu.wait_indirect_dma semaphore(%arg7 : memref<!tpu.dma_semaphore, #tpu.memory_space<semaphore_mem>>) src(%dma_wait3A_2771 : memref<32000000xf32, #tpu.memory_space<hbm>>) dst(%dma_wait3A_2766 : memref<128xf32, #tpu.memory_space<vmem>>)
    %dma_wait3A_2772 = arith.constant 9 : i32
    %dma_wait3A_2773 = arith.constant 7 : i32
    %dma_wait3A_2774 = arith.constant 9 : i32
    %dma_wait3A_2775 = arith.constant 896 : i32
    %dma_wait3A_2776 = tpu.memref_slice %arg6[%dma_wait3A_2774, %dma_wait3A_2775] : memref<16x1024xf32, #tpu.memory_space<vmem>> -> memref<1x128xf32, #tpu.memory_space<vmem>>
    %dma_wait3A_2777 = tpu.memref_squeeze %dma_wait3A_2776 : memref<1x128xf32, #tpu.memory_space<vmem>> -> memref<128xf32, #tpu.memory_space<vmem>>
    %dma_wait3A_2778 = arith.constant 0 : i32
    %dma_wait3A_2779 = tpu.memref_slice %arg5[%dma_wait3A_2772, %dma_wait3A_2773, %dma_wait3A_2778] : memref<16x8x128xi32, #tpu.memory_space<vmem>> -> memref<1x1x128xi32, #tpu.memory_space<vmem>>
    %dma_wait3A_2780 = tpu.memref_squeeze %dma_wait3A_2779 : memref<1x1x128xi32, #tpu.memory_space<vmem>> -> memref<128xi32, #tpu.memory_space<vmem>>
    %dma_wait3A_2781 = arith.constant 0 : i32
    %dma_wait3A_2782 = tpu.memref_slice %arg2[%dma_wait3A_2781] : memref<32000000xf32, #tpu.memory_space<hbm>> -> memref<32000000xf32, #tpu.memory_space<hbm>>
    tpu.wait_indirect_dma semaphore(%arg7 : memref<!tpu.dma_semaphore, #tpu.memory_space<semaphore_mem>>) src(%dma_wait3A_2782 : memref<32000000xf32, #tpu.memory_space<hbm>>) dst(%dma_wait3A_2777 : memref<128xf32, #tpu.memory_space<vmem>>)
    %dma_wait3A_2783 = arith.constant 10 : i32
    %dma_wait3A_2784 = arith.constant 7 : i32
    %dma_wait3A_2785 = arith.constant 10 : i32
    %dma_wait3A_2786 = arith.constant 896 : i32
    %dma_wait3A_2787 = tpu.memref_slice %arg6[%dma_wait3A_2785, %dma_wait3A_2786] : memref<16x1024xf32, #tpu.memory_space<vmem>> -> memref<1x128xf32, #tpu.memory_space<vmem>>
    %dma_wait3A_2788 = tpu.memref_squeeze %dma_wait3A_2787 : memref<1x128xf32, #tpu.memory_space<vmem>> -> memref<128xf32, #tpu.memory_space<vmem>>
    %dma_wait3A_2789 = arith.constant 0 : i32
    %dma_wait3A_2790 = tpu.memref_slice %arg5[%dma_wait3A_2783, %dma_wait3A_2784, %dma_wait3A_2789] : memref<16x8x128xi32, #tpu.memory_space<vmem>> -> memref<1x1x128xi32, #tpu.memory_space<vmem>>
    %dma_wait3A_2791 = tpu.memref_squeeze %dma_wait3A_2790 : memref<1x1x128xi32, #tpu.memory_space<vmem>> -> memref<128xi32, #tpu.memory_space<vmem>>
    %dma_wait3A_2792 = arith.constant 0 : i32
    %dma_wait3A_2793 = tpu.memref_slice %arg2[%dma_wait3A_2792] : memref<32000000xf32, #tpu.memory_space<hbm>> -> memref<32000000xf32, #tpu.memory_space<hbm>>
    tpu.wait_indirect_dma semaphore(%arg7 : memref<!tpu.dma_semaphore, #tpu.memory_space<semaphore_mem>>) src(%dma_wait3A_2793 : memref<32000000xf32, #tpu.memory_space<hbm>>) dst(%dma_wait3A_2788 : memref<128xf32, #tpu.memory_space<vmem>>)
    %dma_wait3A_2794 = arith.constant 11 : i32
    %dma_wait3A_2795 = arith.constant 7 : i32
    %dma_wait3A_2796 = arith.constant 11 : i32
    %dma_wait3A_2797 = arith.constant 896 : i32
    %dma_wait3A_2798 = tpu.memref_slice %arg6[%dma_wait3A_2796, %dma_wait3A_2797] : memref<16x1024xf32, #tpu.memory_space<vmem>> -> memref<1x128xf32, #tpu.memory_space<vmem>>
    %dma_wait3A_2799 = tpu.memref_squeeze %dma_wait3A_2798 : memref<1x128xf32, #tpu.memory_space<vmem>> -> memref<128xf32, #tpu.memory_space<vmem>>
    %dma_wait3A_2800 = arith.constant 0 : i32
    %dma_wait3A_2801 = tpu.memref_slice %arg5[%dma_wait3A_2794, %dma_wait3A_2795, %dma_wait3A_2800] : memref<16x8x128xi32, #tpu.memory_space<vmem>> -> memref<1x1x128xi32, #tpu.memory_space<vmem>>
    %dma_wait3A_2802 = tpu.memref_squeeze %dma_wait3A_2801 : memref<1x1x128xi32, #tpu.memory_space<vmem>> -> memref<128xi32, #tpu.memory_space<vmem>>
    %dma_wait3A_2803 = arith.constant 0 : i32
    %dma_wait3A_2804 = tpu.memref_slice %arg2[%dma_wait3A_2803] : memref<32000000xf32, #tpu.memory_space<hbm>> -> memref<32000000xf32, #tpu.memory_space<hbm>>
    tpu.wait_indirect_dma semaphore(%arg7 : memref<!tpu.dma_semaphore, #tpu.memory_space<semaphore_mem>>) src(%dma_wait3A_2804 : memref<32000000xf32, #tpu.memory_space<hbm>>) dst(%dma_wait3A_2799 : memref<128xf32, #tpu.memory_space<vmem>>)
    %dma_wait3A_2805 = arith.constant 12 : i32
    %dma_wait3A_2806 = arith.constant 7 : i32
    %dma_wait3A_2807 = arith.constant 12 : i32
    %dma_wait3A_2808 = arith.constant 896 : i32
    %dma_wait3A_2809 = tpu.memref_slice %arg6[%dma_wait3A_2807, %dma_wait3A_2808] : memref<16x1024xf32, #tpu.memory_space<vmem>> -> memref<1x128xf32, #tpu.memory_space<vmem>>
    %dma_wait3A_2810 = tpu.memref_squeeze %dma_wait3A_2809 : memref<1x128xf32, #tpu.memory_space<vmem>> -> memref<128xf32, #tpu.memory_space<vmem>>
    %dma_wait3A_2811 = arith.constant 0 : i32
    %dma_wait3A_2812 = tpu.memref_slice %arg5[%dma_wait3A_2805, %dma_wait3A_2806, %dma_wait3A_2811] : memref<16x8x128xi32, #tpu.memory_space<vmem>> -> memref<1x1x128xi32, #tpu.memory_space<vmem>>
    %dma_wait3A_2813 = tpu.memref_squeeze %dma_wait3A_2812 : memref<1x1x128xi32, #tpu.memory_space<vmem>> -> memref<128xi32, #tpu.memory_space<vmem>>
    %dma_wait3A_2814 = arith.constant 0 : i32
    %dma_wait3A_2815 = tpu.memref_slice %arg2[%dma_wait3A_2814] : memref<32000000xf32, #tpu.memory_space<hbm>> -> memref<32000000xf32, #tpu.memory_space<hbm>>
    tpu.wait_indirect_dma semaphore(%arg7 : memref<!tpu.dma_semaphore, #tpu.memory_space<semaphore_mem>>) src(%dma_wait3A_2815 : memref<32000000xf32, #tpu.memory_space<hbm>>) dst(%dma_wait3A_2810 : memref<128xf32, #tpu.memory_space<vmem>>)
    %dma_wait3A_2816 = arith.constant 13 : i32
    %dma_wait3A_2817 = arith.constant 7 : i32
    %dma_wait3A_2818 = arith.constant 13 : i32
    %dma_wait3A_2819 = arith.constant 896 : i32
    %dma_wait3A_2820 = tpu.memref_slice %arg6[%dma_wait3A_2818, %dma_wait3A_2819] : memref<16x1024xf32, #tpu.memory_space<vmem>> -> memref<1x128xf32, #tpu.memory_space<vmem>>
    %dma_wait3A_2821 = tpu.memref_squeeze %dma_wait3A_2820 : memref<1x128xf32, #tpu.memory_space<vmem>> -> memref<128xf32, #tpu.memory_space<vmem>>
    %dma_wait3A_2822 = arith.constant 0 : i32
    %dma_wait3A_2823 = tpu.memref_slice %arg5[%dma_wait3A_2816, %dma_wait3A_2817, %dma_wait3A_2822] : memref<16x8x128xi32, #tpu.memory_space<vmem>> -> memref<1x1x128xi32, #tpu.memory_space<vmem>>
    %dma_wait3A_2824 = tpu.memref_squeeze %dma_wait3A_2823 : memref<1x1x128xi32, #tpu.memory_space<vmem>> -> memref<128xi32, #tpu.memory_space<vmem>>
    %dma_wait3A_2825 = arith.constant 0 : i32
    %dma_wait3A_2826 = tpu.memref_slice %arg2[%dma_wait3A_2825] : memref<32000000xf32, #tpu.memory_space<hbm>> -> memref<32000000xf32, #tpu.memory_space<hbm>>
    tpu.wait_indirect_dma semaphore(%arg7 : memref<!tpu.dma_semaphore, #tpu.memory_space<semaphore_mem>>) src(%dma_wait3A_2826 : memref<32000000xf32, #tpu.memory_space<hbm>>) dst(%dma_wait3A_2821 : memref<128xf32, #tpu.memory_space<vmem>>)
    %dma_wait3A_2827 = arith.constant 14 : i32
    %dma_wait3A_2828 = arith.constant 7 : i32
    %dma_wait3A_2829 = arith.constant 14 : i32
    %dma_wait3A_2830 = arith.constant 896 : i32
    %dma_wait3A_2831 = tpu.memref_slice %arg6[%dma_wait3A_2829, %dma_wait3A_2830] : memref<16x1024xf32, #tpu.memory_space<vmem>> -> memref<1x128xf32, #tpu.memory_space<vmem>>
    %dma_wait3A_2832 = tpu.memref_squeeze %dma_wait3A_2831 : memref<1x128xf32, #tpu.memory_space<vmem>> -> memref<128xf32, #tpu.memory_space<vmem>>
    %dma_wait3A_2833 = arith.constant 0 : i32
    %dma_wait3A_2834 = tpu.memref_slice %arg5[%dma_wait3A_2827, %dma_wait3A_2828, %dma_wait3A_2833] : memref<16x8x128xi32, #tpu.memory_space<vmem>> -> memref<1x1x128xi32, #tpu.memory_space<vmem>>
    %dma_wait3A_2835 = tpu.memref_squeeze %dma_wait3A_2834 : memref<1x1x128xi32, #tpu.memory_space<vmem>> -> memref<128xi32, #tpu.memory_space<vmem>>
    %dma_wait3A_2836 = arith.constant 0 : i32
    %dma_wait3A_2837 = tpu.memref_slice %arg2[%dma_wait3A_2836] : memref<32000000xf32, #tpu.memory_space<hbm>> -> memref<32000000xf32, #tpu.memory_space<hbm>>
    tpu.wait_indirect_dma semaphore(%arg7 : memref<!tpu.dma_semaphore, #tpu.memory_space<semaphore_mem>>) src(%dma_wait3A_2837 : memref<32000000xf32, #tpu.memory_space<hbm>>) dst(%dma_wait3A_2832 : memref<128xf32, #tpu.memory_space<vmem>>)
    %dma_wait3A_2838 = arith.constant 15 : i32
    %dma_wait3A_2839 = arith.constant 7 : i32
    %dma_wait3A_2840 = arith.constant 15 : i32
    %dma_wait3A_2841 = arith.constant 896 : i32
    %dma_wait3A_2842 = tpu.memref_slice %arg6[%dma_wait3A_2840, %dma_wait3A_2841] : memref<16x1024xf32, #tpu.memory_space<vmem>> -> memref<1x128xf32, #tpu.memory_space<vmem>>
    %dma_wait3A_2843 = tpu.memref_squeeze %dma_wait3A_2842 : memref<1x128xf32, #tpu.memory_space<vmem>> -> memref<128xf32, #tpu.memory_space<vmem>>
    %dma_wait3A_2844 = arith.constant 0 : i32
    %dma_wait3A_2845 = tpu.memref_slice %arg5[%dma_wait3A_2838, %dma_wait3A_2839, %dma_wait3A_2844] : memref<16x8x128xi32, #tpu.memory_space<vmem>> -> memref<1x1x128xi32, #tpu.memory_space<vmem>>
    %dma_wait3A_2846 = tpu.memref_squeeze %dma_wait3A_2845 : memref<1x1x128xi32, #tpu.memory_space<vmem>> -> memref<128xi32, #tpu.memory_space<vmem>>
    %dma_wait3A_2847 = arith.constant 0 : i32
    %dma_wait3A_2848 = tpu.memref_slice %arg2[%dma_wait3A_2847] : memref<32000000xf32, #tpu.memory_space<hbm>> -> memref<32000000xf32, #tpu.memory_space<hbm>>
    tpu.wait_indirect_dma semaphore(%arg7 : memref<!tpu.dma_semaphore, #tpu.memory_space<semaphore_mem>>) src(%dma_wait3A_2848 : memref<32000000xf32, #tpu.memory_space<hbm>>) dst(%dma_wait3A_2843 : memref<128xf32, #tpu.memory_space<vmem>>)
    "tpu.region"() ({
      %run_scoped3A = tpu.sem_alloc : memref<!tpu.dma_semaphore, #tpu.memory_space<semaphore_mem>>
      %dma_start3A_2849 = tpu.memref_slice %arg4[%mul3A_18, %mul3A_34] : memref<32x16384xf32, #tpu.memory_space<hbm>> -> memref<16x1024xf32, #tpu.memory_space<hbm>>
      %dma_start3A_2850 = tpu.memref_slice %arg4[%mul3A_18, %mul3A_34] : memref<32x16384xf32, #tpu.memory_space<hbm>> -> memref<16x1024xf32, #tpu.memory_space<hbm>>
      tpu.enqueue_dma source(%arg6 : memref<16x1024xf32, #tpu.memory_space<vmem>>) target(%dma_start3A_2850 : memref<16x1024xf32, #tpu.memory_space<hbm>>) target_semaphore(%run_scoped3A : memref<!tpu.dma_semaphore, #tpu.memory_space<semaphore_mem>>)
      %dma_wait3A_2851 = tpu.memref_slice %arg4[%mul3A_18, %mul3A_34] : memref<32x16384xf32, #tpu.memory_space<hbm>> -> memref<16x1024xf32, #tpu.memory_space<hbm>>
      %dma_wait3A_2852 = tpu.memref_slice %arg4[%mul3A_18, %mul3A_34] : memref<32x16384xf32, #tpu.memory_space<hbm>> -> memref<16x1024xf32, #tpu.memory_space<hbm>>
      tpu.wait_dma2 semaphore(%run_scoped3A : memref<!tpu.dma_semaphore, #tpu.memory_space<semaphore_mem>>) src(%arg6 : memref<16x1024xf32, #tpu.memory_space<vmem>>) dst(%dma_wait3A_2852 : memref<16x1024xf32, #tpu.memory_space<hbm>>)
      tpu.yield
    }) : () -> ()
    return
  }
}

module attributes {stable_mosaic.version = 14 : i64} {
  func.func @_mlp_t_body(%arg0: memref<32x16384xf32, #tpu.memory_space<vmem>>, %arg1: memref<32x64xf32, #tpu.memory_space<vmem>>, %arg2: memref<64xf32, #tpu.memory_space<vmem>>, %arg3: memref<64xf32, #tpu.memory_space<vmem>>, %arg4: memref<64xf32, #tpu.memory_space<vmem>>, %arg5: memref<64x32xf32, #tpu.memory_space<vmem>>, %arg6: memref<32xf32, #tpu.memory_space<vmem>>, %arg7: memref<32xf32, #tpu.memory_space<vmem>>, %arg8: memref<32xf32, #tpu.memory_space<vmem>>, %arg9: memref<48x1xf32, #tpu.memory_space<vmem>>, %arg10: memref<1xf32, #tpu.memory_space<vmem>>, %arg11: memref<1x16384xf32, #tpu.memory_space<vmem>>) attributes {dimension_semantics = [], scalar_prefetch = 0 : i64, scratch_operands = 0 : i64, tpu.core_type = #tpu.core_type<tc>} {
    %get3A = arith.constant 0 : index
    %get3A_0 = arith.constant 0 : index
    %get3A_1 = vector.load %arg0[%get3A, %get3A_0] : memref<32x16384xf32, #tpu.memory_space<vmem>>, vector<32x16384xf32>
    %get3A_2 = arith.constant 0 : index
    %get3A_3 = arith.constant 0 : index
    %get3A_4 = vector.load %arg1[%get3A_2, %get3A_3] : memref<32x64xf32, #tpu.memory_space<vmem>>, vector<32x64xf32>
    %dot_general3A = arith.constant dense<0.000000e+00> : vector<64x16384xf32>
    %dot_general3A_5 = tpu.matmul %get3A_4, %get3A_1, %dot_general3A {dimension_numbers = #tpu.dot_dimension_numbers<[0], [0], [1], [1], [0, 1, 1, 1], [], []>, transpose_lhs_hint = false} : vector<32x64xf32>, vector<32x16384xf32>, vector<64x16384xf32> -> vector<64x16384xf32>
    %get3A_6 = arith.constant 0 : index
    %get3A_7 = vector.load %arg2[%get3A_6] : memref<64xf32, #tpu.memory_space<vmem>>, vector<64xf32>
    %broadcast_in_dim3A = vector.shape_cast %get3A_7 : vector<64xf32> to vector<64x1xf32>
    %add3A = vector.broadcast %broadcast_in_dim3A : vector<64x1xf32> to vector<64x16384xf32>
    %add3A_8 = arith.addf %dot_general3A_5, %add3A : vector<64x16384xf32>
    %reduce_sum3A = arith.constant dense<0.000000e+00> : vector<64xf32>
    %reduce_sum3A_9 = vector.multi_reduction <add>, %add3A_8, %reduce_sum3A [1] : vector<64x16384xf32> to vector<64xf32>
    %broadcast_in_dim3A_10 = vector.shape_cast %reduce_sum3A_9 : vector<64xf32> to vector<64x1xf32>
    %div3A = arith.constant 1.638400e+04 : f32
    %div3A_11 = vector.broadcast %div3A : f32 to vector<64x1xf32>
    %div3A_12 = arith.divf %broadcast_in_dim3A_10, %div3A_11 : vector<64x1xf32>
    %mul3A = arith.mulf %add3A_8, %add3A_8 : vector<64x16384xf32>
    %reduce_sum3A_13 = arith.constant dense<0.000000e+00> : vector<64xf32>
    %reduce_sum3A_14 = vector.multi_reduction <add>, %mul3A, %reduce_sum3A_13 [1] : vector<64x16384xf32> to vector<64xf32>
    %broadcast_in_dim3A_15 = vector.shape_cast %reduce_sum3A_14 : vector<64xf32> to vector<64x1xf32>
    %div3A_16 = arith.constant 1.638400e+04 : f32
    %div3A_17 = vector.broadcast %div3A_16 : f32 to vector<64x1xf32>
    %div3A_18 = arith.divf %broadcast_in_dim3A_15, %div3A_17 : vector<64x1xf32>
    %get3A_19 = arith.constant 0 : index
    %get3A_20 = vector.load %arg3[%get3A_19] : memref<64xf32, #tpu.memory_space<vmem>>, vector<64xf32>
    %broadcast_in_dim3A_21 = vector.shape_cast %get3A_20 : vector<64xf32> to vector<64x1xf32>
    %mul3A_22 = arith.mulf %div3A_12, %div3A_12 : vector<64x1xf32>
    %sub3A = arith.subf %div3A_18, %mul3A_22 : vector<64x1xf32>
    %add3A_23 = arith.constant 9.99999974E-6 : f32
    %add3A_24 = vector.broadcast %add3A_23 : f32 to vector<64x1xf32>
    %add3A_25 = arith.addf %sub3A, %add3A_24 : vector<64x1xf32>
    %rsqrt3A = math.rsqrt %add3A_25 : vector<64x1xf32>
    %mul3A_26 = arith.mulf %broadcast_in_dim3A_21, %rsqrt3A : vector<64x1xf32>
    %mul3A_27 = vector.broadcast %mul3A_26 : vector<64x1xf32> to vector<64x16384xf32>
    %mul3A_28 = arith.mulf %add3A_8, %mul3A_27 : vector<64x16384xf32>
    %get3A_29 = arith.constant 0 : index
    %get3A_30 = vector.load %arg4[%get3A_29] : memref<64xf32, #tpu.memory_space<vmem>>, vector<64xf32>
    %broadcast_in_dim3A_31 = vector.shape_cast %get3A_30 : vector<64xf32> to vector<64x1xf32>
    %mul3A_32 = arith.mulf %mul3A_26, %div3A_12 : vector<64x1xf32>
    %sub3A_33 = arith.subf %broadcast_in_dim3A_31, %mul3A_32 : vector<64x1xf32>
    %add3A_34 = vector.broadcast %sub3A_33 : vector<64x1xf32> to vector<64x16384xf32>
    %add3A_35 = arith.addf %mul3A_28, %add3A_34 : vector<64x16384xf32>
    %max3A = arith.constant 0.000000e+00 : f32
    %max3A_36 = vector.broadcast %max3A : f32 to vector<64x16384xf32>
    %max3A_37 = arith.maximumf %add3A_35, %max3A_36 : vector<64x16384xf32>
    %get3A_38 = arith.constant 0 : index
    %get3A_39 = arith.constant 0 : index
    %get3A_40 = vector.load %arg5[%get3A_38, %get3A_39] : memref<64x32xf32, #tpu.memory_space<vmem>>, vector<64x32xf32>
    %dot_general3A_41 = arith.constant dense<0.000000e+00> : vector<32x16384xf32>
    %dot_general3A_42 = tpu.matmul %get3A_40, %max3A_37, %dot_general3A_41 {dimension_numbers = #tpu.dot_dimension_numbers<[0], [0], [1], [1], [0, 1, 1, 1], [], []>, transpose_lhs_hint = false} : vector<64x32xf32>, vector<64x16384xf32>, vector<32x16384xf32> -> vector<32x16384xf32>
    %get3A_43 = arith.constant 0 : index
    %get3A_44 = vector.load %arg6[%get3A_43] : memref<32xf32, #tpu.memory_space<vmem>>, vector<32xf32>
    %broadcast_in_dim3A_45 = vector.shape_cast %get3A_44 : vector<32xf32> to vector<32x1xf32>
    %add3A_46 = vector.broadcast %broadcast_in_dim3A_45 : vector<32x1xf32> to vector<32x16384xf32>
    %add3A_47 = arith.addf %dot_general3A_42, %add3A_46 : vector<32x16384xf32>
    %reduce_sum3A_48 = arith.constant dense<0.000000e+00> : vector<32xf32>
    %reduce_sum3A_49 = vector.multi_reduction <add>, %add3A_47, %reduce_sum3A_48 [1] : vector<32x16384xf32> to vector<32xf32>
    %broadcast_in_dim3A_50 = vector.shape_cast %reduce_sum3A_49 : vector<32xf32> to vector<32x1xf32>
    %div3A_51 = arith.constant 1.638400e+04 : f32
    %div3A_52 = vector.broadcast %div3A_51 : f32 to vector<32x1xf32>
    %div3A_53 = arith.divf %broadcast_in_dim3A_50, %div3A_52 : vector<32x1xf32>
    %mul3A_54 = arith.mulf %add3A_47, %add3A_47 : vector<32x16384xf32>
    %reduce_sum3A_55 = arith.constant dense<0.000000e+00> : vector<32xf32>
    %reduce_sum3A_56 = vector.multi_reduction <add>, %mul3A_54, %reduce_sum3A_55 [1] : vector<32x16384xf32> to vector<32xf32>
    %broadcast_in_dim3A_57 = vector.shape_cast %reduce_sum3A_56 : vector<32xf32> to vector<32x1xf32>
    %div3A_58 = arith.constant 1.638400e+04 : f32
    %div3A_59 = vector.broadcast %div3A_58 : f32 to vector<32x1xf32>
    %div3A_60 = arith.divf %broadcast_in_dim3A_57, %div3A_59 : vector<32x1xf32>
    %get3A_61 = arith.constant 0 : index
    %get3A_62 = vector.load %arg7[%get3A_61] : memref<32xf32, #tpu.memory_space<vmem>>, vector<32xf32>
    %broadcast_in_dim3A_63 = vector.shape_cast %get3A_62 : vector<32xf32> to vector<32x1xf32>
    %mul3A_64 = arith.mulf %div3A_53, %div3A_53 : vector<32x1xf32>
    %sub3A_65 = arith.subf %div3A_60, %mul3A_64 : vector<32x1xf32>
    %add3A_66 = arith.constant 9.99999974E-6 : f32
    %add3A_67 = vector.broadcast %add3A_66 : f32 to vector<32x1xf32>
    %add3A_68 = arith.addf %sub3A_65, %add3A_67 : vector<32x1xf32>
    %rsqrt3A_69 = math.rsqrt %add3A_68 : vector<32x1xf32>
    %mul3A_70 = arith.mulf %broadcast_in_dim3A_63, %rsqrt3A_69 : vector<32x1xf32>
    %mul3A_71 = vector.broadcast %mul3A_70 : vector<32x1xf32> to vector<32x16384xf32>
    %mul3A_72 = arith.mulf %add3A_47, %mul3A_71 : vector<32x16384xf32>
    %get3A_73 = arith.constant 0 : index
    %get3A_74 = vector.load %arg8[%get3A_73] : memref<32xf32, #tpu.memory_space<vmem>>, vector<32xf32>
    %broadcast_in_dim3A_75 = vector.shape_cast %get3A_74 : vector<32xf32> to vector<32x1xf32>
    %mul3A_76 = arith.mulf %mul3A_70, %div3A_53 : vector<32x1xf32>
    %sub3A_77 = arith.subf %broadcast_in_dim3A_75, %mul3A_76 : vector<32x1xf32>
    %add3A_78 = vector.broadcast %sub3A_77 : vector<32x1xf32> to vector<32x16384xf32>
    %add3A_79 = arith.addf %mul3A_72, %add3A_78 : vector<32x16384xf32>
    %max3A_80 = arith.constant 0.000000e+00 : f32
    %max3A_81 = vector.broadcast %max3A_80 : f32 to vector<32x16384xf32>
    %max3A_82 = arith.maximumf %add3A_79, %max3A_81 : vector<32x16384xf32>
    %slice3A = vector.extract_strided_slice %get3A_1 {offsets = [0, 0], sizes = [16, 16384], strides = [1, 1]} : vector<32x16384xf32> to vector<16x16384xf32>
    %slice3A_83 = vector.extract_strided_slice %get3A_1 {offsets = [16, 0], sizes = [16, 16384], strides = [1, 1]} : vector<32x16384xf32> to vector<16x16384xf32>
    %mul3A_84 = arith.mulf %slice3A, %slice3A_83 : vector<16x16384xf32>
    %get3A_85 = arith.constant 0 : index
    %get3A_86 = arith.constant 0 : index
    %get3A_87 = vector.load %arg9[%get3A_85, %get3A_86] : memref<48x1xf32, #tpu.memory_space<vmem>>, vector<48x1xf32>
    %slice3A_88 = vector.extract_strided_slice %get3A_87 {offsets = [0, 0], sizes = [16, 1], strides = [1, 1]} : vector<48x1xf32> to vector<16x1xf32>
    %dot_general3A_89 = arith.constant dense<0.000000e+00> : vector<1x16384xf32>
    %dot_general3A_90 = tpu.matmul %slice3A_88, %mul3A_84, %dot_general3A_89 {dimension_numbers = #tpu.dot_dimension_numbers<[0], [0], [1], [1], [0, 1, 1, 1], [], []>, transpose_lhs_hint = false} : vector<16x1xf32>, vector<16x16384xf32>, vector<1x16384xf32> -> vector<1x16384xf32>
    %slice3A_91 = vector.extract_strided_slice %get3A_87 {offsets = [16, 0], sizes = [32, 1], strides = [1, 1]} : vector<48x1xf32> to vector<32x1xf32>
    %dot_general3A_92 = arith.constant dense<0.000000e+00> : vector<1x16384xf32>
    %dot_general3A_93 = tpu.matmul %slice3A_91, %max3A_82, %dot_general3A_92 {dimension_numbers = #tpu.dot_dimension_numbers<[0], [0], [1], [1], [0, 1, 1, 1], [], []>, transpose_lhs_hint = false} : vector<32x1xf32>, vector<32x16384xf32>, vector<1x16384xf32> -> vector<1x16384xf32>
    %add3A_94 = arith.addf %dot_general3A_90, %dot_general3A_93 : vector<1x16384xf32>
    %get3A_95 = arith.constant 0 : index
    %get3A_96 = vector.load %arg10[%get3A_95] : memref<1xf32, #tpu.memory_space<vmem>>, vector<1xf32>
    %broadcast_in_dim3A_97 = vector.shape_cast %get3A_96 : vector<1xf32> to vector<1x1xf32>
    %add3A_98 = vector.broadcast %broadcast_in_dim3A_97 : vector<1x1xf32> to vector<1x16384xf32>
    %add3A_99 = arith.addf %add3A_94, %add3A_98 : vector<1x16384xf32>
    %swap3A = arith.constant 0 : index
    %swap3A_100 = arith.constant 0 : index
    %swap3A_101 = vector.load %arg11[%swap3A, %swap3A_100] : memref<1x16384xf32, #tpu.memory_space<vmem>>, vector<1x16384xf32>
    tpu.vector_store %arg11[%swap3A, %swap3A_100], %add3A_99 {strides = array<i32>} : memref<1x16384xf32, #tpu.memory_space<vmem>>, vector<1x16384xf32>,
    return
  }
}

</mosaic_0001>

<sc_bundles>
// kernel: kernel.4.cloned.1.call-start
scs
__scs_entry_jumppad:
0x0: {  	(pc) =	sbr.rel $0x88, $3  }
0x1: {  	(tag) =	ssettag $0x0;
	lr =	simm.s32 $0x1  }
0x2: {  	[smem:$0x3F95] =	sst lr;
	_ =	strace $0xD0000000  }
0x3: {  	_ = 	snop  }
0x4: {  	_ = 	snop  }
0x5: {  	_ = 	snop  }
0x6: {  	_ = 	snop  }
0x7: {  	_ = 	snop  }
__scs_overlays_trampoline_lowered:
0x8: {  	[smem:$0x3FA4] =	sst s0  }
0x9: {  	[smem:$0x3FA5] =	sst s1  }
0xa: {  	[smem:$0x3FA6] =	sst s2  }
0xb: {  	[smem:$0x3FA7] =	sst s3  }
0xc: {  	[smem:$0x3FA8] =	sst s4  }
0xd: {  	[smem:$0x3FA9] =	sst s5  }
0xe: {  	[smem:$0x3FAA] =	sst s6  }
0xf: {  	[smem:$0x3FAB] =	sst s7  }
0x10: {  	[smem:$0x3FAC] =	sst s8  }
0x11: {  	[smem:$0x3FAD] =	sst s9;
	s0 =	simm.s32 @!p0 $0x0  }
0x12: {  	s1 =	sld [smem:$0x3F93];
	s0 =	simm.s32 @p0 $0x1  }
0x13: {  	[smem:$0x3FAE] =	sst s0;
	s0 =	simm.s32 @!p1 $0x0  }
0x14: {  	s2 =	sld [smem:$0x3F92];
	s0 =	simm.s32 @p1 $0x1  }
0x15: {  	[smem:$0x3FAF] =	sst s0;
	s0 =	simm.s32 @!p2 $0x0  }
0x16: {  	s3 =	sld [smem:$0x3FDB];
	s0 =	simm.s32 @p2 $0x1  }
0x17: {  	s4 =	simm.s32 $0x1BF5;
	[smem:$0x3FB1] =	sst s0  }
0x18: {  	s0 =	sld [smem:$0x3F94];
	_ =	swait.ge [sflag:s4], $0x0  }
0x19: {  	s7 =	sld [smem:$0x3F95]  }
0x1a: {  	s8 =	sadd.s32 $0xFFFFE003, lr  }
0x1b: {  	s9 =	sadd.s32 $0xFFFFFEF7, lr;
	s5 =	simm.s32 $0xFFFFFFFF;
	p2 =	slt.u32 s8, $0xFFFFF086  }
0x1c: {  	p1 =	slt.u32 s9, $0xF7A;
	s5 =	simm.s32 @!p2 $0x0  }
0x1d: {  	s5 =	simm.s32 @p1 $0x1;
	p0 =	seq.s32 s7, s2  }
0x1e: {  	s7 =	smul.u32 @!p0 $0xF7A, s2;
	p2 =	seq.s32 @!p0 s5, $0x0  }
0x1f: {  	s9 =	smul.u32 $0xF7A, s1;
	s8 =	simm.s32 @!p0 $0x1BF5;
	p2 =	por !p2, p0  }
0x20: {  	[sflag:s8] =	ssyncset.s32 @!p0 $0xFFFFF086;
	s6 =	sadd.s32 @!p0 s3, s7;
	s7 =	simm.s32 @!p0 $0x108  }
0x21: {  	s3 =	sadd.s32 s3, s9;
	s6 =	sadd.s32 @!p0 $0x88, s6;
	s7 =	simm.s32 @p2 $0x1082  }
0x22: {  	[simem:s7], [sflag:s8] =	dma.local @!p0 [hbm:s6], $0xF7A  }
0x23: {  	s9 =	sor.u32 $0xD0000000, s2;
	s6 =	simm.s32 $0x108;
	_ =	swait.ge @!p0 [sflag:s8], $0x0  }
0x24: {  	s3 =	sadd.s32 $0x88, s3;
	s6 =	simm.s32 @!p1 $0x1082;
	[sflag:s4] =	ssyncset.s32 $0xFFFFF086  }
0x25: {  	[simem:s6], [sflag:s4] =	dma.local [hbm:s3], $0xF7A  }
0x26: {  	[smem:$0x3F95] =	sst s1;
	(tag) =	ssettag s2;
	_ =	strace s9  }
0x27: {  	s1 =	sld [smem:$0x3FA5]  }
0x28: {  	s2 =	sld [smem:$0x3FA6]  }
0x29: {  	s4 =	sld [smem:$0x3FA8]  }
0x2a: {  	p0 =	seq.s32 s5, $0x0;
	s5 =	sld [smem:$0x3FA9]  }
0x2b: {  	s6 =	sld [smem:$0x3FAA]  }
0x2c: {  	s7 =	sld [smem:$0x3FAB]  }
0x2d: {  	s3 =	simm.s32 $0x108;
	s8 =	sld [smem:$0x3FAC]  }
0x2e: {  	s3 =	simm.s32 @!p0 $0x1082;
	s9 =	sld [smem:$0x3FAD]  }
0x2f: {  	lr =	sadd.s32 s0, s3;
	s0 =	sld [smem:$0x3FA4]  }
0x30: {  	s3 =	sld [smem:$0x3FA7]  }
0x31: {  	[smem:$0x3FB0] =	sst s10  }
0x32: {  	s10 =	sld [smem:$0x3FAE];
	_ =	sdelay $0x3  }
0x33: {  	p0 =	seq.s32 s10, $0x1;
	s10 =	sld [smem:$0x3FB0];
	_ =	sdelay $0x3  }
0x34: {  	[smem:$0x3FB0] =	sst s10  }
0x35: {  	s10 =	sld [smem:$0x3FAF];
	_ =	sdelay $0x3  }
0x36: {  	p1 =	seq.s32 s10, $0x1;
	s10 =	sld [smem:$0x3FB0];
	_ =	sdelay $0x3  }
0x37: {  	[smem:$0x3FB0] =	sst s10  }
0x38: {  	s10 =	sld [smem:$0x3FB1]  }
0x39: {  	_ = 	snop;
	(pc) =	sbr.ind lr, $3  }
0x3a: {  	_ = 	snop  }
0x3b: {  	_ = 	snop  }
0x3c: {  	p2 =	seq.s32 s10, $0x1;
	s10 =	sld [smem:$0x3FB0]  }
0x3d: {  	_ =	shalt  }
0x3e: {  	_ =	shalt  }
0x3f: {  	_ =	shalt  }
0x40: {  	_ =	shalt  }
0x41: {  	_ =	shalt  }
0x42: {  	_ =	shalt  }
0x43: {  	_ =	shalt  }
0x44: {  	_ =	shalt  }
0x45: {  	_ =	shalt  }
0x46: {  	_ =	shalt  }
0x47: {  	_ =	shalt  }
0x48: {  	_ =	shalt  }
0x49: {  	_ =	shalt  }
0x4a: {  	_ =	shalt  }
0x4b: {  	_ =	shalt  }
0x4c: {  	_ =	shalt  }
0x4d: {  	_ =	shalt  }
0x4e: {  	_ =	shalt  }
0x4f: {  	_ =	shalt  }
0x50: {  	_ =	shalt  }
0x51: {  	_ =	shalt  }
0x52: {  	_ =	shalt  }
0x53: {  	_ =	shalt  }
0x54: {  	_ =	shalt  }
0x55: {  	_ =	shalt  }
0x56: {  	_ =	shalt  }
0x57: {  	_ =	shalt  }
0x58: {  	_ =	shalt  }
0x59: {  	_ =	shalt  }
0x5a: {  	_ =	shalt  }
0x5b: {  	_ =	shalt  }
0x5c: {  	_ =	shalt  }
0x5d: {  	_ =	shalt  }
0x5e: {  	_ =	shalt  }
0x5f: {  	_ =	shalt  }
0x60: {  	_ =	shalt  }
0x61: {  	_ =	shalt  }
0x62: {  	_ =	shalt  }
0x63: {  	_ =	shalt  }
0x64: {  	_ =	shalt  }
0x65: {  	_ =	shalt  }
0x66: {  	_ =	shalt  }
0x67: {  	_ =	shalt  }
0x68: {  	_ =	shalt  }
0x69: {  	_ =	shalt  }
0x6a: {  	_ =	shalt  }
0x6b: {  	_ =	shalt  }
0x6c: {  	_ =	shalt  }
0x6d: {  	_ =	shalt  }
0x6e: {  	_ =	shalt  }
0x6f: {  	_ =	shalt  }
0x70: {  	_ =	shalt  }
0x71: {  	_ =	shalt  }
0x72: {  	_ =	shalt  }
0x73: {  	_ =	shalt  }
0x74: {  	_ =	shalt  }
0x75: {  	_ =	shalt  }
0x76: {  	_ =	shalt  }
0x77: {  	_ =	shalt  }
0x78: {  	_ =	shalt  }
0x79: {  	_ =	shalt  }
0x7a: {  	_ =	shalt  }
0x7b: {  	_ =	shalt  }
0x7c: {  	_ =	shalt  }
0x7d: {  	_ =	shalt  }
0x7e: {  	_ =	shalt  }
0x7f: {  	_ =	shalt  }
0x80: {  	_ =	shalt  }
0x81: {  	_ =	shalt  }
0x82: {  	_ =	shalt  }
0x83: {  	_ =	shalt  }
0x84: {  	_ =	shalt  }
0x85: {  	_ =	shalt  }
0x86: {  	_ =	shalt  }
0x87: {  	_ =	shalt  }
.Lfunc_end0:
.L_simem_size_0:
called_computation_lowered:
.L_overlay_start_0:
0x88: {  	s2 =	sld [smem:$0x3FD9]  }
0x89: {  	s3 =	sld [smem:$0x3FFE];
	_ =	sdelay $0x1  }
0x8a: {  	s1 =	srdreg.scid  }
0x8b: {  	s0 =	sand.u32 $0x1, s1  }
0x8c: {  	s17 =	sshll.u32 s0, $0xA;
	s2 =	sadd.s32 s3, s2  }
0x8d: {  	s2 =	sadd.s32 s2, s17  }
0x8e: {  	[smem:$0x3FBC] =	sst s2  }
0x8f: {  	_ = 	snop  }
0x90: {  	s2 =	sld [smem:$0x3FC8];
	(tm) =	ssettm $0x1  }
0x91: {  	s18 =	sld [smem:$0x3FFB];
	_ =	sdelay $0x3  }
0x92: {  	_ =	strace s18  }
0x93: {  	s3 =	sld [smem:$0x3FFC];
	_ =	sdelay $0x3  }
0x94: {  	_ =	strace s3  }
0x95: {  	s3 =	sld [smem:$0x3FFD];
	_ =	sdelay $0x3  }
0x96: {  	_ =	strace s3  }
0x97: {  	_ =	strace $0x8FFFFFFF  }
0x98: {  	s19 =	sld [smem:$0x3FDB];
	_ =	sdelay $0x1  }
0x99: {  	s4 =	simm.s32 $_scs_section_size  }
0x9a: {  	s5 =	simm.s32 $_size__tile_overlayer_lowered;
	s6 =	simm.s32 $_tile_overlayer_lowered  }
0x9b: {  	s22 =	simm.s32 $0x1BFF;
	s21 =	sshll.u32 s6, $0x1;
	s3 =	sadd.s32 s4, s19  }
0x9c: {  	s7 =	simm.s32 $0x0;
	s20 =	sshll.u32 s5, $0x1;
	s5 =	sadd.s32 s21, s3  }
0x9d: {  	[timem:s7], [sflag:s22] =	dma.local [hbm:s5], s20  }
0x9e: {  	_ =	swait.ge [sflag:s22], s20  }
0x9f: {  	s4 =	ssub.s32 $0x0, s20;
	[sflag:s22] =	ssyncset.done $0x0  }
0xa0: {  	[sflag:s22] =	ssyncadd.s32 s4;
	_ =	sdelay $0x1  }
0xa1: {  	s23 =	simm.s32 $0x1B8B  }
0xa2: {  	_ =	swait.ge [sflag:s23], $0x1  }
0xa3: {  	[sflag:s23] =	ssyncset.done $0x0  }
0xa4: {  	s25 =	simm.s32 $0x1B8E;
	s24 =	sld [smem:$0x3FFE];
	[sflag:s23] =	ssyncadd.s32 $0xFFFFFFFF  }
0xa5: {  	s26 =	simm.s32 $execute0_lowered;
	[smem:$0x3FD2] =	sst s25  }
0xa6: {  	s5 =	sshll.u32 s26, $0x1;
	_ =	strace $0x80000046;
	[dreg:$0x1] =	wrdreg $0xFFFFFFFF  }
0xa7: {  	s28 =	simm.s32 $_size_execute0_lowered;
	s3 =	sadd.s32 s3, s5;
	[dreg:$0x0] =	wrdreg $0x0  }
0xa8: {  	s5 =	sshll.u32 s28, $0x1;
	[dreg:$0x2] =	wrdreg s3  }
0xa9: {  	[dreg:$0x3] =	wrdreg s5  }
0xaa: {  	[dreg:$0x4] =	wrdreg $0xC0  }
0xab: {  	_ =	task [dreg:s7], $0x5FFFF  }
0xac: {  	[dreg:$0x1] =	wrdreg $0xFFFFFFFF  }
0xad: {  	[dreg:$0x0] =	wrdreg $0x60  }
0xae: {  	[dreg:$0x2] =	wrdreg s2  }
0xaf: {  	[dreg:$0x3] =	wrdreg s24  }
0xb0: {  	[dreg:$0x4] =	wrdreg $0x9  }
0xb1: {  	_ =	task.clear_ibuf [dreg:s7], $0x5FFFF;
	_ =	strace $0x90000046  }
0xb2: {  	s29 =	simm.s32 $0x9;
	_ =	strace $0x80000048  }
0xb3: {  	_ =	swait.ge [sflag:s29], $0x1  }
0xb4: {  	[sflag:s29] =	ssyncadd.s32 $0xFFFFFFFF  }
0xb5: {  	_ =	strace $0x90000048  }
0xb6: {  	_ =	sfence  }
0xb7: {  	s30 =	sld [smem:$0x0];
	_ =	sdelay $0x2  }
0xb8: {  	s31 =	sshll.u32 s1, $0xD;
	s1 =	sshrl.u32 s1, $0x2  }
0xb9: {  	s3 =	sand.u32 $0x4000, s31;
	s1 =	sadd.s32 s1, s30  }
0xba: {  	s0 =	sor.u32 s3, s0;
	s1 =	sshll.u32 s1, $0x11  }
0xbb: {  	s0 =	sor.u32 s1, s0  }
0xbc: {  	s0 =	sadd.s32 $0x8F2B, s0  }
0xbd: {  	[sflag:s0] =	ssyncadd.remote.s32 $0x1  }
0xbe: {  	_ =	sfence.sel $0xFFFF  }
0xbf: {  	[dreg:$0x0] =	wrdreg $0xFFFFFFFF;
	(pc) =	sbr.abs _section_cstart, $3  }
0xc0: {  	[dreg:$0x1] =	wrdreg $0xFFFFFFFF  }
0xc1: {  	_ =	task.clear_ibuf [dreg:s7], $0x2FFFF;
	_ =	strace $0x9FFFFFFF  }
0xc2: {  	(tm) =	ssettm $0x7FFFFFFF  }
0xc3: {  	_ =	shalt  }
tec
execute0_lowered:
.L_overlay_start_1:
0x0: {  	(tag) =	ssettag $0x1  }
0x1: {  	s2 =	rddreg [dreg:$0x0]  }
0x2: {  	s4 =	rddreg [dreg:$0x1];
	s1 =	stileid.u32;
	s3 =	simm.s32 $0x0  }
0x3: {  	s25 =	simm.s32 $0x400;
	s26 =	simm.s32 $0x4080;
	[smem:$0x7FF] =	sst s3  }
0x4: {  	s5 =	sshll.u32 s1, $0x1;
	_ =	strace $0x80000047;
	[dreg:$0x5] =	wrdreg s25  }
0x5: {  	s6 =	sshll.u32 s1, $0xC;
	s1 =	simm.s32 $0x800;
	[dreg:$0x6] =	wrdreg s26  }
0x6: {  	s8 =	simm.s32 $0x1000;
	[dreg:$0x7] =	wrdreg s1  }
0x7: {  	s9 =	simm.s32 $0x4200;
	[dreg:$0xb] =	wrdreg s8  }
0x8: {  	s10 =	simm.s32 $0x1400;
	[dreg:$0xc] =	wrdreg s9  }
0x9: {  	s11 =	simm.s32 $0x4280;
	[dreg:$0xd] =	wrdreg s10  }
0xa: {  	s12 =	simm.s32 $0x1800;
	[dreg:$0xe] =	wrdreg s11  }
0xb: {  	s13 =	simm.s32 $0x4300;
	[dreg:$0xf] =	wrdreg s12  }
0xc: {  	s14 =	simm.s32 $0x1C00;
	[dreg:$0x10] =	wrdreg s13  }
0xd: {  	s15 =	simm.s32 $0x4380;
	[dreg:$0x11] =	wrdreg s14  }
0xe: {  	s16 =	simm.s32 $0x6000;
	[dreg:$0x12] =	wrdreg s15  }
0xf: {  	s17 =	simm.s32 $0x2400;
	[dreg:$0x13] =	wrdreg s16  }
0x10: {  	s18 =	simm.s32 $0x6080;
	[dreg:$0x14] =	wrdreg s17  }
0x11: {  	s19 =	simm.s32 $0x2800;
	[dreg:$0x15] =	wrdreg s18  }
0x12: {  	s20 =	simm.s32 $0x6100;
	[dreg:$0x16] =	wrdreg s19  }
0x13: {  	s21 =	simm.s32 $0x2C00;
	[dreg:$0x17] =	wrdreg s20  }
0x14: {  	s22 =	simm.s32 $0x6180;
	[dreg:$0x18] =	wrdreg s21  }
0x15: {  	s23 =	simm.s32 $0x3000;
	[dreg:$0x19] =	wrdreg s22  }
0x16: {  	[dreg:$0x1a] =	wrdreg s23;
	s25 =	simm.s32 $0x3400  }
0x17: {  	s26 =	simm.s32 $0x6280;
	[dreg:$0x1c] =	wrdreg s25  }
0x18: {  	s1 =	simm.s32 $0x3800;
	[dreg:$0x1d] =	wrdreg s26  }
0x19: {  	s8 =	simm.s32 $0x4400;
	[dreg:$0x1e] =	wrdreg s1  }
0x1a: {  	s9 =	simm.s32 $0x480;
	[smem:$0x734] =	sst s8  }
0x1b: {  	s10 =	simm.s32 $0x4480;
	[smem:$0x735] =	sst s9  }
0x1c: {  	s11 =	simm.s32 $0x880;
	[smem:$0x736] =	sst s10  }
0x1d: {  	s12 =	simm.s32 $0x4500;
	[smem:$0x737] =	sst s11  }
0x1e: {  	s13 =	simm.s32 $0xC80;
	[smem:$0x738] =	sst s12  }
0x1f: {  	s14 =	simm.s32 $0x4580;
	[smem:$0x739] =	sst s13  }
0x20: {  	s15 =	simm.s32 $0x1080;
	[smem:$0x73A] =	sst s14  }
0x21: {  	s16 =	simm.s32 $0x4600;
	[smem:$0x73B] =	sst s15  }
0x22: {  	s17 =	simm.s32 $0x1480;
	[smem:$0x73C] =	sst s16  }
0x23: {  	s18 =	simm.s32 $0x4680;
	[smem:$0x73D] =	sst s17  }
0x24: {  	s19 =	simm.s32 $0x1880;
	[smem:$0x73E] =	sst s18  }
0x25: {  	s20 =	simm.s32 $0x4700;
	[smem:$0x73F] =	sst s19  }
0x26: {  	s21 =	simm.s32 $0x1C80;
	[smem:$0x740] =	sst s20  }
0x27: {  	s22 =	simm.s32 $0x4780;
	[smem:$0x741] =	sst s21  }
0x28: {  	s23 =	simm.s32 $0x2080;
	[smem:$0x742] =	sst s22  }
0x29: {  	[smem:$0x743] =	sst s23;
	s25 =	simm.s32 $0x2480  }
0x2a: {  	s26 =	simm.s32 $0x6480;
	[smem:$0x745] =	sst s25  }
0x2b: {  	s1 =	simm.s32 $0x2880;
	[smem:$0x746] =	sst s26  }
0x2c: {  	s8 =	simm.s32 $0x3080;
	[smem:$0x747] =	sst s1  }
0x2d: {  	s9 =	simm.s32 $0x6600;
	[smem:$0x74B] =	sst s8  }
0x2e: {  	s10 =	simm.s32 $0x3480;
	[smem:$0x74C] =	sst s9  }
0x2f: {  	s11 =	simm.s32 $0x6680;
	[smem:$0x74D] =	sst s10  }
0x30: {  	s12 =	simm.s32 $0x3880;
	[smem:$0x74E] =	sst s11  }
0x31: {  	s13 =	simm.s32 $0x6700;
	[smem:$0x74F] =	sst s12  }
0x32: {  	s14 =	simm.s32 $0x3C80;
	[smem:$0x750] =	sst s13  }
0x33: {  	s15 =	simm.s32 $0x6780;
	[smem:$0x751] =	sst s14  }
0x34: {  	s16 =	simm.s32 $0x100;
	[smem:$0x752] =	sst s15  }
0x35: {  	s17 =	simm.s32 $0x4800;
	[smem:$0x753] =	sst s16  }
0x36: {  	s0 =	srdreg.scid;
	s18 =	simm.s32 $0x500;
	[smem:$0x754] =	sst s17  }
0x37: {  	s0 =	sand.u32 $0x1, s0;
	s19 =	simm.s32 $0x4880;
	[smem:$0x755] =	sst s18  }
0x38: {  	s5 =	sor.u32 s0, s5;
	s20 =	simm.s32 $0x900;
	[smem:$0x756] =	sst s19  }
0x39: {  	s6 =	sand.u32 $0x8000, s6;
	s21 =	simm.s32 $0x4900;
	[smem:$0x757] =	sst s20  }
0x3a: {  	s7 =	sshll.u32 s5, $0xB;
	s22 =	simm.s32 $0xD00;
	[smem:$0x758] =	sst s21  }
0x3b: {  	s23 =	simm.s32 $0x4980;
	s7 =	sadd.s32 s7, s4;
	[smem:$0x759] =	sst s22  }
0x3c: {  	s4 =	sadd.s32 s6, s4;
	s6 =	simm.s32 $0xC00;
	[smem:$0x75A] =	sst s23  }
0x3d: {  	s25 =	simm.s32 $0x4A00;
	[dreg:$0x9] =	wrdreg s6  }
0x3e: {  	s26 =	simm.s32 $0x1500;
	[smem:$0x75C] =	sst s25  }
0x3f: {  	s1 =	simm.s32 $0x4A80;
	[smem:$0x75D] =	sst s26  }
0x40: {  	s8 =	simm.s32 $0x4B80;
	[smem:$0x75E] =	sst s1  }
0x41: {  	s9 =	simm.s32 $0x2100;
	[smem:$0x762] =	sst s8  }
0x42: {  	s10 =	simm.s32 $0x6800;
	[smem:$0x763] =	sst s9  }
0x43: {  	s11 =	simm.s32 $0x2500;
	[smem:$0x764] =	sst s10  }
0x44: {  	s12 =	simm.s32 $0x6880;
	[smem:$0x765] =	sst s11  }
0x45: {  	s13 =	simm.s32 $0x2900;
	[smem:$0x766] =	sst s12  }
0x46: {  	s14 =	simm.s32 $0x6900;
	[smem:$0x767] =	sst s13  }
0x47: {  	s15 =	simm.s32 $0x2D00;
	[smem:$0x768] =	sst s14  }
0x48: {  	s16 =	simm.s32 $0x6980;
	[smem:$0x769] =	sst s15  }
0x49: {  	s17 =	simm.s32 $0x3100;
	[smem:$0x76A] =	sst s16  }
0x4a: {  	s18 =	simm.s32 $0x6A00;
	[smem:$0x76B] =	sst s17  }
0x4b: {  	s19 =	simm.s32 $0x3500;
	[smem:$0x76C] =	sst s18  }
0x4c: {  	s20 =	simm.s32 $0x6A80;
	[smem:$0x76D] =	sst s19  }
0x4d: {  	s21 =	simm.s32 $0x3900;
	[smem:$0x76E] =	sst s20  }
0x4e: {  	s22 =	simm.s32 $0x6B00;
	[smem:$0x76F] =	sst s21  }
0x4f: {  	s5 =	sshll.u32 s5, $0xA;
	s23 =	simm.s32 $0x3D00;
	[smem:$0x770] =	sst s22  }
0x50: {  	s5 =	sand.u32 $0x3C00, s5;
	s24 =	sadd.s32 $0x1E00, s7;
	[smem:$0x771] =	sst s23  }
0x51: {  	s4 =	sadd.s32 s5, s4;
	s5 =	simm.s32 $0x4100;
	[dreg:$0x3] =	wrdreg s24  }
0x52: {  	s7 =	simm.s32 $0x4180;
	[dreg:$0x8] =	wrdreg s5  }
0x53: {  	s6 =	simm.s32 $0x3C00;
	[dreg:$0xa] =	wrdreg s7  }
0x54: {  	s25 =	simm.s32 $0x180;
	[smem:$0x732] =	sst s6  }
0x55: {  	s26 =	simm.s32 $0x4C00;
	[smem:$0x773] =	sst s25  }
0x56: {  	s1 =	simm.s32 $0x580;
	[smem:$0x774] =	sst s26  }
0x57: {  	s8 =	simm.s32 $0xD80;
	[smem:$0x775] =	sst s1  }
0x58: {  	s9 =	simm.s32 $0x4D80;
	[smem:$0x779] =	sst s8  }
0x59: {  	s10 =	simm.s32 $0x1180;
	[smem:$0x77A] =	sst s9  }
0x5a: {  	s11 =	simm.s32 $0x4E00;
	[smem:$0x77B] =	sst s10  }
0x5b: {  	s12 =	simm.s32 $0x1580;
	[smem:$0x77C] =	sst s11  }
0x5c: {  	s13 =	simm.s32 $0x4E80;
	[smem:$0x77D] =	sst s12  }
0x5d: {  	s14 =	simm.s32 $0x1980;
	[smem:$0x77E] =	sst s13  }
0x5e: {  	s15 =	simm.s32 $0x4F00;
	[smem:$0x77F] =	sst s14  }
0x5f: {  	s16 =	simm.s32 $0x1D80;
	[smem:$0x780] =	sst s15  }
0x60: {  	s17 =	simm.s32 $0x4F80;
	[smem:$0x781] =	sst s16  }
0x61: {  	s18 =	simm.s32 $0x2180;
	[smem:$0x782] =	sst s17  }
0x62: {  	s19 =	simm.s32 $0x6C00;
	[smem:$0x783] =	sst s18  }
0x63: {  	s20 =	simm.s32 $0x2580;
	[smem:$0x784] =	sst s19  }
0x64: {  	s21 =	simm.s32 $0x6C80;
	[smem:$0x785] =	sst s20  }
0x65: {  	s22 =	simm.s32 $0x2980;
	[smem:$0x786] =	sst s21  }
0x66: {  	s23 =	simm.s32 $0x6D00;
	[smem:$0x787] =	sst s22  }
0x67: {  	s4 =	sadd.s32 $0x11E00, s4;
	[smem:$0x788] =	sst s23  }
0x68: {  	s24 =	simm.s32 $0x6200;
	[dreg:$0x4] =	wrdreg s4  }
0x69: {  	s5 =	simm.s32 $0x6300;
	[dreg:$0x1b] =	wrdreg s24  }
0x6a: {  	s7 =	simm.s32 $0x6380;
	[dreg:$0x1f] =	wrdreg s5  }
0x6b: {  	s6 =	simm.s32 $0x2C80;
	[smem:$0x733] =	sst s7  }
0x6c: {  	s25 =	simm.s32 $0x6D80;
	[smem:$0x749] =	sst s6  }
0x6d: {  	s26 =	simm.s32 $0x3180;
	[smem:$0x78A] =	sst s25  }
0x6e: {  	s1 =	simm.s32 $0x6E00;
	[smem:$0x78B] =	sst s26  }
0x6f: {  	s8 =	simm.s32 $0x6F00;
	[smem:$0x78C] =	sst s1  }
0x70: {  	s9 =	simm.s32 $0x3D80;
	[smem:$0x790] =	sst s8  }
0x71: {  	s10 =	simm.s32 $0x6F80;
	[smem:$0x791] =	sst s9  }
0x72: {  	s11 =	simm.s32 $0x200;
	[smem:$0x792] =	sst s10  }
0x73: {  	s12 =	simm.s32 $0x5000;
	[smem:$0x793] =	sst s11  }
0x74: {  	s13 =	simm.s32 $0x600;
	[smem:$0x794] =	sst s12  }
0x75: {  	s14 =	simm.s32 $0x5080;
	[smem:$0x795] =	sst s13  }
0x76: {  	s15 =	simm.s32 $0xA00;
	[smem:$0x796] =	sst s14  }
0x77: {  	s16 =	simm.s32 $0x5100;
	[smem:$0x797] =	sst s15  }
0x78: {  	s17 =	simm.s32 $0xE00;
	[smem:$0x798] =	sst s16  }
0x79: {  	s18 =	simm.s32 $0x5180;
	[smem:$0x799] =	sst s17  }
0x7a: {  	s19 =	simm.s32 $0x1200;
	[smem:$0x79A] =	sst s18  }
0x7b: {  	s20 =	simm.s32 $0x5200;
	[smem:$0x79B] =	sst s19  }
0x7c: {  	s21 =	simm.s32 $0x1600;
	[smem:$0x79C] =	sst s20  }
0x7d: {  	s22 =	simm.s32 $0x5280;
	[smem:$0x79D] =	sst s21  }
0x7e: {  	s23 =	simm.s32 $0x1A00;
	[smem:$0x79E] =	sst s22  }
0x7f: {  	s24 =	simm.s32 $0x6400;
	[smem:$0x79F] =	sst s23  }
0x80: {  	s5 =	simm.s32 $0x6500;
	[smem:$0x744] =	sst s24  }
0x81: {  	s7 =	simm.s32 $0x6580;
	[smem:$0x748] =	sst s5  }
0x82: {  	s6 =	simm.s32 $0x4B00;
	[smem:$0x74A] =	sst s7  }
0x83: {  	s25 =	simm.s32 $0x1E00;
	[smem:$0x760] =	sst s6  }
0x84: {  	s26 =	simm.s32 $0x5380;
	[smem:$0x7A1] =	sst s25  }
0x85: {  	s1 =	simm.s32 $0x2200;
	[smem:$0x7A2] =	sst s26  }
0x86: {  	s8 =	simm.s32 $0x2A00;
	[smem:$0x7A3] =	sst s1  }
0x87: {  	s9 =	simm.s32 $0x7100;
	[smem:$0x7A7] =	sst s8  }
0x88: {  	s10 =	simm.s32 $0x2E00;
	[smem:$0x7A8] =	sst s9  }
0x89: {  	s11 =	simm.s32 $0x7180;
	[smem:$0x7A9] =	sst s10  }
0x8a: {  	s12 =	simm.s32 $0x3200;
	[smem:$0x7AA] =	sst s11  }
0x8b: {  	s13 =	simm.s32 $0x7200;
	[smem:$0x7AB] =	sst s12  }
0x8c: {  	s14 =	simm.s32 $0x3600;
	[smem:$0x7AC] =	sst s13  }
0x8d: {  	s15 =	simm.s32 $0x7280;
	[smem:$0x7AD] =	sst s14  }
0x8e: {  	s16 =	simm.s32 $0x3A00;
	[smem:$0x7AE] =	sst s15  }
0x8f: {  	s17 =	simm.s32 $0x7300;
	[smem:$0x7AF] =	sst s16  }
0x90: {  	s18 =	simm.s32 $0x3E00;
	[smem:$0x7B0] =	sst s17  }
0x91: {  	s19 =	simm.s32 $0x7380;
	[smem:$0x7B1] =	sst s18  }
0x92: {  	s20 =	simm.s32 $0x280;
	[smem:$0x7B2] =	sst s19  }
0x93: {  	s21 =	simm.s32 $0x5400;
	[smem:$0x7B3] =	sst s20  }
0x94: {  	s22 =	simm.s32 $0x680;
	[smem:$0x7B4] =	sst s21  }
0x95: {  	s23 =	simm.s32 $0x5480;
	[smem:$0x7B5] =	sst s22  }
0x96: {  	s24 =	simm.s32 $0x1100;
	[smem:$0x7B6] =	sst s23  }
0x97: {  	s5 =	simm.s32 $0x1900;
	[smem:$0x75B] =	sst s24  }
0x98: {  	s7 =	simm.s32 $0x1D00;
	[smem:$0x75F] =	sst s5  }
0x99: {  	s6 =	simm.s32 $0x980;
	[smem:$0x761] =	sst s7  }
0x9a: {  	s25 =	simm.s32 $0x5500;
	[smem:$0x777] =	sst s6  }
0x9b: {  	s26 =	simm.s32 $0xE80;
	[smem:$0x7B8] =	sst s25  }
0x9c: {  	s1 =	simm.s32 $0x5580;
	[smem:$0x7B9] =	sst s26  }
0x9d: {  	s8 =	simm.s32 $0x5680;
	[smem:$0x7BA] =	sst s1  }
0x9e: {  	s9 =	simm.s32 $0x1A80;
	[smem:$0x7BE] =	sst s8  }
0x9f: {  	s10 =	simm.s32 $0x5700;
	[smem:$0x7BF] =	sst s9  }
0xa0: {  	s11 =	simm.s32 $0x1E80;
	[smem:$0x7C0] =	sst s10  }
0xa1: {  	s12 =	simm.s32 $0x5780;
	[smem:$0x7C1] =	sst s11  }
0xa2: {  	s13 =	simm.s32 $0x2280;
	[smem:$0x7C2] =	sst s12  }
0xa3: {  	s14 =	simm.s32 $0x7400;
	[smem:$0x7C3] =	sst s13  }
0xa4: {  	s15 =	simm.s32 $0x2680;
	[smem:$0x7C4] =	sst s14  }
0xa5: {  	s16 =	simm.s32 $0x7480;
	[smem:$0x7C5] =	sst s15  }
0xa6: {  	s17 =	simm.s32 $0x2A80;
	[smem:$0x7C6] =	sst s16  }
0xa7: {  	s18 =	simm.s32 $0x7500;
	[smem:$0x7C7] =	sst s17  }
0xa8: {  	s19 =	simm.s32 $0x2E80;
	[smem:$0x7C8] =	sst s18  }
0xa9: {  	s20 =	simm.s32 $0x7580;
	[smem:$0x7C9] =	sst s19  }
0xaa: {  	s21 =	simm.s32 $0x3280;
	[smem:$0x7CA] =	sst s20  }
0xab: {  	s22 =	simm.s32 $0x7600;
	[smem:$0x7CB] =	sst s21  }
0xac: {  	s23 =	simm.s32 $0x3680;
	[smem:$0x7CC] =	sst s22  }
0xad: {  	s24 =	simm.s32 $0x6B80;
	[smem:$0x7CD] =	sst s23  }
0xae: {  	s5 =	simm.s32 $0x4C80;
	[smem:$0x772] =	sst s24  }
0xaf: {  	s7 =	simm.s32 $0x4D00;
	[smem:$0x776] =	sst s5  }
0xb0: {  	s6 =	simm.s32 $0x6E80;
	[smem:$0x778] =	sst s7  }
0xb1: {  	s25 =	simm.s32 $0x3A80;
	[smem:$0x78E] =	sst s6  }
0xb2: {  	s26 =	simm.s32 $0x7700;
	[smem:$0x7CF] =	sst s25  }
0xb3: {  	s1 =	simm.s32 $0x3E80;
	[smem:$0x7D0] =	sst s26  }
0xb4: {  	s8 =	simm.s32 $0x700;
	[smem:$0x7D1] =	sst s1  }
0xb5: {  	s9 =	simm.s32 $0x5880;
	[smem:$0x7D5] =	sst s8  }
0xb6: {  	s10 =	simm.s32 $0xB00;
	[smem:$0x7D6] =	sst s9  }
0xb7: {  	s11 =	simm.s32 $0x5900;
	[smem:$0x7D7] =	sst s10  }
0xb8: {  	s12 =	simm.s32 $0xF00;
	[smem:$0x7D8] =	sst s11  }
0xb9: {  	s13 =	simm.s32 $0x5980;
	[smem:$0x7D9] =	sst s12  }
0xba: {  	s14 =	simm.s32 $0x1300;
	[smem:$0x7DA] =	sst s13  }
0xbb: {  	s15 =	simm.s32 $0x5A00;
	[smem:$0x7DB] =	sst s14  }
0xbc: {  	s16 =	simm.s32 $0x1700;
	[smem:$0x7DC] =	sst s15  }
0xbd: {  	s17 =	simm.s32 $0x5A80;
	[smem:$0x7DD] =	sst s16  }
0xbe: {  	s18 =	simm.s32 $0x1B00;
	[smem:$0x7DE] =	sst s17  }
0xbf: {  	s19 =	simm.s32 $0x5B00;
	[smem:$0x7DF] =	sst s18  }
0xc0: {  	s20 =	simm.s32 $0x1F00;
	[smem:$0x7E0] =	sst s19  }
0xc1: {  	s21 =	simm.s32 $0x5B80;
	[smem:$0x7E1] =	sst s20  }
0xc2: {  	s22 =	simm.s32 $0x2300;
	[smem:$0x7E2] =	sst s21  }
0xc3: {  	s23 =	simm.s32 $0x7800;
	[smem:$0x7E3] =	sst s22  }
0xc4: {  	s24 =	simm.s32 $0x2D80;
	[smem:$0x7E4] =	sst s23  }
0xc5: {  	s5 =	simm.s32 $0x3580;
	[smem:$0x789] =	sst s24  }
0xc6: {  	s7 =	simm.s32 $0x3980;
	[smem:$0x78D] =	sst s5  }
0xc7: {  	s6 =	simm.s32 $0x2600;
	[smem:$0x78F] =	sst s7  }
0xc8: {  	s25 =	simm.s32 $0x7880;
	[smem:$0x7A5] =	sst s6  }
0xc9: {  	s26 =	simm.s32 $0x2B00;
	[smem:$0x7E6] =	sst s25  }
0xca: {  	s1 =	simm.s32 $0x7900;
	[smem:$0x7E7] =	sst s26  }
0xcb: {  	s8 =	simm.s32 $0x7A00;
	[smem:$0x7E8] =	sst s1  }
0xcc: {  	s9 =	simm.s32 $0x3700;
	[smem:$0x7EC] =	sst s8  }
0xcd: {  	s10 =	simm.s32 $0x7A80;
	[smem:$0x7ED] =	sst s9  }
0xce: {  	s11 =	simm.s32 $0x3B00;
	[smem:$0x7EE] =	sst s10  }
0xcf: {  	s12 =	simm.s32 $0x7B00;
	[smem:$0x7EF] =	sst s11  }
0xd0: {  	s13 =	simm.s32 $0x3F00;
	[smem:$0x7F0] =	sst s12  }
0xd1: {  	s14 =	simm.s32 $0x7B80;
	[smem:$0x7F1] =	sst s13  }
0xd2: {  	s28 =	simm.s32 $0x7F00;
	s15 =	simm.s32 $0x380;
	[smem:$0x7F2] =	sst s14  }
0xd3: {  	s29 =	simm.s32 $0x3F80;
	s16 =	simm.s32 $0x5C00;
	[smem:$0x7F3] =	sst s15  }
0xd4: {  	s30 =	simm.s32 $0x7F80;
	s17 =	simm.s32 $0x780;
	[smem:$0x7F4] =	sst s16  }
0xd5: {  	s31 =	simm.s32 $0x1;
	s18 =	simm.s32 $0x5C80;
	[smem:$0x7F5] =	sst s17  }
0xd6: {  	s0 =	ssub.s32 $0x2, s0;
	s20 =	simm.s32 $0xB80;
	[smem:$0x7F6] =	sst s18  }
0xd7: {  	s19 =	sshrl.u32 s0, $0x1;
	s21 =	simm.s32 $0x5D00;
	[smem:$0x7F7] =	sst s20  }
0xd8: {  	s22 =	simm.s32 $0xF80;
	s23 =	simm.s32 $0x5D80;
	[smem:$0x7F8] =	sst s21  }
0xd9: {  	s24 =	simm.s32 $0x5300;
	s5 =	simm.s32 $0x7000;
	[smem:$0x7F9] =	sst s22  }
0xda: {  	s7 =	simm.s32 $0x7080;
	s6 =	simm.s32 $0x5600;
	[smem:$0x7FA] =	sst s23  }
0xdb: {  	s0 =	ssub.s32 s0, s19;
	s25 =	simm.s32 $0x5E00;
	[smem:$0x7A0] =	sst s24  }
0xdc: {  	s8 =	simm.s32 $0x2000;
	s26 =	simm.s32 $0x1780;
	[smem:$0x7A4] =	sst s5  }
0xdd: {  	s12 =	simm.s32 $0x1F80;
	s13 =	simm.s32 $0x5F80;
	[smem:$0x7A6] =	sst s7  }
0xde: {  	s14 =	simm.s32 $0x2380;
	s15 =	simm.s32 $0x7C00;
	[smem:$0x7BC] =	sst s6  }
0xdf: {  	s16 =	simm.s32 $0x2780;
	s17 =	simm.s32 $0x7C80;
	[smem:$0x7FC] =	sst s25  }
0xe0: {  	s18 =	simm.s32 $0x2B80;
	s24 =	simm.s32 $0xA80;
	[smem:$0x7FD] =	sst s26  }
0xe1: {  	s19 =	simm.s32 $0x7D00;
	s5 =	simm.s32 $0x1280;
	[smem:$0x7B7] =	sst s24  }
0xe2: {  	s20 =	simm.s32 $0x2F80;
	s7 =	simm.s32 $0x1680;
	[smem:$0x7BB] =	sst s5  }
0xe3: {  	s21 =	simm.s32 $0x7D80;
	s6 =	simm.s32 $0x300;
	[smem:$0x7BD] =	sst s7  }
0xe4: {  	s22 =	simm.s32 $0x3380;
	s24 =	simm.s32 $0x7680;
	[smem:$0x7D3] =	sst s6  }
0xe5: {  	s23 =	simm.s32 $0x7E00;
	s5 =	simm.s32 $0x7780;
	[smem:$0x7CE] =	sst s24  }
0xe6: {  	s4 =	smax.u32 s0, $0x1;
	s7 =	simm.s32 $0x5800;
	[smem:$0x7D2] =	sst s5  }
0xe7: {  	s25 =	simm.s32 $0x7E80;
	s6 =	simm.s32 $0x7980;
	[smem:$0x7D4] =	sst s7  }
0xe8: {  	s26 =	simm.s32 $0x3B80;
	s24 =	simm.s32 $0x2700;
	[smem:$0x7EA] =	sst s6  }
0xe9: {  	s0 =	simm.s32 $0x20000;
	s5 =	simm.s32 $0x2F00;
	[smem:$0x7E5] =	sst s24  }
0xea: {  	s7 =	simm.s32 $0x3300;
	s6 =	simm.s32 $0x80;
	[smem:$0x7E9] =	sst s5  }
0xeb: {  	[smem:$0x7EB] =	sst s7;
	s5 =	simm.s32 $0x2;
	s24 =	simm.s32 $0x1380  }
0xec: {  	s7 =	simm.s32 $0x4000;
	[smem:$0x7FB] =	sst s24;
	s24 =	simm.s32 $0x3780  }
.LBB2_1:
0xed: {  	s1 =	rddreg [dreg:$0x3]  }
0xee: {  	[tilespmem:s3], [sflag:$0x2] =	stream.linear.gather [hbm4b:s1+s3], $0x4000, $0x38;
	[tilespmem:$0x8000] =	vst v63  }
0xef: {  	_ =	swait.ge [sflag:s5], $0x4000  }
0xf0: {  	s11 =	rddreg [dreg:$0x5]  }
0xf1: {  	[sflag:s5] =	ssyncset.done $0x0;
	s9 =	rddreg [dreg:$0x6]  }
0xf2: {  	s1 =	rddreg [dreg:$0x7];
	[sflag:s5] =	ssyncadd.s32 $0xFFFFC000  }
0xf3: {  	[tilespmem:s7], [sflag:$0x1] =	stream.indirect.gather [hbm4b:s2+s6], $0x1, s3, s6, $0xb8;
	[tilespmem:$0x8000] =	vst v63  }
0xf4: {  	s10 =	rddreg [dreg:$0x9]  }
0xf5: {  	[tilespmem:s9], [sflag:$0x1] =	stream.indirect.gather [hbm4b:s2+s6], $0x1, s11, s6, $0xb8;
	[tilespmem:$0x8000] =	vst v63  }
0xf6: {  	s9 =	rddreg [dreg:$0x8]  }
0xf7: {  	s11 =	rddreg [dreg:$0xa]  }
0xf8: {  	[tilespmem:s9], [sflag:$0x1] =	stream.indirect.gather [hbm4b:s2+s6], $0x1, s1, s6, $0xb8;
	[tilespmem:$0x8000] =	vst v63  }
0xf9: {  	s1 =	rddreg [dreg:$0xb]  }
0xfa: {  	s9 =	rddreg [dreg:$0xc]  }
0xfb: {  	[tilespmem:s11], [sflag:$0x1] =	stream.indirect.gather [hbm4b:s2+s6], $0x1, s10, s6, $0xb8;
	[tilespmem:$0x8000] =	vst v63  }
0xfc: {  	s10 =	rddreg [dreg:$0xd]  }
0xfd: {  	s11 =	rddreg [dreg:$0xe]  }
0xfe: {  	[tilespmem:s9], [sflag:$0x1] =	stream.indirect.gather [hbm4b:s2+s6], $0x1, s1, s6, $0xb8;
	[tilespmem:$0x8000] =	vst v63  }
0xff: {  	s1 =	rddreg [dreg:$0xf]  }
0x100: {  	s9 =	rddreg [dreg:$0x10]  }
0x101: {  	[tilespmem:s11], [sflag:$0x1] =	stream.indirect.gather [hbm4b:s2+s6], $0x1, s10, s6, $0xb8;
	[tilespmem:$0x8000] =	vst v63  }
0x102: {  	s10 =	rddreg [dreg:$0x11]  }
0x103: {  	s11 =	rddreg [dreg:$0x12]  }
0x104: {  	[tilespmem:s9], [sflag:$0x1] =	stream.indirect.gather [hbm4b:s2+s6], $0x1, s1, s6, $0xb8;
	[tilespmem:$0x8000] =	vst v63  }
0x105: {  	s9 =	rddreg [dreg:$0x13]  }
0x106: {  	s1 =	rddreg [dreg:$0x16]  }
0x107: {  	[tilespmem:s11], [sflag:$0x1] =	stream.indirect.gather [hbm4b:s2+s6], $0x1, s10, s6, $0xb8;
	[tilespmem:$0x8000] =	vst v63  }
0x108: {  	s10 =	rddreg [dreg:$0x14]  }
0x109: {  	s11 =	rddreg [dreg:$0x15]  }
0x10a: {  	[tilespmem:s9], [sflag:$0x1] =	stream.indirect.gather [hbm4b:s2+s6], $0x1, s8, s6, $0xb8;
	[tilespmem:$0x8000] =	vst v63  }
0x10b: {  	s9 =	rddreg [dreg:$0x17]  }
0x10c: {  	[tilespmem:s11], [sflag:$0x1] =	stream.indirect.gather [hbm4b:s2+s6], $0x1, s10, s6, $0xb8;
	[tilespmem:$0x8000] =	vst v63  }
0x10d: {  	s10 =	rddreg [dreg:$0x18]  }
0x10e: {  	s11 =	rddreg [dreg:$0x19]  }
0x10f: {  	[tilespmem:s9], [sflag:$0x1] =	stream.indirect.gather [hbm4b:s2+s6], $0x1, s1, s6, $0xb8;
	[tilespmem:$0x8000] =	vst v63  }
0x110: {  	s1 =	rddreg [dreg:$0x1a]  }
0x111: {  	s9 =	rddreg [dreg:$0x1b]  }
0x112: {  	[tilespmem:s11], [sflag:$0x1] =	stream.indirect.gather [hbm4b:s2+s6], $0x1, s10, s6, $0xb8;
	[tilespmem:$0x8000] =	vst v63  }
0x113: {  	s10 =	rddreg [dreg:$0x1c]  }
0x114: {  	s11 =	rddreg [dreg:$0x1d]  }
0x115: {  	[tilespmem:s9], [sflag:$0x1] =	stream.indirect.gather [hbm4b:s2+s6], $0x1, s1, s6, $0xb8;
	[tilespmem:$0x8000] =	vst v63  }
0x116: {  	s1 =	rddreg [dreg:$0x1e]  }
0x117: {  	s9 =	rddreg [dreg:$0x1f]  }
0x118: {  	[tilespmem:s11], [sflag:$0x1] =	stream.indirect.gather [hbm4b:s2+s6], $0x1, s10, s6, $0xb8;
	[tilespmem:$0x8000] =	vst v63  }
0x119: {  	s10 =	sld [smem:$0x732]  }
0x11a: {  	s11 =	sld [smem:$0x733]  }
0x11b: {  	[tilespmem:s9], [sflag:$0x1] =	stream.indirect.gather [hbm4b:s2+s6], $0x1, s1, s6, $0xb8;
	[tilespmem:$0x8000] =	vst v63  }
0x11c: {  	s9 =	sld [smem:$0x734]  }
0x11d: {  	[tilespmem:s11], [sflag:$0x1] =	stream.indirect.gather [hbm4b:s2+s6], $0x1, s10, s6, $0xb8;
	[tilespmem:$0x8000] =	vst v63  }
0x11e: {  	s1 =	sld [smem:$0x735]  }
0x11f: {  	[tilespmem:s9], [sflag:$0x1] =	stream.indirect.gather [hbm4b:s2+s6], $0x1, s6, s6, $0xb8;
	[tilespmem:$0x8000] =	vst v63  }
0x120: {  	s9 =	sld [smem:$0x736]  }
0x121: {  	s10 =	sld [smem:$0x737]  }
0x122: {  	s11 =	sld [smem:$0x738]  }
0x123: {  	[tilespmem:s9], [sflag:$0x1] =	stream.indirect.gather [hbm4b:s2+s6], $0x1, s1, s6, $0xb8;
	[tilespmem:$0x8000] =	vst v63  }
0x124: {  	s1 =	sld [smem:$0x739]  }
0x125: {  	s9 =	sld [smem:$0x73A]  }
0x126: {  	[tilespmem:s11], [sflag:$0x1] =	stream.indirect.gather [hbm4b:s2+s6], $0x1, s10, s6, $0xb8;
	[tilespmem:$0x8000] =	vst v63  }
0x127: {  	s10 =	sld [smem:$0x73B]  }
0x128: {  	s11 =	sld [smem:$0x73C]  }
0x129: {  	[tilespmem:s9], [sflag:$0x1] =	stream.indirect.gather [hbm4b:s2+s6], $0x1, s1, s6, $0xb8;
	[tilespmem:$0x8000] =	vst v63  }
0x12a: {  	s1 =	sld [smem:$0x73D]  }
0x12b: {  	s9 =	sld [smem:$0x73E]  }
0x12c: {  	[tilespmem:s11], [sflag:$0x1] =	stream.indirect.gather [hbm4b:s2+s6], $0x1, s10, s6, $0xb8;
	[tilespmem:$0x8000] =	vst v63  }
0x12d: {  	s10 =	sld [smem:$0x73F]  }
0x12e: {  	s11 =	sld [smem:$0x740]  }
0x12f: {  	[tilespmem:s9], [sflag:$0x1] =	stream.indirect.gather [hbm4b:s2+s6], $0x1, s1, s6, $0xb8;
	[tilespmem:$0x8000] =	vst v63  }
0x130: {  	s1 =	sld [smem:$0x741]  }
0x131: {  	s9 =	sld [smem:$0x742]  }
0x132: {  	[tilespmem:s11], [sflag:$0x1] =	stream.indirect.gather [hbm4b:s2+s6], $0x1, s10, s6, $0xb8;
	[tilespmem:$0x8000] =	vst v63  }
0x133: {  	s10 =	sld [smem:$0x743]  }
0x134: {  	s11 =	sld [smem:$0x744]  }
0x135: {  	[tilespmem:s9], [sflag:$0x1] =	stream.indirect.gather [hbm4b:s2+s6], $0x1, s1, s6, $0xb8;
	[tilespmem:$0x8000] =	vst v63  }
0x136: {  	s1 =	sld [smem:$0x745]  }
0x137: {  	s9 =	sld [smem:$0x746]  }
0x138: {  	[tilespmem:s11], [sflag:$0x1] =	stream.indirect.gather [hbm4b:s2+s6], $0x1, s10, s6, $0xb8;
	[tilespmem:$0x8000] =	vst v63  }
0x139: {  	s10 =	sld [smem:$0x747]  }
0x13a: {  	s11 =	sld [smem:$0x748]  }
0x13b: {  	[tilespmem:s9], [sflag:$0x1] =	stream.indirect.gather [hbm4b:s2+s6], $0x1, s1, s6, $0xb8;
	[tilespmem:$0x8000] =	vst v63  }
0x13c: {  	s1 =	sld [smem:$0x749]  }
0x13d: {  	s9 =	sld [smem:$0x74A]  }
0x13e: {  	[tilespmem:s11], [sflag:$0x1] =	stream.indirect.gather [hbm4b:s2+s6], $0x1, s10, s6, $0xb8;
	[tilespmem:$0x8000] =	vst v63  }
0x13f: {  	s10 =	sld [smem:$0x74B]  }
0x140: {  	s11 =	sld [smem:$0x74C]  }
0x141: {  	[tilespmem:s9], [sflag:$0x1] =	stream.indirect.gather [hbm4b:s2+s6], $0x1, s1, s6, $0xb8;
	[tilespmem:$0x8000] =	vst v63  }
0x142: {  	s1 =	sld [smem:$0x74D]  }
0x143: {  	s9 =	sld [smem:$0x74E]  }
0x144: {  	[tilespmem:s11], [sflag:$0x1] =	stream.indirect.gather [hbm4b:s2+s6], $0x1, s10, s6, $0xb8;
	[tilespmem:$0x8000] =	vst v63  }
0x145: {  	s10 =	sld [smem:$0x74F]  }
0x146: {  	s11 =	sld [smem:$0x750]  }
0x147: {  	[tilespmem:s9], [sflag:$0x1] =	stream.indirect.gather [hbm4b:s2+s6], $0x1, s1, s6, $0xb8;
	[tilespmem:$0x8000] =	vst v63  }
0x148: {  	s1 =	sld [smem:$0x751]  }
0x149: {  	s9 =	sld [smem:$0x752]  }
0x14a: {  	[tilespmem:s11], [sflag:$0x1] =	stream.indirect.gather [hbm4b:s2+s6], $0x1, s10, s6, $0xb8;
	[tilespmem:$0x8000] =	vst v63  }
0x14b: {  	s10 =	sld [smem:$0x753]  }
0x14c: {  	s11 =	sld [smem:$0x754]  }
0x14d: {  	[tilespmem:s9], [sflag:$0x1] =	stream.indirect.gather [hbm4b:s2+s6], $0x1, s1, s6, $0xb8;
	[tilespmem:$0x8000] =	vst v63  }
0x14e: {  	s1 =	sld [smem:$0x755]  }
0x14f: {  	s9 =	sld [smem:$0x756]  }
0x150: {  	[tilespmem:s11], [sflag:$0x1] =	stream.indirect.gather [hbm4b:s2+s6], $0x1, s10, s6, $0xb8;
	[tilespmem:$0x8000] =	vst v63  }
0x151: {  	s10 =	sld [smem:$0x757]  }
0x152: {  	s11 =	sld [smem:$0x758]  }
0x153: {  	[tilespmem:s9], [sflag:$0x1] =	stream.indirect.gather [hbm4b:s2+s6], $0x1, s1, s6, $0xb8;
	[tilespmem:$0x8000] =	vst v63  }
0x154: {  	s1 =	sld [smem:$0x759]  }
0x155: {  	s9 =	sld [smem:$0x75A]  }
0x156: {  	[tilespmem:s11], [sflag:$0x1] =	stream.indirect.gather [hbm4b:s2+s6], $0x1, s10, s6, $0xb8;
	[tilespmem:$0x8000] =	vst v63  }
0x157: {  	s10 =	sld [smem:$0x75B]  }
0x158: {  	s11 =	sld [smem:$0x75C]  }
0x159: {  	[tilespmem:s9], [sflag:$0x1] =	stream.indirect.gather [hbm4b:s2+s6], $0x1, s1, s6, $0xb8;
	[tilespmem:$0x8000] =	vst v63  }
0x15a: {  	s1 =	sld [smem:$0x75D]  }
0x15b: {  	s9 =	sld [smem:$0x75E]  }
0x15c: {  	[tilespmem:s11], [sflag:$0x1] =	stream.indirect.gather [hbm4b:s2+s6], $0x1, s10, s6, $0xb8;
	[tilespmem:$0x8000] =	vst v63  }
0x15d: {  	s10 =	sld [smem:$0x75F]  }
0x15e: {  	s11 =	sld [smem:$0x760]  }
0x15f: {  	[tilespmem:s9], [sflag:$0x1] =	stream.indirect.gather [hbm4b:s2+s6], $0x1, s1, s6, $0xb8;
	[tilespmem:$0x8000] =	vst v63  }
0x160: {  	s1 =	sld [smem:$0x761]  }
0x161: {  	s9 =	sld [smem:$0x762]  }
0x162: {  	[tilespmem:s11], [sflag:$0x1] =	stream.indirect.gather [hbm4b:s2+s6], $0x1, s10, s6, $0xb8;
	[tilespmem:$0x8000] =	vst v63  }
0x163: {  	s10 =	sld [smem:$0x763]  }
0x164: {  	s11 =	sld [smem:$0x764]  }
0x165: {  	[tilespmem:s9], [sflag:$0x1] =	stream.indirect.gather [hbm4b:s2+s6], $0x1, s1, s6, $0xb8;
	[tilespmem:$0x8000] =	vst v63  }
0x166: {  	_ = 	snop  }
0x167: {  	[tilespmem:s11], [sflag:$0x1] =	stream.indirect.gather [hbm4b:s2+s6], $0x1, s10, s6, $0xb8;
	[tilespmem:$0x8000] =	vst v63  }
0x168: {  	s1 =	sld [smem:$0x765]  }
0x169: {  	s9 =	sld [smem:$0x766]  }
0x16a: {  	s10 =	sld [smem:$0x767]  }
0x16b: {  	s11 =	sld [smem:$0x768]  }
0x16c: {  	[tilespmem:s9], [sflag:$0x1] =	stream.indirect.gather [hbm4b:s2+s6], $0x1, s1, s6, $0xb8;
	[tilespmem:$0x8000] =	vst v63  }
0x16d: {  	s1 =	sld [smem:$0x769]  }
0x16e: {  	s9 =	sld [smem:$0x76A]  }
0x16f: {  	[tilespmem:s11], [sflag:$0x1] =	stream.indirect.gather [hbm4b:s2+s6], $0x1, s10, s6, $0xb8;
	[tilespmem:$0x8000] =	vst v63  }
0x170: {  	s10 =	sld [smem:$0x76B]  }
0x171: {  	s11 =	sld [smem:$0x76C]  }
0x172: {  	[tilespmem:s9], [sflag:$0x1] =	stream.indirect.gather [hbm4b:s2+s6], $0x1, s1, s6, $0xb8;
	[tilespmem:$0x8000] =	vst v63  }
0x173: {  	s1 =	sld [smem:$0x76D]  }
0x174: {  	s9 =	sld [smem:$0x76E]  }
0x175: {  	[tilespmem:s11], [sflag:$0x1] =	stream.indirect.gather [hbm4b:s2+s6], $0x1, s10, s6, $0xb8;
	[tilespmem:$0x8000] =	vst v63  }
0x176: {  	s10 =	sld [smem:$0x76F]  }
0x177: {  	s11 =	sld [smem:$0x770]  }
0x178: {  	[tilespmem:s9], [sflag:$0x1] =	stream.indirect.gather [hbm4b:s2+s6], $0x1, s1, s6, $0xb8;
	[tilespmem:$0x8000] =	vst v63  }
0x179: {  	s1 =	sld [smem:$0x771]  }
0x17a: {  	s9 =	sld [smem:$0x772]  }
0x17b: {  	[tilespmem:s11], [sflag:$0x1] =	stream.indirect.gather [hbm4b:s2+s6], $0x1, s10, s6, $0xb8;
	[tilespmem:$0x8000] =	vst v63  }
0x17c: {  	s10 =	sld [smem:$0x773]  }
0x17d: {  	s11 =	sld [smem:$0x774]  }
0x17e: {  	[tilespmem:s9], [sflag:$0x1] =	stream.indirect.gather [hbm4b:s2+s6], $0x1, s1, s6, $0xb8;
	[tilespmem:$0x8000] =	vst v63  }
0x17f: {  	s1 =	sld [smem:$0x775]  }
0x180: {  	s9 =	sld [smem:$0x776]  }
0x181: {  	[tilespmem:s11], [sflag:$0x1] =	stream.indirect.gather [hbm4b:s2+s6], $0x1, s10, s6, $0xb8;
	[tilespmem:$0x8000] =	vst v63  }
0x182: {  	s10 =	sld [smem:$0x777]  }
0x183: {  	s11 =	sld [smem:$0x778]  }
0x184: {  	[tilespmem:s9], [sflag:$0x1] =	stream.indirect.gather [hbm4b:s2+s6], $0x1, s1, s6, $0xb8;
	[tilespmem:$0x8000] =	vst v63  }
0x185: {  	s1 =	sld [smem:$0x779]  }
0x186: {  	s9 =	sld [smem:$0x77A]  }
0x187: {  	[tilespmem:s11], [sflag:$0x1] =	stream.indirect.gather [hbm4b:s2+s6], $0x1, s10, s6, $0xb8;
	[tilespmem:$0x8000] =	vst v63  }
0x188: {  	s10 =	sld [smem:$0x77B]  }
0x189: {  	s11 =	sld [smem:$0x77C]  }
0x18a: {  	[tilespmem:s9], [sflag:$0x1] =	stream.indirect.gather [hbm4b:s2+s6], $0x1, s1, s6, $0xb8;
	[tilespmem:$0x8000] =	vst v63  }
0x18b: {  	s1 =	sld [smem:$0x77D]  }
0x18c: {  	s9 =	sld [smem:$0x77E]  }
0x18d: {  	[tilespmem:s11], [sflag:$0x1] =	stream.indirect.gather [hbm4b:s2+s6], $0x1, s10, s6, $0xb8;
	[tilespmem:$0x8000] =	vst v63  }
0x18e: {  	s10 =	sld [smem:$0x77F]  }
0x18f: {  	s11 =	sld [smem:$0x780]  }
0x190: {  	[tilespmem:s9], [sflag:$0x1] =	stream.indirect.gather [hbm4b:s2+s6], $0x1, s1, s6, $0xb8;
	[tilespmem:$0x8000] =	vst v63  }
0x191: {  	s1 =	sld [smem:$0x781]  }
0x192: {  	s9 =	sld [smem:$0x782]  }
0x193: {  	[tilespmem:s11], [sflag:$0x1] =	stream.indirect.gather [hbm4b:s2+s6], $0x1, s10, s6, $0xb8;
	[tilespmem:$0x8000] =	vst v63  }
0x194: {  	s10 =	sld [smem:$0x783]  }
0x195: {  	s11 =	sld [smem:$0x784]  }
0x196: {  	[tilespmem:s9], [sflag:$0x1] =	stream.indirect.gather [hbm4b:s2+s6], $0x1, s1, s6, $0xb8;
	[tilespmem:$0x8000] =	vst v63  }
0x197: {  	s1 =	sld [smem:$0x785]  }
0x198: {  	s9 =	sld [smem:$0x786]  }
0x199: {  	[tilespmem:s11], [sflag:$0x1] =	stream.indirect.gather [hbm4b:s2+s6], $0x1, s10, s6, $0xb8;
	[tilespmem:$0x8000] =	vst v63  }
0x19a: {  	s10 =	sld [smem:$0x787]  }
0x19b: {  	s11 =	sld [smem:$0x788]  }
0x19c: {  	[tilespmem:s9], [sflag:$0x1] =	stream.indirect.gather [hbm4b:s2+s6], $0x1, s1, s6, $0xb8;
	[tilespmem:$0x8000] =	vst v63  }
0x19d: {  	s1 =	sld [smem:$0x789]  }
0x19e: {  	s9 =	sld [smem:$0x78A]  }
0x19f: {  	[tilespmem:s11], [sflag:$0x1] =	stream.indirect.gather [hbm4b:s2+s6], $0x1, s10, s6, $0xb8;
	[tilespmem:$0x8000] =	vst v63  }
0x1a0: {  	s10 =	sld [smem:$0x78B]  }
0x1a1: {  	s11 =	sld [smem:$0x78C]  }
0x1a2: {  	[tilespmem:s9], [sflag:$0x1] =	stream.indirect.gather [hbm4b:s2+s6], $0x1, s1, s6, $0xb8;
	[tilespmem:$0x8000] =	vst v63  }
0x1a3: {  	s1 =	sld [smem:$0x78D]  }
0x1a4: {  	s9 =	sld [smem:$0x78E]  }
0x1a5: {  	[tilespmem:s11], [sflag:$0x1] =	stream.indirect.gather [hbm4b:s2+s6], $0x1, s10, s6, $0xb8;
	[tilespmem:$0x8000] =	vst v63  }
0x1a6: {  	s10 =	sld [smem:$0x78F]  }
0x1a7: {  	s11 =	sld [smem:$0x790]  }
0x1a8: {  	[tilespmem:s9], [sflag:$0x1] =	stream.indirect.gather [hbm4b:s2+s6], $0x1, s1, s6, $0xb8;
	[tilespmem:$0x8000] =	vst v63  }
0x1a9: {  	s1 =	sld [smem:$0x791]  }
0x1aa: {  	s9 =	sld [smem:$0x792]  }
0x1ab: {  	[tilespmem:s11], [sflag:$0x1] =	stream.indirect.gather [hbm4b:s2+s6], $0x1, s10, s6, $0xb8;
	[tilespmem:$0x8000] =	vst v63  }
0x1ac: {  	s10 =	sld [smem:$0x793]  }
0x1ad: {  	s11 =	sld [smem:$0x794]  }
0x1ae: {  	[tilespmem:s9], [sflag:$0x1] =	stream.indirect.gather [hbm4b:s2+s6], $0x1, s1, s6, $0xb8;
	[tilespmem:$0x8000] =	vst v63  }
0x1af: {  	s1 =	sld [smem:$0x795]  }
0x1b0: {  	s9 =	sld [smem:$0x796]  }
0x1b1: {  	[tilespmem:s11], [sflag:$0x1] =	stream.indirect.gather [hbm4b:s2+s6], $0x1, s10, s6, $0xb8;
	[tilespmem:$0x8000] =	vst v63  }
0x1b2: {  	s10 =	sld [smem:$0x797]  }
0x1b3: {  	s11 =	sld [smem:$0x798]  }
0x1b4: {  	[tilespmem:s9], [sflag:$0x1] =	stream.indirect.gather [hbm4b:s2+s6], $0x1, s1, s6, $0xb8;
	[tilespmem:$0x8000] =	vst v63  }
0x1b5: {  	s1 =	sld [smem:$0x799]  }
0x1b6: {  	s9 =	sld [smem:$0x79A]  }
0x1b7: {  	[tilespmem:s11], [sflag:$0x1] =	stream.indirect.gather [hbm4b:s2+s6], $0x1, s10, s6, $0xb8;
	[tilespmem:$0x8000] =	vst v63  }
0x1b8: {  	s10 =	sld [smem:$0x79B]  }
0x1b9: {  	s11 =	sld [smem:$0x79C]  }
0x1ba: {  	[tilespmem:s9], [sflag:$0x1] =	stream.indirect.gather [hbm4b:s2+s6], $0x1, s1, s6, $0xb8;
	[tilespmem:$0x8000] =	vst v63  }
0x1bb: {  	s1 =	sld [smem:$0x79D]  }
0x1bc: {  	s9 =	sld [smem:$0x79E]  }
0x1bd: {  	[tilespmem:s11], [sflag:$0x1] =	stream.indirect.gather [hbm4b:s2+s6], $0x1, s10, s6, $0xb8;
	[tilespmem:$0x8000] =	vst v63  }
0x1be: {  	s10 =	sld [smem:$0x79F]  }
0x1bf: {  	s11 =	sld [smem:$0x7A0]  }
0x1c0: {  	[tilespmem:s9], [sflag:$0x1] =	stream.indirect.gather [hbm4b:s2+s6], $0x1, s1, s6, $0xb8;
	[tilespmem:$0x8000] =	vst v63  }
0x1c1: {  	s1 =	sld [smem:$0x7A1]  }
0x1c2: {  	s9 =	sld [smem:$0x7A2]  }
0x1c3: {  	[tilespmem:s11], [sflag:$0x1] =	stream.indirect.gather [hbm4b:s2+s6], $0x1, s10, s6, $0xb8;
	[tilespmem:$0x8000] =	vst v63  }
0x1c4: {  	s10 =	sld [smem:$0x7A3]  }
0x1c5: {  	s11 =	sld [smem:$0x7A4]  }
0x1c6: {  	[tilespmem:s9], [sflag:$0x1] =	stream.indirect.gather [hbm4b:s2+s6], $0x1, s1, s6, $0xb8;
	[tilespmem:$0x8000] =	vst v63  }
0x1c7: {  	s1 =	sld [smem:$0x7A5]  }
0x1c8: {  	s9 =	sld [smem:$0x7A6]  }
0x1c9: {  	[tilespmem:s11], [sflag:$0x1] =	stream.indirect.gather [hbm4b:s2+s6], $0x1, s10, s6, $0xb8;
	[tilespmem:$0x8000] =	vst v63  }
0x1ca: {  	s10 =	sld [smem:$0x7A7]  }
0x1cb: {  	s11 =	sld [smem:$0x7A8]  }
0x1cc: {  	[tilespmem:s9], [sflag:$0x1] =	stream.indirect.gather [hbm4b:s2+s6], $0x1, s1, s6, $0xb8;
	[tilespmem:$0x8000] =	vst v63  }
0x1cd: {  	s1 =	sld [smem:$0x7A9]  }
0x1ce: {  	s9 =	sld [smem:$0x7AA]  }
0x1cf: {  	[tilespmem:s11], [sflag:$0x1] =	stream.indirect.gather [hbm4b:s2+s6], $0x1, s10, s6, $0xb8;
	[tilespmem:$0x8000] =	vst v63  }
0x1d0: {  	s10 =	sld [smem:$0x7AB]  }
0x1d1: {  	s11 =	sld [smem:$0x7AC]  }
0x1d2: {  	[tilespmem:s9], [sflag:$0x1] =	stream.indirect.gather [hbm4b:s2+s6], $0x1, s1, s6, $0xb8;
	[tilespmem:$0x8000] =	vst v63  }
0x1d3: {  	s1 =	sld [smem:$0x7AD]  }
0x1d4: {  	s9 =	sld [smem:$0x7AE]  }
0x1d5: {  	[tilespmem:s11], [sflag:$0x1] =	stream.indirect.gather [hbm4b:s2+s6], $0x1, s10, s6, $0xb8;
	[tilespmem:$0x8000] =	vst v63  }
0x1d6: {  	s10 =	sld [smem:$0x7AF]  }
0x1d7: {  	s11 =	sld [smem:$0x7B0]  }
0x1d8: {  	[tilespmem:s9], [sflag:$0x1] =	stream.indirect.gather [hbm4b:s2+s6], $0x1, s1, s6, $0xb8;
	[tilespmem:$0x8000] =	vst v63  }
0x1d9: {  	s1 =	sld [smem:$0x7B1]  }
0x1da: {  	s9 =	sld [smem:$0x7B2]  }
0x1db: {  	[tilespmem:s11], [sflag:$0x1] =	stream.indirect.gather [hbm4b:s2+s6], $0x1, s10, s6, $0xb8;
	[tilespmem:$0x8000] =	vst v63  }
0x1dc: {  	s10 =	sld [smem:$0x7B3]  }
0x1dd: {  	s11 =	sld [smem:$0x7B4]  }
0x1de: {  	[tilespmem:s9], [sflag:$0x1] =	stream.indirect.gather [hbm4b:s2+s6], $0x1, s1, s6, $0xb8;
	[tilespmem:$0x8000] =	vst v63  }
0x1df: {  	s1 =	sld [smem:$0x7B5]  }
0x1e0: {  	s9 =	sld [smem:$0x7B6]  }
0x1e1: {  	[tilespmem:s11], [sflag:$0x1] =	stream.indirect.gather [hbm4b:s2+s6], $0x1, s10, s6, $0xb8;
	[tilespmem:$0x8000] =	vst v63  }
0x1e2: {  	s10 =	sld [smem:$0x7B7]  }
0x1e3: {  	s11 =	sld [smem:$0x7B8]  }
0x1e4: {  	[tilespmem:s9], [sflag:$0x1] =	stream.indirect.gather [hbm4b:s2+s6], $0x1, s1, s6, $0xb8;
	[tilespmem:$0x8000] =	vst v63  }
0x1e5: {  	s1 =	sld [smem:$0x7B9]  }
0x1e6: {  	s9 =	sld [smem:$0x7BA]  }
0x1e7: {  	[tilespmem:s11], [sflag:$0x1] =	stream.indirect.gather [hbm4b:s2+s6], $0x1, s10, s6, $0xb8;
	[tilespmem:$0x8000] =	vst v63  }
0x1e8: {  	s10 =	sld [smem:$0x7BB]  }
0x1e9: {  	s11 =	sld [smem:$0x7BC]  }
0x1ea: {  	[tilespmem:s9], [sflag:$0x1] =	stream.indirect.gather [hbm4b:s2+s6], $0x1, s1, s6, $0xb8;
	[tilespmem:$0x8000] =	vst v63  }
0x1eb: {  	s1 =	sld [smem:$0x7BD]  }
0x1ec: {  	s9 =	sld [smem:$0x7BE]  }
0x1ed: {  	[tilespmem:s11], [sflag:$0x1] =	stream.indirect.gather [hbm4b:s2+s6], $0x1, s10, s6, $0xb8;
	[tilespmem:$0x8000] =	vst v63  }
0x1ee: {  	s10 =	sld [smem:$0x7BF]  }
0x1ef: {  	s11 =	sld [smem:$0x7C0]  }
0x1f0: {  	[tilespmem:s9], [sflag:$0x1] =	stream.indirect.gather [hbm4b:s2+s6], $0x1, s1, s6, $0xb8;
	[tilespmem:$0x8000] =	vst v63  }
0x1f1: {  	s1 =	sld [smem:$0x7C1]  }
0x1f2: {  	s9 =	sld [smem:$0x7C2]  }
0x1f3: {  	[tilespmem:s11], [sflag:$0x1] =	stream.indirect.gather [hbm4b:s2+s6], $0x1, s10, s6, $0xb8;
	[tilespmem:$0x8000] =	vst v63  }
0x1f4: {  	s10 =	sld [smem:$0x7C3]  }
0x1f5: {  	s11 =	sld [smem:$0x7C4]  }
0x1f6: {  	[tilespmem:s9], [sflag:$0x1] =	stream.indirect.gather [hbm4b:s2+s6], $0x1, s1, s6, $0xb8;
	[tilespmem:$0x8000] =	vst v63  }
0x1f7: {  	s1 =	sld [smem:$0x7C5]  }
0x1f8: {  	s9 =	sld [smem:$0x7C6]  }
0x1f9: {  	[tilespmem:s11], [sflag:$0x1] =	stream.indirect.gather [hbm4b:s2+s6], $0x1, s10, s6, $0xb8;
	[tilespmem:$0x8000] =	vst v63  }
0x1fa: {  	s10 =	sld [smem:$0x7C7]  }
0x1fb: {  	s11 =	sld [smem:$0x7C8]  }
0x1fc: {  	[tilespmem:s9], [sflag:$0x1] =	stream.indirect.gather [hbm4b:s2+s6], $0x1, s1, s6, $0xb8;
	[tilespmem:$0x8000] =	vst v63  }
0x1fd: {  	s1 =	sld [smem:$0x7C9]  }
0x1fe: {  	s9 =	sld [smem:$0x7CA]  }
0x1ff: {  	[tilespmem:s11], [sflag:$0x1] =	stream.indirect.gather [hbm4b:s2+s6], $0x1, s10, s6, $0xb8;
	[tilespmem:$0x8000] =	vst v63  }
0x200: {  	s10 =	sld [smem:$0x7CB]  }
0x201: {  	s11 =	sld [smem:$0x7CC]  }
0x202: {  	[tilespmem:s9], [sflag:$0x1] =	stream.indirect.gather [hbm4b:s2+s6], $0x1, s1, s6, $0xb8;
	[tilespmem:$0x8000] =	vst v63  }
0x203: {  	s1 =	sld [smem:$0x7CD]  }
0x204: {  	s9 =	sld [smem:$0x7CE]  }
0x205: {  	[tilespmem:s11], [sflag:$0x1] =	stream.indirect.gather [hbm4b:s2+s6], $0x1, s10, s6, $0xb8;
	[tilespmem:$0x8000] =	vst v63  }
0x206: {  	s10 =	sld [smem:$0x7CF]  }
0x207: {  	s11 =	sld [smem:$0x7D0]  }
0x208: {  	[tilespmem:s9], [sflag:$0x1] =	stream.indirect.gather [hbm4b:s2+s6], $0x1, s1, s6, $0xb8;
	[tilespmem:$0x8000] =	vst v63  }
0x209: {  	s1 =	sld [smem:$0x7D1]  }
0x20a: {  	s9 =	sld [smem:$0x7D2]  }
0x20b: {  	[tilespmem:s11], [sflag:$0x1] =	stream.indirect.gather [hbm4b:s2+s6], $0x1, s10, s6, $0xb8;
	[tilespmem:$0x8000] =	vst v63  }
0x20c: {  	s10 =	sld [smem:$0x7D3]  }
0x20d: {  	s11 =	sld [smem:$0x7D4]  }
0x20e: {  	[tilespmem:s9], [sflag:$0x1] =	stream.indirect.gather [hbm4b:s2+s6], $0x1, s1, s6, $0xb8;
	[tilespmem:$0x8000] =	vst v63  }
0x20f: {  	s1 =	sld [smem:$0x7D5]  }
0x210: {  	s9 =	sld [smem:$0x7D6]  }
0x211: {  	[tilespmem:s11], [sflag:$0x1] =	stream.indirect.gather [hbm4b:s2+s6], $0x1, s10, s6, $0xb8;
	[tilespmem:$0x8000] =	vst v63  }
0x212: {  	s10 =	sld [smem:$0x7D7]  }
0x213: {  	s11 =	sld [smem:$0x7D8]  }
0x214: {  	[tilespmem:s9], [sflag:$0x1] =	stream.indirect.gather [hbm4b:s2+s6], $0x1, s1, s6, $0xb8;
	[tilespmem:$0x8000] =	vst v63  }
0x215: {  	s1 =	sld [smem:$0x7D9]  }
0x216: {  	s9 =	sld [smem:$0x7DA]  }
0x217: {  	[tilespmem:s11], [sflag:$0x1] =	stream.indirect.gather [hbm4b:s2+s6], $0x1, s10, s6, $0xb8;
	[tilespmem:$0x8000] =	vst v63  }
0x218: {  	s10 =	sld [smem:$0x7DB]  }
0x219: {  	s11 =	sld [smem:$0x7DC]  }
0x21a: {  	[tilespmem:s9], [sflag:$0x1] =	stream.indirect.gather [hbm4b:s2+s6], $0x1, s1, s6, $0xb8;
	[tilespmem:$0x8000] =	vst v63  }
0x21b: {  	s1 =	sld [smem:$0x7DD]  }
0x21c: {  	s9 =	sld [smem:$0x7DE]  }
0x21d: {  	[tilespmem:s11], [sflag:$0x1] =	stream.indirect.gather [hbm4b:s2+s6], $0x1, s10, s6, $0xb8;
	[tilespmem:$0x8000] =	vst v63  }
0x21e: {  	s10 =	sld [smem:$0x7DF]  }
0x21f: {  	s11 =	sld [smem:$0x7E0]  }
0x220: {  	[tilespmem:s9], [sflag:$0x1] =	stream.indirect.gather [hbm4b:s2+s6], $0x1, s1, s6, $0xb8;
	[tilespmem:$0x8000] =	vst v63  }
0x221: {  	s1 =	sld [smem:$0x7E1]  }
0x222: {  	s9 =	sld [smem:$0x7E2]  }
0x223: {  	[tilespmem:s11], [sflag:$0x1] =	stream.indirect.gather [hbm4b:s2+s6], $0x1, s10, s6, $0xb8;
	[tilespmem:$0x8000] =	vst v63  }
0x224: {  	s10 =	sld [smem:$0x7E3]  }
0x225: {  	s11 =	sld [smem:$0x7E4]  }
0x226: {  	[tilespmem:s9], [sflag:$0x1] =	stream.indirect.gather [hbm4b:s2+s6], $0x1, s1, s6, $0xb8;
	[tilespmem:$0x8000] =	vst v63  }
0x227: {  	s1 =	sld [smem:$0x7E5]  }
0x228: {  	s9 =	sld [smem:$0x7E6]  }
0x229: {  	[tilespmem:s11], [sflag:$0x1] =	stream.indirect.gather [hbm4b:s2+s6], $0x1, s10, s6, $0xb8;
	[tilespmem:$0x8000] =	vst v63  }
0x22a: {  	s10 =	sld [smem:$0x7E7]  }
0x22b: {  	s11 =	sld [smem:$0x7E8]  }
0x22c: {  	[tilespmem:s9], [sflag:$0x1] =	stream.indirect.gather [hbm4b:s2+s6], $0x1, s1, s6, $0xb8;
	[tilespmem:$0x8000] =	vst v63  }
0x22d: {  	s1 =	sld [smem:$0x7E9]  }
0x22e: {  	s9 =	sld [smem:$0x7EA]  }
0x22f: {  	[tilespmem:s11], [sflag:$0x1] =	stream.indirect.gather [hbm4b:s2+s6], $0x1, s10, s6, $0xb8;
	[tilespmem:$0x8000] =	vst v63  }
0x230: {  	s10 =	sld [smem:$0x7EB]  }
0x231: {  	s11 =	sld [smem:$0x7EC]  }
0x232: {  	[tilespmem:s9], [sflag:$0x1] =	stream.indirect.gather [hbm4b:s2+s6], $0x1, s1, s6, $0xb8;
	[tilespmem:$0x8000] =	vst v63  }
0x233: {  	s1 =	sld [smem:$0x7ED]  }
0x234: {  	s9 =	sld [smem:$0x7EE]  }
0x235: {  	[tilespmem:s11], [sflag:$0x1] =	stream.indirect.gather [hbm4b:s2+s6], $0x1, s10, s6, $0xb8;
	[tilespmem:$0x8000] =	vst v63  }
0x236: {  	s10 =	sld [smem:$0x7EF]  }
0x237: {  	s11 =	sld [smem:$0x7F0]  }
0x238: {  	[tilespmem:s9], [sflag:$0x1] =	stream.indirect.gather [hbm4b:s2+s6], $0x1, s1, s6, $0xb8;
	[tilespmem:$0x8000] =	vst v63  }
0x239: {  	s1 =	sld [smem:$0x7F1]  }
0x23a: {  	s9 =	sld [smem:$0x7F2]  }
0x23b: {  	[tilespmem:s11], [sflag:$0x1] =	stream.indirect.gather [hbm4b:s2+s6], $0x1, s10, s6, $0xb8;
	[tilespmem:$0x8000] =	vst v63  }
0x23c: {  	s10 =	sld [smem:$0x7F3]  }
0x23d: {  	s11 =	sld [smem:$0x7F4]  }
0x23e: {  	[tilespmem:s9], [sflag:$0x1] =	stream.indirect.gather [hbm4b:s2+s6], $0x1, s1, s6, $0xb8;
	[tilespmem:$0x8000] =	vst v63  }
0x23f: {  	s1 =	sld [smem:$0x7F5]  }
0x240: {  	s9 =	sld [smem:$0x7F6]  }
0x241: {  	[tilespmem:s11], [sflag:$0x1] =	stream.indirect.gather [hbm4b:s2+s6], $0x1, s10, s6, $0xb8;
	[tilespmem:$0x8000] =	vst v63  }
0x242: {  	s10 =	sld [smem:$0x7F7]  }
0x243: {  	s11 =	sld [smem:$0x7F8]  }
0x244: {  	[tilespmem:s9], [sflag:$0x1] =	stream.indirect.gather [hbm4b:s2+s6], $0x1, s1, s6, $0xb8;
	[tilespmem:$0x8000] =	vst v63  }
0x245: {  	s1 =	sld [smem:$0x7F9]  }
0x246: {  	s9 =	sld [smem:$0x7FA]  }
0x247: {  	[tilespmem:s11], [sflag:$0x1] =	stream.indirect.gather [hbm4b:s2+s6], $0x1, s10, s6, $0xb8;
	[tilespmem:$0x8000] =	vst v63  }
0x248: {  	s10 =	sld [smem:$0x7FB]  }
0x249: {  	s11 =	sld [smem:$0x7FC]  }
0x24a: {  	[tilespmem:s9], [sflag:$0x1] =	stream.indirect.gather [hbm4b:s2+s6], $0x1, s1, s6, $0xb8;
	[tilespmem:$0x8000] =	vst v63  }
0x24b: {  	s9 =	sld [smem:$0x7FD]  }
0x24c: {  	[tilespmem:s11], [sflag:$0x1] =	stream.indirect.gather [hbm4b:s2+s6], $0x1, s10, s6, $0xb8;
	[tilespmem:$0x8000] =	vst v63  }
0x24d: {  	s11 =	simm.s32 $0x5E80  }
0x24e: {  	[tilespmem:s11], [sflag:$0x1] =	stream.indirect.gather [hbm4b:s2+s6], $0x1, s9, s6, $0xb8;
	[tilespmem:$0x8000] =	vst v63  }
0x24f: {  	s10 =	simm.s32 $0x5F00;
	s9 =	simm.s32 $0x1B80  }
0x250: {  	[tilespmem:s10], [sflag:$0x1] =	stream.indirect.gather [hbm4b:s2+s6], $0x1, s9, s6, $0xb8;
	[tilespmem:$0x8000] =	vst v63  }
0x251: {  	_ = 	snop  }
0x252: {  	[tilespmem:s13], [sflag:$0x1] =	stream.indirect.gather [hbm4b:s2+s6], $0x1, s12, s6, $0xb8;
	[tilespmem:$0x8000] =	vst v63  }
0x253: {  	_ = 	snop  }
0x254: {  	[tilespmem:s15], [sflag:$0x1] =	stream.indirect.gather [hbm4b:s2+s6], $0x1, s14, s6, $0xb8;
	[tilespmem:$0x8000] =	vst v63  }
0x255: {  	_ = 	snop  }
0x256: {  	[tilespmem:s17], [sflag:$0x1] =	stream.indirect.gather [hbm4b:s2+s6], $0x1, s16, s6, $0xb8;
	[tilespmem:$0x8000] =	vst v63  }
0x257: {  	_ = 	snop  }
0x258: {  	[tilespmem:s19], [sflag:$0x1] =	stream.indirect.gather [hbm4b:s2+s6], $0x1, s18, s6, $0xb8;
	[tilespmem:$0x8000] =	vst v63  }
0x259: {  	_ = 	snop  }
0x25a: {  	[tilespmem:s21], [sflag:$0x1] =	stream.indirect.gather [hbm4b:s2+s6], $0x1, s20, s6, $0xb8;
	[tilespmem:$0x8000] =	vst v63  }
0x25b: {  	_ = 	snop  }
0x25c: {  	[tilespmem:s23], [sflag:$0x1] =	stream.indirect.gather [hbm4b:s2+s6], $0x1, s22, s6, $0xb8;
	[tilespmem:$0x8000] =	vst v63  }
0x25d: {  	_ = 	snop  }
0x25e: {  	[tilespmem:s25], [sflag:$0x1] =	stream.indirect.gather [hbm4b:s2+s6], $0x1, s24, s6, $0xb8;
	[tilespmem:$0x8000] =	vst v63  }
0x25f: {  	_ = 	snop  }
0x260: {  	[tilespmem:s28], [sflag:$0x1] =	stream.indirect.gather [hbm4b:s2+s6], $0x1, s26, s6, $0xb8;
	[tilespmem:$0x8000] =	vst v63  }
0x261: {  	_ = 	snop  }
0x262: {  	[tilespmem:s30], [sflag:$0x1] =	stream.indirect.gather [hbm4b:s2+s6], $0x1, s29, s6, $0xb8;
	[tilespmem:$0x8000] =	vst v63  }
0x263: {  	_ =	swait.ge [sflag:s31], $0x80  }
0x264: {  	[sflag:s31] =	ssyncset.done $0x0  }
0x265: {  	[sflag:s31] =	ssyncadd.s32 $0xFFFFFF80  }
0x266: {  	_ =	swait.ge [sflag:s31], $0x80  }
0x267: {  	[sflag:s31] =	ssyncset.done $0x0  }
0x268: {  	[sflag:s31] =	ssyncadd.s32 $0xFFFFFF80  }
0x269: {  	_ =	swait.ge [sflag:s31], $0x80  }
0x26a: {  	[sflag:s31] =	ssyncset.done $0x0  }
0x26b: {  	[sflag:s31] =	ssyncadd.s32 $0xFFFFFF80  }
0x26c: {  	_ =	swait.ge [sflag:s31], $0x80  }
0x26d: {  	[sflag:s31] =	ssyncset.done $0x0  }
0x26e: {  	[sflag:s31] =	ssyncadd.s32 $0xFFFFFF80  }
0x26f: {  	_ =	swait.ge [sflag:s31], $0x80  }
0x270: {  	[sflag:s31] =	ssyncset.done $0x0  }
0x271: {  	[sflag:s31] =	ssyncadd.s32 $0xFFFFFF80  }
0x272: {  	_ =	swait.ge [sflag:s31], $0x80  }
0x273: {  	[sflag:s31] =	ssyncset.done $0x0  }
0x274: {  	[sflag:s31] =	ssyncadd.s32 $0xFFFFFF80  }
0x275: {  	_ =	swait.ge [sflag:s31], $0x80  }
0x276: {  	[sflag:s31] =	ssyncset.done $0x0  }
0x277: {  	[sflag:s31] =	ssyncadd.s32 $0xFFFFFF80  }
0x278: {  	_ =	swait.ge [sflag:s31], $0x80  }
0x279: {  	[sflag:s31] =	ssyncset.done $0x0  }
0x27a: {  	[sflag:s31] =	ssyncadd.s32 $0xFFFFFF80  }
0x27b: {  	_ =	swait.ge [sflag:s31], $0x80  }
0x27c: {  	[sflag:s31] =	ssyncset.done $0x0  }
0x27d: {  	[sflag:s31] =	ssyncadd.s32 $0xFFFFFF80  }
0x27e: {  	_ =	swait.ge [sflag:s31], $0x80  }
0x27f: {  	[sflag:s31] =	ssyncset.done $0x0  }
0x280: {  	[sflag:s31] =	ssyncadd.s32 $0xFFFFFF80  }
0x281: {  	_ =	swait.ge [sflag:s31], $0x80  }
0x282: {  	[sflag:s31] =	ssyncset.done $0x0  }
0x283: {  	[sflag:s31] =	ssyncadd.s32 $0xFFFFFF80  }
0x284: {  	_ =	swait.ge [sflag:s31], $0x80  }
0x285: {  	[sflag:s31] =	ssyncset.done $0x0  }
0x286: {  	[sflag:s31] =	ssyncadd.s32 $0xFFFFFF80  }
0x287: {  	_ =	swait.ge [sflag:s31], $0x80  }
0x288: {  	[sflag:s31] =	ssyncset.done $0x0  }
0x289: {  	[sflag:s31] =	ssyncadd.s32 $0xFFFFFF80  }
0x28a: {  	_ =	swait.ge [sflag:s31], $0x80  }
0x28b: {  	[sflag:s31] =	ssyncset.done $0x0  }
0x28c: {  	[sflag:s31] =	ssyncadd.s32 $0xFFFFFF80  }
0x28d: {  	_ =	swait.ge [sflag:s31], $0x80  }
0x28e: {  	[sflag:s31] =	ssyncset.done $0x0  }
0x28f: {  	[sflag:s31] =	ssyncadd.s32 $0xFFFFFF80  }
0x290: {  	_ =	swait.ge [sflag:s31], $0x80  }
0x291: {  	[sflag:s31] =	ssyncset.done $0x0  }
0x292: {  	[sflag:s31] =	ssyncadd.s32 $0xFFFFFF80  }
0x293: {  	_ =	swait.ge [sflag:s31], $0x80  }
0x294: {  	[sflag:s31] =	ssyncset.done $0x0  }
0x295: {  	[sflag:s31] =	ssyncadd.s32 $0xFFFFFF80  }
0x296: {  	_ =	swait.ge [sflag:s31], $0x80  }
0x297: {  	[sflag:s31] =	ssyncset.done $0x0  }
0x298: {  	[sflag:s31] =	ssyncadd.s32 $0xFFFFFF80  }
0x299: {  	_ =	swait.ge [sflag:s31], $0x80  }
0x29a: {  	[sflag:s31] =	ssyncset.done $0x0  }
0x29b: {  	[sflag:s31] =	ssyncadd.s32 $0xFFFFFF80  }
0x29c: {  	_ =	swait.ge [sflag:s31], $0x80  }
0x29d: {  	[sflag:s31] =	ssyncset.done $0x0  }
0x29e: {  	[sflag:s31] =	ssyncadd.s32 $0xFFFFFF80  }
0x29f: {  	_ =	swait.ge [sflag:s31], $0x80  }
0x2a0: {  	[sflag:s31] =	ssyncset.done $0x0  }
0x2a1: {  	[sflag:s31] =	ssyncadd.s32 $0xFFFFFF80  }
0x2a2: {  	_ =	swait.ge [sflag:s31], $0x80  }
0x2a3: {  	[sflag:s31] =	ssyncset.done $0x0  }
0x2a4: {  	[sflag:s31] =	ssyncadd.s32 $0xFFFFFF80  }
0x2a5: {  	_ =	swait.ge [sflag:s31], $0x80  }
0x2a6: {  	[sflag:s31] =	ssyncset.done $0x0  }
0x2a7: {  	[sflag:s31] =	ssyncadd.s32 $0xFFFFFF80  }
0x2a8: {  	_ =	swait.ge [sflag:s31], $0x80  }
0x2a9: {  	[sflag:s31] =	ssyncset.done $0x0  }
0x2aa: {  	[sflag:s31] =	ssyncadd.s32 $0xFFFFFF80  }
0x2ab: {  	_ =	swait.ge [sflag:s31], $0x80  }
0x2ac: {  	[sflag:s31] =	ssyncset.done $0x0  }
0x2ad: {  	[sflag:s31] =	ssyncadd.s32 $0xFFFFFF80  }
0x2ae: {  	_ =	swait.ge [sflag:s31], $0x80  }
0x2af: {  	[sflag:s31] =	ssyncset.done $0x0  }
0x2b0: {  	[sflag:s31] =	ssyncadd.s32 $0xFFFFFF80  }
0x2b1: {  	_ =	swait.ge [sflag:s31], $0x80  }
0x2b2: {  	[sflag:s31] =	ssyncset.done $0x0  }
0x2b3: {  	[sflag:s31] =	ssyncadd.s32 $0xFFFFFF80  }
0x2b4: {  	_ =	swait.ge [sflag:s31], $0x80  }
0x2b5: {  	[sflag:s31] =	ssyncset.done $0x0  }
0x2b6: {  	[sflag:s31] =	ssyncadd.s32 $0xFFFFFF80  }
0x2b7: {  	_ =	swait.ge [sflag:s31], $0x80  }
0x2b8: {  	[sflag:s31] =	ssyncset.done $0x0  }
0x2b9: {  	[sflag:s31] =	ssyncadd.s32 $0xFFFFFF80  }
0x2ba: {  	_ =	swait.ge [sflag:s31], $0x80  }
0x2bb: {  	[sflag:s31] =	ssyncset.done $0x0  }
0x2bc: {  	[sflag:s31] =	ssyncadd.s32 $0xFFFFFF80  }
0x2bd: {  	_ =	swait.ge [sflag:s31], $0x80  }
0x2be: {  	[sflag:s31] =	ssyncset.done $0x0  }
0x2bf: {  	[sflag:s31] =	ssyncadd.s32 $0xFFFFFF80  }
0x2c0: {  	_ =	swait.ge [sflag:s31], $0x80  }
0x2c1: {  	[sflag:s31] =	ssyncset.done $0x0  }
0x2c2: {  	[sflag:s31] =	ssyncadd.s32 $0xFFFFFF80  }
0x2c3: {  	_ =	swait.ge [sflag:s31], $0x80  }
0x2c4: {  	[sflag:s31] =	ssyncset.done $0x0  }
0x2c5: {  	[sflag:s31] =	ssyncadd.s32 $0xFFFFFF80  }
0x2c6: {  	_ =	swait.ge [sflag:s31], $0x80  }
0x2c7: {  	[sflag:s31] =	ssyncset.done $0x0  }
0x2c8: {  	[sflag:s31] =	ssyncadd.s32 $0xFFFFFF80  }
0x2c9: {  	_ =	swait.ge [sflag:s31], $0x80  }
0x2ca: {  	[sflag:s31] =	ssyncset.done $0x0  }
0x2cb: {  	[sflag:s31] =	ssyncadd.s32 $0xFFFFFF80  }
0x2cc: {  	_ =	swait.ge [sflag:s31], $0x80  }
0x2cd: {  	[sflag:s31] =	ssyncset.done $0x0  }
0x2ce: {  	[sflag:s31] =	ssyncadd.s32 $0xFFFFFF80  }
0x2cf: {  	_ =	swait.ge [sflag:s31], $0x80  }
0x2d0: {  	[sflag:s31] =	ssyncset.done $0x0  }
0x2d1: {  	[sflag:s31] =	ssyncadd.s32 $0xFFFFFF80  }
0x2d2: {  	_ =	swait.ge [sflag:s31], $0x80  }
0x2d3: {  	[sflag:s31] =	ssyncset.done $0x0  }
0x2d4: {  	[sflag:s31] =	ssyncadd.s32 $0xFFFFFF80  }
0x2d5: {  	_ =	swait.ge [sflag:s31], $0x80  }
0x2d6: {  	[sflag:s31] =	ssyncset.done $0x0  }
0x2d7: {  	[sflag:s31] =	ssyncadd.s32 $0xFFFFFF80  }
0x2d8: {  	_ =	swait.ge [sflag:s31], $0x80  }
0x2d9: {  	[sflag:s31] =	ssyncset.done $0x0  }
0x2da: {  	[sflag:s31] =	ssyncadd.s32 $0xFFFFFF80  }
0x2db: {  	_ =	swait.ge [sflag:s31], $0x80  }
0x2dc: {  	[sflag:s31] =	ssyncset.done $0x0  }
0x2dd: {  	[sflag:s31] =	ssyncadd.s32 $0xFFFFFF80  }
0x2de: {  	_ =	swait.ge [sflag:s31], $0x80  }
0x2df: {  	[sflag:s31] =	ssyncset.done $0x0  }
0x2e0: {  	[sflag:s31] =	ssyncadd.s32 $0xFFFFFF80  }
0x2e1: {  	_ =	swait.ge [sflag:s31], $0x80  }
0x2e2: {  	[sflag:s31] =	ssyncset.done $0x0  }
0x2e3: {  	[sflag:s31] =	ssyncadd.s32 $0xFFFFFF80  }
0x2e4: {  	_ =	swait.ge [sflag:s31], $0x80  }
0x2e5: {  	[sflag:s31] =	ssyncset.done $0x0  }
0x2e6: {  	[sflag:s31] =	ssyncadd.s32 $0xFFFFFF80  }
0x2e7: {  	_ =	swait.ge [sflag:s31], $0x80  }
0x2e8: {  	[sflag:s31] =	ssyncset.done $0x0  }
0x2e9: {  	[sflag:s31] =	ssyncadd.s32 $0xFFFFFF80  }
0x2ea: {  	_ =	swait.ge [sflag:s31], $0x80  }
0x2eb: {  	[sflag:s31] =	ssyncset.done $0x0  }
0x2ec: {  	[sflag:s31] =	ssyncadd.s32 $0xFFFFFF80  }
0x2ed: {  	_ =	swait.ge [sflag:s31], $0x80  }
0x2ee: {  	[sflag:s31] =	ssyncset.done $0x0  }
0x2ef: {  	[sflag:s31] =	ssyncadd.s32 $0xFFFFFF80  }
0x2f0: {  	_ =	swait.ge [sflag:s31], $0x80  }
0x2f1: {  	[sflag:s31] =	ssyncset.done $0x0  }
0x2f2: {  	[sflag:s31] =	ssyncadd.s32 $0xFFFFFF80  }
0x2f3: {  	_ =	swait.ge [sflag:s31], $0x80  }
0x2f4: {  	[sflag:s31] =	ssyncset.done $0x0  }
0x2f5: {  	[sflag:s31] =	ssyncadd.s32 $0xFFFFFF80  }
0x2f6: {  	_ =	swait.ge [sflag:s31], $0x80  }
0x2f7: {  	[sflag:s31] =	ssyncset.done $0x0  }
0x2f8: {  	[sflag:s31] =	ssyncadd.s32 $0xFFFFFF80  }
0x2f9: {  	_ =	swait.ge [sflag:s31], $0x80  }
0x2fa: {  	[sflag:s31] =	ssyncset.done $0x0  }
0x2fb: {  	[sflag:s31] =	ssyncadd.s32 $0xFFFFFF80  }
0x2fc: {  	_ =	swait.ge [sflag:s31], $0x80  }
0x2fd: {  	[sflag:s31] =	ssyncset.done $0x0  }
0x2fe: {  	[sflag:s31] =	ssyncadd.s32 $0xFFFFFF80  }
0x2ff: {  	_ =	swait.ge [sflag:s31], $0x80  }
0x300: {  	[sflag:s31] =	ssyncset.done $0x0  }
0x301: {  	[sflag:s31] =	ssyncadd.s32 $0xFFFFFF80  }
0x302: {  	_ =	swait.ge [sflag:s31], $0x80  }
0x303: {  	[sflag:s31] =	ssyncset.done $0x0  }
0x304: {  	[sflag:s31] =	ssyncadd.s32 $0xFFFFFF80  }
0x305: {  	_ =	swait.ge [sflag:s31], $0x80  }
0x306: {  	[sflag:s31] =	ssyncset.done $0x0  }
0x307: {  	[sflag:s31] =	ssyncadd.s32 $0xFFFFFF80  }
0x308: {  	_ =	swait.ge [sflag:s31], $0x80  }
0x309: {  	[sflag:s31] =	ssyncset.done $0x0  }
0x30a: {  	[sflag:s31] =	ssyncadd.s32 $0xFFFFFF80  }
0x30b: {  	_ =	swait.ge [sflag:s31], $0x80  }
0x30c: {  	[sflag:s31] =	ssyncset.done $0x0  }
0x30d: {  	[sflag:s31] =	ssyncadd.s32 $0xFFFFFF80  }
0x30e: {  	_ =	swait.ge [sflag:s31], $0x80  }
0x30f: {  	[sflag:s31] =	ssyncset.done $0x0  }
0x310: {  	[sflag:s31] =	ssyncadd.s32 $0xFFFFFF80  }
0x311: {  	_ =	swait.ge [sflag:s31], $0x80  }
0x312: {  	[sflag:s31] =	ssyncset.done $0x0  }
0x313: {  	[sflag:s31] =	ssyncadd.s32 $0xFFFFFF80  }
0x314: {  	_ =	swait.ge [sflag:s31], $0x80  }
0x315: {  	[sflag:s31] =	ssyncset.done $0x0  }
0x316: {  	[sflag:s31] =	ssyncadd.s32 $0xFFFFFF80  }
0x317: {  	_ =	swait.ge [sflag:s31], $0x80  }
0x318: {  	[sflag:s31] =	ssyncset.done $0x0  }
0x319: {  	[sflag:s31] =	ssyncadd.s32 $0xFFFFFF80  }
0x31a: {  	_ =	swait.ge [sflag:s31], $0x80  }
0x31b: {  	[sflag:s31] =	ssyncset.done $0x0  }
0x31c: {  	[sflag:s31] =	ssyncadd.s32 $0xFFFFFF80  }
0x31d: {  	_ =	swait.ge [sflag:s31], $0x80  }
0x31e: {  	[sflag:s31] =	ssyncset.done $0x0  }
0x31f: {  	[sflag:s31] =	ssyncadd.s32 $0xFFFFFF80  }
0x320: {  	_ =	swait.ge [sflag:s31], $0x80  }
0x321: {  	[sflag:s31] =	ssyncset.done $0x0  }
0x322: {  	[sflag:s31] =	ssyncadd.s32 $0xFFFFFF80  }
0x323: {  	_ =	swait.ge [sflag:s31], $0x80  }
0x324: {  	[sflag:s31] =	ssyncset.done $0x0  }
0x325: {  	[sflag:s31] =	ssyncadd.s32 $0xFFFFFF80  }
0x326: {  	_ =	swait.ge [sflag:s31], $0x80  }
0x327: {  	[sflag:s31] =	ssyncset.done $0x0  }
0x328: {  	[sflag:s31] =	ssyncadd.s32 $0xFFFFFF80  }
0x329: {  	_ =	swait.ge [sflag:s31], $0x80  }
0x32a: {  	[sflag:s31] =	ssyncset.done $0x0  }
0x32b: {  	[sflag:s31] =	ssyncadd.s32 $0xFFFFFF80  }
0x32c: {  	_ =	swait.ge [sflag:s31], $0x80  }
0x32d: {  	[sflag:s31] =	ssyncset.done $0x0  }
0x32e: {  	[sflag:s31] =	ssyncadd.s32 $0xFFFFFF80  }
0x32f: {  	_ =	swait.ge [sflag:s31], $0x80  }
0x330: {  	[sflag:s31] =	ssyncset.done $0x0  }
0x331: {  	[sflag:s31] =	ssyncadd.s32 $0xFFFFFF80  }
0x332: {  	_ =	swait.ge [sflag:s31], $0x80  }
0x333: {  	[sflag:s31] =	ssyncset.done $0x0  }
0x334: {  	[sflag:s31] =	ssyncadd.s32 $0xFFFFFF80  }
0x335: {  	_ =	swait.ge [sflag:s31], $0x80  }
0x336: {  	[sflag:s31] =	ssyncset.done $0x0  }
0x337: {  	[sflag:s31] =	ssyncadd.s32 $0xFFFFFF80  }
0x338: {  	_ =	swait.ge [sflag:s31], $0x80  }
0x339: {  	[sflag:s31] =	ssyncset.done $0x0  }
0x33a: {  	[sflag:s31] =	ssyncadd.s32 $0xFFFFFF80  }
0x33b: {  	_ =	swait.ge [sflag:s31], $0x80  }
0x33c: {  	[sflag:s31] =	ssyncset.done $0x0  }
0x33d: {  	[sflag:s31] =	ssyncadd.s32 $0xFFFFFF80  }
0x33e: {  	_ =	swait.ge [sflag:s31], $0x80  }
0x33f: {  	[sflag:s31] =	ssyncset.done $0x0  }
0x340: {  	[sflag:s31] =	ssyncadd.s32 $0xFFFFFF80  }
0x341: {  	_ =	swait.ge [sflag:s31], $0x80  }
0x342: {  	[sflag:s31] =	ssyncset.done $0x0  }
0x343: {  	[sflag:s31] =	ssyncadd.s32 $0xFFFFFF80  }
0x344: {  	_ =	swait.ge [sflag:s31], $0x80  }
0x345: {  	[sflag:s31] =	ssyncset.done $0x0  }
0x346: {  	[sflag:s31] =	ssyncadd.s32 $0xFFFFFF80  }
0x347: {  	_ =	swait.ge [sflag:s31], $0x80  }
0x348: {  	[sflag:s31] =	ssyncset.done $0x0  }
0x349: {  	[sflag:s31] =	ssyncadd.s32 $0xFFFFFF80  }
0x34a: {  	_ =	swait.ge [sflag:s31], $0x80  }
0x34b: {  	[sflag:s31] =	ssyncset.done $0x0  }
0x34c: {  	[sflag:s31] =	ssyncadd.s32 $0xFFFFFF80  }
0x34d: {  	_ =	swait.ge [sflag:s31], $0x80  }
0x34e: {  	[sflag:s31] =	ssyncset.done $0x0  }
0x34f: {  	[sflag:s31] =	ssyncadd.s32 $0xFFFFFF80  }
0x350: {  	_ =	swait.ge [sflag:s31], $0x80  }
0x351: {  	[sflag:s31] =	ssyncset.done $0x0  }
0x352: {  	[sflag:s31] =	ssyncadd.s32 $0xFFFFFF80  }
0x353: {  	_ =	swait.ge [sflag:s31], $0x80  }
0x354: {  	[sflag:s31] =	ssyncset.done $0x0  }
0x355: {  	[sflag:s31] =	ssyncadd.s32 $0xFFFFFF80  }
0x356: {  	_ =	swait.ge [sflag:s31], $0x80  }
0x357: {  	[sflag:s31] =	ssyncset.done $0x0  }
0x358: {  	[sflag:s31] =	ssyncadd.s32 $0xFFFFFF80  }
0x359: {  	_ =	swait.ge [sflag:s31], $0x80  }
0x35a: {  	[sflag:s31] =	ssyncset.done $0x0  }
0x35b: {  	[sflag:s31] =	ssyncadd.s32 $0xFFFFFF80  }
0x35c: {  	_ =	swait.ge [sflag:s31], $0x80  }
0x35d: {  	[sflag:s31] =	ssyncset.done $0x0  }
0x35e: {  	[sflag:s31] =	ssyncadd.s32 $0xFFFFFF80  }
0x35f: {  	_ =	swait.ge [sflag:s31], $0x80  }
0x360: {  	[sflag:s31] =	ssyncset.done $0x0  }
0x361: {  	[sflag:s31] =	ssyncadd.s32 $0xFFFFFF80  }
0x362: {  	_ =	swait.ge [sflag:s31], $0x80  }
0x363: {  	[sflag:s31] =	ssyncset.done $0x0  }
0x364: {  	[sflag:s31] =	ssyncadd.s32 $0xFFFFFF80  }
0x365: {  	_ =	swait.ge [sflag:s31], $0x80  }
0x366: {  	[sflag:s31] =	ssyncset.done $0x0  }
0x367: {  	[sflag:s31] =	ssyncadd.s32 $0xFFFFFF80  }
0x368: {  	_ =	swait.ge [sflag:s31], $0x80  }
0x369: {  	[sflag:s31] =	ssyncset.done $0x0  }
0x36a: {  	[sflag:s31] =	ssyncadd.s32 $0xFFFFFF80  }
0x36b: {  	_ =	swait.ge [sflag:s31], $0x80  }
0x36c: {  	[sflag:s31] =	ssyncset.done $0x0  }
0x36d: {  	[sflag:s31] =	ssyncadd.s32 $0xFFFFFF80  }
0x36e: {  	_ =	swait.ge [sflag:s31], $0x80  }
0x36f: {  	[sflag:s31] =	ssyncset.done $0x0  }
0x370: {  	[sflag:s31] =	ssyncadd.s32 $0xFFFFFF80  }
0x371: {  	_ =	swait.ge [sflag:s31], $0x80  }
0x372: {  	[sflag:s31] =	ssyncset.done $0x0  }
0x373: {  	[sflag:s31] =	ssyncadd.s32 $0xFFFFFF80  }
0x374: {  	_ =	swait.ge [sflag:s31], $0x80  }
0x375: {  	[sflag:s31] =	ssyncset.done $0x0  }
0x376: {  	[sflag:s31] =	ssyncadd.s32 $0xFFFFFF80  }
0x377: {  	_ =	swait.ge [sflag:s31], $0x80  }
0x378: {  	[sflag:s31] =	ssyncset.done $0x0  }
0x379: {  	[sflag:s31] =	ssyncadd.s32 $0xFFFFFF80  }
0x37a: {  	_ =	swait.ge [sflag:s31], $0x80  }
0x37b: {  	[sflag:s31] =	ssyncset.done $0x0  }
0x37c: {  	[sflag:s31] =	ssyncadd.s32 $0xFFFFFF80  }
0x37d: {  	_ =	swait.ge [sflag:s31], $0x80  }
0x37e: {  	[sflag:s31] =	ssyncset.done $0x0  }
0x37f: {  	[sflag:s31] =	ssyncadd.s32 $0xFFFFFF80  }
0x380: {  	_ =	swait.ge [sflag:s31], $0x80  }
0x381: {  	[sflag:s31] =	ssyncset.done $0x0  }
0x382: {  	[sflag:s31] =	ssyncadd.s32 $0xFFFFFF80  }
0x383: {  	_ =	swait.ge [sflag:s31], $0x80  }
0x384: {  	[sflag:s31] =	ssyncset.done $0x0  }
0x385: {  	[sflag:s31] =	ssyncadd.s32 $0xFFFFFF80  }
0x386: {  	_ =	swait.ge [sflag:s31], $0x80  }
0x387: {  	[sflag:s31] =	ssyncset.done $0x0  }
0x388: {  	[sflag:s31] =	ssyncadd.s32 $0xFFFFFF80  }
0x389: {  	_ =	swait.ge [sflag:s31], $0x80  }
0x38a: {  	[sflag:s31] =	ssyncset.done $0x0  }
0x38b: {  	[sflag:s31] =	ssyncadd.s32 $0xFFFFFF80  }
0x38c: {  	_ =	swait.ge [sflag:s31], $0x80  }
0x38d: {  	[sflag:s31] =	ssyncset.done $0x0  }
0x38e: {  	[sflag:s31] =	ssyncadd.s32 $0xFFFFFF80  }
0x38f: {  	_ =	swait.ge [sflag:s31], $0x80  }
0x390: {  	[sflag:s31] =	ssyncset.done $0x0  }
0x391: {  	[sflag:s31] =	ssyncadd.s32 $0xFFFFFF80  }
0x392: {  	_ =	swait.ge [sflag:s31], $0x80  }
0x393: {  	[sflag:s31] =	ssyncset.done $0x0  }
0x394: {  	[sflag:s31] =	ssyncadd.s32 $0xFFFFFF80  }
0x395: {  	_ =	swait.ge [sflag:s31], $0x80  }
0x396: {  	[sflag:s31] =	ssyncset.done $0x0  }
0x397: {  	[sflag:s31] =	ssyncadd.s32 $0xFFFFFF80  }
0x398: {  	_ =	swait.ge [sflag:s31], $0x80  }
0x399: {  	[sflag:s31] =	ssyncset.done $0x0  }
0x39a: {  	[sflag:s31] =	ssyncadd.s32 $0xFFFFFF80  }
0x39b: {  	_ =	swait.ge [sflag:s31], $0x80  }
0x39c: {  	[sflag:s31] =	ssyncset.done $0x0  }
0x39d: {  	[sflag:s31] =	ssyncadd.s32 $0xFFFFFF80  }
0x39e: {  	_ =	swait.ge [sflag:s31], $0x80  }
0x39f: {  	[sflag:s31] =	ssyncset.done $0x0  }
0x3a0: {  	[sflag:s31] =	ssyncadd.s32 $0xFFFFFF80  }
0x3a1: {  	_ =	swait.ge [sflag:s31], $0x80  }
0x3a2: {  	[sflag:s31] =	ssyncset.done $0x0  }
0x3a3: {  	[sflag:s31] =	ssyncadd.s32 $0xFFFFFF80  }
0x3a4: {  	_ =	swait.ge [sflag:s31], $0x80  }
0x3a5: {  	[sflag:s31] =	ssyncset.done $0x0  }
0x3a6: {  	[sflag:s31] =	ssyncadd.s32 $0xFFFFFF80  }
0x3a7: {  	_ =	swait.ge [sflag:s31], $0x80  }
0x3a8: {  	[sflag:s31] =	ssyncset.done $0x0  }
0x3a9: {  	[sflag:s31] =	ssyncadd.s32 $0xFFFFFF80  }
0x3aa: {  	_ =	swait.ge [sflag:s31], $0x80  }
0x3ab: {  	[sflag:s31] =	ssyncset.done $0x0  }
0x3ac: {  	[sflag:s31] =	ssyncadd.s32 $0xFFFFFF80  }
0x3ad: {  	_ =	swait.ge [sflag:s31], $0x80  }
0x3ae: {  	[sflag:s31] =	ssyncset.done $0x0  }
0x3af: {  	[sflag:s31] =	ssyncadd.s32 $0xFFFFFF80  }
0x3b0: {  	_ =	swait.ge [sflag:s31], $0x80  }
0x3b1: {  	[sflag:s31] =	ssyncset.done $0x0  }
0x3b2: {  	[sflag:s31] =	ssyncadd.s32 $0xFFFFFF80  }
0x3b3: {  	_ =	swait.ge [sflag:s31], $0x80  }
0x3b4: {  	[sflag:s31] =	ssyncset.done $0x0  }
0x3b5: {  	[sflag:s31] =	ssyncadd.s32 $0xFFFFFF80  }
0x3b6: {  	_ =	swait.ge [sflag:s31], $0x80  }
0x3b7: {  	[sflag:s31] =	ssyncset.done $0x0  }
0x3b8: {  	[sflag:s31] =	ssyncadd.s32 $0xFFFFFF80  }
0x3b9: {  	_ =	swait.ge [sflag:s31], $0x80  }
0x3ba: {  	[sflag:s31] =	ssyncset.done $0x0  }
0x3bb: {  	[sflag:s31] =	ssyncadd.s32 $0xFFFFFF80  }
0x3bc: {  	_ =	swait.ge [sflag:s31], $0x80  }
0x3bd: {  	[sflag:s31] =	ssyncset.done $0x0  }
0x3be: {  	[sflag:s31] =	ssyncadd.s32 $0xFFFFFF80  }
0x3bf: {  	_ =	swait.ge [sflag:s31], $0x80  }
0x3c0: {  	[sflag:s31] =	ssyncset.done $0x0  }
0x3c1: {  	[sflag:s31] =	ssyncadd.s32 $0xFFFFFF80  }
0x3c2: {  	_ =	swait.ge [sflag:s31], $0x80  }
0x3c3: {  	[sflag:s31] =	ssyncset.done $0x0  }
0x3c4: {  	[sflag:s31] =	ssyncadd.s32 $0xFFFFFF80  }
0x3c5: {  	_ =	swait.ge [sflag:s31], $0x80  }
0x3c6: {  	[sflag:s31] =	ssyncset.done $0x0  }
0x3c7: {  	[sflag:s31] =	ssyncadd.s32 $0xFFFFFF80  }
0x3c8: {  	_ =	swait.ge [sflag:s31], $0x80  }
0x3c9: {  	[sflag:s31] =	ssyncset.done $0x0  }
0x3ca: {  	[sflag:s31] =	ssyncadd.s32 $0xFFFFFF80  }
0x3cb: {  	_ =	swait.ge [sflag:s31], $0x80  }
0x3cc: {  	[sflag:s31] =	ssyncset.done $0x0  }
0x3cd: {  	[sflag:s31] =	ssyncadd.s32 $0xFFFFFF80  }
0x3ce: {  	_ =	swait.ge [sflag:s31], $0x80  }
0x3cf: {  	[sflag:s31] =	ssyncset.done $0x0  }
0x3d0: {  	[sflag:s31] =	ssyncadd.s32 $0xFFFFFF80  }
0x3d1: {  	_ =	swait.ge [sflag:s31], $0x80  }
0x3d2: {  	[sflag:s31] =	ssyncset.done $0x0  }
0x3d3: {  	[sflag:s31] =	ssyncadd.s32 $0xFFFFFF80  }
0x3d4: {  	_ =	swait.ge [sflag:s31], $0x80  }
0x3d5: {  	[sflag:s31] =	ssyncset.done $0x0  }
0x3d6: {  	[sflag:s31] =	ssyncadd.s32 $0xFFFFFF80  }
0x3d7: {  	_ =	swait.ge [sflag:s31], $0x80  }
0x3d8: {  	[sflag:s31] =	ssyncset.done $0x0  }
0x3d9: {  	[sflag:s31] =	ssyncadd.s32 $0xFFFFFF80  }
0x3da: {  	_ =	swait.ge [sflag:s31], $0x80  }
0x3db: {  	[sflag:s31] =	ssyncset.done $0x0  }
0x3dc: {  	[sflag:s31] =	ssyncadd.s32 $0xFFFFFF80  }
0x3dd: {  	_ =	swait.ge [sflag:s31], $0x80  }
0x3de: {  	[sflag:s31] =	ssyncset.done $0x0  }
0x3df: {  	[sflag:s31] =	ssyncadd.s32 $0xFFFFFF80  }
0x3e0: {  	_ =	swait.ge [sflag:s31], $0x80  }
0x3e1: {  	p0 =	sne.s32 s4, $0x1;
	[sflag:s31] =	ssyncset.done $0x0  }
.Ltmp0:
0x3e2: {  	s11 =	rddreg [dreg:$0x4];
	[sflag:s31] =	ssyncadd.s32 $0xFFFFFF80;
	(pc) =	sbr.rel @p0 .LBB2_1-.Ltmp0, $4  }
0x3e3: {  	[hbm4b:s11+s8] =	stream.strided.scatter [tilespmem:s7], [sflag:$0x2], $0x4000, s0, s8, $0x38;
	[tilespmem:$0x8000] =	vst v63  }
0x3e4: {  	_ =	swait.ge [sflag:s5], $0x4000  }
0x3e5: {  	[sflag:s5] =	ssyncset.done $0x0  }
0x3e6: {  	s4 =	sadd.s32 $0xFFFFFFFF, s4;
	[sflag:s5] =	ssyncadd.s32 $0xFFFFC000  }
0x3e7: {  	_ =	sfence.sel $0x180000  }
0x3e8: {  	[bflag:$0x0] =	sbarrier.arrive $0xFFFF  }
0x3e9: {  	_ =	strace $0x90000047  }
0x3ea: {  	s0 =	stileid.u32;
	[bflag:$0x2] =	sbarrier.arrive $0xFFFF  }
0x3eb: {  	p0 =	sne.s32 s0, $0x0;
	s0 =	rddreg [dreg:$0x2]  }
0x3ec: {  	s0 =	sadd.s32 @!p0 $0x100000, s0  }
0x3ed: {  	[sflag:s0] =	ssyncadd.tile.s32 @!p0 $0x1;
	_ =	shalt  }
.Lfunc_end2:
_tile_overlayer_lowered:
.L_overlay_start_2:
0x3ee: {  	(tag) =	ssettag $0x2  }
0x3ef: {  	s0 =	rddreg [dreg:$0x0];
	s2 =	stileid.u32  }
0x3f0: {  	s1 =	rddreg [dreg:$0x1];
	p0 =	sne.s32 s2, $0x0  }
0x3f1: {  	s3 =	rddreg [dreg:$0x2];
	[bflag:$0x3] =	sbarrier.arrive $0xFFFF;
	s2 =	simm.s32 @!p0 $0x1C02  }
0x3f2: {  	[timem:s3], [sflag:s2] =	dma.local @!p0 [hbm:s0], s1  }
0x3f3: {  	s0 =	simm.s32 @!p0 $0x2  }
0x3f4: {  	_ =	swait.ge @!p0 [sflag:s0], s1  }
0x3f5: {  	s1 =	ssub.s32 @!p0 $0x0, s1;
	[sflag:s0] =	ssyncset.done @!p0 $0x0  }
0x3f6: {  	[sflag:s0] =	ssyncadd.s32 @!p0 s1  }
0x3f7: {  	[bflag:$0x3] =	sbarrier.arrive $0xFFFF  }
0x3f8: {  	_ =	shalt  }

</sc_bundles>
